<compile_context>
chip_gen: v7x
topology: tpu7x:2x2x1
jax: 0.10.2.dev20260603
libtpu: 0.0.44.dev20260713+nightly
codegen_flags: <defaults>
</compile_context>

<pallas_src>
import functools

import jax
import jax.numpy as jnp
from jax import lax
from jax.experimental import pallas as pl
from jax.experimental.pallas import tpu as pltpu
from jax.experimental.pallas import tpu_sc as plsc

N = 10000
E = 320000
D_FEAT = 128
D_EDGE = 16
MSG = 64
HID = 128

NC = 2
NS = 16
NW = NC * NS
CHUNK = 128
K_CHUNKS = 79
EPW = CHUNK * K_CHUNKS
E_PAD = NW * EPW
N_PAD = 10240
EBLK = 2048



def _node_proj_body(h_ref, ws_ref, wd_ref, a_ref, b_ref):
    h = h_ref[...]
    a_ref[...] = jnp.dot(h, ws_ref[...], preferred_element_type=jnp.float32)
    b_ref[...] = jnp.dot(h, wd_ref[...], preferred_element_type=jnp.float32)


_node_proj = pl.pallas_call(
    _node_proj_body,
    out_shape=[
        jax.ShapeDtypeStruct((N_PAD, MSG), jnp.float32),
        jax.ShapeDtypeStruct((N_PAD, MSG), jnp.float32),
    ],
)


def _edge_proj_body(e_ref, w_ref, b_ref, c_ref):
    x = e_ref[...]
    w = w_ref[...]
    b = b_ref[...]
    top = jnp.dot(x[:2048], w, preferred_element_type=jnp.float32) + b
    bot = jnp.dot(x[2048:], w, preferred_element_type=jnp.float32) + b
    c_ref[...] = jnp.concatenate([top, bot], axis=1)


_edge_proj = pl.pallas_call(
    _edge_proj_body,
    grid=E_PAD // 4096,
    in_specs=[
        pl.BlockSpec((4096, D_EDGE), lambda i: (i, 0)),
        pl.BlockSpec((D_EDGE, MSG), lambda i: (0, 0)),
        pl.BlockSpec((1, MSG), lambda i: (0, 0)),
    ],
    out_specs=pl.BlockSpec((2048, 128), lambda i: (i, 0)),
    out_shape=jax.ShapeDtypeStruct((E_PAD // 2, 128), jnp.float32),
)


def _update_body(p_ref, h_ref, wt_ref, wb_ref, bh_ref, o_ref):
    m_sum = p_ref[0, :N] + p_ref[1, :N]
    o_ref[...] = jnp.maximum(
        jnp.dot(m_sum, wt_ref[...], preferred_element_type=jnp.float32)
        + jnp.dot(h_ref[...], wb_ref[...], preferred_element_type=jnp.float32)
        + bh_ref[...],
        0.0,
    )


_update = pl.pallas_call(
    _update_body,
    out_shape=jax.ShapeDtypeStruct((N, HID), jnp.float32),
)



_mesh = plsc.VectorSubcoreMesh(core_axis_name="c", subcore_axis_name="s")


@functools.partial(
    pl.kernel,
    out_type=jax.ShapeDtypeStruct((NC, N_PAD, MSG), jnp.float32),
    mesh=_mesh,
    compiler_params=pltpu.CompilerParams(use_tc_tiling_on_sc=False),
    scratch_types=[
        pltpu.VMEM((K_CHUNKS, CHUNK), jnp.int32),
        pltpu.VMEM((K_CHUNKS, CHUNK), jnp.int32),
        pltpu.VMEM((CHUNK, MSG), jnp.float32),
        pltpu.VMEM((CHUNK, MSG), jnp.float32),
        pltpu.VMEM((CHUNK, MSG), jnp.float32),
        pltpu.VMEM((CHUNK, MSG), jnp.float32),
        pltpu.VMEM((CHUNK, MSG), jnp.float32),
        pltpu.VMEM((CHUNK, MSG), jnp.float32),
        pltpu.VMEM_SHARED((N_PAD, MSG), jnp.float32),
        pltpu.SemaphoreType.DMA,
        pltpu.SemaphoreType.DMA,
        pltpu.SemaphoreType.DMA,
        pltpu.SemaphoreType.DMA,
    ],
)
def _edge_phase(a_hbm, b_hbm, c_hbm, src_hbm, dst_hbm, out_hbm,
                src_v, dst_v, a0, a1, b0, b1,
                m0, m1, acc, si0, si1, ss0, ss1):
    cid = lax.axis_index("c")
    sid = lax.axis_index("s")
    wid = sid * NC + cid
    abuf = (a0, a1)
    bbuf = (b0, b1)
    mbuf = (m0, m1)
    si = (si0, si1)
    ss = (ss0, ss1)
    dummy = a_hbm.at[pl.ds(0, CHUNK)]

    zero16 = jnp.zeros((16,), jnp.float32)

    def _zrow(r, _):
        for j in range(MSG // 16):
            m0[r, pl.ds(j * 16, 16)] = zero16
        return 0

    lax.fori_loop(0, CHUNK, _zrow, 0)
    for j in range(5):
        pltpu.sync_copy(m0, acc.at[pl.ds(sid * 640 + j * CHUNK, CHUNK)])
    plsc.subcore_barrier()

    pltpu.sync_copy(src_hbm.at[wid], src_v)
    pltpu.sync_copy(dst_hbm.at[wid], dst_v)

    def fire(k, par, slot):
        @pl.when(k >= 2)
        def _():
            pltpu.make_async_copy(dummy, mbuf[slot], ss[slot]).wait()

        pos = (k * NW + wid) * CHUNK
        row0 = lax.shift_right_logical(pos, 12) * 2048 + (pos & 2047)
        col0 = (lax.shift_right_logical(pos, 11) & 1) * MSG
        pltpu.async_copy(a_hbm.at[src_v.at[k]], abuf[par], si[par])
        pltpu.async_copy(b_hbm.at[dst_v.at[k]], bbuf[par], si[par])
        pltpu.async_copy(c_hbm.at[pl.ds(row0, CHUNK), pl.ds(col0, MSG)],
                         mbuf[slot], si[par])

    def proc(k, par, slot):
        a_v, b_v, m_v = abuf[par], bbuf[par], mbuf[slot]
        pltpu.make_async_copy(dummy, a_v, si[par]).wait()
        pltpu.make_async_copy(dummy, b_v, si[par]).wait()
        pltpu.make_async_copy(dummy, m_v, si[par]).wait()

        def _row(r4, _):
            for rr in range(4):
                r = r4 * 4 + rr
                for j in range(MSG // 16):
                    sl = pl.ds(j * 16, 16)
                    m_v[r, sl] = jnp.maximum(
                        a_v[r, sl] + b_v[r, sl] + m_v[r, sl], 0.0)
            return 0

        lax.fori_loop(0, CHUNK // 4, _row, 0)
        pltpu.async_copy(m_v, acc.at[dst_v.at[k]], ss[slot], add=True)

    fire(0, 0, 0)

    def _pair(i, _):
        k = 2 * i
        fire(k + 1, 1, 1)
        proc(k, 0, 0)
        fire(k + 2, 0, 0)
        proc(k + 1, 1, 1)
        return 0

    lax.fori_loop(0, (K_CHUNKS - 1) // 2, _pair, 0)
    proc(78, 0, 0)
    for j in range(2):
        pltpu.make_async_copy(dummy, mbuf[j], ss[j]).wait()
    plsc.subcore_barrier()

    pltpu.sync_copy(acc.at[pl.ds(sid * 640, 640)],
                    out_hbm.at[cid, pl.ds(sid * 640, 640)])



def kernel(x, edge_index, edge_attr, node_ids,
           Wm0, bm0, Wh0, bh0, Wm1, bm1, Wh1, bh1):
    del node_ids
    pad_e = E_PAD - E

    def _split(v):
        return v.reshape(K_CHUNKS, NW, CHUNK).transpose(1, 0, 2)

    src_p = _split(jnp.concatenate(
        [edge_index[0], jnp.zeros((pad_e,), jnp.int32)]))
    trash = N + (jnp.arange(pad_e, dtype=jnp.int32) % (N_PAD - N))
    dst_p = _split(jnp.concatenate([edge_index[1], trash]))

    h = x
    for Wm, bm, Wh, bh in ((Wm0, bm0, Wh0, bh0), (Wm1, bm1, Wh1, bh1)):
        d = h.shape[1]
        h_pad = jnp.concatenate([h, jnp.zeros((N_PAD - N, d), jnp.float32)])
        a_t, b_t = _node_proj(h_pad, Wm[:d], Wm[d:2 * d])
        c_t = _edge_proj(edge_attr, Wm[2 * d:], bm.reshape(1, MSG))
        parts = _edge_phase(a_t, b_t, c_t, src_p, dst_p)
        h = _update(parts, h, Wh[:MSG], Wh[MSG:], bh.reshape(1, HID))
    return h

# --- scband reference (transcript-rebuilt; emitter-appended) ---
"""Pipeline reference for scband-mpnn-12429635355003 (READ-ONLY COPY).

The authoritative reference and input builder live on the scoring server;
editing this copy changes nothing except your own understanding.
"""

import jax, jax.numpy as jnp
import numpy as np

N = 10000
E = 320000
D_FEAT = 128
D_EDGE = 16
MSG_DIM = 64
HID_DIM = 128
LAYER_NUM = 2


def _glorot(key, shape):
    fan_in, fan_out = shape[0], shape[1]
    limit = np.sqrt(6.0 / (fan_in + fan_out))
    return jax.random.uniform(key, shape, minval=-limit, maxval=limit, dtype=jnp.float32)


def setup_inputs(seed: int = 0) -> dict:
    key = jax.random.key(seed)
    ks = jax.random.split(key, 11)
    x = jax.random.normal(ks[0], (N, D_FEAT), dtype=jnp.float32)
    edge_index = jax.random.randint(ks[1], (2, E), 0, N, dtype=jnp.int32)
    edge_attr = jax.random.normal(ks[2], (E, D_EDGE), dtype=jnp.float32)
    node_ids = jnp.arange(N, dtype=jnp.int32)
    # layer 0: message in = 2*D_FEAT + D_EDGE ; hidden in = MSG_DIM + D_FEAT
    # layer 1: message in = 2*HID_DIM + D_EDGE ; hidden in = MSG_DIM + HID_DIM
    Wm0 = _glorot(ks[3], (2 * D_FEAT + D_EDGE, MSG_DIM))
    bm0 = jnp.zeros((MSG_DIM,), dtype=jnp.float32)
    Wh0 = _glorot(ks[4], (MSG_DIM + D_FEAT, HID_DIM))
    bh0 = jnp.zeros((HID_DIM,), dtype=jnp.float32)
    Wm1 = _glorot(ks[5], (2 * HID_DIM + D_EDGE, MSG_DIM))
    bm1 = jnp.zeros((MSG_DIM,), dtype=jnp.float32)
    Wh1 = _glorot(ks[6], (MSG_DIM + HID_DIM, HID_DIM))
    bh1 = jnp.zeros((HID_DIM,), dtype=jnp.float32)
    return {
        "x": x,
        "edge_index": edge_index,
        "edge_attr": edge_attr,
        "node_ids": node_ids,
        "Wm0": Wm0, "bm0": bm0, "Wh0": Wh0, "bh0": bh0,
        "Wm1": Wm1, "bm1": bm1, "Wh1": Wh1, "bh1": bh1,
    }


def reference(x, edge_index, edge_attr, node_ids, Wm0, bm0, Wh0, bh0, Wm1, bm1, Wh1, bh1):
    src = edge_index[0]
    dst = edge_index[1]
    msg_params = [(Wm0, bm0), (Wm1, bm1)]
    hid_params = [(Wh0, bh0), (Wh1, bh1)]
    h = x
    for layer in range(LAYER_NUM):
        Wm, bm = msg_params[layer]
        Wh, bh = hid_params[layer]
        # message_func: concat(src h_n, dst h_n, edge feat) -> Dense -> relu
        m_in = jnp.concatenate([h[src], h[dst], edge_attr], axis=-1)
        m = jax.nn.relu(m_in @ Wm + bm)
        # fn.sum('m', 'm_sum'): scatter-add messages onto destination nodes
        m_sum = jnp.zeros((h.shape[0], m.shape[-1]), dtype=m.dtype).at[dst].add(m)
        # update_func: concat(m_sum, h_n) -> Dense -> relu
        h = jax.nn.relu(jnp.concatenate([m_sum, h], axis=-1) @ Wh + bh)
    # final unique-id split + squeeze (ids are all unique -> single chunk)
    uniq = jnp.unique(node_ids, size=node_ids.shape[0]).shape[0]
    splits = h.shape[0] // uniq
    out = jnp.squeeze(h.reshape(splits, uniq, h.shape[-1]))
    return out

if __name__ == "__main__":
    import jax
    _d = setup_inputs()
    print(jax.jit(kernel)(*tuple(_d.values())))

</pallas_src>

<mosaic_0001>
#map = affine_map<(d0, d1) -> (0, 0)>
#map1 = affine_map<(d0, d1) -> (0, 0, 0)>
module attributes {stable_mosaic.version = 14 : i64} {
  func.func @_edge_phase(%arg0: i32, %arg1: i32, %arg2: memref<10240x64xf32, #tpu.memory_space<hbm>>, %arg3: memref<10240x64xf32, #tpu.memory_space<hbm>>, %arg4: memref<161792x128xf32, #tpu.memory_space<hbm>>, %arg5: memref<32x79x128xi32, #tpu.memory_space<hbm>>, %arg6: memref<32x79x128xi32, #tpu.memory_space<hbm>>, %arg7: memref<2x10240x64xf32, #tpu.memory_space<hbm>>, %arg8: memref<79x128xi32, #tpu.memory_space<vmem>>, %arg9: memref<79x128xi32, #tpu.memory_space<vmem>>, %arg10: memref<128x64xf32, #tpu.memory_space<vmem>>, %arg11: memref<128x64xf32, #tpu.memory_space<vmem>>, %arg12: memref<128x64xf32, #tpu.memory_space<vmem>>, %arg13: memref<128x64xf32, #tpu.memory_space<vmem>>, %arg14: memref<128x64xf32, #tpu.memory_space<vmem>>, %arg15: memref<128x64xf32, #tpu.memory_space<vmem>>, %arg16: memref<10240x64xf32, #tpu.memory_space<vmem_shared>>, %arg17: memref<!tpu.dma_semaphore, #tpu.memory_space<semaphore_mem>>, %arg18: memref<!tpu.dma_semaphore, #tpu.memory_space<semaphore_mem>>, %arg19: memref<!tpu.dma_semaphore, #tpu.memory_space<semaphore_mem>>, %arg20: memref<!tpu.dma_semaphore, #tpu.memory_space<semaphore_mem>>) attributes {dimension_semantics = [#tpu.dimension_semantics<core_parallel>, #tpu.dimension_semantics<subcore_parallel>], iteration_bounds = array<i64: 2, 16>, scalar_prefetch = 0 : i64, scratch_operands = 13 : i64, tpu.core_type = #tpu.core_type<sc_vector_subcore>, window_params = [{transform_indices = #map}, {transform_indices = #map}, {transform_indices = #map}, {transform_indices = #map1}, {transform_indices = #map1}, {transform_indices = #map1}]} {
    %mul3A = arith.constant 2 : i32
    %mul3A_0 = arith.muli %arg1, %mul3A : i32
    %add3A = arith.addi %mul3A_0, %arg0 : i32
    %broadcast_in_dim3A = arith.constant 0.000000e+00 : f32
    %broadcast_in_dim3A_1 = vector.broadcast %broadcast_in_dim3A : f32 to vector<16xf32>
    %scan3A = arith.constant 0 : i32
    %scan3A_2 = arith.constant 0 : i32
    %scan3A_3 = arith.constant 128 : i32
    %scan3A_4 = arith.addi %scan3A_2, %scan3A_3 : i32
    %scan3A_5 = arith.constant 1 : i32
    %scan3A_6 = scf.for %scan3A_113 = %scan3A_2 to %scan3A_4 step %scan3A_5 iter_args(%scan3A_114 = %scan3A) -> (i32)  : i32 {
      %swap3A = arith.index_cast %scan3A_113 : i32 to index
      %swap3A_115 = arith.constant 0 : index
      %swap3A_116 = tpu.vector_load %arg14[%swap3A, %swap3A_115] {strides = array<i32>} : memref<128x64xf32, #tpu.memory_space<vmem>>, vector<1x16xf32>,
      %swap3A_117 = vector.shape_cast %swap3A_116 : vector<1x16xf32> to vector<16xf32>
      %swap3A_118 = vector.shape_cast %broadcast_in_dim3A_1 : vector<16xf32> to vector<1x16xf32>
      tpu.vector_store %arg14[%swap3A, %swap3A_115], %swap3A_118 {strides = array<i32>} : memref<128x64xf32, #tpu.memory_space<vmem>>, vector<1x16xf32>,
      %swap3A_119 = arith.index_cast %scan3A_113 : i32 to index
      %swap3A_120 = arith.constant 16 : index
      %swap3A_121 = tpu.vector_load %arg14[%swap3A_119, %swap3A_120] {strides = array<i32>} : memref<128x64xf32, #tpu.memory_space<vmem>>, vector<1x16xf32>,
      %swap3A_122 = vector.shape_cast %swap3A_121 : vector<1x16xf32> to vector<16xf32>
      %swap3A_123 = vector.shape_cast %broadcast_in_dim3A_1 : vector<16xf32> to vector<1x16xf32>
      tpu.vector_store %arg14[%swap3A_119, %swap3A_120], %swap3A_123 {strides = array<i32>} : memref<128x64xf32, #tpu.memory_space<vmem>>, vector<1x16xf32>,
      %swap3A_124 = arith.index_cast %scan3A_113 : i32 to index
      %swap3A_125 = arith.constant 32 : index
      %swap3A_126 = tpu.vector_load %arg14[%swap3A_124, %swap3A_125] {strides = array<i32>} : memref<128x64xf32, #tpu.memory_space<vmem>>, vector<1x16xf32>,
      %swap3A_127 = vector.shape_cast %swap3A_126 : vector<1x16xf32> to vector<16xf32>
      %swap3A_128 = vector.shape_cast %broadcast_in_dim3A_1 : vector<16xf32> to vector<1x16xf32>
      tpu.vector_store %arg14[%swap3A_124, %swap3A_125], %swap3A_128 {strides = array<i32>} : memref<128x64xf32, #tpu.memory_space<vmem>>, vector<1x16xf32>,
      %swap3A_129 = arith.index_cast %scan3A_113 : i32 to index
      %swap3A_130 = arith.constant 48 : index
      %swap3A_131 = tpu.vector_load %arg14[%swap3A_129, %swap3A_130] {strides = array<i32>} : memref<128x64xf32, #tpu.memory_space<vmem>>, vector<1x16xf32>,
      %swap3A_132 = vector.shape_cast %swap3A_131 : vector<1x16xf32> to vector<16xf32>
      %swap3A_133 = vector.shape_cast %broadcast_in_dim3A_1 : vector<16xf32> to vector<1x16xf32>
      tpu.vector_store %arg14[%swap3A_129, %swap3A_130], %swap3A_133 {strides = array<i32>} : memref<128x64xf32, #tpu.memory_space<vmem>>, vector<1x16xf32>,
      %scan3A_134 = arith.constant 0 : i32
      scf.yield %scan3A_134 : i32
    }
    %scan3A_7 = arith.constant 128 : i32
    %mul3A_8 = arith.constant 640 : i32
    %mul3A_9 = arith.muli %arg1, %mul3A_8 : i32
    %add3A_10 = arith.constant 0 : i32
    %add3A_11 = arith.addi %mul3A_9, %add3A_10 : i32
    "tpu.region"() ({
      %run_scoped3A = tpu.sem_alloc : memref<!tpu.dma_semaphore, #tpu.memory_space<semaphore_mem>>
      %dma_start3A_113 = arith.constant 0 : i32
      %dma_start3A_114 = tpu.memref_slice %arg16[%add3A_11, %dma_start3A_113] : memref<10240x64xf32, #tpu.memory_space<vmem_shared>> -> memref<128x64xf32, #tpu.memory_space<vmem_shared>>
      %dma_start3A_115 = arith.constant 0 : i32
      %dma_start3A_116 = tpu.memref_slice %arg16[%add3A_11, %dma_start3A_115] : memref<10240x64xf32, #tpu.memory_space<vmem_shared>> -> memref<128x64xf32, #tpu.memory_space<vmem_shared>>
      tpu.enqueue_dma source(%arg14 : memref<128x64xf32, #tpu.memory_space<vmem>>) target(%dma_start3A_116 : memref<128x64xf32, #tpu.memory_space<vmem_shared>>) target_semaphore(%run_scoped3A : memref<!tpu.dma_semaphore, #tpu.memory_space<semaphore_mem>>)
      %dma_wait3A_117 = arith.constant 0 : i32
      %dma_wait3A_118 = tpu.memref_slice %arg16[%add3A_11, %dma_wait3A_117] : memref<10240x64xf32, #tpu.memory_space<vmem_shared>> -> memref<128x64xf32, #tpu.memory_space<vmem_shared>>
      %dma_wait3A_119 = arith.constant 0 : i32
      %dma_wait3A_120 = tpu.memref_slice %arg16[%add3A_11, %dma_wait3A_119] : memref<10240x64xf32, #tpu.memory_space<vmem_shared>> -> memref<128x64xf32, #tpu.memory_space<vmem_shared>>
      tpu.wait_dma2 semaphore(%run_scoped3A : memref<!tpu.dma_semaphore, #tpu.memory_space<semaphore_mem>>) src(%arg14 : memref<128x64xf32, #tpu.memory_space<vmem>>) dst(%dma_wait3A_120 : memref<128x64xf32, #tpu.memory_space<vmem_shared>>)
      tpu.yield
    }) : () -> ()
    %mul3A_12 = arith.constant 640 : i32
    %mul3A_13 = arith.muli %arg1, %mul3A_12 : i32
    %add3A_14 = arith.constant 128 : i32
    %add3A_15 = arith.addi %mul3A_13, %add3A_14 : i32
    "tpu.region"() ({
      %run_scoped3A = tpu.sem_alloc : memref<!tpu.dma_semaphore, #tpu.memory_space<semaphore_mem>>
      %dma_start3A_113 = arith.constant 0 : i32
      %dma_start3A_114 = tpu.memref_slice %arg16[%add3A_15, %dma_start3A_113] : memref<10240x64xf32, #tpu.memory_space<vmem_shared>> -> memref<128x64xf32, #tpu.memory_space<vmem_shared>>
      %dma_start3A_115 = arith.constant 0 : i32
      %dma_start3A_116 = tpu.memref_slice %arg16[%add3A_15, %dma_start3A_115] : memref<10240x64xf32, #tpu.memory_space<vmem_shared>> -> memref<128x64xf32, #tpu.memory_space<vmem_shared>>
      tpu.enqueue_dma source(%arg14 : memref<128x64xf32, #tpu.memory_space<vmem>>) target(%dma_start3A_116 : memref<128x64xf32, #tpu.memory_space<vmem_shared>>) target_semaphore(%run_scoped3A : memref<!tpu.dma_semaphore, #tpu.memory_space<semaphore_mem>>)
      %dma_wait3A_117 = arith.constant 0 : i32
      %dma_wait3A_118 = tpu.memref_slice %arg16[%add3A_15, %dma_wait3A_117] : memref<10240x64xf32, #tpu.memory_space<vmem_shared>> -> memref<128x64xf32, #tpu.memory_space<vmem_shared>>
      %dma_wait3A_119 = arith.constant 0 : i32
      %dma_wait3A_120 = tpu.memref_slice %arg16[%add3A_15, %dma_wait3A_119] : memref<10240x64xf32, #tpu.memory_space<vmem_shared>> -> memref<128x64xf32, #tpu.memory_space<vmem_shared>>
      tpu.wait_dma2 semaphore(%run_scoped3A : memref<!tpu.dma_semaphore, #tpu.memory_space<semaphore_mem>>) src(%arg14 : memref<128x64xf32, #tpu.memory_space<vmem>>) dst(%dma_wait3A_120 : memref<128x64xf32, #tpu.memory_space<vmem_shared>>)
      tpu.yield
    }) : () -> ()
    %mul3A_16 = arith.constant 640 : i32
    %mul3A_17 = arith.muli %arg1, %mul3A_16 : i32
    %add3A_18 = arith.constant 256 : i32
    %add3A_19 = arith.addi %mul3A_17, %add3A_18 : i32
    "tpu.region"() ({
      %run_scoped3A = tpu.sem_alloc : memref<!tpu.dma_semaphore, #tpu.memory_space<semaphore_mem>>
      %dma_start3A_113 = arith.constant 0 : i32
      %dma_start3A_114 = tpu.memref_slice %arg16[%add3A_19, %dma_start3A_113] : memref<10240x64xf32, #tpu.memory_space<vmem_shared>> -> memref<128x64xf32, #tpu.memory_space<vmem_shared>>
      %dma_start3A_115 = arith.constant 0 : i32
      %dma_start3A_116 = tpu.memref_slice %arg16[%add3A_19, %dma_start3A_115] : memref<10240x64xf32, #tpu.memory_space<vmem_shared>> -> memref<128x64xf32, #tpu.memory_space<vmem_shared>>
      tpu.enqueue_dma source(%arg14 : memref<128x64xf32, #tpu.memory_space<vmem>>) target(%dma_start3A_116 : memref<128x64xf32, #tpu.memory_space<vmem_shared>>) target_semaphore(%run_scoped3A : memref<!tpu.dma_semaphore, #tpu.memory_space<semaphore_mem>>)
      %dma_wait3A_117 = arith.constant 0 : i32
      %dma_wait3A_118 = tpu.memref_slice %arg16[%add3A_19, %dma_wait3A_117] : memref<10240x64xf32, #tpu.memory_space<vmem_shared>> -> memref<128x64xf32, #tpu.memory_space<vmem_shared>>
      %dma_wait3A_119 = arith.constant 0 : i32
      %dma_wait3A_120 = tpu.memref_slice %arg16[%add3A_19, %dma_wait3A_119] : memref<10240x64xf32, #tpu.memory_space<vmem_shared>> -> memref<128x64xf32, #tpu.memory_space<vmem_shared>>
      tpu.wait_dma2 semaphore(%run_scoped3A : memref<!tpu.dma_semaphore, #tpu.memory_space<semaphore_mem>>) src(%arg14 : memref<128x64xf32, #tpu.memory_space<vmem>>) dst(%dma_wait3A_120 : memref<128x64xf32, #tpu.memory_space<vmem_shared>>)
      tpu.yield
    }) : () -> ()
    %mul3A_20 = arith.constant 640 : i32
    %mul3A_21 = arith.muli %arg1, %mul3A_20 : i32
    %add3A_22 = arith.constant 384 : i32
    %add3A_23 = arith.addi %mul3A_21, %add3A_22 : i32
    "tpu.region"() ({
      %run_scoped3A = tpu.sem_alloc : memref<!tpu.dma_semaphore, #tpu.memory_space<semaphore_mem>>
      %dma_start3A_113 = arith.constant 0 : i32
      %dma_start3A_114 = tpu.memref_slice %arg16[%add3A_23, %dma_start3A_113] : memref<10240x64xf32, #tpu.memory_space<vmem_shared>> -> memref<128x64xf32, #tpu.memory_space<vmem_shared>>
      %dma_start3A_115 = arith.constant 0 : i32
      %dma_start3A_116 = tpu.memref_slice %arg16[%add3A_23, %dma_start3A_115] : memref<10240x64xf32, #tpu.memory_space<vmem_shared>> -> memref<128x64xf32, #tpu.memory_space<vmem_shared>>
      tpu.enqueue_dma source(%arg14 : memref<128x64xf32, #tpu.memory_space<vmem>>) target(%dma_start3A_116 : memref<128x64xf32, #tpu.memory_space<vmem_shared>>) target_semaphore(%run_scoped3A : memref<!tpu.dma_semaphore, #tpu.memory_space<semaphore_mem>>)
      %dma_wait3A_117 = arith.constant 0 : i32
      %dma_wait3A_118 = tpu.memref_slice %arg16[%add3A_23, %dma_wait3A_117] : memref<10240x64xf32, #tpu.memory_space<vmem_shared>> -> memref<128x64xf32, #tpu.memory_space<vmem_shared>>
      %dma_wait3A_119 = arith.constant 0 : i32
      %dma_wait3A_120 = tpu.memref_slice %arg16[%add3A_23, %dma_wait3A_119] : memref<10240x64xf32, #tpu.memory_space<vmem_shared>> -> memref<128x64xf32, #tpu.memory_space<vmem_shared>>
      tpu.wait_dma2 semaphore(%run_scoped3A : memref<!tpu.dma_semaphore, #tpu.memory_space<semaphore_mem>>) src(%arg14 : memref<128x64xf32, #tpu.memory_space<vmem>>) dst(%dma_wait3A_120 : memref<128x64xf32, #tpu.memory_space<vmem_shared>>)
      tpu.yield
    }) : () -> ()
    %mul3A_24 = arith.constant 640 : i32
    %mul3A_25 = arith.muli %arg1, %mul3A_24 : i32
    %add3A_26 = arith.constant 512 : i32
    %add3A_27 = arith.addi %mul3A_25, %add3A_26 : i32
    "tpu.region"() ({
      %run_scoped3A = tpu.sem_alloc : memref<!tpu.dma_semaphore, #tpu.memory_space<semaphore_mem>>
      %dma_start3A_113 = arith.constant 0 : i32
      %dma_start3A_114 = tpu.memref_slice %arg16[%add3A_27, %dma_start3A_113] : memref<10240x64xf32, #tpu.memory_space<vmem_shared>> -> memref<128x64xf32, #tpu.memory_space<vmem_shared>>
      %dma_start3A_115 = arith.constant 0 : i32
      %dma_start3A_116 = tpu.memref_slice %arg16[%add3A_27, %dma_start3A_115] : memref<10240x64xf32, #tpu.memory_space<vmem_shared>> -> memref<128x64xf32, #tpu.memory_space<vmem_shared>>
      tpu.enqueue_dma source(%arg14 : memref<128x64xf32, #tpu.memory_space<vmem>>) target(%dma_start3A_116 : memref<128x64xf32, #tpu.memory_space<vmem_shared>>) target_semaphore(%run_scoped3A : memref<!tpu.dma_semaphore, #tpu.memory_space<semaphore_mem>>)
      %dma_wait3A_117 = arith.constant 0 : i32
      %dma_wait3A_118 = tpu.memref_slice %arg16[%add3A_27, %dma_wait3A_117] : memref<10240x64xf32, #tpu.memory_space<vmem_shared>> -> memref<128x64xf32, #tpu.memory_space<vmem_shared>>
      %dma_wait3A_119 = arith.constant 0 : i32
      %dma_wait3A_120 = tpu.memref_slice %arg16[%add3A_27, %dma_wait3A_119] : memref<10240x64xf32, #tpu.memory_space<vmem_shared>> -> memref<128x64xf32, #tpu.memory_space<vmem_shared>>
      tpu.wait_dma2 semaphore(%run_scoped3A : memref<!tpu.dma_semaphore, #tpu.memory_space<semaphore_mem>>) src(%arg14 : memref<128x64xf32, #tpu.memory_space<vmem>>) dst(%dma_wait3A_120 : memref<128x64xf32, #tpu.memory_space<vmem_shared>>)
      tpu.yield
    }) : () -> ()
    %barrier3A = arith.constant 0 : index
    tpu.barrier barrier_id(%barrier3A)
    "tpu.region"() ({
      %run_scoped3A = tpu.sem_alloc : memref<!tpu.dma_semaphore, #tpu.memory_space<semaphore_mem>>
      %dma_start3A_113 = arith.constant 0 : i32
      %dma_start3A_114 = arith.constant 0 : i32
      %dma_start3A_115 = tpu.memref_slice %arg5[%add3A, %dma_start3A_113, %dma_start3A_114] : memref<32x79x128xi32, #tpu.memory_space<hbm>> -> memref<1x79x128xi32, #tpu.memory_space<hbm>>
      %dma_start3A_116 = tpu.memref_squeeze %dma_start3A_115 : memref<1x79x128xi32, #tpu.memory_space<hbm>> -> memref<79x128xi32, #tpu.memory_space<hbm>>
      %dma_start3A_117 = arith.constant 0 : i32
      %dma_start3A_118 = arith.constant 0 : i32
      %dma_start3A_119 = tpu.memref_slice %arg5[%add3A, %dma_start3A_117, %dma_start3A_118] : memref<32x79x128xi32, #tpu.memory_space<hbm>> -> memref<1x79x128xi32, #tpu.memory_space<hbm>>
      %dma_start3A_120 = tpu.memref_squeeze %dma_start3A_119 : memref<1x79x128xi32, #tpu.memory_space<hbm>> -> memref<79x128xi32, #tpu.memory_space<hbm>>
      tpu.enqueue_dma source(%dma_start3A_120 : memref<79x128xi32, #tpu.memory_space<hbm>>) target(%arg8 : memref<79x128xi32, #tpu.memory_space<vmem>>) target_semaphore(%run_scoped3A : memref<!tpu.dma_semaphore, #tpu.memory_space<semaphore_mem>>)
      %dma_wait3A_121 = arith.constant 0 : i32
      %dma_wait3A_122 = arith.constant 0 : i32
      %dma_wait3A_123 = tpu.memref_slice %arg5[%add3A, %dma_wait3A_121, %dma_wait3A_122] : memref<32x79x128xi32, #tpu.memory_space<hbm>> -> memref<1x79x128xi32, #tpu.memory_space<hbm>>
      %dma_wait3A_124 = tpu.memref_squeeze %dma_wait3A_123 : memref<1x79x128xi32, #tpu.memory_space<hbm>> -> memref<79x128xi32, #tpu.memory_space<hbm>>
      %dma_wait3A_125 = arith.constant 0 : i32
      %dma_wait3A_126 = arith.constant 0 : i32
      %dma_wait3A_127 = tpu.memref_slice %arg5[%add3A, %dma_wait3A_125, %dma_wait3A_126] : memref<32x79x128xi32, #tpu.memory_space<hbm>> -> memref<1x79x128xi32, #tpu.memory_space<hbm>>
      %dma_wait3A_128 = tpu.memref_squeeze %dma_wait3A_127 : memref<1x79x128xi32, #tpu.memory_space<hbm>> -> memref<79x128xi32, #tpu.memory_space<hbm>>
      tpu.wait_dma2 semaphore(%run_scoped3A : memref<!tpu.dma_semaphore, #tpu.memory_space<semaphore_mem>>) src(%dma_wait3A_128 : memref<79x128xi32, #tpu.memory_space<hbm>>) dst(%arg8 : memref<79x128xi32, #tpu.memory_space<vmem>>)
      tpu.yield
    }) : () -> ()
    "tpu.region"() ({
      %run_scoped3A = tpu.sem_alloc : memref<!tpu.dma_semaphore, #tpu.memory_space<semaphore_mem>>
      %dma_start3A_113 = arith.constant 0 : i32
      %dma_start3A_114 = arith.constant 0 : i32
      %dma_start3A_115 = tpu.memref_slice %arg6[%add3A, %dma_start3A_113, %dma_start3A_114] : memref<32x79x128xi32, #tpu.memory_space<hbm>> -> memref<1x79x128xi32, #tpu.memory_space<hbm>>
      %dma_start3A_116 = tpu.memref_squeeze %dma_start3A_115 : memref<1x79x128xi32, #tpu.memory_space<hbm>> -> memref<79x128xi32, #tpu.memory_space<hbm>>
      %dma_start3A_117 = arith.constant 0 : i32
      %dma_start3A_118 = arith.constant 0 : i32
      %dma_start3A_119 = tpu.memref_slice %arg6[%add3A, %dma_start3A_117, %dma_start3A_118] : memref<32x79x128xi32, #tpu.memory_space<hbm>> -> memref<1x79x128xi32, #tpu.memory_space<hbm>>
      %dma_start3A_120 = tpu.memref_squeeze %dma_start3A_119 : memref<1x79x128xi32, #tpu.memory_space<hbm>> -> memref<79x128xi32, #tpu.memory_space<hbm>>
      tpu.enqueue_dma source(%dma_start3A_120 : memref<79x128xi32, #tpu.memory_space<hbm>>) target(%arg9 : memref<79x128xi32, #tpu.memory_space<vmem>>) target_semaphore(%run_scoped3A : memref<!tpu.dma_semaphore, #tpu.memory_space<semaphore_mem>>)
      %dma_wait3A_121 = arith.constant 0 : i32
      %dma_wait3A_122 = arith.constant 0 : i32
      %dma_wait3A_123 = tpu.memref_slice %arg6[%add3A, %dma_wait3A_121, %dma_wait3A_122] : memref<32x79x128xi32, #tpu.memory_space<hbm>> -> memref<1x79x128xi32, #tpu.memory_space<hbm>>
      %dma_wait3A_124 = tpu.memref_squeeze %dma_wait3A_123 : memref<1x79x128xi32, #tpu.memory_space<hbm>> -> memref<79x128xi32, #tpu.memory_space<hbm>>
      %dma_wait3A_125 = arith.constant 0 : i32
      %dma_wait3A_126 = arith.constant 0 : i32
      %dma_wait3A_127 = tpu.memref_slice %arg6[%add3A, %dma_wait3A_125, %dma_wait3A_126] : memref<32x79x128xi32, #tpu.memory_space<hbm>> -> memref<1x79x128xi32, #tpu.memory_space<hbm>>
      %dma_wait3A_128 = tpu.memref_squeeze %dma_wait3A_127 : memref<1x79x128xi32, #tpu.memory_space<hbm>> -> memref<79x128xi32, #tpu.memory_space<hbm>>
      tpu.wait_dma2 semaphore(%run_scoped3A : memref<!tpu.dma_semaphore, #tpu.memory_space<semaphore_mem>>) src(%dma_wait3A_128 : memref<79x128xi32, #tpu.memory_space<hbm>>) dst(%arg9 : memref<79x128xi32, #tpu.memory_space<vmem>>)
      tpu.yield
    }) : () -> ()
    %add3A_28 = arith.constant 0 : i32
    %add3A_29 = arith.addi %add3A_28, %add3A : i32
    %mul3A_30 = arith.constant 128 : i32
    %mul3A_31 = arith.muli %add3A_29, %mul3A_30 : i32
    %shift_right_logical3A = arith.constant 12 : i32
    %shift_right_logical3A_32 = arith.shrui %mul3A_31, %shift_right_logical3A : i32
    %mul3A_33 = arith.constant 2048 : i32
    %mul3A_34 = arith.muli %shift_right_logical3A_32, %mul3A_33 : i32
    %and3A = arith.constant 2047 : i32
    %and3A_35 = arith.andi %mul3A_31, %and3A : i32
    %add3A_36 = arith.addi %mul3A_34, %and3A_35 : i32
    %shift_right_logical3A_37 = arith.constant 11 : i32
    %shift_right_logical3A_38 = arith.shrui %mul3A_31, %shift_right_logical3A_37 : i32
    %and3A_39 = arith.constant 1 : i32
    %and3A_40 = arith.andi %shift_right_logical3A_38, %and3A_39 : i32
    %mul3A_41 = arith.constant 64 : i32
    %mul3A_42 = arith.muli %and3A_40, %mul3A_41 : i32
    %dma_start3A = arith.constant 0 : i32
    %dma_start3A_43 = arith.constant 0 : i32
    %dma_start3A_44 = tpu.memref_slice %arg8[%dma_start3A, %dma_start3A_43] : memref<79x128xi32, #tpu.memory_space<vmem>> -> memref<1x128xi32, #tpu.memory_space<vmem>>
    %dma_start3A_45 = tpu.memref_squeeze %dma_start3A_44 : memref<1x128xi32, #tpu.memory_space<vmem>> -> memref<128xi32, #tpu.memory_space<vmem>>
    %dma_start3A_46 = arith.constant 0 : i32
    %dma_start3A_47 = arith.constant 0 : i32
    %dma_start3A_48 = tpu.memref_slice %arg2[%dma_start3A_46, %dma_start3A_47] : memref<10240x64xf32, #tpu.memory_space<hbm>> -> memref<10240x64xf32, #tpu.memory_space<hbm>>
    tpu.enqueue_indirect_dma source(%dma_start3A_48 : memref<10240x64xf32, #tpu.memory_space<hbm>>) target(%arg10 : memref<128x64xf32, #tpu.memory_space<vmem>>) offsets(%dma_start3A_45 : memref<128xi32, #tpu.memory_space<vmem>>) semaphore(%arg17 : memref<!tpu.dma_semaphore, #tpu.memory_space<semaphore_mem>>)
    %dma_start3A_49 = arith.constant 0 : i32
    %dma_start3A_50 = arith.constant 0 : i32
    %dma_start3A_51 = tpu.memref_slice %arg9[%dma_start3A_49, %dma_start3A_50] : memref<79x128xi32, #tpu.memory_space<vmem>> -> memref<1x128xi32, #tpu.memory_space<vmem>>
    %dma_start3A_52 = tpu.memref_squeeze %dma_start3A_51 : memref<1x128xi32, #tpu.memory_space<vmem>> -> memref<128xi32, #tpu.memory_space<vmem>>
    %dma_start3A_53 = arith.constant 0 : i32
    %dma_start3A_54 = arith.constant 0 : i32
    %dma_start3A_55 = tpu.memref_slice %arg3[%dma_start3A_53, %dma_start3A_54] : memref<10240x64xf32, #tpu.memory_space<hbm>> -> memref<10240x64xf32, #tpu.memory_space<hbm>>
    tpu.enqueue_indirect_dma source(%dma_start3A_55 : memref<10240x64xf32, #tpu.memory_space<hbm>>) target(%arg12 : memref<128x64xf32, #tpu.memory_space<vmem>>) offsets(%dma_start3A_52 : memref<128xi32, #tpu.memory_space<vmem>>) semaphore(%arg17 : memref<!tpu.dma_semaphore, #tpu.memory_space<semaphore_mem>>)
    %dma_start3A_56 = tpu.memref_slice %arg4[%add3A_36, %mul3A_42] : memref<161792x128xf32, #tpu.memory_space<hbm>> -> memref<128x64xf32, #tpu.memory_space<hbm>>
    %dma_start3A_57 = tpu.memref_slice %arg4[%add3A_36, %mul3A_42] : memref<161792x128xf32, #tpu.memory_space<hbm>> -> memref<128x64xf32, #tpu.memory_space<hbm>>
    tpu.enqueue_dma source(%dma_start3A_57 : memref<128x64xf32, #tpu.memory_space<hbm>>) target(%arg14 : memref<128x64xf32, #tpu.memory_space<vmem>>) target_semaphore(%arg17 : memref<!tpu.dma_semaphore, #tpu.memory_space<semaphore_mem>>)
    %scan3A_58 = arith.constant 0 : i32
    %scan3A_59 = arith.constant 0 : i32
    %scan3A_60 = arith.constant 39 : i32
    %scan3A_61 = arith.addi %scan3A_59, %scan3A_60 : i32
    %scan3A_62 = arith.constant 1 : i32
    %scan3A_63 = scf.for %scan3A_113 = %scan3A_59 to %scan3A_61 step %scan3A_62 iter_args(%scan3A_114 = %scan3A_58) -> (i32)  : i32 {
      %mul3A_115 = arith.constant 2 : i32
      %mul3A_116 = arith.muli %mul3A_115, %scan3A_113 : i32
      %add3A_117 = arith.constant 1 : i32
      %add3A_118 = arith.addi %mul3A_116, %add3A_117 : i32
      %ge3A = arith.constant 2 : i32
      %ge3A_119 = arith.cmpi sge, %add3A_118, %ge3A : i32
      %convert_element_type3A = arith.extui %ge3A_119 : i1 to i32
      %cond3A = arith.constant 0 : i32
      %cond3A_120 = arith.cmpi ne, %convert_element_type3A, %cond3A : i32
      scf.if %cond3A_120 {
        %dma_wait3A_257 = arith.constant 0 : i32
        %dma_wait3A_258 = arith.constant 0 : i32
        %dma_wait3A_259 = tpu.memref_slice %arg2[%dma_wait3A_257, %dma_wait3A_258] : memref<10240x64xf32, #tpu.memory_space<hbm>> -> memref<128x64xf32, #tpu.memory_space<hbm>>
        %dma_wait3A_260 = arith.constant 0 : i32
        %dma_wait3A_261 = arith.constant 0 : i32
        %dma_wait3A_262 = tpu.memref_slice %arg2[%dma_wait3A_260, %dma_wait3A_261] : memref<10240x64xf32, #tpu.memory_space<hbm>> -> memref<128x64xf32, #tpu.memory_space<hbm>>
        tpu.wait_dma2 semaphore(%arg20 : memref<!tpu.dma_semaphore, #tpu.memory_space<semaphore_mem>>) src(%dma_wait3A_262 : memref<128x64xf32, #tpu.memory_space<hbm>>) dst(%arg15 : memref<128x64xf32, #tpu.memory_space<vmem>>)
      } else {
      }
      %mul3A_121 = arith.constant 32 : i32
      %mul3A_122 = arith.muli %add3A_118, %mul3A_121 : i32
      %add3A_123 = arith.addi %mul3A_122, %add3A : i32
      %mul3A_124 = arith.constant 128 : i32
      %mul3A_125 = arith.muli %add3A_123, %mul3A_124 : i32
      %shift_right_logical3A_126 = arith.constant 12 : i32
      %shift_right_logical3A_127 = arith.shrui %mul3A_125, %shift_right_logical3A_126 : i32
      %mul3A_128 = arith.constant 2048 : i32
      %mul3A_129 = arith.muli %shift_right_logical3A_127, %mul3A_128 : i32
      %and3A_130 = arith.constant 2047 : i32
      %and3A_131 = arith.andi %mul3A_125, %and3A_130 : i32
      %add3A_132 = arith.addi %mul3A_129, %and3A_131 : i32
      %shift_right_logical3A_133 = arith.constant 11 : i32
      %shift_right_logical3A_134 = arith.shrui %mul3A_125, %shift_right_logical3A_133 : i32
      %and3A_135 = arith.constant 1 : i32
      %and3A_136 = arith.andi %shift_right_logical3A_134, %and3A_135 : i32
      %mul3A_137 = arith.constant 64 : i32
      %mul3A_138 = arith.muli %and3A_136, %mul3A_137 : i32
      %dma_start3A_139 = arith.constant 0 : i32
      %dma_start3A_140 = tpu.memref_slice %arg8[%add3A_118, %dma_start3A_139] : memref<79x128xi32, #tpu.memory_space<vmem>> -> memref<1x128xi32, #tpu.memory_space<vmem>>
      %dma_start3A_141 = tpu.memref_squeeze %dma_start3A_140 : memref<1x128xi32, #tpu.memory_space<vmem>> -> memref<128xi32, #tpu.memory_space<vmem>>
      %dma_start3A_142 = arith.constant 0 : i32
      %dma_start3A_143 = arith.constant 0 : i32
      %dma_start3A_144 = tpu.memref_slice %arg2[%dma_start3A_142, %dma_start3A_143] : memref<10240x64xf32, #tpu.memory_space<hbm>> -> memref<10240x64xf32, #tpu.memory_space<hbm>>
      tpu.enqueue_indirect_dma source(%dma_start3A_144 : memref<10240x64xf32, #tpu.memory_space<hbm>>) target(%arg11 : memref<128x64xf32, #tpu.memory_space<vmem>>) offsets(%dma_start3A_141 : memref<128xi32, #tpu.memory_space<vmem>>) semaphore(%arg18 : memref<!tpu.dma_semaphore, #tpu.memory_space<semaphore_mem>>)
      %dma_start3A_145 = arith.constant 0 : i32
      %dma_start3A_146 = tpu.memref_slice %arg9[%add3A_118, %dma_start3A_145] : memref<79x128xi32, #tpu.memory_space<vmem>> -> memref<1x128xi32, #tpu.memory_space<vmem>>
      %dma_start3A_147 = tpu.memref_squeeze %dma_start3A_146 : memref<1x128xi32, #tpu.memory_space<vmem>> -> memref<128xi32, #tpu.memory_space<vmem>>
      %dma_start3A_148 = arith.constant 0 : i32
      %dma_start3A_149 = arith.constant 0 : i32
      %dma_start3A_150 = tpu.memref_slice %arg3[%dma_start3A_148, %dma_start3A_149] : memref<10240x64xf32, #tpu.memory_space<hbm>> -> memref<10240x64xf32, #tpu.memory_space<hbm>>
      tpu.enqueue_indirect_dma source(%dma_start3A_150 : memref<10240x64xf32, #tpu.memory_space<hbm>>) target(%arg13 : memref<128x64xf32, #tpu.memory_space<vmem>>) offsets(%dma_start3A_147 : memref<128xi32, #tpu.memory_space<vmem>>) semaphore(%arg18 : memref<!tpu.dma_semaphore, #tpu.memory_space<semaphore_mem>>)
      %dma_start3A_151 = tpu.memref_slice %arg4[%add3A_132, %mul3A_138] : memref<161792x128xf32, #tpu.memory_space<hbm>> -> memref<128x64xf32, #tpu.memory_space<hbm>>
      %dma_start3A_152 = tpu.memref_slice %arg4[%add3A_132, %mul3A_138] : memref<161792x128xf32, #tpu.memory_space<hbm>> -> memref<128x64xf32, #tpu.memory_space<hbm>>
      tpu.enqueue_dma source(%dma_start3A_152 : memref<128x64xf32, #tpu.memory_space<hbm>>) target(%arg15 : memref<128x64xf32, #tpu.memory_space<vmem>>) target_semaphore(%arg18 : memref<!tpu.dma_semaphore, #tpu.memory_space<semaphore_mem>>)
      %dma_wait3A_153 = arith.constant 0 : i32
      %dma_wait3A_154 = arith.constant 0 : i32
      %dma_wait3A_155 = tpu.memref_slice %arg2[%dma_wait3A_153, %dma_wait3A_154] : memref<10240x64xf32, #tpu.memory_space<hbm>> -> memref<128x64xf32, #tpu.memory_space<hbm>>
      %dma_wait3A_156 = arith.constant 0 : i32
      %dma_wait3A_157 = arith.constant 0 : i32
      %dma_wait3A_158 = tpu.memref_slice %arg2[%dma_wait3A_156, %dma_wait3A_157] : memref<10240x64xf32, #tpu.memory_space<hbm>> -> memref<128x64xf32, #tpu.memory_space<hbm>>
      tpu.wait_dma2 semaphore(%arg17 : memref<!tpu.dma_semaphore, #tpu.memory_space<semaphore_mem>>) src(%dma_wait3A_158 : memref<128x64xf32, #tpu.memory_space<hbm>>) dst(%arg10 : memref<128x64xf32, #tpu.memory_space<vmem>>)
      %dma_wait3A_159 = arith.constant 0 : i32
      %dma_wait3A_160 = arith.constant 0 : i32
      %dma_wait3A_161 = tpu.memref_slice %arg2[%dma_wait3A_159, %dma_wait3A_160] : memref<10240x64xf32, #tpu.memory_space<hbm>> -> memref<128x64xf32, #tpu.memory_space<hbm>>
      %dma_wait3A_162 = arith.constant 0 : i32
      %dma_wait3A_163 = arith.constant 0 : i32
      %dma_wait3A_164 = tpu.memref_slice %arg2[%dma_wait3A_162, %dma_wait3A_163] : memref<10240x64xf32, #tpu.memory_space<hbm>> -> memref<128x64xf32, #tpu.memory_space<hbm>>
      tpu.wait_dma2 semaphore(%arg17 : memref<!tpu.dma_semaphore, #tpu.memory_space<semaphore_mem>>) src(%dma_wait3A_164 : memref<128x64xf32, #tpu.memory_space<hbm>>) dst(%arg12 : memref<128x64xf32, #tpu.memory_space<vmem>>)
      %dma_wait3A_165 = arith.constant 0 : i32
      %dma_wait3A_166 = arith.constant 0 : i32
      %dma_wait3A_167 = tpu.memref_slice %arg2[%dma_wait3A_165, %dma_wait3A_166] : memref<10240x64xf32, #tpu.memory_space<hbm>> -> memref<128x64xf32, #tpu.memory_space<hbm>>
      %dma_wait3A_168 = arith.constant 0 : i32
      %dma_wait3A_169 = arith.constant 0 : i32
      %dma_wait3A_170 = tpu.memref_slice %arg2[%dma_wait3A_168, %dma_wait3A_169] : memref<10240x64xf32, #tpu.memory_space<hbm>> -> memref<128x64xf32, #tpu.memory_space<hbm>>
      tpu.wait_dma2 semaphore(%arg17 : memref<!tpu.dma_semaphore, #tpu.memory_space<semaphore_mem>>) src(%dma_wait3A_170 : memref<128x64xf32, #tpu.memory_space<hbm>>) dst(%arg14 : memref<128x64xf32, #tpu.memory_space<vmem>>)
      %scan3A_171 = arith.constant 0 : i32
      %scan3A_172 = arith.constant 0 : i32
      %scan3A_173 = arith.constant 32 : i32
      %scan3A_174 = arith.addi %scan3A_172, %scan3A_173 : i32
      %scan3A_175 = arith.constant 1 : i32
      %scan3A_176 = scf.for %scan3A_257 = %scan3A_172 to %scan3A_174 step %scan3A_175 iter_args(%scan3A_258 = %scan3A_171) -> (i32)  : i32 {
        %mul3A_259 = arith.constant 4 : i32
        %mul3A_260 = arith.muli %scan3A_257, %mul3A_259 : i32
        %add3A_261 = arith.constant 0 : i32
        %add3A_262 = arith.addi %mul3A_260, %add3A_261 : i32
        %get3A = arith.index_cast %add3A_262 : i32 to index
        %get3A_263 = arith.constant 0 : index
        %get3A_264 = tpu.vector_load %arg10[%get3A, %get3A_263] {strides = array<i32>} : memref<128x64xf32, #tpu.memory_space<vmem>>, vector<1x16xf32>,
        %get3A_265 = vector.shape_cast %get3A_264 : vector<1x16xf32> to vector<16xf32>
        %get3A_266 = arith.index_cast %add3A_262 : i32 to index
        %get3A_267 = arith.constant 0 : index
        %get3A_268 = tpu.vector_load %arg12[%get3A_266, %get3A_267] {strides = array<i32>} : memref<128x64xf32, #tpu.memory_space<vmem>>, vector<1x16xf32>,
        %get3A_269 = vector.shape_cast %get3A_268 : vector<1x16xf32> to vector<16xf32>
        %add3A_270 = arith.addf %get3A_265, %get3A_269 : vector<16xf32>
        %get3A_271 = arith.index_cast %add3A_262 : i32 to index
        %get3A_272 = arith.constant 0 : index
        %get3A_273 = tpu.vector_load %arg14[%get3A_271, %get3A_272] {strides = array<i32>} : memref<128x64xf32, #tpu.memory_space<vmem>>, vector<1x16xf32>,
        %get3A_274 = vector.shape_cast %get3A_273 : vector<1x16xf32> to vector<16xf32>
        %add3A_275 = arith.addf %add3A_270, %get3A_274 : vector<16xf32>
        %max3A = arith.constant 0.000000e+00 : f32
        %max3A_276 = vector.broadcast %max3A : f32 to vector<16xf32>
        %max3A_277 = arith.maximumf %add3A_275, %max3A_276 : vector<16xf32>
        %swap3A = arith.index_cast %add3A_262 : i32 to index
        %swap3A_278 = arith.constant 0 : index
        %swap3A_279 = tpu.vector_load %arg14[%swap3A, %swap3A_278] {strides = array<i32>} : memref<128x64xf32, #tpu.memory_space<vmem>>, vector<1x16xf32>,
        %swap3A_280 = vector.shape_cast %swap3A_279 : vector<1x16xf32> to vector<16xf32>
        %swap3A_281 = vector.shape_cast %max3A_277 : vector<16xf32> to vector<1x16xf32>
        tpu.vector_store %arg14[%swap3A, %swap3A_278], %swap3A_281 {strides = array<i32>} : memref<128x64xf32, #tpu.memory_space<vmem>>, vector<1x16xf32>,
        %get3A_282 = arith.index_cast %add3A_262 : i32 to index
        %get3A_283 = arith.constant 16 : index
        %get3A_284 = tpu.vector_load %arg10[%get3A_282, %get3A_283] {strides = array<i32>} : memref<128x64xf32, #tpu.memory_space<vmem>>, vector<1x16xf32>,
        %get3A_285 = vector.shape_cast %get3A_284 : vector<1x16xf32> to vector<16xf32>
        %get3A_286 = arith.index_cast %add3A_262 : i32 to index
        %get3A_287 = arith.constant 16 : index
        %get3A_288 = tpu.vector_load %arg12[%get3A_286, %get3A_287] {strides = array<i32>} : memref<128x64xf32, #tpu.memory_space<vmem>>, vector<1x16xf32>,
        %get3A_289 = vector.shape_cast %get3A_288 : vector<1x16xf32> to vector<16xf32>
        %add3A_290 = arith.addf %get3A_285, %get3A_289 : vector<16xf32>
        %get3A_291 = arith.index_cast %add3A_262 : i32 to index
        %get3A_292 = arith.constant 16 : index
        %get3A_293 = tpu.vector_load %arg14[%get3A_291, %get3A_292] {strides = array<i32>} : memref<128x64xf32, #tpu.memory_space<vmem>>, vector<1x16xf32>,
        %get3A_294 = vector.shape_cast %get3A_293 : vector<1x16xf32> to vector<16xf32>
        %add3A_295 = arith.addf %add3A_290, %get3A_294 : vector<16xf32>
        %max3A_296 = arith.constant 0.000000e+00 : f32
        %max3A_297 = vector.broadcast %max3A_296 : f32 to vector<16xf32>
        %max3A_298 = arith.maximumf %add3A_295, %max3A_297 : vector<16xf32>
        %swap3A_299 = arith.index_cast %add3A_262 : i32 to index
        %swap3A_300 = arith.constant 16 : index
        %swap3A_301 = tpu.vector_load %arg14[%swap3A_299, %swap3A_300] {strides = array<i32>} : memref<128x64xf32, #tpu.memory_space<vmem>>, vector<1x16xf32>,
        %swap3A_302 = vector.shape_cast %swap3A_301 : vector<1x16xf32> to vector<16xf32>
        %swap3A_303 = vector.shape_cast %max3A_298 : vector<16xf32> to vector<1x16xf32>
        tpu.vector_store %arg14[%swap3A_299, %swap3A_300], %swap3A_303 {strides = array<i32>} : memref<128x64xf32, #tpu.memory_space<vmem>>, vector<1x16xf32>,
        %get3A_304 = arith.index_cast %add3A_262 : i32 to index
        %get3A_305 = arith.constant 32 : index
        %get3A_306 = tpu.vector_load %arg10[%get3A_304, %get3A_305] {strides = array<i32>} : memref<128x64xf32, #tpu.memory_space<vmem>>, vector<1x16xf32>,
        %get3A_307 = vector.shape_cast %get3A_306 : vector<1x16xf32> to vector<16xf32>
        %get3A_308 = arith.index_cast %add3A_262 : i32 to index
        %get3A_309 = arith.constant 32 : index
        %get3A_310 = tpu.vector_load %arg12[%get3A_308, %get3A_309] {strides = array<i32>} : memref<128x64xf32, #tpu.memory_space<vmem>>, vector<1x16xf32>,
        %get3A_311 = vector.shape_cast %get3A_310 : vector<1x16xf32> to vector<16xf32>
        %add3A_312 = arith.addf %get3A_307, %get3A_311 : vector<16xf32>
        %get3A_313 = arith.index_cast %add3A_262 : i32 to index
        %get3A_314 = arith.constant 32 : index
        %get3A_315 = tpu.vector_load %arg14[%get3A_313, %get3A_314] {strides = array<i32>} : memref<128x64xf32, #tpu.memory_space<vmem>>, vector<1x16xf32>,
        %get3A_316 = vector.shape_cast %get3A_315 : vector<1x16xf32> to vector<16xf32>
        %add3A_317 = arith.addf %add3A_312, %get3A_316 : vector<16xf32>
        %max3A_318 = arith.constant 0.000000e+00 : f32
        %max3A_319 = vector.broadcast %max3A_318 : f32 to vector<16xf32>
        %max3A_320 = arith.maximumf %add3A_317, %max3A_319 : vector<16xf32>
        %swap3A_321 = arith.index_cast %add3A_262 : i32 to index
        %swap3A_322 = arith.constant 32 : index
        %swap3A_323 = tpu.vector_load %arg14[%swap3A_321, %swap3A_322] {strides = array<i32>} : memref<128x64xf32, #tpu.memory_space<vmem>>, vector<1x16xf32>,
        %swap3A_324 = vector.shape_cast %swap3A_323 : vector<1x16xf32> to vector<16xf32>
        %swap3A_325 = vector.shape_cast %max3A_320 : vector<16xf32> to vector<1x16xf32>
        tpu.vector_store %arg14[%swap3A_321, %swap3A_322], %swap3A_325 {strides = array<i32>} : memref<128x64xf32, #tpu.memory_space<vmem>>, vector<1x16xf32>,
        %get3A_326 = arith.index_cast %add3A_262 : i32 to index
        %get3A_327 = arith.constant 48 : index
        %get3A_328 = tpu.vector_load %arg10[%get3A_326, %get3A_327] {strides = array<i32>} : memref<128x64xf32, #tpu.memory_space<vmem>>, vector<1x16xf32>,
        %get3A_329 = vector.shape_cast %get3A_328 : vector<1x16xf32> to vector<16xf32>
        %get3A_330 = arith.index_cast %add3A_262 : i32 to index
        %get3A_331 = arith.constant 48 : index
        %get3A_332 = tpu.vector_load %arg12[%get3A_330, %get3A_331] {strides = array<i32>} : memref<128x64xf32, #tpu.memory_space<vmem>>, vector<1x16xf32>,
        %get3A_333 = vector.shape_cast %get3A_332 : vector<1x16xf32> to vector<16xf32>
        %add3A_334 = arith.addf %get3A_329, %get3A_333 : vector<16xf32>
        %get3A_335 = arith.index_cast %add3A_262 : i32 to index
        %get3A_336 = arith.constant 48 : index
        %get3A_337 = tpu.vector_load %arg14[%get3A_335, %get3A_336] {strides = array<i32>} : memref<128x64xf32, #tpu.memory_space<vmem>>, vector<1x16xf32>,
        %get3A_338 = vector.shape_cast %get3A_337 : vector<1x16xf32> to vector<16xf32>
        %add3A_339 = arith.addf %add3A_334, %get3A_338 : vector<16xf32>
        %max3A_340 = arith.constant 0.000000e+00 : f32
        %max3A_341 = vector.broadcast %max3A_340 : f32 to vector<16xf32>
        %max3A_342 = arith.maximumf %add3A_339, %max3A_341 : vector<16xf32>
        %swap3A_343 = arith.index_cast %add3A_262 : i32 to index
        %swap3A_344 = arith.constant 48 : index
        %swap3A_345 = tpu.vector_load %arg14[%swap3A_343, %swap3A_344] {strides = array<i32>} : memref<128x64xf32, #tpu.memory_space<vmem>>, vector<1x16xf32>,
        %swap3A_346 = vector.shape_cast %swap3A_345 : vector<1x16xf32> to vector<16xf32>
        %swap3A_347 = vector.shape_cast %max3A_342 : vector<16xf32> to vector<1x16xf32>
        tpu.vector_store %arg14[%swap3A_343, %swap3A_344], %swap3A_347 {strides = array<i32>} : memref<128x64xf32, #tpu.memory_space<vmem>>, vector<1x16xf32>,
        %mul3A_348 = arith.constant 4 : i32
        %mul3A_349 = arith.muli %scan3A_257, %mul3A_348 : i32
        %add3A_350 = arith.constant 1 : i32
        %add3A_351 = arith.addi %mul3A_349, %add3A_350 : i32
        %get3A_352 = arith.index_cast %add3A_351 : i32 to index
        %get3A_353 = arith.constant 0 : index
        %get3A_354 = tpu.vector_load %arg10[%get3A_352, %get3A_353] {strides = array<i32>} : memref<128x64xf32, #tpu.memory_space<vmem>>, vector<1x16xf32>,
        %get3A_355 = vector.shape_cast %get3A_354 : vector<1x16xf32> to vector<16xf32>
        %get3A_356 = arith.index_cast %add3A_351 : i32 to index
        %get3A_357 = arith.constant 0 : index
        %get3A_358 = tpu.vector_load %arg12[%get3A_356, %get3A_357] {strides = array<i32>} : memref<128x64xf32, #tpu.memory_space<vmem>>, vector<1x16xf32>,
        %get3A_359 = vector.shape_cast %get3A_358 : vector<1x16xf32> to vector<16xf32>
        %add3A_360 = arith.addf %get3A_355, %get3A_359 : vector<16xf32>
        %get3A_361 = arith.index_cast %add3A_351 : i32 to index
        %get3A_362 = arith.constant 0 : index
        %get3A_363 = tpu.vector_load %arg14[%get3A_361, %get3A_362] {strides = array<i32>} : memref<128x64xf32, #tpu.memory_space<vmem>>, vector<1x16xf32>,
        %get3A_364 = vector.shape_cast %get3A_363 : vector<1x16xf32> to vector<16xf32>
        %add3A_365 = arith.addf %add3A_360, %get3A_364 : vector<16xf32>
        %max3A_366 = arith.constant 0.000000e+00 : f32
        %max3A_367 = vector.broadcast %max3A_366 : f32 to vector<16xf32>
        %max3A_368 = arith.maximumf %add3A_365, %max3A_367 : vector<16xf32>
        %swap3A_369 = arith.index_cast %add3A_351 : i32 to index
        %swap3A_370 = arith.constant 0 : index
        %swap3A_371 = tpu.vector_load %arg14[%swap3A_369, %swap3A_370] {strides = array<i32>} : memref<128x64xf32, #tpu.memory_space<vmem>>, vector<1x16xf32>,
        %swap3A_372 = vector.shape_cast %swap3A_371 : vector<1x16xf32> to vector<16xf32>
        %swap3A_373 = vector.shape_cast %max3A_368 : vector<16xf32> to vector<1x16xf32>
        tpu.vector_store %arg14[%swap3A_369, %swap3A_370], %swap3A_373 {strides = array<i32>} : memref<128x64xf32, #tpu.memory_space<vmem>>, vector<1x16xf32>,
        %get3A_374 = arith.index_cast %add3A_351 : i32 to index
        %get3A_375 = arith.constant 16 : index
        %get3A_376 = tpu.vector_load %arg10[%get3A_374, %get3A_375] {strides = array<i32>} : memref<128x64xf32, #tpu.memory_space<vmem>>, vector<1x16xf32>,
        %get3A_377 = vector.shape_cast %get3A_376 : vector<1x16xf32> to vector<16xf32>
        %get3A_378 = arith.index_cast %add3A_351 : i32 to index
        %get3A_379 = arith.constant 16 : index
        %get3A_380 = tpu.vector_load %arg12[%get3A_378, %get3A_379] {strides = array<i32>} : memref<128x64xf32, #tpu.memory_space<vmem>>, vector<1x16xf32>,
        %get3A_381 = vector.shape_cast %get3A_380 : vector<1x16xf32> to vector<16xf32>
        %add3A_382 = arith.addf %get3A_377, %get3A_381 : vector<16xf32>
        %get3A_383 = arith.index_cast %add3A_351 : i32 to index
        %get3A_384 = arith.constant 16 : index
        %get3A_385 = tpu.vector_load %arg14[%get3A_383, %get3A_384] {strides = array<i32>} : memref<128x64xf32, #tpu.memory_space<vmem>>, vector<1x16xf32>,
        %get3A_386 = vector.shape_cast %get3A_385 : vector<1x16xf32> to vector<16xf32>
        %add3A_387 = arith.addf %add3A_382, %get3A_386 : vector<16xf32>
        %max3A_388 = arith.constant 0.000000e+00 : f32
        %max3A_389 = vector.broadcast %max3A_388 : f32 to vector<16xf32>
        %max3A_390 = arith.maximumf %add3A_387, %max3A_389 : vector<16xf32>
        %swap3A_391 = arith.index_cast %add3A_351 : i32 to index
        %swap3A_392 = arith.constant 16 : index
        %swap3A_393 = tpu.vector_load %arg14[%swap3A_391, %swap3A_392] {strides = array<i32>} : memref<128x64xf32, #tpu.memory_space<vmem>>, vector<1x16xf32>,
        %swap3A_394 = vector.shape_cast %swap3A_393 : vector<1x16xf32> to vector<16xf32>
        %swap3A_395 = vector.shape_cast %max3A_390 : vector<16xf32> to vector<1x16xf32>
        tpu.vector_store %arg14[%swap3A_391, %swap3A_392], %swap3A_395 {strides = array<i32>} : memref<128x64xf32, #tpu.memory_space<vmem>>, vector<1x16xf32>,
        %get3A_396 = arith.index_cast %add3A_351 : i32 to index
        %get3A_397 = arith.constant 32 : index
        %get3A_398 = tpu.vector_load %arg10[%get3A_396, %get3A_397] {strides = array<i32>} : memref<128x64xf32, #tpu.memory_space<vmem>>, vector<1x16xf32>,
        %get3A_399 = vector.shape_cast %get3A_398 : vector<1x16xf32> to vector<16xf32>
        %get3A_400 = arith.index_cast %add3A_351 : i32 to index
        %get3A_401 = arith.constant 32 : index
        %get3A_402 = tpu.vector_load %arg12[%get3A_400, %get3A_401] {strides = array<i32>} : memref<128x64xf32, #tpu.memory_space<vmem>>, vector<1x16xf32>,
        %get3A_403 = vector.shape_cast %get3A_402 : vector<1x16xf32> to vector<16xf32>
        %add3A_404 = arith.addf %get3A_399, %get3A_403 : vector<16xf32>
        %get3A_405 = arith.index_cast %add3A_351 : i32 to index
        %get3A_406 = arith.constant 32 : index
        %get3A_407 = tpu.vector_load %arg14[%get3A_405, %get3A_406] {strides = array<i32>} : memref<128x64xf32, #tpu.memory_space<vmem>>, vector<1x16xf32>,
        %get3A_408 = vector.shape_cast %get3A_407 : vector<1x16xf32> to vector<16xf32>
        %add3A_409 = arith.addf %add3A_404, %get3A_408 : vector<16xf32>
        %max3A_410 = arith.constant 0.000000e+00 : f32
        %max3A_411 = vector.broadcast %max3A_410 : f32 to vector<16xf32>
        %max3A_412 = arith.maximumf %add3A_409, %max3A_411 : vector<16xf32>
        %swap3A_413 = arith.index_cast %add3A_351 : i32 to index
        %swap3A_414 = arith.constant 32 : index
        %swap3A_415 = tpu.vector_load %arg14[%swap3A_413, %swap3A_414] {strides = array<i32>} : memref<128x64xf32, #tpu.memory_space<vmem>>, vector<1x16xf32>,
        %swap3A_416 = vector.shape_cast %swap3A_415 : vector<1x16xf32> to vector<16xf32>
        %swap3A_417 = vector.shape_cast %max3A_412 : vector<16xf32> to vector<1x16xf32>
        tpu.vector_store %arg14[%swap3A_413, %swap3A_414], %swap3A_417 {strides = array<i32>} : memref<128x64xf32, #tpu.memory_space<vmem>>, vector<1x16xf32>,
        %get3A_418 = arith.index_cast %add3A_351 : i32 to index
        %get3A_419 = arith.constant 48 : index
        %get3A_420 = tpu.vector_load %arg10[%get3A_418, %get3A_419] {strides = array<i32>} : memref<128x64xf32, #tpu.memory_space<vmem>>, vector<1x16xf32>,
        %get3A_421 = vector.shape_cast %get3A_420 : vector<1x16xf32> to vector<16xf32>
        %get3A_422 = arith.index_cast %add3A_351 : i32 to index
        %get3A_423 = arith.constant 48 : index
        %get3A_424 = tpu.vector_load %arg12[%get3A_422, %get3A_423] {strides = array<i32>} : memref<128x64xf32, #tpu.memory_space<vmem>>, vector<1x16xf32>,
        %get3A_425 = vector.shape_cast %get3A_424 : vector<1x16xf32> to vector<16xf32>
        %add3A_426 = arith.addf %get3A_421, %get3A_425 : vector<16xf32>
        %get3A_427 = arith.index_cast %add3A_351 : i32 to index
        %get3A_428 = arith.constant 48 : index
        %get3A_429 = tpu.vector_load %arg14[%get3A_427, %get3A_428] {strides = array<i32>} : memref<128x64xf32, #tpu.memory_space<vmem>>, vector<1x16xf32>,
        %get3A_430 = vector.shape_cast %get3A_429 : vector<1x16xf32> to vector<16xf32>
        %add3A_431 = arith.addf %add3A_426, %get3A_430 : vector<16xf32>
        %max3A_432 = arith.constant 0.000000e+00 : f32
        %max3A_433 = vector.broadcast %max3A_432 : f32 to vector<16xf32>
        %max3A_434 = arith.maximumf %add3A_431, %max3A_433 : vector<16xf32>
        %swap3A_435 = arith.index_cast %add3A_351 : i32 to index
        %swap3A_436 = arith.constant 48 : index
        %swap3A_437 = tpu.vector_load %arg14[%swap3A_435, %swap3A_436] {strides = array<i32>} : memref<128x64xf32, #tpu.memory_space<vmem>>, vector<1x16xf32>,
        %swap3A_438 = vector.shape_cast %swap3A_437 : vector<1x16xf32> to vector<16xf32>
        %swap3A_439 = vector.shape_cast %max3A_434 : vector<16xf32> to vector<1x16xf32>
        tpu.vector_store %arg14[%swap3A_435, %swap3A_436], %swap3A_439 {strides = array<i32>} : memref<128x64xf32, #tpu.memory_space<vmem>>, vector<1x16xf32>,
        %mul3A_440 = arith.constant 4 : i32
        %mul3A_441 = arith.muli %scan3A_257, %mul3A_440 : i32
        %add3A_442 = arith.constant 2 : i32
        %add3A_443 = arith.addi %mul3A_441, %add3A_442 : i32
        %get3A_444 = arith.index_cast %add3A_443 : i32 to index
        %get3A_445 = arith.constant 0 : index
        %get3A_446 = tpu.vector_load %arg10[%get3A_444, %get3A_445] {strides = array<i32>} : memref<128x64xf32, #tpu.memory_space<vmem>>, vector<1x16xf32>,
        %get3A_447 = vector.shape_cast %get3A_446 : vector<1x16xf32> to vector<16xf32>
        %get3A_448 = arith.index_cast %add3A_443 : i32 to index
        %get3A_449 = arith.constant 0 : index
        %get3A_450 = tpu.vector_load %arg12[%get3A_448, %get3A_449] {strides = array<i32>} : memref<128x64xf32, #tpu.memory_space<vmem>>, vector<1x16xf32>,
        %get3A_451 = vector.shape_cast %get3A_450 : vector<1x16xf32> to vector<16xf32>
        %add3A_452 = arith.addf %get3A_447, %get3A_451 : vector<16xf32>
        %get3A_453 = arith.index_cast %add3A_443 : i32 to index
        %get3A_454 = arith.constant 0 : index
        %get3A_455 = tpu.vector_load %arg14[%get3A_453, %get3A_454] {strides = array<i32>} : memref<128x64xf32, #tpu.memory_space<vmem>>, vector<1x16xf32>,
        %get3A_456 = vector.shape_cast %get3A_455 : vector<1x16xf32> to vector<16xf32>
        %add3A_457 = arith.addf %add3A_452, %get3A_456 : vector<16xf32>
        %max3A_458 = arith.constant 0.000000e+00 : f32
        %max3A_459 = vector.broadcast %max3A_458 : f32 to vector<16xf32>
        %max3A_460 = arith.maximumf %add3A_457, %max3A_459 : vector<16xf32>
        %swap3A_461 = arith.index_cast %add3A_443 : i32 to index
        %swap3A_462 = arith.constant 0 : index
        %swap3A_463 = tpu.vector_load %arg14[%swap3A_461, %swap3A_462] {strides = array<i32>} : memref<128x64xf32, #tpu.memory_space<vmem>>, vector<1x16xf32>,
        %swap3A_464 = vector.shape_cast %swap3A_463 : vector<1x16xf32> to vector<16xf32>
        %swap3A_465 = vector.shape_cast %max3A_460 : vector<16xf32> to vector<1x16xf32>
        tpu.vector_store %arg14[%swap3A_461, %swap3A_462], %swap3A_465 {strides = array<i32>} : memref<128x64xf32, #tpu.memory_space<vmem>>, vector<1x16xf32>,
        %get3A_466 = arith.index_cast %add3A_443 : i32 to index
        %get3A_467 = arith.constant 16 : index
        %get3A_468 = tpu.vector_load %arg10[%get3A_466, %get3A_467] {strides = array<i32>} : memref<128x64xf32, #tpu.memory_space<vmem>>, vector<1x16xf32>,
        %get3A_469 = vector.shape_cast %get3A_468 : vector<1x16xf32> to vector<16xf32>
        %get3A_470 = arith.index_cast %add3A_443 : i32 to index
        %get3A_471 = arith.constant 16 : index
        %get3A_472 = tpu.vector_load %arg12[%get3A_470, %get3A_471] {strides = array<i32>} : memref<128x64xf32, #tpu.memory_space<vmem>>, vector<1x16xf32>,
        %get3A_473 = vector.shape_cast %get3A_472 : vector<1x16xf32> to vector<16xf32>
        %add3A_474 = arith.addf %get3A_469, %get3A_473 : vector<16xf32>
        %get3A_475 = arith.index_cast %add3A_443 : i32 to index
        %get3A_476 = arith.constant 16 : index
        %get3A_477 = tpu.vector_load %arg14[%get3A_475, %get3A_476] {strides = array<i32>} : memref<128x64xf32, #tpu.memory_space<vmem>>, vector<1x16xf32>,
        %get3A_478 = vector.shape_cast %get3A_477 : vector<1x16xf32> to vector<16xf32>
        %add3A_479 = arith.addf %add3A_474, %get3A_478 : vector<16xf32>
        %max3A_480 = arith.constant 0.000000e+00 : f32
        %max3A_481 = vector.broadcast %max3A_480 : f32 to vector<16xf32>
        %max3A_482 = arith.maximumf %add3A_479, %max3A_481 : vector<16xf32>
        %swap3A_483 = arith.index_cast %add3A_443 : i32 to index
        %swap3A_484 = arith.constant 16 : index
        %swap3A_485 = tpu.vector_load %arg14[%swap3A_483, %swap3A_484] {strides = array<i32>} : memref<128x64xf32, #tpu.memory_space<vmem>>, vector<1x16xf32>,
        %swap3A_486 = vector.shape_cast %swap3A_485 : vector<1x16xf32> to vector<16xf32>
        %swap3A_487 = vector.shape_cast %max3A_482 : vector<16xf32> to vector<1x16xf32>
        tpu.vector_store %arg14[%swap3A_483, %swap3A_484], %swap3A_487 {strides = array<i32>} : memref<128x64xf32, #tpu.memory_space<vmem>>, vector<1x16xf32>,
        %get3A_488 = arith.index_cast %add3A_443 : i32 to index
        %get3A_489 = arith.constant 32 : index
        %get3A_490 = tpu.vector_load %arg10[%get3A_488, %get3A_489] {strides = array<i32>} : memref<128x64xf32, #tpu.memory_space<vmem>>, vector<1x16xf32>,
        %get3A_491 = vector.shape_cast %get3A_490 : vector<1x16xf32> to vector<16xf32>
        %get3A_492 = arith.index_cast %add3A_443 : i32 to index
        %get3A_493 = arith.constant 32 : index
        %get3A_494 = tpu.vector_load %arg12[%get3A_492, %get3A_493] {strides = array<i32>} : memref<128x64xf32, #tpu.memory_space<vmem>>, vector<1x16xf32>,
        %get3A_495 = vector.shape_cast %get3A_494 : vector<1x16xf32> to vector<16xf32>
        %add3A_496 = arith.addf %get3A_491, %get3A_495 : vector<16xf32>
        %get3A_497 = arith.index_cast %add3A_443 : i32 to index
        %get3A_498 = arith.constant 32 : index
        %get3A_499 = tpu.vector_load %arg14[%get3A_497, %get3A_498] {strides = array<i32>} : memref<128x64xf32, #tpu.memory_space<vmem>>, vector<1x16xf32>,
        %get3A_500 = vector.shape_cast %get3A_499 : vector<1x16xf32> to vector<16xf32>
        %add3A_501 = arith.addf %add3A_496, %get3A_500 : vector<16xf32>
        %max3A_502 = arith.constant 0.000000e+00 : f32
        %max3A_503 = vector.broadcast %max3A_502 : f32 to vector<16xf32>
        %max3A_504 = arith.maximumf %add3A_501, %max3A_503 : vector<16xf32>
        %swap3A_505 = arith.index_cast %add3A_443 : i32 to index
        %swap3A_506 = arith.constant 32 : index
        %swap3A_507 = tpu.vector_load %arg14[%swap3A_505, %swap3A_506] {strides = array<i32>} : memref<128x64xf32, #tpu.memory_space<vmem>>, vector<1x16xf32>,
        %swap3A_508 = vector.shape_cast %swap3A_507 : vector<1x16xf32> to vector<16xf32>
        %swap3A_509 = vector.shape_cast %max3A_504 : vector<16xf32> to vector<1x16xf32>
        tpu.vector_store %arg14[%swap3A_505, %swap3A_506], %swap3A_509 {strides = array<i32>} : memref<128x64xf32, #tpu.memory_space<vmem>>, vector<1x16xf32>,
        %get3A_510 = arith.index_cast %add3A_443 : i32 to index
        %get3A_511 = arith.constant 48 : index
        %get3A_512 = tpu.vector_load %arg10[%get3A_510, %get3A_511] {strides = array<i32>} : memref<128x64xf32, #tpu.memory_space<vmem>>, vector<1x16xf32>,
        %get3A_513 = vector.shape_cast %get3A_512 : vector<1x16xf32> to vector<16xf32>
        %get3A_514 = arith.index_cast %add3A_443 : i32 to index
        %get3A_515 = arith.constant 48 : index
        %get3A_516 = tpu.vector_load %arg12[%get3A_514, %get3A_515] {strides = array<i32>} : memref<128x64xf32, #tpu.memory_space<vmem>>, vector<1x16xf32>,
        %get3A_517 = vector.shape_cast %get3A_516 : vector<1x16xf32> to vector<16xf32>
        %add3A_518 = arith.addf %get3A_513, %get3A_517 : vector<16xf32>
        %get3A_519 = arith.index_cast %add3A_443 : i32 to index
        %get3A_520 = arith.constant 48 : index
        %get3A_521 = tpu.vector_load %arg14[%get3A_519, %get3A_520] {strides = array<i32>} : memref<128x64xf32, #tpu.memory_space<vmem>>, vector<1x16xf32>,
        %get3A_522 = vector.shape_cast %get3A_521 : vector<1x16xf32> to vector<16xf32>
        %add3A_523 = arith.addf %add3A_518, %get3A_522 : vector<16xf32>
        %max3A_524 = arith.constant 0.000000e+00 : f32
        %max3A_525 = vector.broadcast %max3A_524 : f32 to vector<16xf32>
        %max3A_526 = arith.maximumf %add3A_523, %max3A_525 : vector<16xf32>
        %swap3A_527 = arith.index_cast %add3A_443 : i32 to index
        %swap3A_528 = arith.constant 48 : index
        %swap3A_529 = tpu.vector_load %arg14[%swap3A_527, %swap3A_528] {strides = array<i32>} : memref<128x64xf32, #tpu.memory_space<vmem>>, vector<1x16xf32>,
        %swap3A_530 = vector.shape_cast %swap3A_529 : vector<1x16xf32> to vector<16xf32>
        %swap3A_531 = vector.shape_cast %max3A_526 : vector<16xf32> to vector<1x16xf32>
        tpu.vector_store %arg14[%swap3A_527, %swap3A_528], %swap3A_531 {strides = array<i32>} : memref<128x64xf32, #tpu.memory_space<vmem>>, vector<1x16xf32>,
        %mul3A_532 = arith.constant 4 : i32
        %mul3A_533 = arith.muli %scan3A_257, %mul3A_532 : i32
        %add3A_534 = arith.constant 3 : i32
        %add3A_535 = arith.addi %mul3A_533, %add3A_534 : i32
        %get3A_536 = arith.index_cast %add3A_535 : i32 to index
        %get3A_537 = arith.constant 0 : index
        %get3A_538 = tpu.vector_load %arg10[%get3A_536, %get3A_537] {strides = array<i32>} : memref<128x64xf32, #tpu.memory_space<vmem>>, vector<1x16xf32>,
        %get3A_539 = vector.shape_cast %get3A_538 : vector<1x16xf32> to vector<16xf32>
        %get3A_540 = arith.index_cast %add3A_535 : i32 to index
        %get3A_541 = arith.constant 0 : index
        %get3A_542 = tpu.vector_load %arg12[%get3A_540, %get3A_541] {strides = array<i32>} : memref<128x64xf32, #tpu.memory_space<vmem>>, vector<1x16xf32>,
        %get3A_543 = vector.shape_cast %get3A_542 : vector<1x16xf32> to vector<16xf32>
        %add3A_544 = arith.addf %get3A_539, %get3A_543 : vector<16xf32>
        %get3A_545 = arith.index_cast %add3A_535 : i32 to index
        %get3A_546 = arith.constant 0 : index
        %get3A_547 = tpu.vector_load %arg14[%get3A_545, %get3A_546] {strides = array<i32>} : memref<128x64xf32, #tpu.memory_space<vmem>>, vector<1x16xf32>,
        %get3A_548 = vector.shape_cast %get3A_547 : vector<1x16xf32> to vector<16xf32>
        %add3A_549 = arith.addf %add3A_544, %get3A_548 : vector<16xf32>
        %max3A_550 = arith.constant 0.000000e+00 : f32
        %max3A_551 = vector.broadcast %max3A_550 : f32 to vector<16xf32>
        %max3A_552 = arith.maximumf %add3A_549, %max3A_551 : vector<16xf32>
        %swap3A_553 = arith.index_cast %add3A_535 : i32 to index
        %swap3A_554 = arith.constant 0 : index
        %swap3A_555 = tpu.vector_load %arg14[%swap3A_553, %swap3A_554] {strides = array<i32>} : memref<128x64xf32, #tpu.memory_space<vmem>>, vector<1x16xf32>,
        %swap3A_556 = vector.shape_cast %swap3A_555 : vector<1x16xf32> to vector<16xf32>
        %swap3A_557 = vector.shape_cast %max3A_552 : vector<16xf32> to vector<1x16xf32>
        tpu.vector_store %arg14[%swap3A_553, %swap3A_554], %swap3A_557 {strides = array<i32>} : memref<128x64xf32, #tpu.memory_space<vmem>>, vector<1x16xf32>,
        %get3A_558 = arith.index_cast %add3A_535 : i32 to index
        %get3A_559 = arith.constant 16 : index
        %get3A_560 = tpu.vector_load %arg10[%get3A_558, %get3A_559] {strides = array<i32>} : memref<128x64xf32, #tpu.memory_space<vmem>>, vector<1x16xf32>,
        %get3A_561 = vector.shape_cast %get3A_560 : vector<1x16xf32> to vector<16xf32>
        %get3A_562 = arith.index_cast %add3A_535 : i32 to index
        %get3A_563 = arith.constant 16 : index
        %get3A_564 = tpu.vector_load %arg12[%get3A_562, %get3A_563] {strides = array<i32>} : memref<128x64xf32, #tpu.memory_space<vmem>>, vector<1x16xf32>,
        %get3A_565 = vector.shape_cast %get3A_564 : vector<1x16xf32> to vector<16xf32>
        %add3A_566 = arith.addf %get3A_561, %get3A_565 : vector<16xf32>
        %get3A_567 = arith.index_cast %add3A_535 : i32 to index
        %get3A_568 = arith.constant 16 : index
        %get3A_569 = tpu.vector_load %arg14[%get3A_567, %get3A_568] {strides = array<i32>} : memref<128x64xf32, #tpu.memory_space<vmem>>, vector<1x16xf32>,
        %get3A_570 = vector.shape_cast %get3A_569 : vector<1x16xf32> to vector<16xf32>
        %add3A_571 = arith.addf %add3A_566, %get3A_570 : vector<16xf32>
        %max3A_572 = arith.constant 0.000000e+00 : f32
        %max3A_573 = vector.broadcast %max3A_572 : f32 to vector<16xf32>
        %max3A_574 = arith.maximumf %add3A_571, %max3A_573 : vector<16xf32>
        %swap3A_575 = arith.index_cast %add3A_535 : i32 to index
        %swap3A_576 = arith.constant 16 : index
        %swap3A_577 = tpu.vector_load %arg14[%swap3A_575, %swap3A_576] {strides = array<i32>} : memref<128x64xf32, #tpu.memory_space<vmem>>, vector<1x16xf32>,
        %swap3A_578 = vector.shape_cast %swap3A_577 : vector<1x16xf32> to vector<16xf32>
        %swap3A_579 = vector.shape_cast %max3A_574 : vector<16xf32> to vector<1x16xf32>
        tpu.vector_store %arg14[%swap3A_575, %swap3A_576], %swap3A_579 {strides = array<i32>} : memref<128x64xf32, #tpu.memory_space<vmem>>, vector<1x16xf32>,
        %get3A_580 = arith.index_cast %add3A_535 : i32 to index
        %get3A_581 = arith.constant 32 : index
        %get3A_582 = tpu.vector_load %arg10[%get3A_580, %get3A_581] {strides = array<i32>} : memref<128x64xf32, #tpu.memory_space<vmem>>, vector<1x16xf32>,
        %get3A_583 = vector.shape_cast %get3A_582 : vector<1x16xf32> to vector<16xf32>
        %get3A_584 = arith.index_cast %add3A_535 : i32 to index
        %get3A_585 = arith.constant 32 : index
        %get3A_586 = tpu.vector_load %arg12[%get3A_584, %get3A_585] {strides = array<i32>} : memref<128x64xf32, #tpu.memory_space<vmem>>, vector<1x16xf32>,
        %get3A_587 = vector.shape_cast %get3A_586 : vector<1x16xf32> to vector<16xf32>
        %add3A_588 = arith.addf %get3A_583, %get3A_587 : vector<16xf32>
        %get3A_589 = arith.index_cast %add3A_535 : i32 to index
        %get3A_590 = arith.constant 32 : index
        %get3A_591 = tpu.vector_load %arg14[%get3A_589, %get3A_590] {strides = array<i32>} : memref<128x64xf32, #tpu.memory_space<vmem>>, vector<1x16xf32>,
        %get3A_592 = vector.shape_cast %get3A_591 : vector<1x16xf32> to vector<16xf32>
        %add3A_593 = arith.addf %add3A_588, %get3A_592 : vector<16xf32>
        %max3A_594 = arith.constant 0.000000e+00 : f32
        %max3A_595 = vector.broadcast %max3A_594 : f32 to vector<16xf32>
        %max3A_596 = arith.maximumf %add3A_593, %max3A_595 : vector<16xf32>
        %swap3A_597 = arith.index_cast %add3A_535 : i32 to index
        %swap3A_598 = arith.constant 32 : index
        %swap3A_599 = tpu.vector_load %arg14[%swap3A_597, %swap3A_598] {strides = array<i32>} : memref<128x64xf32, #tpu.memory_space<vmem>>, vector<1x16xf32>,
        %swap3A_600 = vector.shape_cast %swap3A_599 : vector<1x16xf32> to vector<16xf32>
        %swap3A_601 = vector.shape_cast %max3A_596 : vector<16xf32> to vector<1x16xf32>
        tpu.vector_store %arg14[%swap3A_597, %swap3A_598], %swap3A_601 {strides = array<i32>} : memref<128x64xf32, #tpu.memory_space<vmem>>, vector<1x16xf32>,
        %get3A_602 = arith.index_cast %add3A_535 : i32 to index
        %get3A_603 = arith.constant 48 : index
        %get3A_604 = tpu.vector_load %arg10[%get3A_602, %get3A_603] {strides = array<i32>} : memref<128x64xf32, #tpu.memory_space<vmem>>, vector<1x16xf32>,
        %get3A_605 = vector.shape_cast %get3A_604 : vector<1x16xf32> to vector<16xf32>
        %get3A_606 = arith.index_cast %add3A_535 : i32 to index
        %get3A_607 = arith.constant 48 : index
        %get3A_608 = tpu.vector_load %arg12[%get3A_606, %get3A_607] {strides = array<i32>} : memref<128x64xf32, #tpu.memory_space<vmem>>, vector<1x16xf32>,
        %get3A_609 = vector.shape_cast %get3A_608 : vector<1x16xf32> to vector<16xf32>
        %add3A_610 = arith.addf %get3A_605, %get3A_609 : vector<16xf32>
        %get3A_611 = arith.index_cast %add3A_535 : i32 to index
        %get3A_612 = arith.constant 48 : index
        %get3A_613 = tpu.vector_load %arg14[%get3A_611, %get3A_612] {strides = array<i32>} : memref<128x64xf32, #tpu.memory_space<vmem>>, vector<1x16xf32>,
        %get3A_614 = vector.shape_cast %get3A_613 : vector<1x16xf32> to vector<16xf32>
        %add3A_615 = arith.addf %add3A_610, %get3A_614 : vector<16xf32>
        %max3A_616 = arith.constant 0.000000e+00 : f32
        %max3A_617 = vector.broadcast %max3A_616 : f32 to vector<16xf32>
        %max3A_618 = arith.maximumf %add3A_615, %max3A_617 : vector<16xf32>
        %swap3A_619 = arith.index_cast %add3A_535 : i32 to index
        %swap3A_620 = arith.constant 48 : index
        %swap3A_621 = tpu.vector_load %arg14[%swap3A_619, %swap3A_620] {strides = array<i32>} : memref<128x64xf32, #tpu.memory_space<vmem>>, vector<1x16xf32>,
        %swap3A_622 = vector.shape_cast %swap3A_621 : vector<1x16xf32> to vector<16xf32>
        %swap3A_623 = vector.shape_cast %max3A_618 : vector<16xf32> to vector<1x16xf32>
        tpu.vector_store %arg14[%swap3A_619, %swap3A_620], %swap3A_623 {strides = array<i32>} : memref<128x64xf32, #tpu.memory_space<vmem>>, vector<1x16xf32>,
        %scan3A_624 = arith.constant 0 : i32
        scf.yield %scan3A_624 : i32
      }
      %scan3A_177 = arith.constant 32 : i32
      %dma_start3A_178 = arith.constant 0 : i32
      %dma_start3A_179 = tpu.memref_slice %arg9[%mul3A_116, %dma_start3A_178] : memref<79x128xi32, #tpu.memory_space<vmem>> -> memref<1x128xi32, #tpu.memory_space<vmem>>
      %dma_start3A_180 = tpu.memref_squeeze %dma_start3A_179 : memref<1x128xi32, #tpu.memory_space<vmem>> -> memref<128xi32, #tpu.memory_space<vmem>>
      %dma_start3A_181 = arith.constant 0 : i32
      %dma_start3A_182 = arith.constant 0 : i32
      %dma_start3A_183 = tpu.memref_slice %arg16[%dma_start3A_181, %dma_start3A_182] : memref<10240x64xf32, #tpu.memory_space<vmem_shared>> -> memref<10240x64xf32, #tpu.memory_space<vmem_shared>>
      tpu.enqueue_indirect_dma source(%arg14 : memref<128x64xf32, #tpu.memory_space<vmem>>) target(%dma_start3A_183 : memref<10240x64xf32, #tpu.memory_space<vmem_shared>>) offsets(%dma_start3A_180 : memref<128xi32, #tpu.memory_space<vmem>>) semaphore(%arg19 : memref<!tpu.dma_semaphore, #tpu.memory_space<semaphore_mem>>) {add = true}
      %add3A_184 = arith.constant 2 : i32
      %add3A_185 = arith.addi %mul3A_116, %add3A_184 : i32
      %ge3A_186 = arith.constant 2 : i32
      %ge3A_187 = arith.cmpi sge, %add3A_185, %ge3A_186 : i32
      %convert_element_type3A_188 = arith.extui %ge3A_187 : i1 to i32
      %cond3A_189 = arith.constant 0 : i32
      %cond3A_190 = arith.cmpi ne, %convert_element_type3A_188, %cond3A_189 : i32
      scf.if %cond3A_190 {
        %dma_wait3A_257 = arith.constant 0 : i32
        %dma_wait3A_258 = arith.constant 0 : i32
        %dma_wait3A_259 = tpu.memref_slice %arg2[%dma_wait3A_257, %dma_wait3A_258] : memref<10240x64xf32, #tpu.memory_space<hbm>> -> memref<128x64xf32, #tpu.memory_space<hbm>>
        %dma_wait3A_260 = arith.constant 0 : i32
        %dma_wait3A_261 = arith.constant 0 : i32
        %dma_wait3A_262 = tpu.memref_slice %arg2[%dma_wait3A_260, %dma_wait3A_261] : memref<10240x64xf32, #tpu.memory_space<hbm>> -> memref<128x64xf32, #tpu.memory_space<hbm>>
        tpu.wait_dma2 semaphore(%arg19 : memref<!tpu.dma_semaphore, #tpu.memory_space<semaphore_mem>>) src(%dma_wait3A_262 : memref<128x64xf32, #tpu.memory_space<hbm>>) dst(%arg14 : memref<128x64xf32, #tpu.memory_space<vmem>>)
      } else {
      }
      %mul3A_191 = arith.constant 32 : i32
      %mul3A_192 = arith.muli %add3A_185, %mul3A_191 : i32
      %add3A_193 = arith.addi %mul3A_192, %add3A : i32
      %mul3A_194 = arith.constant 128 : i32
      %mul3A_195 = arith.muli %add3A_193, %mul3A_194 : i32
      %shift_right_logical3A_196 = arith.constant 12 : i32
      %shift_right_logical3A_197 = arith.shrui %mul3A_195, %shift_right_logical3A_196 : i32
      %mul3A_198 = arith.constant 2048 : i32
      %mul3A_199 = arith.muli %shift_right_logical3A_197, %mul3A_198 : i32
      %and3A_200 = arith.constant 2047 : i32
      %and3A_201 = arith.andi %mul3A_195, %and3A_200 : i32
      %add3A_202 = arith.addi %mul3A_199, %and3A_201 : i32
      %shift_right_logical3A_203 = arith.constant 11 : i32
      %shift_right_logical3A_204 = arith.shrui %mul3A_195, %shift_right_logical3A_203 : i32
      %and3A_205 = arith.constant 1 : i32
      %and3A_206 = arith.andi %shift_right_logical3A_204, %and3A_205 : i32
      %mul3A_207 = arith.constant 64 : i32
      %mul3A_208 = arith.muli %and3A_206, %mul3A_207 : i32
      %dma_start3A_209 = arith.constant 0 : i32
      %dma_start3A_210 = tpu.memref_slice %arg8[%add3A_185, %dma_start3A_209] : memref<79x128xi32, #tpu.memory_space<vmem>> -> memref<1x128xi32, #tpu.memory_space<vmem>>
      %dma_start3A_211 = tpu.memref_squeeze %dma_start3A_210 : memref<1x128xi32, #tpu.memory_space<vmem>> -> memref<128xi32, #tpu.memory_space<vmem>>
      %dma_start3A_212 = arith.constant 0 : i32
      %dma_start3A_213 = arith.constant 0 : i32
      %dma_start3A_214 = tpu.memref_slice %arg2[%dma_start3A_212, %dma_start3A_213] : memref<10240x64xf32, #tpu.memory_space<hbm>> -> memref<10240x64xf32, #tpu.memory_space<hbm>>
      tpu.enqueue_indirect_dma source(%dma_start3A_214 : memref<10240x64xf32, #tpu.memory_space<hbm>>) target(%arg10 : memref<128x64xf32, #tpu.memory_space<vmem>>) offsets(%dma_start3A_211 : memref<128xi32, #tpu.memory_space<vmem>>) semaphore(%arg17 : memref<!tpu.dma_semaphore, #tpu.memory_space<semaphore_mem>>)
      %dma_start3A_215 = arith.constant 0 : i32
      %dma_start3A_216 = tpu.memref_slice %arg9[%add3A_185, %dma_start3A_215] : memref<79x128xi32, #tpu.memory_space<vmem>> -> memref<1x128xi32, #tpu.memory_space<vmem>>
      %dma_start3A_217 = tpu.memref_squeeze %dma_start3A_216 : memref<1x128xi32, #tpu.memory_space<vmem>> -> memref<128xi32, #tpu.memory_space<vmem>>
      %dma_start3A_218 = arith.constant 0 : i32
      %dma_start3A_219 = arith.constant 0 : i32
      %dma_start3A_220 = tpu.memref_slice %arg3[%dma_start3A_218, %dma_start3A_219] : memref<10240x64xf32, #tpu.memory_space<hbm>> -> memref<10240x64xf32, #tpu.memory_space<hbm>>
      tpu.enqueue_indirect_dma source(%dma_start3A_220 : memref<10240x64xf32, #tpu.memory_space<hbm>>) target(%arg12 : memref<128x64xf32, #tpu.memory_space<vmem>>) offsets(%dma_start3A_217 : memref<128xi32, #tpu.memory_space<vmem>>) semaphore(%arg17 : memref<!tpu.dma_semaphore, #tpu.memory_space<semaphore_mem>>)
      %dma_start3A_221 = tpu.memref_slice %arg4[%add3A_202, %mul3A_208] : memref<161792x128xf32, #tpu.memory_space<hbm>> -> memref<128x64xf32, #tpu.memory_space<hbm>>
      %dma_start3A_222 = tpu.memref_slice %arg4[%add3A_202, %mul3A_208] : memref<161792x128xf32, #tpu.memory_space<hbm>> -> memref<128x64xf32, #tpu.memory_space<hbm>>
      tpu.enqueue_dma source(%dma_start3A_222 : memref<128x64xf32, #tpu.memory_space<hbm>>) target(%arg14 : memref<128x64xf32, #tpu.memory_space<vmem>>) target_semaphore(%arg17 : memref<!tpu.dma_semaphore, #tpu.memory_space<semaphore_mem>>)
      %add3A_223 = arith.constant 1 : i32
      %add3A_224 = arith.addi %mul3A_116, %add3A_223 : i32
      %dma_wait3A_225 = arith.constant 0 : i32
      %dma_wait3A_226 = arith.constant 0 : i32
      %dma_wait3A_227 = tpu.memref_slice %arg2[%dma_wait3A_225, %dma_wait3A_226] : memref<10240x64xf32, #tpu.memory_space<hbm>> -> memref<128x64xf32, #tpu.memory_space<hbm>>
      %dma_wait3A_228 = arith.constant 0 : i32
      %dma_wait3A_229 = arith.constant 0 : i32
      %dma_wait3A_230 = tpu.memref_slice %arg2[%dma_wait3A_228, %dma_wait3A_229] : memref<10240x64xf32, #tpu.memory_space<hbm>> -> memref<128x64xf32, #tpu.memory_space<hbm>>
      tpu.wait_dma2 semaphore(%arg18 : memref<!tpu.dma_semaphore, #tpu.memory_space<semaphore_mem>>) src(%dma_wait3A_230 : memref<128x64xf32, #tpu.memory_space<hbm>>) dst(%arg11 : memref<128x64xf32, #tpu.memory_space<vmem>>)
      %dma_wait3A_231 = arith.constant 0 : i32
      %dma_wait3A_232 = arith.constant 0 : i32
      %dma_wait3A_233 = tpu.memref_slice %arg2[%dma_wait3A_231, %dma_wait3A_232] : memref<10240x64xf32, #tpu.memory_space<hbm>> -> memref<128x64xf32, #tpu.memory_space<hbm>>
      %dma_wait3A_234 = arith.constant 0 : i32
      %dma_wait3A_235 = arith.constant 0 : i32
      %dma_wait3A_236 = tpu.memref_slice %arg2[%dma_wait3A_234, %dma_wait3A_235] : memref<10240x64xf32, #tpu.memory_space<hbm>> -> memref<128x64xf32, #tpu.memory_space<hbm>>
      tpu.wait_dma2 semaphore(%arg18 : memref<!tpu.dma_semaphore, #tpu.memory_space<semaphore_mem>>) src(%dma_wait3A_236 : memref<128x64xf32, #tpu.memory_space<hbm>>) dst(%arg13 : memref<128x64xf32, #tpu.memory_space<vmem>>)
      %dma_wait3A_237 = arith.constant 0 : i32
      %dma_wait3A_238 = arith.constant 0 : i32
      %dma_wait3A_239 = tpu.memref_slice %arg2[%dma_wait3A_237, %dma_wait3A_238] : memref<10240x64xf32, #tpu.memory_space<hbm>> -> memref<128x64xf32, #tpu.memory_space<hbm>>
      %dma_wait3A_240 = arith.constant 0 : i32
      %dma_wait3A_241 = arith.constant 0 : i32
      %dma_wait3A_242 = tpu.memref_slice %arg2[%dma_wait3A_240, %dma_wait3A_241] : memref<10240x64xf32, #tpu.memory_space<hbm>> -> memref<128x64xf32, #tpu.memory_space<hbm>>
      tpu.wait_dma2 semaphore(%arg18 : memref<!tpu.dma_semaphore, #tpu.memory_space<semaphore_mem>>) src(%dma_wait3A_242 : memref<128x64xf32, #tpu.memory_space<hbm>>) dst(%arg15 : memref<128x64xf32, #tpu.memory_space<vmem>>)
      %scan3A_243 = arith.constant 0 : i32
      %scan3A_244 = arith.constant 0 : i32
      %scan3A_245 = arith.constant 32 : i32
      %scan3A_246 = arith.addi %scan3A_244, %scan3A_245 : i32
      %scan3A_247 = arith.constant 1 : i32
      %scan3A_248 = scf.for %scan3A_257 = %scan3A_244 to %scan3A_246 step %scan3A_247 iter_args(%scan3A_258 = %scan3A_243) -> (i32)  : i32 {
        %mul3A_259 = arith.constant 4 : i32
        %mul3A_260 = arith.muli %scan3A_257, %mul3A_259 : i32
        %add3A_261 = arith.constant 0 : i32
        %add3A_262 = arith.addi %mul3A_260, %add3A_261 : i32
        %get3A = arith.index_cast %add3A_262 : i32 to index
        %get3A_263 = arith.constant 0 : index
        %get3A_264 = tpu.vector_load %arg11[%get3A, %get3A_263] {strides = array<i32>} : memref<128x64xf32, #tpu.memory_space<vmem>>, vector<1x16xf32>,
        %get3A_265 = vector.shape_cast %get3A_264 : vector<1x16xf32> to vector<16xf32>
        %get3A_266 = arith.index_cast %add3A_262 : i32 to index
        %get3A_267 = arith.constant 0 : index
        %get3A_268 = tpu.vector_load %arg13[%get3A_266, %get3A_267] {strides = array<i32>} : memref<128x64xf32, #tpu.memory_space<vmem>>, vector<1x16xf32>,
        %get3A_269 = vector.shape_cast %get3A_268 : vector<1x16xf32> to vector<16xf32>
        %add3A_270 = arith.addf %get3A_265, %get3A_269 : vector<16xf32>
        %get3A_271 = arith.index_cast %add3A_262 : i32 to index
        %get3A_272 = arith.constant 0 : index
        %get3A_273 = tpu.vector_load %arg15[%get3A_271, %get3A_272] {strides = array<i32>} : memref<128x64xf32, #tpu.memory_space<vmem>>, vector<1x16xf32>,
        %get3A_274 = vector.shape_cast %get3A_273 : vector<1x16xf32> to vector<16xf32>
        %add3A_275 = arith.addf %add3A_270, %get3A_274 : vector<16xf32>
        %max3A = arith.constant 0.000000e+00 : f32
        %max3A_276 = vector.broadcast %max3A : f32 to vector<16xf32>
        %max3A_277 = arith.maximumf %add3A_275, %max3A_276 : vector<16xf32>
        %swap3A = arith.index_cast %add3A_262 : i32 to index
        %swap3A_278 = arith.constant 0 : index
        %swap3A_279 = tpu.vector_load %arg15[%swap3A, %swap3A_278] {strides = array<i32>} : memref<128x64xf32, #tpu.memory_space<vmem>>, vector<1x16xf32>,
        %swap3A_280 = vector.shape_cast %swap3A_279 : vector<1x16xf32> to vector<16xf32>
        %swap3A_281 = vector.shape_cast %max3A_277 : vector<16xf32> to vector<1x16xf32>
        tpu.vector_store %arg15[%swap3A, %swap3A_278], %swap3A_281 {strides = array<i32>} : memref<128x64xf32, #tpu.memory_space<vmem>>, vector<1x16xf32>,
        %get3A_282 = arith.index_cast %add3A_262 : i32 to index
        %get3A_283 = arith.constant 16 : index
        %get3A_284 = tpu.vector_load %arg11[%get3A_282, %get3A_283] {strides = array<i32>} : memref<128x64xf32, #tpu.memory_space<vmem>>, vector<1x16xf32>,
        %get3A_285 = vector.shape_cast %get3A_284 : vector<1x16xf32> to vector<16xf32>
        %get3A_286 = arith.index_cast %add3A_262 : i32 to index
        %get3A_287 = arith.constant 16 : index
        %get3A_288 = tpu.vector_load %arg13[%get3A_286, %get3A_287] {strides = array<i32>} : memref<128x64xf32, #tpu.memory_space<vmem>>, vector<1x16xf32>,
        %get3A_289 = vector.shape_cast %get3A_288 : vector<1x16xf32> to vector<16xf32>
        %add3A_290 = arith.addf %get3A_285, %get3A_289 : vector<16xf32>
        %get3A_291 = arith.index_cast %add3A_262 : i32 to index
        %get3A_292 = arith.constant 16 : index
        %get3A_293 = tpu.vector_load %arg15[%get3A_291, %get3A_292] {strides = array<i32>} : memref<128x64xf32, #tpu.memory_space<vmem>>, vector<1x16xf32>,
        %get3A_294 = vector.shape_cast %get3A_293 : vector<1x16xf32> to vector<16xf32>
        %add3A_295 = arith.addf %add3A_290, %get3A_294 : vector<16xf32>
        %max3A_296 = arith.constant 0.000000e+00 : f32
        %max3A_297 = vector.broadcast %max3A_296 : f32 to vector<16xf32>
        %max3A_298 = arith.maximumf %add3A_295, %max3A_297 : vector<16xf32>
        %swap3A_299 = arith.index_cast %add3A_262 : i32 to index
        %swap3A_300 = arith.constant 16 : index
        %swap3A_301 = tpu.vector_load %arg15[%swap3A_299, %swap3A_300] {strides = array<i32>} : memref<128x64xf32, #tpu.memory_space<vmem>>, vector<1x16xf32>,
        %swap3A_302 = vector.shape_cast %swap3A_301 : vector<1x16xf32> to vector<16xf32>
        %swap3A_303 = vector.shape_cast %max3A_298 : vector<16xf32> to vector<1x16xf32>
        tpu.vector_store %arg15[%swap3A_299, %swap3A_300], %swap3A_303 {strides = array<i32>} : memref<128x64xf32, #tpu.memory_space<vmem>>, vector<1x16xf32>,
        %get3A_304 = arith.index_cast %add3A_262 : i32 to index
        %get3A_305 = arith.constant 32 : index
        %get3A_306 = tpu.vector_load %arg11[%get3A_304, %get3A_305] {strides = array<i32>} : memref<128x64xf32, #tpu.memory_space<vmem>>, vector<1x16xf32>,
        %get3A_307 = vector.shape_cast %get3A_306 : vector<1x16xf32> to vector<16xf32>
        %get3A_308 = arith.index_cast %add3A_262 : i32 to index
        %get3A_309 = arith.constant 32 : index
        %get3A_310 = tpu.vector_load %arg13[%get3A_308, %get3A_309] {strides = array<i32>} : memref<128x64xf32, #tpu.memory_space<vmem>>, vector<1x16xf32>,
        %get3A_311 = vector.shape_cast %get3A_310 : vector<1x16xf32> to vector<16xf32>
        %add3A_312 = arith.addf %get3A_307, %get3A_311 : vector<16xf32>
        %get3A_313 = arith.index_cast %add3A_262 : i32 to index
        %get3A_314 = arith.constant 32 : index
        %get3A_315 = tpu.vector_load %arg15[%get3A_313, %get3A_314] {strides = array<i32>} : memref<128x64xf32, #tpu.memory_space<vmem>>, vector<1x16xf32>,
        %get3A_316 = vector.shape_cast %get3A_315 : vector<1x16xf32> to vector<16xf32>
        %add3A_317 = arith.addf %add3A_312, %get3A_316 : vector<16xf32>
        %max3A_318 = arith.constant 0.000000e+00 : f32
        %max3A_319 = vector.broadcast %max3A_318 : f32 to vector<16xf32>
        %max3A_320 = arith.maximumf %add3A_317, %max3A_319 : vector<16xf32>
        %swap3A_321 = arith.index_cast %add3A_262 : i32 to index
        %swap3A_322 = arith.constant 32 : index
        %swap3A_323 = tpu.vector_load %arg15[%swap3A_321, %swap3A_322] {strides = array<i32>} : memref<128x64xf32, #tpu.memory_space<vmem>>, vector<1x16xf32>,
        %swap3A_324 = vector.shape_cast %swap3A_323 : vector<1x16xf32> to vector<16xf32>
        %swap3A_325 = vector.shape_cast %max3A_320 : vector<16xf32> to vector<1x16xf32>
        tpu.vector_store %arg15[%swap3A_321, %swap3A_322], %swap3A_325 {strides = array<i32>} : memref<128x64xf32, #tpu.memory_space<vmem>>, vector<1x16xf32>,
        %get3A_326 = arith.index_cast %add3A_262 : i32 to index
        %get3A_327 = arith.constant 48 : index
        %get3A_328 = tpu.vector_load %arg11[%get3A_326, %get3A_327] {strides = array<i32>} : memref<128x64xf32, #tpu.memory_space<vmem>>, vector<1x16xf32>,
        %get3A_329 = vector.shape_cast %get3A_328 : vector<1x16xf32> to vector<16xf32>
        %get3A_330 = arith.index_cast %add3A_262 : i32 to index
        %get3A_331 = arith.constant 48 : index
        %get3A_332 = tpu.vector_load %arg13[%get3A_330, %get3A_331] {strides = array<i32>} : memref<128x64xf32, #tpu.memory_space<vmem>>, vector<1x16xf32>,
        %get3A_333 = vector.shape_cast %get3A_332 : vector<1x16xf32> to vector<16xf32>
        %add3A_334 = arith.addf %get3A_329, %get3A_333 : vector<16xf32>
        %get3A_335 = arith.index_cast %add3A_262 : i32 to index
        %get3A_336 = arith.constant 48 : index
        %get3A_337 = tpu.vector_load %arg15[%get3A_335, %get3A_336] {strides = array<i32>} : memref<128x64xf32, #tpu.memory_space<vmem>>, vector<1x16xf32>,
        %get3A_338 = vector.shape_cast %get3A_337 : vector<1x16xf32> to vector<16xf32>
        %add3A_339 = arith.addf %add3A_334, %get3A_338 : vector<16xf32>
        %max3A_340 = arith.constant 0.000000e+00 : f32
        %max3A_341 = vector.broadcast %max3A_340 : f32 to vector<16xf32>
        %max3A_342 = arith.maximumf %add3A_339, %max3A_341 : vector<16xf32>
        %swap3A_343 = arith.index_cast %add3A_262 : i32 to index
        %swap3A_344 = arith.constant 48 : index
        %swap3A_345 = tpu.vector_load %arg15[%swap3A_343, %swap3A_344] {strides = array<i32>} : memref<128x64xf32, #tpu.memory_space<vmem>>, vector<1x16xf32>,
        %swap3A_346 = vector.shape_cast %swap3A_345 : vector<1x16xf32> to vector<16xf32>
        %swap3A_347 = vector.shape_cast %max3A_342 : vector<16xf32> to vector<1x16xf32>
        tpu.vector_store %arg15[%swap3A_343, %swap3A_344], %swap3A_347 {strides = array<i32>} : memref<128x64xf32, #tpu.memory_space<vmem>>, vector<1x16xf32>,
        %mul3A_348 = arith.constant 4 : i32
        %mul3A_349 = arith.muli %scan3A_257, %mul3A_348 : i32
        %add3A_350 = arith.constant 1 : i32
        %add3A_351 = arith.addi %mul3A_349, %add3A_350 : i32
        %get3A_352 = arith.index_cast %add3A_351 : i32 to index
        %get3A_353 = arith.constant 0 : index
        %get3A_354 = tpu.vector_load %arg11[%get3A_352, %get3A_353] {strides = array<i32>} : memref<128x64xf32, #tpu.memory_space<vmem>>, vector<1x16xf32>,
        %get3A_355 = vector.shape_cast %get3A_354 : vector<1x16xf32> to vector<16xf32>
        %get3A_356 = arith.index_cast %add3A_351 : i32 to index
        %get3A_357 = arith.constant 0 : index
        %get3A_358 = tpu.vector_load %arg13[%get3A_356, %get3A_357] {strides = array<i32>} : memref<128x64xf32, #tpu.memory_space<vmem>>, vector<1x16xf32>,
        %get3A_359 = vector.shape_cast %get3A_358 : vector<1x16xf32> to vector<16xf32>
        %add3A_360 = arith.addf %get3A_355, %get3A_359 : vector<16xf32>
        %get3A_361 = arith.index_cast %add3A_351 : i32 to index
        %get3A_362 = arith.constant 0 : index
        %get3A_363 = tpu.vector_load %arg15[%get3A_361, %get3A_362] {strides = array<i32>} : memref<128x64xf32, #tpu.memory_space<vmem>>, vector<1x16xf32>,
        %get3A_364 = vector.shape_cast %get3A_363 : vector<1x16xf32> to vector<16xf32>
        %add3A_365 = arith.addf %add3A_360, %get3A_364 : vector<16xf32>
        %max3A_366 = arith.constant 0.000000e+00 : f32
        %max3A_367 = vector.broadcast %max3A_366 : f32 to vector<16xf32>
        %max3A_368 = arith.maximumf %add3A_365, %max3A_367 : vector<16xf32>
        %swap3A_369 = arith.index_cast %add3A_351 : i32 to index
        %swap3A_370 = arith.constant 0 : index
        %swap3A_371 = tpu.vector_load %arg15[%swap3A_369, %swap3A_370] {strides = array<i32>} : memref<128x64xf32, #tpu.memory_space<vmem>>, vector<1x16xf32>,
        %swap3A_372 = vector.shape_cast %swap3A_371 : vector<1x16xf32> to vector<16xf32>
        %swap3A_373 = vector.shape_cast %max3A_368 : vector<16xf32> to vector<1x16xf32>
        tpu.vector_store %arg15[%swap3A_369, %swap3A_370], %swap3A_373 {strides = array<i32>} : memref<128x64xf32, #tpu.memory_space<vmem>>, vector<1x16xf32>,
        %get3A_374 = arith.index_cast %add3A_351 : i32 to index
        %get3A_375 = arith.constant 16 : index
        %get3A_376 = tpu.vector_load %arg11[%get3A_374, %get3A_375] {strides = array<i32>} : memref<128x64xf32, #tpu.memory_space<vmem>>, vector<1x16xf32>,
        %get3A_377 = vector.shape_cast %get3A_376 : vector<1x16xf32> to vector<16xf32>
        %get3A_378 = arith.index_cast %add3A_351 : i32 to index
        %get3A_379 = arith.constant 16 : index
        %get3A_380 = tpu.vector_load %arg13[%get3A_378, %get3A_379] {strides = array<i32>} : memref<128x64xf32, #tpu.memory_space<vmem>>, vector<1x16xf32>,
        %get3A_381 = vector.shape_cast %get3A_380 : vector<1x16xf32> to vector<16xf32>
        %add3A_382 = arith.addf %get3A_377, %get3A_381 : vector<16xf32>
        %get3A_383 = arith.index_cast %add3A_351 : i32 to index
        %get3A_384 = arith.constant 16 : index
        %get3A_385 = tpu.vector_load %arg15[%get3A_383, %get3A_384] {strides = array<i32>} : memref<128x64xf32, #tpu.memory_space<vmem>>, vector<1x16xf32>,
        %get3A_386 = vector.shape_cast %get3A_385 : vector<1x16xf32> to vector<16xf32>
        %add3A_387 = arith.addf %add3A_382, %get3A_386 : vector<16xf32>
        %max3A_388 = arith.constant 0.000000e+00 : f32
        %max3A_389 = vector.broadcast %max3A_388 : f32 to vector<16xf32>
        %max3A_390 = arith.maximumf %add3A_387, %max3A_389 : vector<16xf32>
        %swap3A_391 = arith.index_cast %add3A_351 : i32 to index
        %swap3A_392 = arith.constant 16 : index
        %swap3A_393 = tpu.vector_load %arg15[%swap3A_391, %swap3A_392] {strides = array<i32>} : memref<128x64xf32, #tpu.memory_space<vmem>>, vector<1x16xf32>,
        %swap3A_394 = vector.shape_cast %swap3A_393 : vector<1x16xf32> to vector<16xf32>
        %swap3A_395 = vector.shape_cast %max3A_390 : vector<16xf32> to vector<1x16xf32>
        tpu.vector_store %arg15[%swap3A_391, %swap3A_392], %swap3A_395 {strides = array<i32>} : memref<128x64xf32, #tpu.memory_space<vmem>>, vector<1x16xf32>,
        %get3A_396 = arith.index_cast %add3A_351 : i32 to index
        %get3A_397 = arith.constant 32 : index
        %get3A_398 = tpu.vector_load %arg11[%get3A_396, %get3A_397] {strides = array<i32>} : memref<128x64xf32, #tpu.memory_space<vmem>>, vector<1x16xf32>,
        %get3A_399 = vector.shape_cast %get3A_398 : vector<1x16xf32> to vector<16xf32>
        %get3A_400 = arith.index_cast %add3A_351 : i32 to index
        %get3A_401 = arith.constant 32 : index
        %get3A_402 = tpu.vector_load %arg13[%get3A_400, %get3A_401] {strides = array<i32>} : memref<128x64xf32, #tpu.memory_space<vmem>>, vector<1x16xf32>,
        %get3A_403 = vector.shape_cast %get3A_402 : vector<1x16xf32> to vector<16xf32>
        %add3A_404 = arith.addf %get3A_399, %get3A_403 : vector<16xf32>
        %get3A_405 = arith.index_cast %add3A_351 : i32 to index
        %get3A_406 = arith.constant 32 : index
        %get3A_407 = tpu.vector_load %arg15[%get3A_405, %get3A_406] {strides = array<i32>} : memref<128x64xf32, #tpu.memory_space<vmem>>, vector<1x16xf32>,
        %get3A_408 = vector.shape_cast %get3A_407 : vector<1x16xf32> to vector<16xf32>
        %add3A_409 = arith.addf %add3A_404, %get3A_408 : vector<16xf32>
        %max3A_410 = arith.constant 0.000000e+00 : f32
        %max3A_411 = vector.broadcast %max3A_410 : f32 to vector<16xf32>
        %max3A_412 = arith.maximumf %add3A_409, %max3A_411 : vector<16xf32>
        %swap3A_413 = arith.index_cast %add3A_351 : i32 to index
        %swap3A_414 = arith.constant 32 : index
        %swap3A_415 = tpu.vector_load %arg15[%swap3A_413, %swap3A_414] {strides = array<i32>} : memref<128x64xf32, #tpu.memory_space<vmem>>, vector<1x16xf32>,
        %swap3A_416 = vector.shape_cast %swap3A_415 : vector<1x16xf32> to vector<16xf32>
        %swap3A_417 = vector.shape_cast %max3A_412 : vector<16xf32> to vector<1x16xf32>
        tpu.vector_store %arg15[%swap3A_413, %swap3A_414], %swap3A_417 {strides = array<i32>} : memref<128x64xf32, #tpu.memory_space<vmem>>, vector<1x16xf32>,
        %get3A_418 = arith.index_cast %add3A_351 : i32 to index
        %get3A_419 = arith.constant 48 : index
        %get3A_420 = tpu.vector_load %arg11[%get3A_418, %get3A_419] {strides = array<i32>} : memref<128x64xf32, #tpu.memory_space<vmem>>, vector<1x16xf32>,
        %get3A_421 = vector.shape_cast %get3A_420 : vector<1x16xf32> to vector<16xf32>
        %get3A_422 = arith.index_cast %add3A_351 : i32 to index
        %get3A_423 = arith.constant 48 : index
        %get3A_424 = tpu.vector_load %arg13[%get3A_422, %get3A_423] {strides = array<i32>} : memref<128x64xf32, #tpu.memory_space<vmem>>, vector<1x16xf32>,
        %get3A_425 = vector.shape_cast %get3A_424 : vector<1x16xf32> to vector<16xf32>
        %add3A_426 = arith.addf %get3A_421, %get3A_425 : vector<16xf32>
        %get3A_427 = arith.index_cast %add3A_351 : i32 to index
        %get3A_428 = arith.constant 48 : index
        %get3A_429 = tpu.vector_load %arg15[%get3A_427, %get3A_428] {strides = array<i32>} : memref<128x64xf32, #tpu.memory_space<vmem>>, vector<1x16xf32>,
        %get3A_430 = vector.shape_cast %get3A_429 : vector<1x16xf32> to vector<16xf32>
        %add3A_431 = arith.addf %add3A_426, %get3A_430 : vector<16xf32>
        %max3A_432 = arith.constant 0.000000e+00 : f32
        %max3A_433 = vector.broadcast %max3A_432 : f32 to vector<16xf32>
        %max3A_434 = arith.maximumf %add3A_431, %max3A_433 : vector<16xf32>
        %swap3A_435 = arith.index_cast %add3A_351 : i32 to index
        %swap3A_436 = arith.constant 48 : index
        %swap3A_437 = tpu.vector_load %arg15[%swap3A_435, %swap3A_436] {strides = array<i32>} : memref<128x64xf32, #tpu.memory_space<vmem>>, vector<1x16xf32>,
        %swap3A_438 = vector.shape_cast %swap3A_437 : vector<1x16xf32> to vector<16xf32>
        %swap3A_439 = vector.shape_cast %max3A_434 : vector<16xf32> to vector<1x16xf32>
        tpu.vector_store %arg15[%swap3A_435, %swap3A_436], %swap3A_439 {strides = array<i32>} : memref<128x64xf32, #tpu.memory_space<vmem>>, vector<1x16xf32>,
        %mul3A_440 = arith.constant 4 : i32
        %mul3A_441 = arith.muli %scan3A_257, %mul3A_440 : i32
        %add3A_442 = arith.constant 2 : i32
        %add3A_443 = arith.addi %mul3A_441, %add3A_442 : i32
        %get3A_444 = arith.index_cast %add3A_443 : i32 to index
        %get3A_445 = arith.constant 0 : index
        %get3A_446 = tpu.vector_load %arg11[%get3A_444, %get3A_445] {strides = array<i32>} : memref<128x64xf32, #tpu.memory_space<vmem>>, vector<1x16xf32>,
        %get3A_447 = vector.shape_cast %get3A_446 : vector<1x16xf32> to vector<16xf32>
        %get3A_448 = arith.index_cast %add3A_443 : i32 to index
        %get3A_449 = arith.constant 0 : index
        %get3A_450 = tpu.vector_load %arg13[%get3A_448, %get3A_449] {strides = array<i32>} : memref<128x64xf32, #tpu.memory_space<vmem>>, vector<1x16xf32>,
        %get3A_451 = vector.shape_cast %get3A_450 : vector<1x16xf32> to vector<16xf32>
        %add3A_452 = arith.addf %get3A_447, %get3A_451 : vector<16xf32>
        %get3A_453 = arith.index_cast %add3A_443 : i32 to index
        %get3A_454 = arith.constant 0 : index
        %get3A_455 = tpu.vector_load %arg15[%get3A_453, %get3A_454] {strides = array<i32>} : memref<128x64xf32, #tpu.memory_space<vmem>>, vector<1x16xf32>,
        %get3A_456 = vector.shape_cast %get3A_455 : vector<1x16xf32> to vector<16xf32>
        %add3A_457 = arith.addf %add3A_452, %get3A_456 : vector<16xf32>
        %max3A_458 = arith.constant 0.000000e+00 : f32
        %max3A_459 = vector.broadcast %max3A_458 : f32 to vector<16xf32>
        %max3A_460 = arith.maximumf %add3A_457, %max3A_459 : vector<16xf32>
        %swap3A_461 = arith.index_cast %add3A_443 : i32 to index
        %swap3A_462 = arith.constant 0 : index
        %swap3A_463 = tpu.vector_load %arg15[%swap3A_461, %swap3A_462] {strides = array<i32>} : memref<128x64xf32, #tpu.memory_space<vmem>>, vector<1x16xf32>,
        %swap3A_464 = vector.shape_cast %swap3A_463 : vector<1x16xf32> to vector<16xf32>
        %swap3A_465 = vector.shape_cast %max3A_460 : vector<16xf32> to vector<1x16xf32>
        tpu.vector_store %arg15[%swap3A_461, %swap3A_462], %swap3A_465 {strides = array<i32>} : memref<128x64xf32, #tpu.memory_space<vmem>>, vector<1x16xf32>,
        %get3A_466 = arith.index_cast %add3A_443 : i32 to index
        %get3A_467 = arith.constant 16 : index
        %get3A_468 = tpu.vector_load %arg11[%get3A_466, %get3A_467] {strides = array<i32>} : memref<128x64xf32, #tpu.memory_space<vmem>>, vector<1x16xf32>,
        %get3A_469 = vector.shape_cast %get3A_468 : vector<1x16xf32> to vector<16xf32>
        %get3A_470 = arith.index_cast %add3A_443 : i32 to index
        %get3A_471 = arith.constant 16 : index
        %get3A_472 = tpu.vector_load %arg13[%get3A_470, %get3A_471] {strides = array<i32>} : memref<128x64xf32, #tpu.memory_space<vmem>>, vector<1x16xf32>,
        %get3A_473 = vector.shape_cast %get3A_472 : vector<1x16xf32> to vector<16xf32>
        %add3A_474 = arith.addf %get3A_469, %get3A_473 : vector<16xf32>
        %get3A_475 = arith.index_cast %add3A_443 : i32 to index
        %get3A_476 = arith.constant 16 : index
        %get3A_477 = tpu.vector_load %arg15[%get3A_475, %get3A_476] {strides = array<i32>} : memref<128x64xf32, #tpu.memory_space<vmem>>, vector<1x16xf32>,
        %get3A_478 = vector.shape_cast %get3A_477 : vector<1x16xf32> to vector<16xf32>
        %add3A_479 = arith.addf %add3A_474, %get3A_478 : vector<16xf32>
        %max3A_480 = arith.constant 0.000000e+00 : f32
        %max3A_481 = vector.broadcast %max3A_480 : f32 to vector<16xf32>
        %max3A_482 = arith.maximumf %add3A_479, %max3A_481 : vector<16xf32>
        %swap3A_483 = arith.index_cast %add3A_443 : i32 to index
        %swap3A_484 = arith.constant 16 : index
        %swap3A_485 = tpu.vector_load %arg15[%swap3A_483, %swap3A_484] {strides = array<i32>} : memref<128x64xf32, #tpu.memory_space<vmem>>, vector<1x16xf32>,
        %swap3A_486 = vector.shape_cast %swap3A_485 : vector<1x16xf32> to vector<16xf32>
        %swap3A_487 = vector.shape_cast %max3A_482 : vector<16xf32> to vector<1x16xf32>
        tpu.vector_store %arg15[%swap3A_483, %swap3A_484], %swap3A_487 {strides = array<i32>} : memref<128x64xf32, #tpu.memory_space<vmem>>, vector<1x16xf32>,
        %get3A_488 = arith.index_cast %add3A_443 : i32 to index
        %get3A_489 = arith.constant 32 : index
        %get3A_490 = tpu.vector_load %arg11[%get3A_488, %get3A_489] {strides = array<i32>} : memref<128x64xf32, #tpu.memory_space<vmem>>, vector<1x16xf32>,
        %get3A_491 = vector.shape_cast %get3A_490 : vector<1x16xf32> to vector<16xf32>
        %get3A_492 = arith.index_cast %add3A_443 : i32 to index
        %get3A_493 = arith.constant 32 : index
        %get3A_494 = tpu.vector_load %arg13[%get3A_492, %get3A_493] {strides = array<i32>} : memref<128x64xf32, #tpu.memory_space<vmem>>, vector<1x16xf32>,
        %get3A_495 = vector.shape_cast %get3A_494 : vector<1x16xf32> to vector<16xf32>
        %add3A_496 = arith.addf %get3A_491, %get3A_495 : vector<16xf32>
        %get3A_497 = arith.index_cast %add3A_443 : i32 to index
        %get3A_498 = arith.constant 32 : index
        %get3A_499 = tpu.vector_load %arg15[%get3A_497, %get3A_498] {strides = array<i32>} : memref<128x64xf32, #tpu.memory_space<vmem>>, vector<1x16xf32>,
        %get3A_500 = vector.shape_cast %get3A_499 : vector<1x16xf32> to vector<16xf32>
        %add3A_501 = arith.addf %add3A_496, %get3A_500 : vector<16xf32>
        %max3A_502 = arith.constant 0.000000e+00 : f32
        %max3A_503 = vector.broadcast %max3A_502 : f32 to vector<16xf32>
        %max3A_504 = arith.maximumf %add3A_501, %max3A_503 : vector<16xf32>
        %swap3A_505 = arith.index_cast %add3A_443 : i32 to index
        %swap3A_506 = arith.constant 32 : index
        %swap3A_507 = tpu.vector_load %arg15[%swap3A_505, %swap3A_506] {strides = array<i32>} : memref<128x64xf32, #tpu.memory_space<vmem>>, vector<1x16xf32>,
        %swap3A_508 = vector.shape_cast %swap3A_507 : vector<1x16xf32> to vector<16xf32>
        %swap3A_509 = vector.shape_cast %max3A_504 : vector<16xf32> to vector<1x16xf32>
        tpu.vector_store %arg15[%swap3A_505, %swap3A_506], %swap3A_509 {strides = array<i32>} : memref<128x64xf32, #tpu.memory_space<vmem>>, vector<1x16xf32>,
        %get3A_510 = arith.index_cast %add3A_443 : i32 to index
        %get3A_511 = arith.constant 48 : index
        %get3A_512 = tpu.vector_load %arg11[%get3A_510, %get3A_511] {strides = array<i32>} : memref<128x64xf32, #tpu.memory_space<vmem>>, vector<1x16xf32>,
        %get3A_513 = vector.shape_cast %get3A_512 : vector<1x16xf32> to vector<16xf32>
        %get3A_514 = arith.index_cast %add3A_443 : i32 to index
        %get3A_515 = arith.constant 48 : index
        %get3A_516 = tpu.vector_load %arg13[%get3A_514, %get3A_515] {strides = array<i32>} : memref<128x64xf32, #tpu.memory_space<vmem>>, vector<1x16xf32>,
        %get3A_517 = vector.shape_cast %get3A_516 : vector<1x16xf32> to vector<16xf32>
        %add3A_518 = arith.addf %get3A_513, %get3A_517 : vector<16xf32>
        %get3A_519 = arith.index_cast %add3A_443 : i32 to index
        %get3A_520 = arith.constant 48 : index
        %get3A_521 = tpu.vector_load %arg15[%get3A_519, %get3A_520] {strides = array<i32>} : memref<128x64xf32, #tpu.memory_space<vmem>>, vector<1x16xf32>,
        %get3A_522 = vector.shape_cast %get3A_521 : vector<1x16xf32> to vector<16xf32>
        %add3A_523 = arith.addf %add3A_518, %get3A_522 : vector<16xf32>
        %max3A_524 = arith.constant 0.000000e+00 : f32
        %max3A_525 = vector.broadcast %max3A_524 : f32 to vector<16xf32>
        %max3A_526 = arith.maximumf %add3A_523, %max3A_525 : vector<16xf32>
        %swap3A_527 = arith.index_cast %add3A_443 : i32 to index
        %swap3A_528 = arith.constant 48 : index
        %swap3A_529 = tpu.vector_load %arg15[%swap3A_527, %swap3A_528] {strides = array<i32>} : memref<128x64xf32, #tpu.memory_space<vmem>>, vector<1x16xf32>,
        %swap3A_530 = vector.shape_cast %swap3A_529 : vector<1x16xf32> to vector<16xf32>
        %swap3A_531 = vector.shape_cast %max3A_526 : vector<16xf32> to vector<1x16xf32>
        tpu.vector_store %arg15[%swap3A_527, %swap3A_528], %swap3A_531 {strides = array<i32>} : memref<128x64xf32, #tpu.memory_space<vmem>>, vector<1x16xf32>,
        %mul3A_532 = arith.constant 4 : i32
        %mul3A_533 = arith.muli %scan3A_257, %mul3A_532 : i32
        %add3A_534 = arith.constant 3 : i32
        %add3A_535 = arith.addi %mul3A_533, %add3A_534 : i32
        %get3A_536 = arith.index_cast %add3A_535 : i32 to index
        %get3A_537 = arith.constant 0 : index
        %get3A_538 = tpu.vector_load %arg11[%get3A_536, %get3A_537] {strides = array<i32>} : memref<128x64xf32, #tpu.memory_space<vmem>>, vector<1x16xf32>,
        %get3A_539 = vector.shape_cast %get3A_538 : vector<1x16xf32> to vector<16xf32>
        %get3A_540 = arith.index_cast %add3A_535 : i32 to index
        %get3A_541 = arith.constant 0 : index
        %get3A_542 = tpu.vector_load %arg13[%get3A_540, %get3A_541] {strides = array<i32>} : memref<128x64xf32, #tpu.memory_space<vmem>>, vector<1x16xf32>,
        %get3A_543 = vector.shape_cast %get3A_542 : vector<1x16xf32> to vector<16xf32>
        %add3A_544 = arith.addf %get3A_539, %get3A_543 : vector<16xf32>
        %get3A_545 = arith.index_cast %add3A_535 : i32 to index
        %get3A_546 = arith.constant 0 : index
        %get3A_547 = tpu.vector_load %arg15[%get3A_545, %get3A_546] {strides = array<i32>} : memref<128x64xf32, #tpu.memory_space<vmem>>, vector<1x16xf32>,
        %get3A_548 = vector.shape_cast %get3A_547 : vector<1x16xf32> to vector<16xf32>
        %add3A_549 = arith.addf %add3A_544, %get3A_548 : vector<16xf32>
        %max3A_550 = arith.constant 0.000000e+00 : f32
        %max3A_551 = vector.broadcast %max3A_550 : f32 to vector<16xf32>
        %max3A_552 = arith.maximumf %add3A_549, %max3A_551 : vector<16xf32>
        %swap3A_553 = arith.index_cast %add3A_535 : i32 to index
        %swap3A_554 = arith.constant 0 : index
        %swap3A_555 = tpu.vector_load %arg15[%swap3A_553, %swap3A_554] {strides = array<i32>} : memref<128x64xf32, #tpu.memory_space<vmem>>, vector<1x16xf32>,
        %swap3A_556 = vector.shape_cast %swap3A_555 : vector<1x16xf32> to vector<16xf32>
        %swap3A_557 = vector.shape_cast %max3A_552 : vector<16xf32> to vector<1x16xf32>
        tpu.vector_store %arg15[%swap3A_553, %swap3A_554], %swap3A_557 {strides = array<i32>} : memref<128x64xf32, #tpu.memory_space<vmem>>, vector<1x16xf32>,
        %get3A_558 = arith.index_cast %add3A_535 : i32 to index
        %get3A_559 = arith.constant 16 : index
        %get3A_560 = tpu.vector_load %arg11[%get3A_558, %get3A_559] {strides = array<i32>} : memref<128x64xf32, #tpu.memory_space<vmem>>, vector<1x16xf32>,
        %get3A_561 = vector.shape_cast %get3A_560 : vector<1x16xf32> to vector<16xf32>
        %get3A_562 = arith.index_cast %add3A_535 : i32 to index
        %get3A_563 = arith.constant 16 : index
        %get3A_564 = tpu.vector_load %arg13[%get3A_562, %get3A_563] {strides = array<i32>} : memref<128x64xf32, #tpu.memory_space<vmem>>, vector<1x16xf32>,
        %get3A_565 = vector.shape_cast %get3A_564 : vector<1x16xf32> to vector<16xf32>
        %add3A_566 = arith.addf %get3A_561, %get3A_565 : vector<16xf32>
        %get3A_567 = arith.index_cast %add3A_535 : i32 to index
        %get3A_568 = arith.constant 16 : index
        %get3A_569 = tpu.vector_load %arg15[%get3A_567, %get3A_568] {strides = array<i32>} : memref<128x64xf32, #tpu.memory_space<vmem>>, vector<1x16xf32>,
        %get3A_570 = vector.shape_cast %get3A_569 : vector<1x16xf32> to vector<16xf32>
        %add3A_571 = arith.addf %add3A_566, %get3A_570 : vector<16xf32>
        %max3A_572 = arith.constant 0.000000e+00 : f32
        %max3A_573 = vector.broadcast %max3A_572 : f32 to vector<16xf32>
        %max3A_574 = arith.maximumf %add3A_571, %max3A_573 : vector<16xf32>
        %swap3A_575 = arith.index_cast %add3A_535 : i32 to index
        %swap3A_576 = arith.constant 16 : index
        %swap3A_577 = tpu.vector_load %arg15[%swap3A_575, %swap3A_576] {strides = array<i32>} : memref<128x64xf32, #tpu.memory_space<vmem>>, vector<1x16xf32>,
        %swap3A_578 = vector.shape_cast %swap3A_577 : vector<1x16xf32> to vector<16xf32>
        %swap3A_579 = vector.shape_cast %max3A_574 : vector<16xf32> to vector<1x16xf32>
        tpu.vector_store %arg15[%swap3A_575, %swap3A_576], %swap3A_579 {strides = array<i32>} : memref<128x64xf32, #tpu.memory_space<vmem>>, vector<1x16xf32>,
        %get3A_580 = arith.index_cast %add3A_535 : i32 to index
        %get3A_581 = arith.constant 32 : index
        %get3A_582 = tpu.vector_load %arg11[%get3A_580, %get3A_581] {strides = array<i32>} : memref<128x64xf32, #tpu.memory_space<vmem>>, vector<1x16xf32>,
        %get3A_583 = vector.shape_cast %get3A_582 : vector<1x16xf32> to vector<16xf32>
        %get3A_584 = arith.index_cast %add3A_535 : i32 to index
        %get3A_585 = arith.constant 32 : index
        %get3A_586 = tpu.vector_load %arg13[%get3A_584, %get3A_585] {strides = array<i32>} : memref<128x64xf32, #tpu.memory_space<vmem>>, vector<1x16xf32>,
        %get3A_587 = vector.shape_cast %get3A_586 : vector<1x16xf32> to vector<16xf32>
        %add3A_588 = arith.addf %get3A_583, %get3A_587 : vector<16xf32>
        %get3A_589 = arith.index_cast %add3A_535 : i32 to index
        %get3A_590 = arith.constant 32 : index
        %get3A_591 = tpu.vector_load %arg15[%get3A_589, %get3A_590] {strides = array<i32>} : memref<128x64xf32, #tpu.memory_space<vmem>>, vector<1x16xf32>,
        %get3A_592 = vector.shape_cast %get3A_591 : vector<1x16xf32> to vector<16xf32>
        %add3A_593 = arith.addf %add3A_588, %get3A_592 : vector<16xf32>
        %max3A_594 = arith.constant 0.000000e+00 : f32
        %max3A_595 = vector.broadcast %max3A_594 : f32 to vector<16xf32>
        %max3A_596 = arith.maximumf %add3A_593, %max3A_595 : vector<16xf32>
        %swap3A_597 = arith.index_cast %add3A_535 : i32 to index
        %swap3A_598 = arith.constant 32 : index
        %swap3A_599 = tpu.vector_load %arg15[%swap3A_597, %swap3A_598] {strides = array<i32>} : memref<128x64xf32, #tpu.memory_space<vmem>>, vector<1x16xf32>,
        %swap3A_600 = vector.shape_cast %swap3A_599 : vector<1x16xf32> to vector<16xf32>
        %swap3A_601 = vector.shape_cast %max3A_596 : vector<16xf32> to vector<1x16xf32>
        tpu.vector_store %arg15[%swap3A_597, %swap3A_598], %swap3A_601 {strides = array<i32>} : memref<128x64xf32, #tpu.memory_space<vmem>>, vector<1x16xf32>,
        %get3A_602 = arith.index_cast %add3A_535 : i32 to index
        %get3A_603 = arith.constant 48 : index
        %get3A_604 = tpu.vector_load %arg11[%get3A_602, %get3A_603] {strides = array<i32>} : memref<128x64xf32, #tpu.memory_space<vmem>>, vector<1x16xf32>,
        %get3A_605 = vector.shape_cast %get3A_604 : vector<1x16xf32> to vector<16xf32>
        %get3A_606 = arith.index_cast %add3A_535 : i32 to index
        %get3A_607 = arith.constant 48 : index
        %get3A_608 = tpu.vector_load %arg13[%get3A_606, %get3A_607] {strides = array<i32>} : memref<128x64xf32, #tpu.memory_space<vmem>>, vector<1x16xf32>,
        %get3A_609 = vector.shape_cast %get3A_608 : vector<1x16xf32> to vector<16xf32>
        %add3A_610 = arith.addf %get3A_605, %get3A_609 : vector<16xf32>
        %get3A_611 = arith.index_cast %add3A_535 : i32 to index
        %get3A_612 = arith.constant 48 : index
        %get3A_613 = tpu.vector_load %arg15[%get3A_611, %get3A_612] {strides = array<i32>} : memref<128x64xf32, #tpu.memory_space<vmem>>, vector<1x16xf32>,
        %get3A_614 = vector.shape_cast %get3A_613 : vector<1x16xf32> to vector<16xf32>
        %add3A_615 = arith.addf %add3A_610, %get3A_614 : vector<16xf32>
        %max3A_616 = arith.constant 0.000000e+00 : f32
        %max3A_617 = vector.broadcast %max3A_616 : f32 to vector<16xf32>
        %max3A_618 = arith.maximumf %add3A_615, %max3A_617 : vector<16xf32>
        %swap3A_619 = arith.index_cast %add3A_535 : i32 to index
        %swap3A_620 = arith.constant 48 : index
        %swap3A_621 = tpu.vector_load %arg15[%swap3A_619, %swap3A_620] {strides = array<i32>} : memref<128x64xf32, #tpu.memory_space<vmem>>, vector<1x16xf32>,
        %swap3A_622 = vector.shape_cast %swap3A_621 : vector<1x16xf32> to vector<16xf32>
        %swap3A_623 = vector.shape_cast %max3A_618 : vector<16xf32> to vector<1x16xf32>
        tpu.vector_store %arg15[%swap3A_619, %swap3A_620], %swap3A_623 {strides = array<i32>} : memref<128x64xf32, #tpu.memory_space<vmem>>, vector<1x16xf32>,
        %scan3A_624 = arith.constant 0 : i32
        scf.yield %scan3A_624 : i32
      }
      %scan3A_249 = arith.constant 32 : i32
      %dma_start3A_250 = arith.constant 0 : i32
      %dma_start3A_251 = tpu.memref_slice %arg9[%add3A_224, %dma_start3A_250] : memref<79x128xi32, #tpu.memory_space<vmem>> -> memref<1x128xi32, #tpu.memory_space<vmem>>
      %dma_start3A_252 = tpu.memref_squeeze %dma_start3A_251 : memref<1x128xi32, #tpu.memory_space<vmem>> -> memref<128xi32, #tpu.memory_space<vmem>>
      %dma_start3A_253 = arith.constant 0 : i32
      %dma_start3A_254 = arith.constant 0 : i32
      %dma_start3A_255 = tpu.memref_slice %arg16[%dma_start3A_253, %dma_start3A_254] : memref<10240x64xf32, #tpu.memory_space<vmem_shared>> -> memref<10240x64xf32, #tpu.memory_space<vmem_shared>>
      tpu.enqueue_indirect_dma source(%arg15 : memref<128x64xf32, #tpu.memory_space<vmem>>) target(%dma_start3A_255 : memref<10240x64xf32, #tpu.memory_space<vmem_shared>>) offsets(%dma_start3A_252 : memref<128xi32, #tpu.memory_space<vmem>>) semaphore(%arg20 : memref<!tpu.dma_semaphore, #tpu.memory_space<semaphore_mem>>) {add = true}
      %scan3A_256 = arith.constant 0 : i32
      scf.yield %scan3A_256 : i32
    }
    %scan3A_64 = arith.constant 39 : i32
    %dma_wait3A = arith.constant 0 : i32
    %dma_wait3A_65 = arith.constant 0 : i32
    %dma_wait3A_66 = tpu.memref_slice %arg2[%dma_wait3A, %dma_wait3A_65] : memref<10240x64xf32, #tpu.memory_space<hbm>> -> memref<128x64xf32, #tpu.memory_space<hbm>>
    %dma_wait3A_67 = arith.constant 0 : i32
    %dma_wait3A_68 = arith.constant 0 : i32
    %dma_wait3A_69 = tpu.memref_slice %arg2[%dma_wait3A_67, %dma_wait3A_68] : memref<10240x64xf32, #tpu.memory_space<hbm>> -> memref<128x64xf32, #tpu.memory_space<hbm>>
    tpu.wait_dma2 semaphore(%arg17 : memref<!tpu.dma_semaphore, #tpu.memory_space<semaphore_mem>>) src(%dma_wait3A_69 : memref<128x64xf32, #tpu.memory_space<hbm>>) dst(%arg10 : memref<128x64xf32, #tpu.memory_space<vmem>>)
    %dma_wait3A_70 = arith.constant 0 : i32
    %dma_wait3A_71 = arith.constant 0 : i32
    %dma_wait3A_72 = tpu.memref_slice %arg2[%dma_wait3A_70, %dma_wait3A_71] : memref<10240x64xf32, #tpu.memory_space<hbm>> -> memref<128x64xf32, #tpu.memory_space<hbm>>
    %dma_wait3A_73 = arith.constant 0 : i32
    %dma_wait3A_74 = arith.constant 0 : i32
    %dma_wait3A_75 = tpu.memref_slice %arg2[%dma_wait3A_73, %dma_wait3A_74] : memref<10240x64xf32, #tpu.memory_space<hbm>> -> memref<128x64xf32, #tpu.memory_space<hbm>>
    tpu.wait_dma2 semaphore(%arg17 : memref<!tpu.dma_semaphore, #tpu.memory_space<semaphore_mem>>) src(%dma_wait3A_75 : memref<128x64xf32, #tpu.memory_space<hbm>>) dst(%arg12 : memref<128x64xf32, #tpu.memory_space<vmem>>)
    %dma_wait3A_76 = arith.constant 0 : i32
    %dma_wait3A_77 = arith.constant 0 : i32
    %dma_wait3A_78 = tpu.memref_slice %arg2[%dma_wait3A_76, %dma_wait3A_77] : memref<10240x64xf32, #tpu.memory_space<hbm>> -> memref<128x64xf32, #tpu.memory_space<hbm>>
    %dma_wait3A_79 = arith.constant 0 : i32
    %dma_wait3A_80 = arith.constant 0 : i32
    %dma_wait3A_81 = tpu.memref_slice %arg2[%dma_wait3A_79, %dma_wait3A_80] : memref<10240x64xf32, #tpu.memory_space<hbm>> -> memref<128x64xf32, #tpu.memory_space<hbm>>
    tpu.wait_dma2 semaphore(%arg17 : memref<!tpu.dma_semaphore, #tpu.memory_space<semaphore_mem>>) src(%dma_wait3A_81 : memref<128x64xf32, #tpu.memory_space<hbm>>) dst(%arg14 : memref<128x64xf32, #tpu.memory_space<vmem>>)
    %scan3A_82 = arith.constant 0 : i32
    %scan3A_83 = arith.constant 0 : i32
    %scan3A_84 = arith.constant 32 : i32
    %scan3A_85 = arith.addi %scan3A_83, %scan3A_84 : i32
    %scan3A_86 = arith.constant 1 : i32
    %scan3A_87 = scf.for %scan3A_113 = %scan3A_83 to %scan3A_85 step %scan3A_86 iter_args(%scan3A_114 = %scan3A_82) -> (i32)  : i32 {
      %mul3A_115 = arith.constant 4 : i32
      %mul3A_116 = arith.muli %scan3A_113, %mul3A_115 : i32
      %add3A_117 = arith.constant 0 : i32
      %add3A_118 = arith.addi %mul3A_116, %add3A_117 : i32
      %get3A = arith.index_cast %add3A_118 : i32 to index
      %get3A_119 = arith.constant 0 : index
      %get3A_120 = tpu.vector_load %arg10[%get3A, %get3A_119] {strides = array<i32>} : memref<128x64xf32, #tpu.memory_space<vmem>>, vector<1x16xf32>,
      %get3A_121 = vector.shape_cast %get3A_120 : vector<1x16xf32> to vector<16xf32>
      %get3A_122 = arith.index_cast %add3A_118 : i32 to index
      %get3A_123 = arith.constant 0 : index
      %get3A_124 = tpu.vector_load %arg12[%get3A_122, %get3A_123] {strides = array<i32>} : memref<128x64xf32, #tpu.memory_space<vmem>>, vector<1x16xf32>,
      %get3A_125 = vector.shape_cast %get3A_124 : vector<1x16xf32> to vector<16xf32>
      %add3A_126 = arith.addf %get3A_121, %get3A_125 : vector<16xf32>
      %get3A_127 = arith.index_cast %add3A_118 : i32 to index
      %get3A_128 = arith.constant 0 : index
      %get3A_129 = tpu.vector_load %arg14[%get3A_127, %get3A_128] {strides = array<i32>} : memref<128x64xf32, #tpu.memory_space<vmem>>, vector<1x16xf32>,
      %get3A_130 = vector.shape_cast %get3A_129 : vector<1x16xf32> to vector<16xf32>
      %add3A_131 = arith.addf %add3A_126, %get3A_130 : vector<16xf32>
      %max3A = arith.constant 0.000000e+00 : f32
      %max3A_132 = vector.broadcast %max3A : f32 to vector<16xf32>
      %max3A_133 = arith.maximumf %add3A_131, %max3A_132 : vector<16xf32>
      %swap3A = arith.index_cast %add3A_118 : i32 to index
      %swap3A_134 = arith.constant 0 : index
      %swap3A_135 = tpu.vector_load %arg14[%swap3A, %swap3A_134] {strides = array<i32>} : memref<128x64xf32, #tpu.memory_space<vmem>>, vector<1x16xf32>,
      %swap3A_136 = vector.shape_cast %swap3A_135 : vector<1x16xf32> to vector<16xf32>
      %swap3A_137 = vector.shape_cast %max3A_133 : vector<16xf32> to vector<1x16xf32>
      tpu.vector_store %arg14[%swap3A, %swap3A_134], %swap3A_137 {strides = array<i32>} : memref<128x64xf32, #tpu.memory_space<vmem>>, vector<1x16xf32>,
      %get3A_138 = arith.index_cast %add3A_118 : i32 to index
      %get3A_139 = arith.constant 16 : index
      %get3A_140 = tpu.vector_load %arg10[%get3A_138, %get3A_139] {strides = array<i32>} : memref<128x64xf32, #tpu.memory_space<vmem>>, vector<1x16xf32>,
      %get3A_141 = vector.shape_cast %get3A_140 : vector<1x16xf32> to vector<16xf32>
      %get3A_142 = arith.index_cast %add3A_118 : i32 to index
      %get3A_143 = arith.constant 16 : index
      %get3A_144 = tpu.vector_load %arg12[%get3A_142, %get3A_143] {strides = array<i32>} : memref<128x64xf32, #tpu.memory_space<vmem>>, vector<1x16xf32>,
      %get3A_145 = vector.shape_cast %get3A_144 : vector<1x16xf32> to vector<16xf32>
      %add3A_146 = arith.addf %get3A_141, %get3A_145 : vector<16xf32>
      %get3A_147 = arith.index_cast %add3A_118 : i32 to index
      %get3A_148 = arith.constant 16 : index
      %get3A_149 = tpu.vector_load %arg14[%get3A_147, %get3A_148] {strides = array<i32>} : memref<128x64xf32, #tpu.memory_space<vmem>>, vector<1x16xf32>,
      %get3A_150 = vector.shape_cast %get3A_149 : vector<1x16xf32> to vector<16xf32>
      %add3A_151 = arith.addf %add3A_146, %get3A_150 : vector<16xf32>
      %max3A_152 = arith.constant 0.000000e+00 : f32
      %max3A_153 = vector.broadcast %max3A_152 : f32 to vector<16xf32>
      %max3A_154 = arith.maximumf %add3A_151, %max3A_153 : vector<16xf32>
      %swap3A_155 = arith.index_cast %add3A_118 : i32 to index
      %swap3A_156 = arith.constant 16 : index
      %swap3A_157 = tpu.vector_load %arg14[%swap3A_155, %swap3A_156] {strides = array<i32>} : memref<128x64xf32, #tpu.memory_space<vmem>>, vector<1x16xf32>,
      %swap3A_158 = vector.shape_cast %swap3A_157 : vector<1x16xf32> to vector<16xf32>
      %swap3A_159 = vector.shape_cast %max3A_154 : vector<16xf32> to vector<1x16xf32>
      tpu.vector_store %arg14[%swap3A_155, %swap3A_156], %swap3A_159 {strides = array<i32>} : memref<128x64xf32, #tpu.memory_space<vmem>>, vector<1x16xf32>,
      %get3A_160 = arith.index_cast %add3A_118 : i32 to index
      %get3A_161 = arith.constant 32 : index
      %get3A_162 = tpu.vector_load %arg10[%get3A_160, %get3A_161] {strides = array<i32>} : memref<128x64xf32, #tpu.memory_space<vmem>>, vector<1x16xf32>,
      %get3A_163 = vector.shape_cast %get3A_162 : vector<1x16xf32> to vector<16xf32>
      %get3A_164 = arith.index_cast %add3A_118 : i32 to index
      %get3A_165 = arith.constant 32 : index
      %get3A_166 = tpu.vector_load %arg12[%get3A_164, %get3A_165] {strides = array<i32>} : memref<128x64xf32, #tpu.memory_space<vmem>>, vector<1x16xf32>,
      %get3A_167 = vector.shape_cast %get3A_166 : vector<1x16xf32> to vector<16xf32>
      %add3A_168 = arith.addf %get3A_163, %get3A_167 : vector<16xf32>
      %get3A_169 = arith.index_cast %add3A_118 : i32 to index
      %get3A_170 = arith.constant 32 : index
      %get3A_171 = tpu.vector_load %arg14[%get3A_169, %get3A_170] {strides = array<i32>} : memref<128x64xf32, #tpu.memory_space<vmem>>, vector<1x16xf32>,
      %get3A_172 = vector.shape_cast %get3A_171 : vector<1x16xf32> to vector<16xf32>
      %add3A_173 = arith.addf %add3A_168, %get3A_172 : vector<16xf32>
      %max3A_174 = arith.constant 0.000000e+00 : f32
      %max3A_175 = vector.broadcast %max3A_174 : f32 to vector<16xf32>
      %max3A_176 = arith.maximumf %add3A_173, %max3A_175 : vector<16xf32>
      %swap3A_177 = arith.index_cast %add3A_118 : i32 to index
      %swap3A_178 = arith.constant 32 : index
      %swap3A_179 = tpu.vector_load %arg14[%swap3A_177, %swap3A_178] {strides = array<i32>} : memref<128x64xf32, #tpu.memory_space<vmem>>, vector<1x16xf32>,
      %swap3A_180 = vector.shape_cast %swap3A_179 : vector<1x16xf32> to vector<16xf32>
      %swap3A_181 = vector.shape_cast %max3A_176 : vector<16xf32> to vector<1x16xf32>
      tpu.vector_store %arg14[%swap3A_177, %swap3A_178], %swap3A_181 {strides = array<i32>} : memref<128x64xf32, #tpu.memory_space<vmem>>, vector<1x16xf32>,
      %get3A_182 = arith.index_cast %add3A_118 : i32 to index
      %get3A_183 = arith.constant 48 : index
      %get3A_184 = tpu.vector_load %arg10[%get3A_182, %get3A_183] {strides = array<i32>} : memref<128x64xf32, #tpu.memory_space<vmem>>, vector<1x16xf32>,
      %get3A_185 = vector.shape_cast %get3A_184 : vector<1x16xf32> to vector<16xf32>
      %get3A_186 = arith.index_cast %add3A_118 : i32 to index
      %get3A_187 = arith.constant 48 : index
      %get3A_188 = tpu.vector_load %arg12[%get3A_186, %get3A_187] {strides = array<i32>} : memref<128x64xf32, #tpu.memory_space<vmem>>, vector<1x16xf32>,
      %get3A_189 = vector.shape_cast %get3A_188 : vector<1x16xf32> to vector<16xf32>
      %add3A_190 = arith.addf %get3A_185, %get3A_189 : vector<16xf32>
      %get3A_191 = arith.index_cast %add3A_118 : i32 to index
      %get3A_192 = arith.constant 48 : index
      %get3A_193 = tpu.vector_load %arg14[%get3A_191, %get3A_192] {strides = array<i32>} : memref<128x64xf32, #tpu.memory_space<vmem>>, vector<1x16xf32>,
      %get3A_194 = vector.shape_cast %get3A_193 : vector<1x16xf32> to vector<16xf32>
      %add3A_195 = arith.addf %add3A_190, %get3A_194 : vector<16xf32>
      %max3A_196 = arith.constant 0.000000e+00 : f32
      %max3A_197 = vector.broadcast %max3A_196 : f32 to vector<16xf32>
      %max3A_198 = arith.maximumf %add3A_195, %max3A_197 : vector<16xf32>
      %swap3A_199 = arith.index_cast %add3A_118 : i32 to index
      %swap3A_200 = arith.constant 48 : index
      %swap3A_201 = tpu.vector_load %arg14[%swap3A_199, %swap3A_200] {strides = array<i32>} : memref<128x64xf32, #tpu.memory_space<vmem>>, vector<1x16xf32>,
      %swap3A_202 = vector.shape_cast %swap3A_201 : vector<1x16xf32> to vector<16xf32>
      %swap3A_203 = vector.shape_cast %max3A_198 : vector<16xf32> to vector<1x16xf32>
      tpu.vector_store %arg14[%swap3A_199, %swap3A_200], %swap3A_203 {strides = array<i32>} : memref<128x64xf32, #tpu.memory_space<vmem>>, vector<1x16xf32>,
      %mul3A_204 = arith.constant 4 : i32
      %mul3A_205 = arith.muli %scan3A_113, %mul3A_204 : i32
      %add3A_206 = arith.constant 1 : i32
      %add3A_207 = arith.addi %mul3A_205, %add3A_206 : i32
      %get3A_208 = arith.index_cast %add3A_207 : i32 to index
      %get3A_209 = arith.constant 0 : index
      %get3A_210 = tpu.vector_load %arg10[%get3A_208, %get3A_209] {strides = array<i32>} : memref<128x64xf32, #tpu.memory_space<vmem>>, vector<1x16xf32>,
      %get3A_211 = vector.shape_cast %get3A_210 : vector<1x16xf32> to vector<16xf32>
      %get3A_212 = arith.index_cast %add3A_207 : i32 to index
      %get3A_213 = arith.constant 0 : index
      %get3A_214 = tpu.vector_load %arg12[%get3A_212, %get3A_213] {strides = array<i32>} : memref<128x64xf32, #tpu.memory_space<vmem>>, vector<1x16xf32>,
      %get3A_215 = vector.shape_cast %get3A_214 : vector<1x16xf32> to vector<16xf32>
      %add3A_216 = arith.addf %get3A_211, %get3A_215 : vector<16xf32>
      %get3A_217 = arith.index_cast %add3A_207 : i32 to index
      %get3A_218 = arith.constant 0 : index
      %get3A_219 = tpu.vector_load %arg14[%get3A_217, %get3A_218] {strides = array<i32>} : memref<128x64xf32, #tpu.memory_space<vmem>>, vector<1x16xf32>,
      %get3A_220 = vector.shape_cast %get3A_219 : vector<1x16xf32> to vector<16xf32>
      %add3A_221 = arith.addf %add3A_216, %get3A_220 : vector<16xf32>
      %max3A_222 = arith.constant 0.000000e+00 : f32
      %max3A_223 = vector.broadcast %max3A_222 : f32 to vector<16xf32>
      %max3A_224 = arith.maximumf %add3A_221, %max3A_223 : vector<16xf32>
      %swap3A_225 = arith.index_cast %add3A_207 : i32 to index
      %swap3A_226 = arith.constant 0 : index
      %swap3A_227 = tpu.vector_load %arg14[%swap3A_225, %swap3A_226] {strides = array<i32>} : memref<128x64xf32, #tpu.memory_space<vmem>>, vector<1x16xf32>,
      %swap3A_228 = vector.shape_cast %swap3A_227 : vector<1x16xf32> to vector<16xf32>
      %swap3A_229 = vector.shape_cast %max3A_224 : vector<16xf32> to vector<1x16xf32>
      tpu.vector_store %arg14[%swap3A_225, %swap3A_226], %swap3A_229 {strides = array<i32>} : memref<128x64xf32, #tpu.memory_space<vmem>>, vector<1x16xf32>,
      %get3A_230 = arith.index_cast %add3A_207 : i32 to index
      %get3A_231 = arith.constant 16 : index
      %get3A_232 = tpu.vector_load %arg10[%get3A_230, %get3A_231] {strides = array<i32>} : memref<128x64xf32, #tpu.memory_space<vmem>>, vector<1x16xf32>,
      %get3A_233 = vector.shape_cast %get3A_232 : vector<1x16xf32> to vector<16xf32>
      %get3A_234 = arith.index_cast %add3A_207 : i32 to index
      %get3A_235 = arith.constant 16 : index
      %get3A_236 = tpu.vector_load %arg12[%get3A_234, %get3A_235] {strides = array<i32>} : memref<128x64xf32, #tpu.memory_space<vmem>>, vector<1x16xf32>,
      %get3A_237 = vector.shape_cast %get3A_236 : vector<1x16xf32> to vector<16xf32>
      %add3A_238 = arith.addf %get3A_233, %get3A_237 : vector<16xf32>
      %get3A_239 = arith.index_cast %add3A_207 : i32 to index
      %get3A_240 = arith.constant 16 : index
      %get3A_241 = tpu.vector_load %arg14[%get3A_239, %get3A_240] {strides = array<i32>} : memref<128x64xf32, #tpu.memory_space<vmem>>, vector<1x16xf32>,
      %get3A_242 = vector.shape_cast %get3A_241 : vector<1x16xf32> to vector<16xf32>
      %add3A_243 = arith.addf %add3A_238, %get3A_242 : vector<16xf32>
      %max3A_244 = arith.constant 0.000000e+00 : f32
      %max3A_245 = vector.broadcast %max3A_244 : f32 to vector<16xf32>
      %max3A_246 = arith.maximumf %add3A_243, %max3A_245 : vector<16xf32>
      %swap3A_247 = arith.index_cast %add3A_207 : i32 to index
      %swap3A_248 = arith.constant 16 : index
      %swap3A_249 = tpu.vector_load %arg14[%swap3A_247, %swap3A_248] {strides = array<i32>} : memref<128x64xf32, #tpu.memory_space<vmem>>, vector<1x16xf32>,
      %swap3A_250 = vector.shape_cast %swap3A_249 : vector<1x16xf32> to vector<16xf32>
      %swap3A_251 = vector.shape_cast %max3A_246 : vector<16xf32> to vector<1x16xf32>
      tpu.vector_store %arg14[%swap3A_247, %swap3A_248], %swap3A_251 {strides = array<i32>} : memref<128x64xf32, #tpu.memory_space<vmem>>, vector<1x16xf32>,
      %get3A_252 = arith.index_cast %add3A_207 : i32 to index
      %get3A_253 = arith.constant 32 : index
      %get3A_254 = tpu.vector_load %arg10[%get3A_252, %get3A_253] {strides = array<i32>} : memref<128x64xf32, #tpu.memory_space<vmem>>, vector<1x16xf32>,
      %get3A_255 = vector.shape_cast %get3A_254 : vector<1x16xf32> to vector<16xf32>
      %get3A_256 = arith.index_cast %add3A_207 : i32 to index
      %get3A_257 = arith.constant 32 : index
      %get3A_258 = tpu.vector_load %arg12[%get3A_256, %get3A_257] {strides = array<i32>} : memref<128x64xf32, #tpu.memory_space<vmem>>, vector<1x16xf32>,
      %get3A_259 = vector.shape_cast %get3A_258 : vector<1x16xf32> to vector<16xf32>
      %add3A_260 = arith.addf %get3A_255, %get3A_259 : vector<16xf32>
      %get3A_261 = arith.index_cast %add3A_207 : i32 to index
      %get3A_262 = arith.constant 32 : index
      %get3A_263 = tpu.vector_load %arg14[%get3A_261, %get3A_262] {strides = array<i32>} : memref<128x64xf32, #tpu.memory_space<vmem>>, vector<1x16xf32>,
      %get3A_264 = vector.shape_cast %get3A_263 : vector<1x16xf32> to vector<16xf32>
      %add3A_265 = arith.addf %add3A_260, %get3A_264 : vector<16xf32>
      %max3A_266 = arith.constant 0.000000e+00 : f32
      %max3A_267 = vector.broadcast %max3A_266 : f32 to vector<16xf32>
      %max3A_268 = arith.maximumf %add3A_265, %max3A_267 : vector<16xf32>
      %swap3A_269 = arith.index_cast %add3A_207 : i32 to index
      %swap3A_270 = arith.constant 32 : index
      %swap3A_271 = tpu.vector_load %arg14[%swap3A_269, %swap3A_270] {strides = array<i32>} : memref<128x64xf32, #tpu.memory_space<vmem>>, vector<1x16xf32>,
      %swap3A_272 = vector.shape_cast %swap3A_271 : vector<1x16xf32> to vector<16xf32>
      %swap3A_273 = vector.shape_cast %max3A_268 : vector<16xf32> to vector<1x16xf32>
      tpu.vector_store %arg14[%swap3A_269, %swap3A_270], %swap3A_273 {strides = array<i32>} : memref<128x64xf32, #tpu.memory_space<vmem>>, vector<1x16xf32>,
      %get3A_274 = arith.index_cast %add3A_207 : i32 to index
      %get3A_275 = arith.constant 48 : index
      %get3A_276 = tpu.vector_load %arg10[%get3A_274, %get3A_275] {strides = array<i32>} : memref<128x64xf32, #tpu.memory_space<vmem>>, vector<1x16xf32>,
      %get3A_277 = vector.shape_cast %get3A_276 : vector<1x16xf32> to vector<16xf32>
      %get3A_278 = arith.index_cast %add3A_207 : i32 to index
      %get3A_279 = arith.constant 48 : index
      %get3A_280 = tpu.vector_load %arg12[%get3A_278, %get3A_279] {strides = array<i32>} : memref<128x64xf32, #tpu.memory_space<vmem>>, vector<1x16xf32>,
      %get3A_281 = vector.shape_cast %get3A_280 : vector<1x16xf32> to vector<16xf32>
      %add3A_282 = arith.addf %get3A_277, %get3A_281 : vector<16xf32>
      %get3A_283 = arith.index_cast %add3A_207 : i32 to index
      %get3A_284 = arith.constant 48 : index
      %get3A_285 = tpu.vector_load %arg14[%get3A_283, %get3A_284] {strides = array<i32>} : memref<128x64xf32, #tpu.memory_space<vmem>>, vector<1x16xf32>,
      %get3A_286 = vector.shape_cast %get3A_285 : vector<1x16xf32> to vector<16xf32>
      %add3A_287 = arith.addf %add3A_282, %get3A_286 : vector<16xf32>
      %max3A_288 = arith.constant 0.000000e+00 : f32
      %max3A_289 = vector.broadcast %max3A_288 : f32 to vector<16xf32>
      %max3A_290 = arith.maximumf %add3A_287, %max3A_289 : vector<16xf32>
      %swap3A_291 = arith.index_cast %add3A_207 : i32 to index
      %swap3A_292 = arith.constant 48 : index
      %swap3A_293 = tpu.vector_load %arg14[%swap3A_291, %swap3A_292] {strides = array<i32>} : memref<128x64xf32, #tpu.memory_space<vmem>>, vector<1x16xf32>,
      %swap3A_294 = vector.shape_cast %swap3A_293 : vector<1x16xf32> to vector<16xf32>
      %swap3A_295 = vector.shape_cast %max3A_290 : vector<16xf32> to vector<1x16xf32>
      tpu.vector_store %arg14[%swap3A_291, %swap3A_292], %swap3A_295 {strides = array<i32>} : memref<128x64xf32, #tpu.memory_space<vmem>>, vector<1x16xf32>,
      %mul3A_296 = arith.constant 4 : i32
      %mul3A_297 = arith.muli %scan3A_113, %mul3A_296 : i32
      %add3A_298 = arith.constant 2 : i32
      %add3A_299 = arith.addi %mul3A_297, %add3A_298 : i32
      %get3A_300 = arith.index_cast %add3A_299 : i32 to index
      %get3A_301 = arith.constant 0 : index
      %get3A_302 = tpu.vector_load %arg10[%get3A_300, %get3A_301] {strides = array<i32>} : memref<128x64xf32, #tpu.memory_space<vmem>>, vector<1x16xf32>,
      %get3A_303 = vector.shape_cast %get3A_302 : vector<1x16xf32> to vector<16xf32>
      %get3A_304 = arith.index_cast %add3A_299 : i32 to index
      %get3A_305 = arith.constant 0 : index
      %get3A_306 = tpu.vector_load %arg12[%get3A_304, %get3A_305] {strides = array<i32>} : memref<128x64xf32, #tpu.memory_space<vmem>>, vector<1x16xf32>,
      %get3A_307 = vector.shape_cast %get3A_306 : vector<1x16xf32> to vector<16xf32>
      %add3A_308 = arith.addf %get3A_303, %get3A_307 : vector<16xf32>
      %get3A_309 = arith.index_cast %add3A_299 : i32 to index
      %get3A_310 = arith.constant 0 : index
      %get3A_311 = tpu.vector_load %arg14[%get3A_309, %get3A_310] {strides = array<i32>} : memref<128x64xf32, #tpu.memory_space<vmem>>, vector<1x16xf32>,
      %get3A_312 = vector.shape_cast %get3A_311 : vector<1x16xf32> to vector<16xf32>
      %add3A_313 = arith.addf %add3A_308, %get3A_312 : vector<16xf32>
      %max3A_314 = arith.constant 0.000000e+00 : f32
      %max3A_315 = vector.broadcast %max3A_314 : f32 to vector<16xf32>
      %max3A_316 = arith.maximumf %add3A_313, %max3A_315 : vector<16xf32>
      %swap3A_317 = arith.index_cast %add3A_299 : i32 to index
      %swap3A_318 = arith.constant 0 : index
      %swap3A_319 = tpu.vector_load %arg14[%swap3A_317, %swap3A_318] {strides = array<i32>} : memref<128x64xf32, #tpu.memory_space<vmem>>, vector<1x16xf32>,
      %swap3A_320 = vector.shape_cast %swap3A_319 : vector<1x16xf32> to vector<16xf32>
      %swap3A_321 = vector.shape_cast %max3A_316 : vector<16xf32> to vector<1x16xf32>
      tpu.vector_store %arg14[%swap3A_317, %swap3A_318], %swap3A_321 {strides = array<i32>} : memref<128x64xf32, #tpu.memory_space<vmem>>, vector<1x16xf32>,
      %get3A_322 = arith.index_cast %add3A_299 : i32 to index
      %get3A_323 = arith.constant 16 : index
      %get3A_324 = tpu.vector_load %arg10[%get3A_322, %get3A_323] {strides = array<i32>} : memref<128x64xf32, #tpu.memory_space<vmem>>, vector<1x16xf32>,
      %get3A_325 = vector.shape_cast %get3A_324 : vector<1x16xf32> to vector<16xf32>
      %get3A_326 = arith.index_cast %add3A_299 : i32 to index
      %get3A_327 = arith.constant 16 : index
      %get3A_328 = tpu.vector_load %arg12[%get3A_326, %get3A_327] {strides = array<i32>} : memref<128x64xf32, #tpu.memory_space<vmem>>, vector<1x16xf32>,
      %get3A_329 = vector.shape_cast %get3A_328 : vector<1x16xf32> to vector<16xf32>
      %add3A_330 = arith.addf %get3A_325, %get3A_329 : vector<16xf32>
      %get3A_331 = arith.index_cast %add3A_299 : i32 to index
      %get3A_332 = arith.constant 16 : index
      %get3A_333 = tpu.vector_load %arg14[%get3A_331, %get3A_332] {strides = array<i32>} : memref<128x64xf32, #tpu.memory_space<vmem>>, vector<1x16xf32>,
      %get3A_334 = vector.shape_cast %get3A_333 : vector<1x16xf32> to vector<16xf32>
      %add3A_335 = arith.addf %add3A_330, %get3A_334 : vector<16xf32>
      %max3A_336 = arith.constant 0.000000e+00 : f32
      %max3A_337 = vector.broadcast %max3A_336 : f32 to vector<16xf32>
      %max3A_338 = arith.maximumf %add3A_335, %max3A_337 : vector<16xf32>
      %swap3A_339 = arith.index_cast %add3A_299 : i32 to index
      %swap3A_340 = arith.constant 16 : index
      %swap3A_341 = tpu.vector_load %arg14[%swap3A_339, %swap3A_340] {strides = array<i32>} : memref<128x64xf32, #tpu.memory_space<vmem>>, vector<1x16xf32>,
      %swap3A_342 = vector.shape_cast %swap3A_341 : vector<1x16xf32> to vector<16xf32>
      %swap3A_343 = vector.shape_cast %max3A_338 : vector<16xf32> to vector<1x16xf32>
      tpu.vector_store %arg14[%swap3A_339, %swap3A_340], %swap3A_343 {strides = array<i32>} : memref<128x64xf32, #tpu.memory_space<vmem>>, vector<1x16xf32>,
      %get3A_344 = arith.index_cast %add3A_299 : i32 to index
      %get3A_345 = arith.constant 32 : index
      %get3A_346 = tpu.vector_load %arg10[%get3A_344, %get3A_345] {strides = array<i32>} : memref<128x64xf32, #tpu.memory_space<vmem>>, vector<1x16xf32>,
      %get3A_347 = vector.shape_cast %get3A_346 : vector<1x16xf32> to vector<16xf32>
      %get3A_348 = arith.index_cast %add3A_299 : i32 to index
      %get3A_349 = arith.constant 32 : index
      %get3A_350 = tpu.vector_load %arg12[%get3A_348, %get3A_349] {strides = array<i32>} : memref<128x64xf32, #tpu.memory_space<vmem>>, vector<1x16xf32>,
      %get3A_351 = vector.shape_cast %get3A_350 : vector<1x16xf32> to vector<16xf32>
      %add3A_352 = arith.addf %get3A_347, %get3A_351 : vector<16xf32>
      %get3A_353 = arith.index_cast %add3A_299 : i32 to index
      %get3A_354 = arith.constant 32 : index
      %get3A_355 = tpu.vector_load %arg14[%get3A_353, %get3A_354] {strides = array<i32>} : memref<128x64xf32, #tpu.memory_space<vmem>>, vector<1x16xf32>,
      %get3A_356 = vector.shape_cast %get3A_355 : vector<1x16xf32> to vector<16xf32>
      %add3A_357 = arith.addf %add3A_352, %get3A_356 : vector<16xf32>
      %max3A_358 = arith.constant 0.000000e+00 : f32
      %max3A_359 = vector.broadcast %max3A_358 : f32 to vector<16xf32>
      %max3A_360 = arith.maximumf %add3A_357, %max3A_359 : vector<16xf32>
      %swap3A_361 = arith.index_cast %add3A_299 : i32 to index
      %swap3A_362 = arith.constant 32 : index
      %swap3A_363 = tpu.vector_load %arg14[%swap3A_361, %swap3A_362] {strides = array<i32>} : memref<128x64xf32, #tpu.memory_space<vmem>>, vector<1x16xf32>,
      %swap3A_364 = vector.shape_cast %swap3A_363 : vector<1x16xf32> to vector<16xf32>
      %swap3A_365 = vector.shape_cast %max3A_360 : vector<16xf32> to vector<1x16xf32>
      tpu.vector_store %arg14[%swap3A_361, %swap3A_362], %swap3A_365 {strides = array<i32>} : memref<128x64xf32, #tpu.memory_space<vmem>>, vector<1x16xf32>,
      %get3A_366 = arith.index_cast %add3A_299 : i32 to index
      %get3A_367 = arith.constant 48 : index
      %get3A_368 = tpu.vector_load %arg10[%get3A_366, %get3A_367] {strides = array<i32>} : memref<128x64xf32, #tpu.memory_space<vmem>>, vector<1x16xf32>,
      %get3A_369 = vector.shape_cast %get3A_368 : vector<1x16xf32> to vector<16xf32>
      %get3A_370 = arith.index_cast %add3A_299 : i32 to index
      %get3A_371 = arith.constant 48 : index
      %get3A_372 = tpu.vector_load %arg12[%get3A_370, %get3A_371] {strides = array<i32>} : memref<128x64xf32, #tpu.memory_space<vmem>>, vector<1x16xf32>,
      %get3A_373 = vector.shape_cast %get3A_372 : vector<1x16xf32> to vector<16xf32>
      %add3A_374 = arith.addf %get3A_369, %get3A_373 : vector<16xf32>
      %get3A_375 = arith.index_cast %add3A_299 : i32 to index
      %get3A_376 = arith.constant 48 : index
      %get3A_377 = tpu.vector_load %arg14[%get3A_375, %get3A_376] {strides = array<i32>} : memref<128x64xf32, #tpu.memory_space<vmem>>, vector<1x16xf32>,
      %get3A_378 = vector.shape_cast %get3A_377 : vector<1x16xf32> to vector<16xf32>
      %add3A_379 = arith.addf %add3A_374, %get3A_378 : vector<16xf32>
      %max3A_380 = arith.constant 0.000000e+00 : f32
      %max3A_381 = vector.broadcast %max3A_380 : f32 to vector<16xf32>
      %max3A_382 = arith.maximumf %add3A_379, %max3A_381 : vector<16xf32>
      %swap3A_383 = arith.index_cast %add3A_299 : i32 to index
      %swap3A_384 = arith.constant 48 : index
      %swap3A_385 = tpu.vector_load %arg14[%swap3A_383, %swap3A_384] {strides = array<i32>} : memref<128x64xf32, #tpu.memory_space<vmem>>, vector<1x16xf32>,
      %swap3A_386 = vector.shape_cast %swap3A_385 : vector<1x16xf32> to vector<16xf32>
      %swap3A_387 = vector.shape_cast %max3A_382 : vector<16xf32> to vector<1x16xf32>
      tpu.vector_store %arg14[%swap3A_383, %swap3A_384], %swap3A_387 {strides = array<i32>} : memref<128x64xf32, #tpu.memory_space<vmem>>, vector<1x16xf32>,
      %mul3A_388 = arith.constant 4 : i32
      %mul3A_389 = arith.muli %scan3A_113, %mul3A_388 : i32
      %add3A_390 = arith.constant 3 : i32
      %add3A_391 = arith.addi %mul3A_389, %add3A_390 : i32
      %get3A_392 = arith.index_cast %add3A_391 : i32 to index
      %get3A_393 = arith.constant 0 : index
      %get3A_394 = tpu.vector_load %arg10[%get3A_392, %get3A_393] {strides = array<i32>} : memref<128x64xf32, #tpu.memory_space<vmem>>, vector<1x16xf32>,
      %get3A_395 = vector.shape_cast %get3A_394 : vector<1x16xf32> to vector<16xf32>
      %get3A_396 = arith.index_cast %add3A_391 : i32 to index
      %get3A_397 = arith.constant 0 : index
      %get3A_398 = tpu.vector_load %arg12[%get3A_396, %get3A_397] {strides = array<i32>} : memref<128x64xf32, #tpu.memory_space<vmem>>, vector<1x16xf32>,
      %get3A_399 = vector.shape_cast %get3A_398 : vector<1x16xf32> to vector<16xf32>
      %add3A_400 = arith.addf %get3A_395, %get3A_399 : vector<16xf32>
      %get3A_401 = arith.index_cast %add3A_391 : i32 to index
      %get3A_402 = arith.constant 0 : index
      %get3A_403 = tpu.vector_load %arg14[%get3A_401, %get3A_402] {strides = array<i32>} : memref<128x64xf32, #tpu.memory_space<vmem>>, vector<1x16xf32>,
      %get3A_404 = vector.shape_cast %get3A_403 : vector<1x16xf32> to vector<16xf32>
      %add3A_405 = arith.addf %add3A_400, %get3A_404 : vector<16xf32>
      %max3A_406 = arith.constant 0.000000e+00 : f32
      %max3A_407 = vector.broadcast %max3A_406 : f32 to vector<16xf32>
      %max3A_408 = arith.maximumf %add3A_405, %max3A_407 : vector<16xf32>
      %swap3A_409 = arith.index_cast %add3A_391 : i32 to index
      %swap3A_410 = arith.constant 0 : index
      %swap3A_411 = tpu.vector_load %arg14[%swap3A_409, %swap3A_410] {strides = array<i32>} : memref<128x64xf32, #tpu.memory_space<vmem>>, vector<1x16xf32>,
      %swap3A_412 = vector.shape_cast %swap3A_411 : vector<1x16xf32> to vector<16xf32>
      %swap3A_413 = vector.shape_cast %max3A_408 : vector<16xf32> to vector<1x16xf32>
      tpu.vector_store %arg14[%swap3A_409, %swap3A_410], %swap3A_413 {strides = array<i32>} : memref<128x64xf32, #tpu.memory_space<vmem>>, vector<1x16xf32>,
      %get3A_414 = arith.index_cast %add3A_391 : i32 to index
      %get3A_415 = arith.constant 16 : index
      %get3A_416 = tpu.vector_load %arg10[%get3A_414, %get3A_415] {strides = array<i32>} : memref<128x64xf32, #tpu.memory_space<vmem>>, vector<1x16xf32>,
      %get3A_417 = vector.shape_cast %get3A_416 : vector<1x16xf32> to vector<16xf32>
      %get3A_418 = arith.index_cast %add3A_391 : i32 to index
      %get3A_419 = arith.constant 16 : index
      %get3A_420 = tpu.vector_load %arg12[%get3A_418, %get3A_419] {strides = array<i32>} : memref<128x64xf32, #tpu.memory_space<vmem>>, vector<1x16xf32>,
      %get3A_421 = vector.shape_cast %get3A_420 : vector<1x16xf32> to vector<16xf32>
      %add3A_422 = arith.addf %get3A_417, %get3A_421 : vector<16xf32>
      %get3A_423 = arith.index_cast %add3A_391 : i32 to index
      %get3A_424 = arith.constant 16 : index
      %get3A_425 = tpu.vector_load %arg14[%get3A_423, %get3A_424] {strides = array<i32>} : memref<128x64xf32, #tpu.memory_space<vmem>>, vector<1x16xf32>,
      %get3A_426 = vector.shape_cast %get3A_425 : vector<1x16xf32> to vector<16xf32>
      %add3A_427 = arith.addf %add3A_422, %get3A_426 : vector<16xf32>
      %max3A_428 = arith.constant 0.000000e+00 : f32
      %max3A_429 = vector.broadcast %max3A_428 : f32 to vector<16xf32>
      %max3A_430 = arith.maximumf %add3A_427, %max3A_429 : vector<16xf32>
      %swap3A_431 = arith.index_cast %add3A_391 : i32 to index
      %swap3A_432 = arith.constant 16 : index
      %swap3A_433 = tpu.vector_load %arg14[%swap3A_431, %swap3A_432] {strides = array<i32>} : memref<128x64xf32, #tpu.memory_space<vmem>>, vector<1x16xf32>,
      %swap3A_434 = vector.shape_cast %swap3A_433 : vector<1x16xf32> to vector<16xf32>
      %swap3A_435 = vector.shape_cast %max3A_430 : vector<16xf32> to vector<1x16xf32>
      tpu.vector_store %arg14[%swap3A_431, %swap3A_432], %swap3A_435 {strides = array<i32>} : memref<128x64xf32, #tpu.memory_space<vmem>>, vector<1x16xf32>,
      %get3A_436 = arith.index_cast %add3A_391 : i32 to index
      %get3A_437 = arith.constant 32 : index
      %get3A_438 = tpu.vector_load %arg10[%get3A_436, %get3A_437] {strides = array<i32>} : memref<128x64xf32, #tpu.memory_space<vmem>>, vector<1x16xf32>,
      %get3A_439 = vector.shape_cast %get3A_438 : vector<1x16xf32> to vector<16xf32>
      %get3A_440 = arith.index_cast %add3A_391 : i32 to index
      %get3A_441 = arith.constant 32 : index
      %get3A_442 = tpu.vector_load %arg12[%get3A_440, %get3A_441] {strides = array<i32>} : memref<128x64xf32, #tpu.memory_space<vmem>>, vector<1x16xf32>,
      %get3A_443 = vector.shape_cast %get3A_442 : vector<1x16xf32> to vector<16xf32>
      %add3A_444 = arith.addf %get3A_439, %get3A_443 : vector<16xf32>
      %get3A_445 = arith.index_cast %add3A_391 : i32 to index
      %get3A_446 = arith.constant 32 : index
      %get3A_447 = tpu.vector_load %arg14[%get3A_445, %get3A_446] {strides = array<i32>} : memref<128x64xf32, #tpu.memory_space<vmem>>, vector<1x16xf32>,
      %get3A_448 = vector.shape_cast %get3A_447 : vector<1x16xf32> to vector<16xf32>
      %add3A_449 = arith.addf %add3A_444, %get3A_448 : vector<16xf32>
      %max3A_450 = arith.constant 0.000000e+00 : f32
      %max3A_451 = vector.broadcast %max3A_450 : f32 to vector<16xf32>
      %max3A_452 = arith.maximumf %add3A_449, %max3A_451 : vector<16xf32>
      %swap3A_453 = arith.index_cast %add3A_391 : i32 to index
      %swap3A_454 = arith.constant 32 : index
      %swap3A_455 = tpu.vector_load %arg14[%swap3A_453, %swap3A_454] {strides = array<i32>} : memref<128x64xf32, #tpu.memory_space<vmem>>, vector<1x16xf32>,
      %swap3A_456 = vector.shape_cast %swap3A_455 : vector<1x16xf32> to vector<16xf32>
      %swap3A_457 = vector.shape_cast %max3A_452 : vector<16xf32> to vector<1x16xf32>
      tpu.vector_store %arg14[%swap3A_453, %swap3A_454], %swap3A_457 {strides = array<i32>} : memref<128x64xf32, #tpu.memory_space<vmem>>, vector<1x16xf32>,
      %get3A_458 = arith.index_cast %add3A_391 : i32 to index
      %get3A_459 = arith.constant 48 : index
      %get3A_460 = tpu.vector_load %arg10[%get3A_458, %get3A_459] {strides = array<i32>} : memref<128x64xf32, #tpu.memory_space<vmem>>, vector<1x16xf32>,
      %get3A_461 = vector.shape_cast %get3A_460 : vector<1x16xf32> to vector<16xf32>
      %get3A_462 = arith.index_cast %add3A_391 : i32 to index
      %get3A_463 = arith.constant 48 : index
      %get3A_464 = tpu.vector_load %arg12[%get3A_462, %get3A_463] {strides = array<i32>} : memref<128x64xf32, #tpu.memory_space<vmem>>, vector<1x16xf32>,
      %get3A_465 = vector.shape_cast %get3A_464 : vector<1x16xf32> to vector<16xf32>
      %add3A_466 = arith.addf %get3A_461, %get3A_465 : vector<16xf32>
      %get3A_467 = arith.index_cast %add3A_391 : i32 to index
      %get3A_468 = arith.constant 48 : index
      %get3A_469 = tpu.vector_load %arg14[%get3A_467, %get3A_468] {strides = array<i32>} : memref<128x64xf32, #tpu.memory_space<vmem>>, vector<1x16xf32>,
      %get3A_470 = vector.shape_cast %get3A_469 : vector<1x16xf32> to vector<16xf32>
      %add3A_471 = arith.addf %add3A_466, %get3A_470 : vector<16xf32>
      %max3A_472 = arith.constant 0.000000e+00 : f32
      %max3A_473 = vector.broadcast %max3A_472 : f32 to vector<16xf32>
      %max3A_474 = arith.maximumf %add3A_471, %max3A_473 : vector<16xf32>
      %swap3A_475 = arith.index_cast %add3A_391 : i32 to index
      %swap3A_476 = arith.constant 48 : index
      %swap3A_477 = tpu.vector_load %arg14[%swap3A_475, %swap3A_476] {strides = array<i32>} : memref<128x64xf32, #tpu.memory_space<vmem>>, vector<1x16xf32>,
      %swap3A_478 = vector.shape_cast %swap3A_477 : vector<1x16xf32> to vector<16xf32>
      %swap3A_479 = vector.shape_cast %max3A_474 : vector<16xf32> to vector<1x16xf32>
      tpu.vector_store %arg14[%swap3A_475, %swap3A_476], %swap3A_479 {strides = array<i32>} : memref<128x64xf32, #tpu.memory_space<vmem>>, vector<1x16xf32>,
      %scan3A_480 = arith.constant 0 : i32
      scf.yield %scan3A_480 : i32
    }
    %scan3A_88 = arith.constant 32 : i32
    %dma_start3A_89 = arith.constant 78 : i32
    %dma_start3A_90 = arith.constant 0 : i32
    %dma_start3A_91 = tpu.memref_slice %arg9[%dma_start3A_89, %dma_start3A_90] : memref<79x128xi32, #tpu.memory_space<vmem>> -> memref<1x128xi32, #tpu.memory_space<vmem>>
    %dma_start3A_92 = tpu.memref_squeeze %dma_start3A_91 : memref<1x128xi32, #tpu.memory_space<vmem>> -> memref<128xi32, #tpu.memory_space<vmem>>
    %dma_start3A_93 = arith.constant 0 : i32
    %dma_start3A_94 = arith.constant 0 : i32
    %dma_start3A_95 = tpu.memref_slice %arg16[%dma_start3A_93, %dma_start3A_94] : memref<10240x64xf32, #tpu.memory_space<vmem_shared>> -> memref<10240x64xf32, #tpu.memory_space<vmem_shared>>
    tpu.enqueue_indirect_dma source(%arg14 : memref<128x64xf32, #tpu.memory_space<vmem>>) target(%dma_start3A_95 : memref<10240x64xf32, #tpu.memory_space<vmem_shared>>) offsets(%dma_start3A_92 : memref<128xi32, #tpu.memory_space<vmem>>) semaphore(%arg19 : memref<!tpu.dma_semaphore, #tpu.memory_space<semaphore_mem>>) {add = true}
    %dma_wait3A_96 = arith.constant 0 : i32
    %dma_wait3A_97 = arith.constant 0 : i32
    %dma_wait3A_98 = tpu.memref_slice %arg2[%dma_wait3A_96, %dma_wait3A_97] : memref<10240x64xf32, #tpu.memory_space<hbm>> -> memref<128x64xf32, #tpu.memory_space<hbm>>
    %dma_wait3A_99 = arith.constant 0 : i32
    %dma_wait3A_100 = arith.constant 0 : i32
    %dma_wait3A_101 = tpu.memref_slice %arg2[%dma_wait3A_99, %dma_wait3A_100] : memref<10240x64xf32, #tpu.memory_space<hbm>> -> memref<128x64xf32, #tpu.memory_space<hbm>>
    tpu.wait_dma2 semaphore(%arg19 : memref<!tpu.dma_semaphore, #tpu.memory_space<semaphore_mem>>) src(%dma_wait3A_101 : memref<128x64xf32, #tpu.memory_space<hbm>>) dst(%arg14 : memref<128x64xf32, #tpu.memory_space<vmem>>)
    %dma_wait3A_102 = arith.constant 0 : i32
    %dma_wait3A_103 = arith.constant 0 : i32
    %dma_wait3A_104 = tpu.memref_slice %arg2[%dma_wait3A_102, %dma_wait3A_103] : memref<10240x64xf32, #tpu.memory_space<hbm>> -> memref<128x64xf32, #tpu.memory_space<hbm>>
    %dma_wait3A_105 = arith.constant 0 : i32
    %dma_wait3A_106 = arith.constant 0 : i32
    %dma_wait3A_107 = tpu.memref_slice %arg2[%dma_wait3A_105, %dma_wait3A_106] : memref<10240x64xf32, #tpu.memory_space<hbm>> -> memref<128x64xf32, #tpu.memory_space<hbm>>
    tpu.wait_dma2 semaphore(%arg20 : memref<!tpu.dma_semaphore, #tpu.memory_space<semaphore_mem>>) src(%dma_wait3A_107 : memref<128x64xf32, #tpu.memory_space<hbm>>) dst(%arg15 : memref<128x64xf32, #tpu.memory_space<vmem>>)
    %barrier3A_108 = arith.constant 0 : index
    tpu.barrier barrier_id(%barrier3A_108)
    %mul3A_109 = arith.constant 640 : i32
    %mul3A_110 = arith.muli %arg1, %mul3A_109 : i32
    %mul3A_111 = arith.constant 640 : i32
    %mul3A_112 = arith.muli %arg1, %mul3A_111 : i32
    "tpu.region"() ({
      %run_scoped3A = tpu.sem_alloc : memref<!tpu.dma_semaphore, #tpu.memory_space<semaphore_mem>>
      %dma_start3A_113 = arith.constant 0 : i32
      %dma_start3A_114 = tpu.memref_slice %arg7[%arg0, %mul3A_112, %dma_start3A_113] : memref<2x10240x64xf32, #tpu.memory_space<hbm>> -> memref<1x640x64xf32, #tpu.memory_space<hbm>>
      %dma_start3A_115 = tpu.memref_squeeze %dma_start3A_114 : memref<1x640x64xf32, #tpu.memory_space<hbm>> -> memref<640x64xf32, #tpu.memory_space<hbm>>
      %dma_start3A_116 = arith.constant 0 : i32
      %dma_start3A_117 = tpu.memref_slice %arg16[%mul3A_110, %dma_start3A_116] : memref<10240x64xf32, #tpu.memory_space<vmem_shared>> -> memref<640x64xf32, #tpu.memory_space<vmem_shared>>
      tpu.enqueue_dma source(%dma_start3A_117 : memref<640x64xf32, #tpu.memory_space<vmem_shared>>) target(%dma_start3A_115 : memref<640x64xf32, #tpu.memory_space<hbm>>) target_semaphore(%run_scoped3A : memref<!tpu.dma_semaphore, #tpu.memory_space<semaphore_mem>>)
      %dma_wait3A_118 = arith.constant 0 : i32
      %dma_wait3A_119 = tpu.memref_slice %arg7[%arg0, %mul3A_112, %dma_wait3A_118] : memref<2x10240x64xf32, #tpu.memory_space<hbm>> -> memref<1x640x64xf32, #tpu.memory_space<hbm>>
      %dma_wait3A_120 = tpu.memref_squeeze %dma_wait3A_119 : memref<1x640x64xf32, #tpu.memory_space<hbm>> -> memref<640x64xf32, #tpu.memory_space<hbm>>
      %dma_wait3A_121 = arith.constant 0 : i32
      %dma_wait3A_122 = tpu.memref_slice %arg16[%mul3A_110, %dma_wait3A_121] : memref<10240x64xf32, #tpu.memory_space<vmem_shared>> -> memref<640x64xf32, #tpu.memory_space<vmem_shared>>
      tpu.wait_dma2 semaphore(%run_scoped3A : memref<!tpu.dma_semaphore, #tpu.memory_space<semaphore_mem>>) src(%dma_wait3A_122 : memref<640x64xf32, #tpu.memory_space<vmem_shared>>) dst(%dma_wait3A_120 : memref<640x64xf32, #tpu.memory_space<hbm>>)
      tpu.yield
    }) : () -> ()
    return
  }
}

#map = affine_map<(d0, d1) -> (0, 0)>
#map1 = affine_map<(d0, d1) -> (0, 0, 0)>
module attributes {stable_mosaic.version = 14 : i64} {
  func.func @_edge_phase(%arg0: i32, %arg1: i32, %arg2: memref<10240x64xf32, #tpu.memory_space<hbm>>, %arg3: memref<10240x64xf32, #tpu.memory_space<hbm>>, %arg4: memref<161792x128xf32, #tpu.memory_space<hbm>>, %arg5: memref<32x79x128xi32, #tpu.memory_space<hbm>>, %arg6: memref<32x79x128xi32, #tpu.memory_space<hbm>>, %arg7: memref<2x10240x64xf32, #tpu.memory_space<hbm>>, %arg8: memref<79x128xi32, #tpu.memory_space<vmem>>, %arg9: memref<79x128xi32, #tpu.memory_space<vmem>>, %arg10: memref<128x64xf32, #tpu.memory_space<vmem>>, %arg11: memref<128x64xf32, #tpu.memory_space<vmem>>, %arg12: memref<128x64xf32, #tpu.memory_space<vmem>>, %arg13: memref<128x64xf32, #tpu.memory_space<vmem>>, %arg14: memref<128x64xf32, #tpu.memory_space<vmem>>, %arg15: memref<128x64xf32, #tpu.memory_space<vmem>>, %arg16: memref<10240x64xf32, #tpu.memory_space<vmem_shared>>, %arg17: memref<!tpu.dma_semaphore, #tpu.memory_space<semaphore_mem>>, %arg18: memref<!tpu.dma_semaphore, #tpu.memory_space<semaphore_mem>>, %arg19: memref<!tpu.dma_semaphore, #tpu.memory_space<semaphore_mem>>, %arg20: memref<!tpu.dma_semaphore, #tpu.memory_space<semaphore_mem>>) attributes {dimension_semantics = [#tpu.dimension_semantics<core_parallel>, #tpu.dimension_semantics<subcore_parallel>], iteration_bounds = array<i64: 2, 16>, scalar_prefetch = 0 : i64, scratch_operands = 13 : i64, tpu.core_type = #tpu.core_type<sc_vector_subcore>, window_params = [{transform_indices = #map}, {transform_indices = #map}, {transform_indices = #map}, {transform_indices = #map1}, {transform_indices = #map1}, {transform_indices = #map1}]} {
    %mul3A = arith.constant 2 : i32
    %mul3A_0 = arith.muli %arg1, %mul3A : i32
    %add3A = arith.addi %mul3A_0, %arg0 : i32
    %broadcast_in_dim3A = arith.constant 0.000000e+00 : f32
    %broadcast_in_dim3A_1 = vector.broadcast %broadcast_in_dim3A : f32 to vector<16xf32>
    %scan3A = arith.constant 0 : i32
    %scan3A_2 = arith.constant 0 : i32
    %scan3A_3 = arith.constant 128 : i32
    %scan3A_4 = arith.addi %scan3A_2, %scan3A_3 : i32
    %scan3A_5 = arith.constant 1 : i32
    %scan3A_6 = scf.for %scan3A_113 = %scan3A_2 to %scan3A_4 step %scan3A_5 iter_args(%scan3A_114 = %scan3A) -> (i32)  : i32 {
      %swap3A = arith.index_cast %scan3A_113 : i32 to index
      %swap3A_115 = arith.constant 0 : index
      %swap3A_116 = tpu.vector_load %arg14[%swap3A, %swap3A_115] {strides = array<i32>} : memref<128x64xf32, #tpu.memory_space<vmem>>, vector<1x16xf32>,
      %swap3A_117 = vector.shape_cast %swap3A_116 : vector<1x16xf32> to vector<16xf32>
      %swap3A_118 = vector.shape_cast %broadcast_in_dim3A_1 : vector<16xf32> to vector<1x16xf32>
      tpu.vector_store %arg14[%swap3A, %swap3A_115], %swap3A_118 {strides = array<i32>} : memref<128x64xf32, #tpu.memory_space<vmem>>, vector<1x16xf32>,
      %swap3A_119 = arith.index_cast %scan3A_113 : i32 to index
      %swap3A_120 = arith.constant 16 : index
      %swap3A_121 = tpu.vector_load %arg14[%swap3A_119, %swap3A_120] {strides = array<i32>} : memref<128x64xf32, #tpu.memory_space<vmem>>, vector<1x16xf32>,
      %swap3A_122 = vector.shape_cast %swap3A_121 : vector<1x16xf32> to vector<16xf32>
      %swap3A_123 = vector.shape_cast %broadcast_in_dim3A_1 : vector<16xf32> to vector<1x16xf32>
      tpu.vector_store %arg14[%swap3A_119, %swap3A_120], %swap3A_123 {strides = array<i32>} : memref<128x64xf32, #tpu.memory_space<vmem>>, vector<1x16xf32>,
      %swap3A_124 = arith.index_cast %scan3A_113 : i32 to index
      %swap3A_125 = arith.constant 32 : index
      %swap3A_126 = tpu.vector_load %arg14[%swap3A_124, %swap3A_125] {strides = array<i32>} : memref<128x64xf32, #tpu.memory_space<vmem>>, vector<1x16xf32>,
      %swap3A_127 = vector.shape_cast %swap3A_126 : vector<1x16xf32> to vector<16xf32>
      %swap3A_128 = vector.shape_cast %broadcast_in_dim3A_1 : vector<16xf32> to vector<1x16xf32>
      tpu.vector_store %arg14[%swap3A_124, %swap3A_125], %swap3A_128 {strides = array<i32>} : memref<128x64xf32, #tpu.memory_space<vmem>>, vector<1x16xf32>,
      %swap3A_129 = arith.index_cast %scan3A_113 : i32 to index
      %swap3A_130 = arith.constant 48 : index
      %swap3A_131 = tpu.vector_load %arg14[%swap3A_129, %swap3A_130] {strides = array<i32>} : memref<128x64xf32, #tpu.memory_space<vmem>>, vector<1x16xf32>,
      %swap3A_132 = vector.shape_cast %swap3A_131 : vector<1x16xf32> to vector<16xf32>
      %swap3A_133 = vector.shape_cast %broadcast_in_dim3A_1 : vector<16xf32> to vector<1x16xf32>
      tpu.vector_store %arg14[%swap3A_129, %swap3A_130], %swap3A_133 {strides = array<i32>} : memref<128x64xf32, #tpu.memory_space<vmem>>, vector<1x16xf32>,
      %scan3A_134 = arith.constant 0 : i32
      scf.yield %scan3A_134 : i32
    }
    %scan3A_7 = arith.constant 128 : i32
    %mul3A_8 = arith.constant 640 : i32
    %mul3A_9 = arith.muli %arg1, %mul3A_8 : i32
    %add3A_10 = arith.constant 0 : i32
    %add3A_11 = arith.addi %mul3A_9, %add3A_10 : i32
    "tpu.region"() ({
      %run_scoped3A = tpu.sem_alloc : memref<!tpu.dma_semaphore, #tpu.memory_space<semaphore_mem>>
      %dma_start3A_113 = arith.constant 0 : i32
      %dma_start3A_114 = tpu.memref_slice %arg16[%add3A_11, %dma_start3A_113] : memref<10240x64xf32, #tpu.memory_space<vmem_shared>> -> memref<128x64xf32, #tpu.memory_space<vmem_shared>>
      %dma_start3A_115 = arith.constant 0 : i32
      %dma_start3A_116 = tpu.memref_slice %arg16[%add3A_11, %dma_start3A_115] : memref<10240x64xf32, #tpu.memory_space<vmem_shared>> -> memref<128x64xf32, #tpu.memory_space<vmem_shared>>
      tpu.enqueue_dma source(%arg14 : memref<128x64xf32, #tpu.memory_space<vmem>>) target(%dma_start3A_116 : memref<128x64xf32, #tpu.memory_space<vmem_shared>>) target_semaphore(%run_scoped3A : memref<!tpu.dma_semaphore, #tpu.memory_space<semaphore_mem>>)
      %dma_wait3A_117 = arith.constant 0 : i32
      %dma_wait3A_118 = tpu.memref_slice %arg16[%add3A_11, %dma_wait3A_117] : memref<10240x64xf32, #tpu.memory_space<vmem_shared>> -> memref<128x64xf32, #tpu.memory_space<vmem_shared>>
      %dma_wait3A_119 = arith.constant 0 : i32
      %dma_wait3A_120 = tpu.memref_slice %arg16[%add3A_11, %dma_wait3A_119] : memref<10240x64xf32, #tpu.memory_space<vmem_shared>> -> memref<128x64xf32, #tpu.memory_space<vmem_shared>>
      tpu.wait_dma2 semaphore(%run_scoped3A : memref<!tpu.dma_semaphore, #tpu.memory_space<semaphore_mem>>) src(%arg14 : memref<128x64xf32, #tpu.memory_space<vmem>>) dst(%dma_wait3A_120 : memref<128x64xf32, #tpu.memory_space<vmem_shared>>)
      tpu.yield
    }) : () -> ()
    %mul3A_12 = arith.constant 640 : i32
    %mul3A_13 = arith.muli %arg1, %mul3A_12 : i32
    %add3A_14 = arith.constant 128 : i32
    %add3A_15 = arith.addi %mul3A_13, %add3A_14 : i32
    "tpu.region"() ({
      %run_scoped3A = tpu.sem_alloc : memref<!tpu.dma_semaphore, #tpu.memory_space<semaphore_mem>>
      %dma_start3A_113 = arith.constant 0 : i32
      %dma_start3A_114 = tpu.memref_slice %arg16[%add3A_15, %dma_start3A_113] : memref<10240x64xf32, #tpu.memory_space<vmem_shared>> -> memref<128x64xf32, #tpu.memory_space<vmem_shared>>
      %dma_start3A_115 = arith.constant 0 : i32
      %dma_start3A_116 = tpu.memref_slice %arg16[%add3A_15, %dma_start3A_115] : memref<10240x64xf32, #tpu.memory_space<vmem_shared>> -> memref<128x64xf32, #tpu.memory_space<vmem_shared>>
      tpu.enqueue_dma source(%arg14 : memref<128x64xf32, #tpu.memory_space<vmem>>) target(%dma_start3A_116 : memref<128x64xf32, #tpu.memory_space<vmem_shared>>) target_semaphore(%run_scoped3A : memref<!tpu.dma_semaphore, #tpu.memory_space<semaphore_mem>>)
      %dma_wait3A_117 = arith.constant 0 : i32
      %dma_wait3A_118 = tpu.memref_slice %arg16[%add3A_15, %dma_wait3A_117] : memref<10240x64xf32, #tpu.memory_space<vmem_shared>> -> memref<128x64xf32, #tpu.memory_space<vmem_shared>>
      %dma_wait3A_119 = arith.constant 0 : i32
      %dma_wait3A_120 = tpu.memref_slice %arg16[%add3A_15, %dma_wait3A_119] : memref<10240x64xf32, #tpu.memory_space<vmem_shared>> -> memref<128x64xf32, #tpu.memory_space<vmem_shared>>
      tpu.wait_dma2 semaphore(%run_scoped3A : memref<!tpu.dma_semaphore, #tpu.memory_space<semaphore_mem>>) src(%arg14 : memref<128x64xf32, #tpu.memory_space<vmem>>) dst(%dma_wait3A_120 : memref<128x64xf32, #tpu.memory_space<vmem_shared>>)
      tpu.yield
    }) : () -> ()
    %mul3A_16 = arith.constant 640 : i32
    %mul3A_17 = arith.muli %arg1, %mul3A_16 : i32
    %add3A_18 = arith.constant 256 : i32
    %add3A_19 = arith.addi %mul3A_17, %add3A_18 : i32
    "tpu.region"() ({
      %run_scoped3A = tpu.sem_alloc : memref<!tpu.dma_semaphore, #tpu.memory_space<semaphore_mem>>
      %dma_start3A_113 = arith.constant 0 : i32
      %dma_start3A_114 = tpu.memref_slice %arg16[%add3A_19, %dma_start3A_113] : memref<10240x64xf32, #tpu.memory_space<vmem_shared>> -> memref<128x64xf32, #tpu.memory_space<vmem_shared>>
      %dma_start3A_115 = arith.constant 0 : i32
      %dma_start3A_116 = tpu.memref_slice %arg16[%add3A_19, %dma_start3A_115] : memref<10240x64xf32, #tpu.memory_space<vmem_shared>> -> memref<128x64xf32, #tpu.memory_space<vmem_shared>>
      tpu.enqueue_dma source(%arg14 : memref<128x64xf32, #tpu.memory_space<vmem>>) target(%dma_start3A_116 : memref<128x64xf32, #tpu.memory_space<vmem_shared>>) target_semaphore(%run_scoped3A : memref<!tpu.dma_semaphore, #tpu.memory_space<semaphore_mem>>)
      %dma_wait3A_117 = arith.constant 0 : i32
      %dma_wait3A_118 = tpu.memref_slice %arg16[%add3A_19, %dma_wait3A_117] : memref<10240x64xf32, #tpu.memory_space<vmem_shared>> -> memref<128x64xf32, #tpu.memory_space<vmem_shared>>
      %dma_wait3A_119 = arith.constant 0 : i32
      %dma_wait3A_120 = tpu.memref_slice %arg16[%add3A_19, %dma_wait3A_119] : memref<10240x64xf32, #tpu.memory_space<vmem_shared>> -> memref<128x64xf32, #tpu.memory_space<vmem_shared>>
      tpu.wait_dma2 semaphore(%run_scoped3A : memref<!tpu.dma_semaphore, #tpu.memory_space<semaphore_mem>>) src(%arg14 : memref<128x64xf32, #tpu.memory_space<vmem>>) dst(%dma_wait3A_120 : memref<128x64xf32, #tpu.memory_space<vmem_shared>>)
      tpu.yield
    }) : () -> ()
    %mul3A_20 = arith.constant 640 : i32
    %mul3A_21 = arith.muli %arg1, %mul3A_20 : i32
    %add3A_22 = arith.constant 384 : i32
    %add3A_23 = arith.addi %mul3A_21, %add3A_22 : i32
    "tpu.region"() ({
      %run_scoped3A = tpu.sem_alloc : memref<!tpu.dma_semaphore, #tpu.memory_space<semaphore_mem>>
      %dma_start3A_113 = arith.constant 0 : i32
      %dma_start3A_114 = tpu.memref_slice %arg16[%add3A_23, %dma_start3A_113] : memref<10240x64xf32, #tpu.memory_space<vmem_shared>> -> memref<128x64xf32, #tpu.memory_space<vmem_shared>>
      %dma_start3A_115 = arith.constant 0 : i32
      %dma_start3A_116 = tpu.memref_slice %arg16[%add3A_23, %dma_start3A_115] : memref<10240x64xf32, #tpu.memory_space<vmem_shared>> -> memref<128x64xf32, #tpu.memory_space<vmem_shared>>
      tpu.enqueue_dma source(%arg14 : memref<128x64xf32, #tpu.memory_space<vmem>>) target(%dma_start3A_116 : memref<128x64xf32, #tpu.memory_space<vmem_shared>>) target_semaphore(%run_scoped3A : memref<!tpu.dma_semaphore, #tpu.memory_space<semaphore_mem>>)
      %dma_wait3A_117 = arith.constant 0 : i32
      %dma_wait3A_118 = tpu.memref_slice %arg16[%add3A_23, %dma_wait3A_117] : memref<10240x64xf32, #tpu.memory_space<vmem_shared>> -> memref<128x64xf32, #tpu.memory_space<vmem_shared>>
      %dma_wait3A_119 = arith.constant 0 : i32
      %dma_wait3A_120 = tpu.memref_slice %arg16[%add3A_23, %dma_wait3A_119] : memref<10240x64xf32, #tpu.memory_space<vmem_shared>> -> memref<128x64xf32, #tpu.memory_space<vmem_shared>>
      tpu.wait_dma2 semaphore(%run_scoped3A : memref<!tpu.dma_semaphore, #tpu.memory_space<semaphore_mem>>) src(%arg14 : memref<128x64xf32, #tpu.memory_space<vmem>>) dst(%dma_wait3A_120 : memref<128x64xf32, #tpu.memory_space<vmem_shared>>)
      tpu.yield
    }) : () -> ()
    %mul3A_24 = arith.constant 640 : i32
    %mul3A_25 = arith.muli %arg1, %mul3A_24 : i32
    %add3A_26 = arith.constant 512 : i32
    %add3A_27 = arith.addi %mul3A_25, %add3A_26 : i32
    "tpu.region"() ({
      %run_scoped3A = tpu.sem_alloc : memref<!tpu.dma_semaphore, #tpu.memory_space<semaphore_mem>>
      %dma_start3A_113 = arith.constant 0 : i32
      %dma_start3A_114 = tpu.memref_slice %arg16[%add3A_27, %dma_start3A_113] : memref<10240x64xf32, #tpu.memory_space<vmem_shared>> -> memref<128x64xf32, #tpu.memory_space<vmem_shared>>
      %dma_start3A_115 = arith.constant 0 : i32
      %dma_start3A_116 = tpu.memref_slice %arg16[%add3A_27, %dma_start3A_115] : memref<10240x64xf32, #tpu.memory_space<vmem_shared>> -> memref<128x64xf32, #tpu.memory_space<vmem_shared>>
      tpu.enqueue_dma source(%arg14 : memref<128x64xf32, #tpu.memory_space<vmem>>) target(%dma_start3A_116 : memref<128x64xf32, #tpu.memory_space<vmem_shared>>) target_semaphore(%run_scoped3A : memref<!tpu.dma_semaphore, #tpu.memory_space<semaphore_mem>>)
      %dma_wait3A_117 = arith.constant 0 : i32
      %dma_wait3A_118 = tpu.memref_slice %arg16[%add3A_27, %dma_wait3A_117] : memref<10240x64xf32, #tpu.memory_space<vmem_shared>> -> memref<128x64xf32, #tpu.memory_space<vmem_shared>>
      %dma_wait3A_119 = arith.constant 0 : i32
      %dma_wait3A_120 = tpu.memref_slice %arg16[%add3A_27, %dma_wait3A_119] : memref<10240x64xf32, #tpu.memory_space<vmem_shared>> -> memref<128x64xf32, #tpu.memory_space<vmem_shared>>
      tpu.wait_dma2 semaphore(%run_scoped3A : memref<!tpu.dma_semaphore, #tpu.memory_space<semaphore_mem>>) src(%arg14 : memref<128x64xf32, #tpu.memory_space<vmem>>) dst(%dma_wait3A_120 : memref<128x64xf32, #tpu.memory_space<vmem_shared>>)
      tpu.yield
    }) : () -> ()
    %barrier3A = arith.constant 0 : index
    tpu.barrier barrier_id(%barrier3A)
    "tpu.region"() ({
      %run_scoped3A = tpu.sem_alloc : memref<!tpu.dma_semaphore, #tpu.memory_space<semaphore_mem>>
      %dma_start3A_113 = arith.constant 0 : i32
      %dma_start3A_114 = arith.constant 0 : i32
      %dma_start3A_115 = tpu.memref_slice %arg5[%add3A, %dma_start3A_113, %dma_start3A_114] : memref<32x79x128xi32, #tpu.memory_space<hbm>> -> memref<1x79x128xi32, #tpu.memory_space<hbm>>
      %dma_start3A_116 = tpu.memref_squeeze %dma_start3A_115 : memref<1x79x128xi32, #tpu.memory_space<hbm>> -> memref<79x128xi32, #tpu.memory_space<hbm>>
      %dma_start3A_117 = arith.constant 0 : i32
      %dma_start3A_118 = arith.constant 0 : i32
      %dma_start3A_119 = tpu.memref_slice %arg5[%add3A, %dma_start3A_117, %dma_start3A_118] : memref<32x79x128xi32, #tpu.memory_space<hbm>> -> memref<1x79x128xi32, #tpu.memory_space<hbm>>
      %dma_start3A_120 = tpu.memref_squeeze %dma_start3A_119 : memref<1x79x128xi32, #tpu.memory_space<hbm>> -> memref<79x128xi32, #tpu.memory_space<hbm>>
      tpu.enqueue_dma source(%dma_start3A_120 : memref<79x128xi32, #tpu.memory_space<hbm>>) target(%arg8 : memref<79x128xi32, #tpu.memory_space<vmem>>) target_semaphore(%run_scoped3A : memref<!tpu.dma_semaphore, #tpu.memory_space<semaphore_mem>>)
      %dma_wait3A_121 = arith.constant 0 : i32
      %dma_wait3A_122 = arith.constant 0 : i32
      %dma_wait3A_123 = tpu.memref_slice %arg5[%add3A, %dma_wait3A_121, %dma_wait3A_122] : memref<32x79x128xi32, #tpu.memory_space<hbm>> -> memref<1x79x128xi32, #tpu.memory_space<hbm>>
      %dma_wait3A_124 = tpu.memref_squeeze %dma_wait3A_123 : memref<1x79x128xi32, #tpu.memory_space<hbm>> -> memref<79x128xi32, #tpu.memory_space<hbm>>
      %dma_wait3A_125 = arith.constant 0 : i32
      %dma_wait3A_126 = arith.constant 0 : i32
      %dma_wait3A_127 = tpu.memref_slice %arg5[%add3A, %dma_wait3A_125, %dma_wait3A_126] : memref<32x79x128xi32, #tpu.memory_space<hbm>> -> memref<1x79x128xi32, #tpu.memory_space<hbm>>
      %dma_wait3A_128 = tpu.memref_squeeze %dma_wait3A_127 : memref<1x79x128xi32, #tpu.memory_space<hbm>> -> memref<79x128xi32, #tpu.memory_space<hbm>>
      tpu.wait_dma2 semaphore(%run_scoped3A : memref<!tpu.dma_semaphore, #tpu.memory_space<semaphore_mem>>) src(%dma_wait3A_128 : memref<79x128xi32, #tpu.memory_space<hbm>>) dst(%arg8 : memref<79x128xi32, #tpu.memory_space<vmem>>)
      tpu.yield
    }) : () -> ()
    "tpu.region"() ({
      %run_scoped3A = tpu.sem_alloc : memref<!tpu.dma_semaphore, #tpu.memory_space<semaphore_mem>>
      %dma_start3A_113 = arith.constant 0 : i32
      %dma_start3A_114 = arith.constant 0 : i32
      %dma_start3A_115 = tpu.memref_slice %arg6[%add3A, %dma_start3A_113, %dma_start3A_114] : memref<32x79x128xi32, #tpu.memory_space<hbm>> -> memref<1x79x128xi32, #tpu.memory_space<hbm>>
      %dma_start3A_116 = tpu.memref_squeeze %dma_start3A_115 : memref<1x79x128xi32, #tpu.memory_space<hbm>> -> memref<79x128xi32, #tpu.memory_space<hbm>>
      %dma_start3A_117 = arith.constant 0 : i32
      %dma_start3A_118 = arith.constant 0 : i32
      %dma_start3A_119 = tpu.memref_slice %arg6[%add3A, %dma_start3A_117, %dma_start3A_118] : memref<32x79x128xi32, #tpu.memory_space<hbm>> -> memref<1x79x128xi32, #tpu.memory_space<hbm>>
      %dma_start3A_120 = tpu.memref_squeeze %dma_start3A_119 : memref<1x79x128xi32, #tpu.memory_space<hbm>> -> memref<79x128xi32, #tpu.memory_space<hbm>>
      tpu.enqueue_dma source(%dma_start3A_120 : memref<79x128xi32, #tpu.memory_space<hbm>>) target(%arg9 : memref<79x128xi32, #tpu.memory_space<vmem>>) target_semaphore(%run_scoped3A : memref<!tpu.dma_semaphore, #tpu.memory_space<semaphore_mem>>)
      %dma_wait3A_121 = arith.constant 0 : i32
      %dma_wait3A_122 = arith.constant 0 : i32
      %dma_wait3A_123 = tpu.memref_slice %arg6[%add3A, %dma_wait3A_121, %dma_wait3A_122] : memref<32x79x128xi32, #tpu.memory_space<hbm>> -> memref<1x79x128xi32, #tpu.memory_space<hbm>>
      %dma_wait3A_124 = tpu.memref_squeeze %dma_wait3A_123 : memref<1x79x128xi32, #tpu.memory_space<hbm>> -> memref<79x128xi32, #tpu.memory_space<hbm>>
      %dma_wait3A_125 = arith.constant 0 : i32
      %dma_wait3A_126 = arith.constant 0 : i32
      %dma_wait3A_127 = tpu.memref_slice %arg6[%add3A, %dma_wait3A_125, %dma_wait3A_126] : memref<32x79x128xi32, #tpu.memory_space<hbm>> -> memref<1x79x128xi32, #tpu.memory_space<hbm>>
      %dma_wait3A_128 = tpu.memref_squeeze %dma_wait3A_127 : memref<1x79x128xi32, #tpu.memory_space<hbm>> -> memref<79x128xi32, #tpu.memory_space<hbm>>
      tpu.wait_dma2 semaphore(%run_scoped3A : memref<!tpu.dma_semaphore, #tpu.memory_space<semaphore_mem>>) src(%dma_wait3A_128 : memref<79x128xi32, #tpu.memory_space<hbm>>) dst(%arg9 : memref<79x128xi32, #tpu.memory_space<vmem>>)
      tpu.yield
    }) : () -> ()
    %add3A_28 = arith.constant 0 : i32
    %add3A_29 = arith.addi %add3A_28, %add3A : i32
    %mul3A_30 = arith.constant 128 : i32
    %mul3A_31 = arith.muli %add3A_29, %mul3A_30 : i32
    %shift_right_logical3A = arith.constant 12 : i32
    %shift_right_logical3A_32 = arith.shrui %mul3A_31, %shift_right_logical3A : i32
    %mul3A_33 = arith.constant 2048 : i32
    %mul3A_34 = arith.muli %shift_right_logical3A_32, %mul3A_33 : i32
    %and3A = arith.constant 2047 : i32
    %and3A_35 = arith.andi %mul3A_31, %and3A : i32
    %add3A_36 = arith.addi %mul3A_34, %and3A_35 : i32
    %shift_right_logical3A_37 = arith.constant 11 : i32
    %shift_right_logical3A_38 = arith.shrui %mul3A_31, %shift_right_logical3A_37 : i32
    %and3A_39 = arith.constant 1 : i32
    %and3A_40 = arith.andi %shift_right_logical3A_38, %and3A_39 : i32
    %mul3A_41 = arith.constant 64 : i32
    %mul3A_42 = arith.muli %and3A_40, %mul3A_41 : i32
    %dma_start3A = arith.constant 0 : i32
    %dma_start3A_43 = arith.constant 0 : i32
    %dma_start3A_44 = tpu.memref_slice %arg8[%dma_start3A, %dma_start3A_43] : memref<79x128xi32, #tpu.memory_space<vmem>> -> memref<1x128xi32, #tpu.memory_space<vmem>>
    %dma_start3A_45 = tpu.memref_squeeze %dma_start3A_44 : memref<1x128xi32, #tpu.memory_space<vmem>> -> memref<128xi32, #tpu.memory_space<vmem>>
    %dma_start3A_46 = arith.constant 0 : i32
    %dma_start3A_47 = arith.constant 0 : i32
    %dma_start3A_48 = tpu.memref_slice %arg2[%dma_start3A_46, %dma_start3A_47] : memref<10240x64xf32, #tpu.memory_space<hbm>> -> memref<10240x64xf32, #tpu.memory_space<hbm>>
    tpu.enqueue_indirect_dma source(%dma_start3A_48 : memref<10240x64xf32, #tpu.memory_space<hbm>>) target(%arg10 : memref<128x64xf32, #tpu.memory_space<vmem>>) offsets(%dma_start3A_45 : memref<128xi32, #tpu.memory_space<vmem>>) semaphore(%arg17 : memref<!tpu.dma_semaphore, #tpu.memory_space<semaphore_mem>>)
    %dma_start3A_49 = arith.constant 0 : i32
    %dma_start3A_50 = arith.constant 0 : i32
    %dma_start3A_51 = tpu.memref_slice %arg9[%dma_start3A_49, %dma_start3A_50] : memref<79x128xi32, #tpu.memory_space<vmem>> -> memref<1x128xi32, #tpu.memory_space<vmem>>
    %dma_start3A_52 = tpu.memref_squeeze %dma_start3A_51 : memref<1x128xi32, #tpu.memory_space<vmem>> -> memref<128xi32, #tpu.memory_space<vmem>>
    %dma_start3A_53 = arith.constant 0 : i32
    %dma_start3A_54 = arith.constant 0 : i32
    %dma_start3A_55 = tpu.memref_slice %arg3[%dma_start3A_53, %dma_start3A_54] : memref<10240x64xf32, #tpu.memory_space<hbm>> -> memref<10240x64xf32, #tpu.memory_space<hbm>>
    tpu.enqueue_indirect_dma source(%dma_start3A_55 : memref<10240x64xf32, #tpu.memory_space<hbm>>) target(%arg12 : memref<128x64xf32, #tpu.memory_space<vmem>>) offsets(%dma_start3A_52 : memref<128xi32, #tpu.memory_space<vmem>>) semaphore(%arg17 : memref<!tpu.dma_semaphore, #tpu.memory_space<semaphore_mem>>)
    %dma_start3A_56 = tpu.memref_slice %arg4[%add3A_36, %mul3A_42] : memref<161792x128xf32, #tpu.memory_space<hbm>> -> memref<128x64xf32, #tpu.memory_space<hbm>>
    %dma_start3A_57 = tpu.memref_slice %arg4[%add3A_36, %mul3A_42] : memref<161792x128xf32, #tpu.memory_space<hbm>> -> memref<128x64xf32, #tpu.memory_space<hbm>>
    tpu.enqueue_dma source(%dma_start3A_57 : memref<128x64xf32, #tpu.memory_space<hbm>>) target(%arg14 : memref<128x64xf32, #tpu.memory_space<vmem>>) target_semaphore(%arg17 : memref<!tpu.dma_semaphore, #tpu.memory_space<semaphore_mem>>)
    %scan3A_58 = arith.constant 0 : i32
    %scan3A_59 = arith.constant 0 : i32
    %scan3A_60 = arith.constant 39 : i32
    %scan3A_61 = arith.addi %scan3A_59, %scan3A_60 : i32
    %scan3A_62 = arith.constant 1 : i32
    %scan3A_63 = scf.for %scan3A_113 = %scan3A_59 to %scan3A_61 step %scan3A_62 iter_args(%scan3A_114 = %scan3A_58) -> (i32)  : i32 {
      %mul3A_115 = arith.constant 2 : i32
      %mul3A_116 = arith.muli %mul3A_115, %scan3A_113 : i32
      %add3A_117 = arith.constant 1 : i32
      %add3A_118 = arith.addi %mul3A_116, %add3A_117 : i32
      %ge3A = arith.constant 2 : i32
      %ge3A_119 = arith.cmpi sge, %add3A_118, %ge3A : i32
      %convert_element_type3A = arith.extui %ge3A_119 : i1 to i32
      %cond3A = arith.constant 0 : i32
      %cond3A_120 = arith.cmpi ne, %convert_element_type3A, %cond3A : i32
      scf.if %cond3A_120 {
        %dma_wait3A_257 = arith.constant 0 : i32
        %dma_wait3A_258 = arith.constant 0 : i32
        %dma_wait3A_259 = tpu.memref_slice %arg2[%dma_wait3A_257, %dma_wait3A_258] : memref<10240x64xf32, #tpu.memory_space<hbm>> -> memref<128x64xf32, #tpu.memory_space<hbm>>
        %dma_wait3A_260 = arith.constant 0 : i32
        %dma_wait3A_261 = arith.constant 0 : i32
        %dma_wait3A_262 = tpu.memref_slice %arg2[%dma_wait3A_260, %dma_wait3A_261] : memref<10240x64xf32, #tpu.memory_space<hbm>> -> memref<128x64xf32, #tpu.memory_space<hbm>>
        tpu.wait_dma2 semaphore(%arg20 : memref<!tpu.dma_semaphore, #tpu.memory_space<semaphore_mem>>) src(%dma_wait3A_262 : memref<128x64xf32, #tpu.memory_space<hbm>>) dst(%arg15 : memref<128x64xf32, #tpu.memory_space<vmem>>)
      } else {
      }
      %mul3A_121 = arith.constant 32 : i32
      %mul3A_122 = arith.muli %add3A_118, %mul3A_121 : i32
      %add3A_123 = arith.addi %mul3A_122, %add3A : i32
      %mul3A_124 = arith.constant 128 : i32
      %mul3A_125 = arith.muli %add3A_123, %mul3A_124 : i32
      %shift_right_logical3A_126 = arith.constant 12 : i32
      %shift_right_logical3A_127 = arith.shrui %mul3A_125, %shift_right_logical3A_126 : i32
      %mul3A_128 = arith.constant 2048 : i32
      %mul3A_129 = arith.muli %shift_right_logical3A_127, %mul3A_128 : i32
      %and3A_130 = arith.constant 2047 : i32
      %and3A_131 = arith.andi %mul3A_125, %and3A_130 : i32
      %add3A_132 = arith.addi %mul3A_129, %and3A_131 : i32
      %shift_right_logical3A_133 = arith.constant 11 : i32
      %shift_right_logical3A_134 = arith.shrui %mul3A_125, %shift_right_logical3A_133 : i32
      %and3A_135 = arith.constant 1 : i32
      %and3A_136 = arith.andi %shift_right_logical3A_134, %and3A_135 : i32
      %mul3A_137 = arith.constant 64 : i32
      %mul3A_138 = arith.muli %and3A_136, %mul3A_137 : i32
      %dma_start3A_139 = arith.constant 0 : i32
      %dma_start3A_140 = tpu.memref_slice %arg8[%add3A_118, %dma_start3A_139] : memref<79x128xi32, #tpu.memory_space<vmem>> -> memref<1x128xi32, #tpu.memory_space<vmem>>
      %dma_start3A_141 = tpu.memref_squeeze %dma_start3A_140 : memref<1x128xi32, #tpu.memory_space<vmem>> -> memref<128xi32, #tpu.memory_space<vmem>>
      %dma_start3A_142 = arith.constant 0 : i32
      %dma_start3A_143 = arith.constant 0 : i32
      %dma_start3A_144 = tpu.memref_slice %arg2[%dma_start3A_142, %dma_start3A_143] : memref<10240x64xf32, #tpu.memory_space<hbm>> -> memref<10240x64xf32, #tpu.memory_space<hbm>>
      tpu.enqueue_indirect_dma source(%dma_start3A_144 : memref<10240x64xf32, #tpu.memory_space<hbm>>) target(%arg11 : memref<128x64xf32, #tpu.memory_space<vmem>>) offsets(%dma_start3A_141 : memref<128xi32, #tpu.memory_space<vmem>>) semaphore(%arg18 : memref<!tpu.dma_semaphore, #tpu.memory_space<semaphore_mem>>)
      %dma_start3A_145 = arith.constant 0 : i32
      %dma_start3A_146 = tpu.memref_slice %arg9[%add3A_118, %dma_start3A_145] : memref<79x128xi32, #tpu.memory_space<vmem>> -> memref<1x128xi32, #tpu.memory_space<vmem>>
      %dma_start3A_147 = tpu.memref_squeeze %dma_start3A_146 : memref<1x128xi32, #tpu.memory_space<vmem>> -> memref<128xi32, #tpu.memory_space<vmem>>
      %dma_start3A_148 = arith.constant 0 : i32
      %dma_start3A_149 = arith.constant 0 : i32
      %dma_start3A_150 = tpu.memref_slice %arg3[%dma_start3A_148, %dma_start3A_149] : memref<10240x64xf32, #tpu.memory_space<hbm>> -> memref<10240x64xf32, #tpu.memory_space<hbm>>
      tpu.enqueue_indirect_dma source(%dma_start3A_150 : memref<10240x64xf32, #tpu.memory_space<hbm>>) target(%arg13 : memref<128x64xf32, #tpu.memory_space<vmem>>) offsets(%dma_start3A_147 : memref<128xi32, #tpu.memory_space<vmem>>) semaphore(%arg18 : memref<!tpu.dma_semaphore, #tpu.memory_space<semaphore_mem>>)
      %dma_start3A_151 = tpu.memref_slice %arg4[%add3A_132, %mul3A_138] : memref<161792x128xf32, #tpu.memory_space<hbm>> -> memref<128x64xf32, #tpu.memory_space<hbm>>
      %dma_start3A_152 = tpu.memref_slice %arg4[%add3A_132, %mul3A_138] : memref<161792x128xf32, #tpu.memory_space<hbm>> -> memref<128x64xf32, #tpu.memory_space<hbm>>
      tpu.enqueue_dma source(%dma_start3A_152 : memref<128x64xf32, #tpu.memory_space<hbm>>) target(%arg15 : memref<128x64xf32, #tpu.memory_space<vmem>>) target_semaphore(%arg18 : memref<!tpu.dma_semaphore, #tpu.memory_space<semaphore_mem>>)
      %dma_wait3A_153 = arith.constant 0 : i32
      %dma_wait3A_154 = arith.constant 0 : i32
      %dma_wait3A_155 = tpu.memref_slice %arg2[%dma_wait3A_153, %dma_wait3A_154] : memref<10240x64xf32, #tpu.memory_space<hbm>> -> memref<128x64xf32, #tpu.memory_space<hbm>>
      %dma_wait3A_156 = arith.constant 0 : i32
      %dma_wait3A_157 = arith.constant 0 : i32
      %dma_wait3A_158 = tpu.memref_slice %arg2[%dma_wait3A_156, %dma_wait3A_157] : memref<10240x64xf32, #tpu.memory_space<hbm>> -> memref<128x64xf32, #tpu.memory_space<hbm>>
      tpu.wait_dma2 semaphore(%arg17 : memref<!tpu.dma_semaphore, #tpu.memory_space<semaphore_mem>>) src(%dma_wait3A_158 : memref<128x64xf32, #tpu.memory_space<hbm>>) dst(%arg10 : memref<128x64xf32, #tpu.memory_space<vmem>>)
      %dma_wait3A_159 = arith.constant 0 : i32
      %dma_wait3A_160 = arith.constant 0 : i32
      %dma_wait3A_161 = tpu.memref_slice %arg2[%dma_wait3A_159, %dma_wait3A_160] : memref<10240x64xf32, #tpu.memory_space<hbm>> -> memref<128x64xf32, #tpu.memory_space<hbm>>
      %dma_wait3A_162 = arith.constant 0 : i32
      %dma_wait3A_163 = arith.constant 0 : i32
      %dma_wait3A_164 = tpu.memref_slice %arg2[%dma_wait3A_162, %dma_wait3A_163] : memref<10240x64xf32, #tpu.memory_space<hbm>> -> memref<128x64xf32, #tpu.memory_space<hbm>>
      tpu.wait_dma2 semaphore(%arg17 : memref<!tpu.dma_semaphore, #tpu.memory_space<semaphore_mem>>) src(%dma_wait3A_164 : memref<128x64xf32, #tpu.memory_space<hbm>>) dst(%arg12 : memref<128x64xf32, #tpu.memory_space<vmem>>)
      %dma_wait3A_165 = arith.constant 0 : i32
      %dma_wait3A_166 = arith.constant 0 : i32
      %dma_wait3A_167 = tpu.memref_slice %arg2[%dma_wait3A_165, %dma_wait3A_166] : memref<10240x64xf32, #tpu.memory_space<hbm>> -> memref<128x64xf32, #tpu.memory_space<hbm>>
      %dma_wait3A_168 = arith.constant 0 : i32
      %dma_wait3A_169 = arith.constant 0 : i32
      %dma_wait3A_170 = tpu.memref_slice %arg2[%dma_wait3A_168, %dma_wait3A_169] : memref<10240x64xf32, #tpu.memory_space<hbm>> -> memref<128x64xf32, #tpu.memory_space<hbm>>
      tpu.wait_dma2 semaphore(%arg17 : memref<!tpu.dma_semaphore, #tpu.memory_space<semaphore_mem>>) src(%dma_wait3A_170 : memref<128x64xf32, #tpu.memory_space<hbm>>) dst(%arg14 : memref<128x64xf32, #tpu.memory_space<vmem>>)
      %scan3A_171 = arith.constant 0 : i32
      %scan3A_172 = arith.constant 0 : i32
      %scan3A_173 = arith.constant 32 : i32
      %scan3A_174 = arith.addi %scan3A_172, %scan3A_173 : i32
      %scan3A_175 = arith.constant 1 : i32
      %scan3A_176 = scf.for %scan3A_257 = %scan3A_172 to %scan3A_174 step %scan3A_175 iter_args(%scan3A_258 = %scan3A_171) -> (i32)  : i32 {
        %mul3A_259 = arith.constant 4 : i32
        %mul3A_260 = arith.muli %scan3A_257, %mul3A_259 : i32
        %add3A_261 = arith.constant 0 : i32
        %add3A_262 = arith.addi %mul3A_260, %add3A_261 : i32
        %get3A = arith.index_cast %add3A_262 : i32 to index
        %get3A_263 = arith.constant 0 : index
        %get3A_264 = tpu.vector_load %arg10[%get3A, %get3A_263] {strides = array<i32>} : memref<128x64xf32, #tpu.memory_space<vmem>>, vector<1x16xf32>,
        %get3A_265 = vector.shape_cast %get3A_264 : vector<1x16xf32> to vector<16xf32>
        %get3A_266 = arith.index_cast %add3A_262 : i32 to index
        %get3A_267 = arith.constant 0 : index
        %get3A_268 = tpu.vector_load %arg12[%get3A_266, %get3A_267] {strides = array<i32>} : memref<128x64xf32, #tpu.memory_space<vmem>>, vector<1x16xf32>,
        %get3A_269 = vector.shape_cast %get3A_268 : vector<1x16xf32> to vector<16xf32>
        %add3A_270 = arith.addf %get3A_265, %get3A_269 : vector<16xf32>
        %get3A_271 = arith.index_cast %add3A_262 : i32 to index
        %get3A_272 = arith.constant 0 : index
        %get3A_273 = tpu.vector_load %arg14[%get3A_271, %get3A_272] {strides = array<i32>} : memref<128x64xf32, #tpu.memory_space<vmem>>, vector<1x16xf32>,
        %get3A_274 = vector.shape_cast %get3A_273 : vector<1x16xf32> to vector<16xf32>
        %add3A_275 = arith.addf %add3A_270, %get3A_274 : vector<16xf32>
        %max3A = arith.constant 0.000000e+00 : f32
        %max3A_276 = vector.broadcast %max3A : f32 to vector<16xf32>
        %max3A_277 = arith.maximumf %add3A_275, %max3A_276 : vector<16xf32>
        %swap3A = arith.index_cast %add3A_262 : i32 to index
        %swap3A_278 = arith.constant 0 : index
        %swap3A_279 = tpu.vector_load %arg14[%swap3A, %swap3A_278] {strides = array<i32>} : memref<128x64xf32, #tpu.memory_space<vmem>>, vector<1x16xf32>,
        %swap3A_280 = vector.shape_cast %swap3A_279 : vector<1x16xf32> to vector<16xf32>
        %swap3A_281 = vector.shape_cast %max3A_277 : vector<16xf32> to vector<1x16xf32>
        tpu.vector_store %arg14[%swap3A, %swap3A_278], %swap3A_281 {strides = array<i32>} : memref<128x64xf32, #tpu.memory_space<vmem>>, vector<1x16xf32>,
        %get3A_282 = arith.index_cast %add3A_262 : i32 to index
        %get3A_283 = arith.constant 16 : index
        %get3A_284 = tpu.vector_load %arg10[%get3A_282, %get3A_283] {strides = array<i32>} : memref<128x64xf32, #tpu.memory_space<vmem>>, vector<1x16xf32>,
        %get3A_285 = vector.shape_cast %get3A_284 : vector<1x16xf32> to vector<16xf32>
        %get3A_286 = arith.index_cast %add3A_262 : i32 to index
        %get3A_287 = arith.constant 16 : index
        %get3A_288 = tpu.vector_load %arg12[%get3A_286, %get3A_287] {strides = array<i32>} : memref<128x64xf32, #tpu.memory_space<vmem>>, vector<1x16xf32>,
        %get3A_289 = vector.shape_cast %get3A_288 : vector<1x16xf32> to vector<16xf32>
        %add3A_290 = arith.addf %get3A_285, %get3A_289 : vector<16xf32>
        %get3A_291 = arith.index_cast %add3A_262 : i32 to index
        %get3A_292 = arith.constant 16 : index
        %get3A_293 = tpu.vector_load %arg14[%get3A_291, %get3A_292] {strides = array<i32>} : memref<128x64xf32, #tpu.memory_space<vmem>>, vector<1x16xf32>,
        %get3A_294 = vector.shape_cast %get3A_293 : vector<1x16xf32> to vector<16xf32>
        %add3A_295 = arith.addf %add3A_290, %get3A_294 : vector<16xf32>
        %max3A_296 = arith.constant 0.000000e+00 : f32
        %max3A_297 = vector.broadcast %max3A_296 : f32 to vector<16xf32>
        %max3A_298 = arith.maximumf %add3A_295, %max3A_297 : vector<16xf32>
        %swap3A_299 = arith.index_cast %add3A_262 : i32 to index
        %swap3A_300 = arith.constant 16 : index
        %swap3A_301 = tpu.vector_load %arg14[%swap3A_299, %swap3A_300] {strides = array<i32>} : memref<128x64xf32, #tpu.memory_space<vmem>>, vector<1x16xf32>,
        %swap3A_302 = vector.shape_cast %swap3A_301 : vector<1x16xf32> to vector<16xf32>
        %swap3A_303 = vector.shape_cast %max3A_298 : vector<16xf32> to vector<1x16xf32>
        tpu.vector_store %arg14[%swap3A_299, %swap3A_300], %swap3A_303 {strides = array<i32>} : memref<128x64xf32, #tpu.memory_space<vmem>>, vector<1x16xf32>,
        %get3A_304 = arith.index_cast %add3A_262 : i32 to index
        %get3A_305 = arith.constant 32 : index
        %get3A_306 = tpu.vector_load %arg10[%get3A_304, %get3A_305] {strides = array<i32>} : memref<128x64xf32, #tpu.memory_space<vmem>>, vector<1x16xf32>,
        %get3A_307 = vector.shape_cast %get3A_306 : vector<1x16xf32> to vector<16xf32>
        %get3A_308 = arith.index_cast %add3A_262 : i32 to index
        %get3A_309 = arith.constant 32 : index
        %get3A_310 = tpu.vector_load %arg12[%get3A_308, %get3A_309] {strides = array<i32>} : memref<128x64xf32, #tpu.memory_space<vmem>>, vector<1x16xf32>,
        %get3A_311 = vector.shape_cast %get3A_310 : vector<1x16xf32> to vector<16xf32>
        %add3A_312 = arith.addf %get3A_307, %get3A_311 : vector<16xf32>
        %get3A_313 = arith.index_cast %add3A_262 : i32 to index
        %get3A_314 = arith.constant 32 : index
        %get3A_315 = tpu.vector_load %arg14[%get3A_313, %get3A_314] {strides = array<i32>} : memref<128x64xf32, #tpu.memory_space<vmem>>, vector<1x16xf32>,
        %get3A_316 = vector.shape_cast %get3A_315 : vector<1x16xf32> to vector<16xf32>
        %add3A_317 = arith.addf %add3A_312, %get3A_316 : vector<16xf32>
        %max3A_318 = arith.constant 0.000000e+00 : f32
        %max3A_319 = vector.broadcast %max3A_318 : f32 to vector<16xf32>
        %max3A_320 = arith.maximumf %add3A_317, %max3A_319 : vector<16xf32>
        %swap3A_321 = arith.index_cast %add3A_262 : i32 to index
        %swap3A_322 = arith.constant 32 : index
        %swap3A_323 = tpu.vector_load %arg14[%swap3A_321, %swap3A_322] {strides = array<i32>} : memref<128x64xf32, #tpu.memory_space<vmem>>, vector<1x16xf32>,
        %swap3A_324 = vector.shape_cast %swap3A_323 : vector<1x16xf32> to vector<16xf32>
        %swap3A_325 = vector.shape_cast %max3A_320 : vector<16xf32> to vector<1x16xf32>
        tpu.vector_store %arg14[%swap3A_321, %swap3A_322], %swap3A_325 {strides = array<i32>} : memref<128x64xf32, #tpu.memory_space<vmem>>, vector<1x16xf32>,
        %get3A_326 = arith.index_cast %add3A_262 : i32 to index
        %get3A_327 = arith.constant 48 : index
        %get3A_328 = tpu.vector_load %arg10[%get3A_326, %get3A_327] {strides = array<i32>} : memref<128x64xf32, #tpu.memory_space<vmem>>, vector<1x16xf32>,
        %get3A_329 = vector.shape_cast %get3A_328 : vector<1x16xf32> to vector<16xf32>
        %get3A_330 = arith.index_cast %add3A_262 : i32 to index
        %get3A_331 = arith.constant 48 : index
        %get3A_332 = tpu.vector_load %arg12[%get3A_330, %get3A_331] {strides = array<i32>} : memref<128x64xf32, #tpu.memory_space<vmem>>, vector<1x16xf32>,
        %get3A_333 = vector.shape_cast %get3A_332 : vector<1x16xf32> to vector<16xf32>
        %add3A_334 = arith.addf %get3A_329, %get3A_333 : vector<16xf32>
        %get3A_335 = arith.index_cast %add3A_262 : i32 to index
        %get3A_336 = arith.constant 48 : index
        %get3A_337 = tpu.vector_load %arg14[%get3A_335, %get3A_336] {strides = array<i32>} : memref<128x64xf32, #tpu.memory_space<vmem>>, vector<1x16xf32>,
        %get3A_338 = vector.shape_cast %get3A_337 : vector<1x16xf32> to vector<16xf32>
        %add3A_339 = arith.addf %add3A_334, %get3A_338 : vector<16xf32>
        %max3A_340 = arith.constant 0.000000e+00 : f32
        %max3A_341 = vector.broadcast %max3A_340 : f32 to vector<16xf32>
        %max3A_342 = arith.maximumf %add3A_339, %max3A_341 : vector<16xf32>
        %swap3A_343 = arith.index_cast %add3A_262 : i32 to index
        %swap3A_344 = arith.constant 48 : index
        %swap3A_345 = tpu.vector_load %arg14[%swap3A_343, %swap3A_344] {strides = array<i32>} : memref<128x64xf32, #tpu.memory_space<vmem>>, vector<1x16xf32>,
        %swap3A_346 = vector.shape_cast %swap3A_345 : vector<1x16xf32> to vector<16xf32>
        %swap3A_347 = vector.shape_cast %max3A_342 : vector<16xf32> to vector<1x16xf32>
        tpu.vector_store %arg14[%swap3A_343, %swap3A_344], %swap3A_347 {strides = array<i32>} : memref<128x64xf32, #tpu.memory_space<vmem>>, vector<1x16xf32>,
        %mul3A_348 = arith.constant 4 : i32
        %mul3A_349 = arith.muli %scan3A_257, %mul3A_348 : i32
        %add3A_350 = arith.constant 1 : i32
        %add3A_351 = arith.addi %mul3A_349, %add3A_350 : i32
        %get3A_352 = arith.index_cast %add3A_351 : i32 to index
        %get3A_353 = arith.constant 0 : index
        %get3A_354 = tpu.vector_load %arg10[%get3A_352, %get3A_353] {strides = array<i32>} : memref<128x64xf32, #tpu.memory_space<vmem>>, vector<1x16xf32>,
        %get3A_355 = vector.shape_cast %get3A_354 : vector<1x16xf32> to vector<16xf32>
        %get3A_356 = arith.index_cast %add3A_351 : i32 to index
        %get3A_357 = arith.constant 0 : index
        %get3A_358 = tpu.vector_load %arg12[%get3A_356, %get3A_357] {strides = array<i32>} : memref<128x64xf32, #tpu.memory_space<vmem>>, vector<1x16xf32>,
        %get3A_359 = vector.shape_cast %get3A_358 : vector<1x16xf32> to vector<16xf32>
        %add3A_360 = arith.addf %get3A_355, %get3A_359 : vector<16xf32>
        %get3A_361 = arith.index_cast %add3A_351 : i32 to index
        %get3A_362 = arith.constant 0 : index
        %get3A_363 = tpu.vector_load %arg14[%get3A_361, %get3A_362] {strides = array<i32>} : memref<128x64xf32, #tpu.memory_space<vmem>>, vector<1x16xf32>,
        %get3A_364 = vector.shape_cast %get3A_363 : vector<1x16xf32> to vector<16xf32>
        %add3A_365 = arith.addf %add3A_360, %get3A_364 : vector<16xf32>
        %max3A_366 = arith.constant 0.000000e+00 : f32
        %max3A_367 = vector.broadcast %max3A_366 : f32 to vector<16xf32>
        %max3A_368 = arith.maximumf %add3A_365, %max3A_367 : vector<16xf32>
        %swap3A_369 = arith.index_cast %add3A_351 : i32 to index
        %swap3A_370 = arith.constant 0 : index
        %swap3A_371 = tpu.vector_load %arg14[%swap3A_369, %swap3A_370] {strides = array<i32>} : memref<128x64xf32, #tpu.memory_space<vmem>>, vector<1x16xf32>,
        %swap3A_372 = vector.shape_cast %swap3A_371 : vector<1x16xf32> to vector<16xf32>
        %swap3A_373 = vector.shape_cast %max3A_368 : vector<16xf32> to vector<1x16xf32>
        tpu.vector_store %arg14[%swap3A_369, %swap3A_370], %swap3A_373 {strides = array<i32>} : memref<128x64xf32, #tpu.memory_space<vmem>>, vector<1x16xf32>,
        %get3A_374 = arith.index_cast %add3A_351 : i32 to index
        %get3A_375 = arith.constant 16 : index
        %get3A_376 = tpu.vector_load %arg10[%get3A_374, %get3A_375] {strides = array<i32>} : memref<128x64xf32, #tpu.memory_space<vmem>>, vector<1x16xf32>,
        %get3A_377 = vector.shape_cast %get3A_376 : vector<1x16xf32> to vector<16xf32>
        %get3A_378 = arith.index_cast %add3A_351 : i32 to index
        %get3A_379 = arith.constant 16 : index
        %get3A_380 = tpu.vector_load %arg12[%get3A_378, %get3A_379] {strides = array<i32>} : memref<128x64xf32, #tpu.memory_space<vmem>>, vector<1x16xf32>,
        %get3A_381 = vector.shape_cast %get3A_380 : vector<1x16xf32> to vector<16xf32>
        %add3A_382 = arith.addf %get3A_377, %get3A_381 : vector<16xf32>
        %get3A_383 = arith.index_cast %add3A_351 : i32 to index
        %get3A_384 = arith.constant 16 : index
        %get3A_385 = tpu.vector_load %arg14[%get3A_383, %get3A_384] {strides = array<i32>} : memref<128x64xf32, #tpu.memory_space<vmem>>, vector<1x16xf32>,
        %get3A_386 = vector.shape_cast %get3A_385 : vector<1x16xf32> to vector<16xf32>
        %add3A_387 = arith.addf %add3A_382, %get3A_386 : vector<16xf32>
        %max3A_388 = arith.constant 0.000000e+00 : f32
        %max3A_389 = vector.broadcast %max3A_388 : f32 to vector<16xf32>
        %max3A_390 = arith.maximumf %add3A_387, %max3A_389 : vector<16xf32>
        %swap3A_391 = arith.index_cast %add3A_351 : i32 to index
        %swap3A_392 = arith.constant 16 : index
        %swap3A_393 = tpu.vector_load %arg14[%swap3A_391, %swap3A_392] {strides = array<i32>} : memref<128x64xf32, #tpu.memory_space<vmem>>, vector<1x16xf32>,
        %swap3A_394 = vector.shape_cast %swap3A_393 : vector<1x16xf32> to vector<16xf32>
        %swap3A_395 = vector.shape_cast %max3A_390 : vector<16xf32> to vector<1x16xf32>
        tpu.vector_store %arg14[%swap3A_391, %swap3A_392], %swap3A_395 {strides = array<i32>} : memref<128x64xf32, #tpu.memory_space<vmem>>, vector<1x16xf32>,
        %get3A_396 = arith.index_cast %add3A_351 : i32 to index
        %get3A_397 = arith.constant 32 : index
        %get3A_398 = tpu.vector_load %arg10[%get3A_396, %get3A_397] {strides = array<i32>} : memref<128x64xf32, #tpu.memory_space<vmem>>, vector<1x16xf32>,
        %get3A_399 = vector.shape_cast %get3A_398 : vector<1x16xf32> to vector<16xf32>
        %get3A_400 = arith.index_cast %add3A_351 : i32 to index
        %get3A_401 = arith.constant 32 : index
        %get3A_402 = tpu.vector_load %arg12[%get3A_400, %get3A_401] {strides = array<i32>} : memref<128x64xf32, #tpu.memory_space<vmem>>, vector<1x16xf32>,
        %get3A_403 = vector.shape_cast %get3A_402 : vector<1x16xf32> to vector<16xf32>
        %add3A_404 = arith.addf %get3A_399, %get3A_403 : vector<16xf32>
        %get3A_405 = arith.index_cast %add3A_351 : i32 to index
        %get3A_406 = arith.constant 32 : index
        %get3A_407 = tpu.vector_load %arg14[%get3A_405, %get3A_406] {strides = array<i32>} : memref<128x64xf32, #tpu.memory_space<vmem>>, vector<1x16xf32>,
        %get3A_408 = vector.shape_cast %get3A_407 : vector<1x16xf32> to vector<16xf32>
        %add3A_409 = arith.addf %add3A_404, %get3A_408 : vector<16xf32>
        %max3A_410 = arith.constant 0.000000e+00 : f32
        %max3A_411 = vector.broadcast %max3A_410 : f32 to vector<16xf32>
        %max3A_412 = arith.maximumf %add3A_409, %max3A_411 : vector<16xf32>
        %swap3A_413 = arith.index_cast %add3A_351 : i32 to index
        %swap3A_414 = arith.constant 32 : index
        %swap3A_415 = tpu.vector_load %arg14[%swap3A_413, %swap3A_414] {strides = array<i32>} : memref<128x64xf32, #tpu.memory_space<vmem>>, vector<1x16xf32>,
        %swap3A_416 = vector.shape_cast %swap3A_415 : vector<1x16xf32> to vector<16xf32>
        %swap3A_417 = vector.shape_cast %max3A_412 : vector<16xf32> to vector<1x16xf32>
        tpu.vector_store %arg14[%swap3A_413, %swap3A_414], %swap3A_417 {strides = array<i32>} : memref<128x64xf32, #tpu.memory_space<vmem>>, vector<1x16xf32>,
        %get3A_418 = arith.index_cast %add3A_351 : i32 to index
        %get3A_419 = arith.constant 48 : index
        %get3A_420 = tpu.vector_load %arg10[%get3A_418, %get3A_419] {strides = array<i32>} : memref<128x64xf32, #tpu.memory_space<vmem>>, vector<1x16xf32>,
        %get3A_421 = vector.shape_cast %get3A_420 : vector<1x16xf32> to vector<16xf32>
        %get3A_422 = arith.index_cast %add3A_351 : i32 to index
        %get3A_423 = arith.constant 48 : index
        %get3A_424 = tpu.vector_load %arg12[%get3A_422, %get3A_423] {strides = array<i32>} : memref<128x64xf32, #tpu.memory_space<vmem>>, vector<1x16xf32>,
        %get3A_425 = vector.shape_cast %get3A_424 : vector<1x16xf32> to vector<16xf32>
        %add3A_426 = arith.addf %get3A_421, %get3A_425 : vector<16xf32>
        %get3A_427 = arith.index_cast %add3A_351 : i32 to index
        %get3A_428 = arith.constant 48 : index
        %get3A_429 = tpu.vector_load %arg14[%get3A_427, %get3A_428] {strides = array<i32>} : memref<128x64xf32, #tpu.memory_space<vmem>>, vector<1x16xf32>,
        %get3A_430 = vector.shape_cast %get3A_429 : vector<1x16xf32> to vector<16xf32>
        %add3A_431 = arith.addf %add3A_426, %get3A_430 : vector<16xf32>
        %max3A_432 = arith.constant 0.000000e+00 : f32
        %max3A_433 = vector.broadcast %max3A_432 : f32 to vector<16xf32>
        %max3A_434 = arith.maximumf %add3A_431, %max3A_433 : vector<16xf32>
        %swap3A_435 = arith.index_cast %add3A_351 : i32 to index
        %swap3A_436 = arith.constant 48 : index
        %swap3A_437 = tpu.vector_load %arg14[%swap3A_435, %swap3A_436] {strides = array<i32>} : memref<128x64xf32, #tpu.memory_space<vmem>>, vector<1x16xf32>,
        %swap3A_438 = vector.shape_cast %swap3A_437 : vector<1x16xf32> to vector<16xf32>
        %swap3A_439 = vector.shape_cast %max3A_434 : vector<16xf32> to vector<1x16xf32>
        tpu.vector_store %arg14[%swap3A_435, %swap3A_436], %swap3A_439 {strides = array<i32>} : memref<128x64xf32, #tpu.memory_space<vmem>>, vector<1x16xf32>,
        %mul3A_440 = arith.constant 4 : i32
        %mul3A_441 = arith.muli %scan3A_257, %mul3A_440 : i32
        %add3A_442 = arith.constant 2 : i32
        %add3A_443 = arith.addi %mul3A_441, %add3A_442 : i32
        %get3A_444 = arith.index_cast %add3A_443 : i32 to index
        %get3A_445 = arith.constant 0 : index
        %get3A_446 = tpu.vector_load %arg10[%get3A_444, %get3A_445] {strides = array<i32>} : memref<128x64xf32, #tpu.memory_space<vmem>>, vector<1x16xf32>,
        %get3A_447 = vector.shape_cast %get3A_446 : vector<1x16xf32> to vector<16xf32>
        %get3A_448 = arith.index_cast %add3A_443 : i32 to index
        %get3A_449 = arith.constant 0 : index
        %get3A_450 = tpu.vector_load %arg12[%get3A_448, %get3A_449] {strides = array<i32>} : memref<128x64xf32, #tpu.memory_space<vmem>>, vector<1x16xf32>,
        %get3A_451 = vector.shape_cast %get3A_450 : vector<1x16xf32> to vector<16xf32>
        %add3A_452 = arith.addf %get3A_447, %get3A_451 : vector<16xf32>
        %get3A_453 = arith.index_cast %add3A_443 : i32 to index
        %get3A_454 = arith.constant 0 : index
        %get3A_455 = tpu.vector_load %arg14[%get3A_453, %get3A_454] {strides = array<i32>} : memref<128x64xf32, #tpu.memory_space<vmem>>, vector<1x16xf32>,
        %get3A_456 = vector.shape_cast %get3A_455 : vector<1x16xf32> to vector<16xf32>
        %add3A_457 = arith.addf %add3A_452, %get3A_456 : vector<16xf32>
        %max3A_458 = arith.constant 0.000000e+00 : f32
        %max3A_459 = vector.broadcast %max3A_458 : f32 to vector<16xf32>
        %max3A_460 = arith.maximumf %add3A_457, %max3A_459 : vector<16xf32>
        %swap3A_461 = arith.index_cast %add3A_443 : i32 to index
        %swap3A_462 = arith.constant 0 : index
        %swap3A_463 = tpu.vector_load %arg14[%swap3A_461, %swap3A_462] {strides = array<i32>} : memref<128x64xf32, #tpu.memory_space<vmem>>, vector<1x16xf32>,
        %swap3A_464 = vector.shape_cast %swap3A_463 : vector<1x16xf32> to vector<16xf32>
        %swap3A_465 = vector.shape_cast %max3A_460 : vector<16xf32> to vector<1x16xf32>
        tpu.vector_store %arg14[%swap3A_461, %swap3A_462], %swap3A_465 {strides = array<i32>} : memref<128x64xf32, #tpu.memory_space<vmem>>, vector<1x16xf32>,
        %get3A_466 = arith.index_cast %add3A_443 : i32 to index
        %get3A_467 = arith.constant 16 : index
        %get3A_468 = tpu.vector_load %arg10[%get3A_466, %get3A_467] {strides = array<i32>} : memref<128x64xf32, #tpu.memory_space<vmem>>, vector<1x16xf32>,
        %get3A_469 = vector.shape_cast %get3A_468 : vector<1x16xf32> to vector<16xf32>
        %get3A_470 = arith.index_cast %add3A_443 : i32 to index
        %get3A_471 = arith.constant 16 : index
        %get3A_472 = tpu.vector_load %arg12[%get3A_470, %get3A_471] {strides = array<i32>} : memref<128x64xf32, #tpu.memory_space<vmem>>, vector<1x16xf32>,
        %get3A_473 = vector.shape_cast %get3A_472 : vector<1x16xf32> to vector<16xf32>
        %add3A_474 = arith.addf %get3A_469, %get3A_473 : vector<16xf32>
        %get3A_475 = arith.index_cast %add3A_443 : i32 to index
        %get3A_476 = arith.constant 16 : index
        %get3A_477 = tpu.vector_load %arg14[%get3A_475, %get3A_476] {strides = array<i32>} : memref<128x64xf32, #tpu.memory_space<vmem>>, vector<1x16xf32>,
        %get3A_478 = vector.shape_cast %get3A_477 : vector<1x16xf32> to vector<16xf32>
        %add3A_479 = arith.addf %add3A_474, %get3A_478 : vector<16xf32>
        %max3A_480 = arith.constant 0.000000e+00 : f32
        %max3A_481 = vector.broadcast %max3A_480 : f32 to vector<16xf32>
        %max3A_482 = arith.maximumf %add3A_479, %max3A_481 : vector<16xf32>
        %swap3A_483 = arith.index_cast %add3A_443 : i32 to index
        %swap3A_484 = arith.constant 16 : index
        %swap3A_485 = tpu.vector_load %arg14[%swap3A_483, %swap3A_484] {strides = array<i32>} : memref<128x64xf32, #tpu.memory_space<vmem>>, vector<1x16xf32>,
        %swap3A_486 = vector.shape_cast %swap3A_485 : vector<1x16xf32> to vector<16xf32>
        %swap3A_487 = vector.shape_cast %max3A_482 : vector<16xf32> to vector<1x16xf32>
        tpu.vector_store %arg14[%swap3A_483, %swap3A_484], %swap3A_487 {strides = array<i32>} : memref<128x64xf32, #tpu.memory_space<vmem>>, vector<1x16xf32>,
        %get3A_488 = arith.index_cast %add3A_443 : i32 to index
        %get3A_489 = arith.constant 32 : index
        %get3A_490 = tpu.vector_load %arg10[%get3A_488, %get3A_489] {strides = array<i32>} : memref<128x64xf32, #tpu.memory_space<vmem>>, vector<1x16xf32>,
        %get3A_491 = vector.shape_cast %get3A_490 : vector<1x16xf32> to vector<16xf32>
        %get3A_492 = arith.index_cast %add3A_443 : i32 to index
        %get3A_493 = arith.constant 32 : index
        %get3A_494 = tpu.vector_load %arg12[%get3A_492, %get3A_493] {strides = array<i32>} : memref<128x64xf32, #tpu.memory_space<vmem>>, vector<1x16xf32>,
        %get3A_495 = vector.shape_cast %get3A_494 : vector<1x16xf32> to vector<16xf32>
        %add3A_496 = arith.addf %get3A_491, %get3A_495 : vector<16xf32>
        %get3A_497 = arith.index_cast %add3A_443 : i32 to index
        %get3A_498 = arith.constant 32 : index
        %get3A_499 = tpu.vector_load %arg14[%get3A_497, %get3A_498] {strides = array<i32>} : memref<128x64xf32, #tpu.memory_space<vmem>>, vector<1x16xf32>,
        %get3A_500 = vector.shape_cast %get3A_499 : vector<1x16xf32> to vector<16xf32>
        %add3A_501 = arith.addf %add3A_496, %get3A_500 : vector<16xf32>
        %max3A_502 = arith.constant 0.000000e+00 : f32
        %max3A_503 = vector.broadcast %max3A_502 : f32 to vector<16xf32>
        %max3A_504 = arith.maximumf %add3A_501, %max3A_503 : vector<16xf32>
        %swap3A_505 = arith.index_cast %add3A_443 : i32 to index
        %swap3A_506 = arith.constant 32 : index
        %swap3A_507 = tpu.vector_load %arg14[%swap3A_505, %swap3A_506] {strides = array<i32>} : memref<128x64xf32, #tpu.memory_space<vmem>>, vector<1x16xf32>,
        %swap3A_508 = vector.shape_cast %swap3A_507 : vector<1x16xf32> to vector<16xf32>
        %swap3A_509 = vector.shape_cast %max3A_504 : vector<16xf32> to vector<1x16xf32>
        tpu.vector_store %arg14[%swap3A_505, %swap3A_506], %swap3A_509 {strides = array<i32>} : memref<128x64xf32, #tpu.memory_space<vmem>>, vector<1x16xf32>,
        %get3A_510 = arith.index_cast %add3A_443 : i32 to index
        %get3A_511 = arith.constant 48 : index
        %get3A_512 = tpu.vector_load %arg10[%get3A_510, %get3A_511] {strides = array<i32>} : memref<128x64xf32, #tpu.memory_space<vmem>>, vector<1x16xf32>,
        %get3A_513 = vector.shape_cast %get3A_512 : vector<1x16xf32> to vector<16xf32>
        %get3A_514 = arith.index_cast %add3A_443 : i32 to index
        %get3A_515 = arith.constant 48 : index
        %get3A_516 = tpu.vector_load %arg12[%get3A_514, %get3A_515] {strides = array<i32>} : memref<128x64xf32, #tpu.memory_space<vmem>>, vector<1x16xf32>,
        %get3A_517 = vector.shape_cast %get3A_516 : vector<1x16xf32> to vector<16xf32>
        %add3A_518 = arith.addf %get3A_513, %get3A_517 : vector<16xf32>
        %get3A_519 = arith.index_cast %add3A_443 : i32 to index
        %get3A_520 = arith.constant 48 : index
        %get3A_521 = tpu.vector_load %arg14[%get3A_519, %get3A_520] {strides = array<i32>} : memref<128x64xf32, #tpu.memory_space<vmem>>, vector<1x16xf32>,
        %get3A_522 = vector.shape_cast %get3A_521 : vector<1x16xf32> to vector<16xf32>
        %add3A_523 = arith.addf %add3A_518, %get3A_522 : vector<16xf32>
        %max3A_524 = arith.constant 0.000000e+00 : f32
        %max3A_525 = vector.broadcast %max3A_524 : f32 to vector<16xf32>
        %max3A_526 = arith.maximumf %add3A_523, %max3A_525 : vector<16xf32>
        %swap3A_527 = arith.index_cast %add3A_443 : i32 to index
        %swap3A_528 = arith.constant 48 : index
        %swap3A_529 = tpu.vector_load %arg14[%swap3A_527, %swap3A_528] {strides = array<i32>} : memref<128x64xf32, #tpu.memory_space<vmem>>, vector<1x16xf32>,
        %swap3A_530 = vector.shape_cast %swap3A_529 : vector<1x16xf32> to vector<16xf32>
        %swap3A_531 = vector.shape_cast %max3A_526 : vector<16xf32> to vector<1x16xf32>
        tpu.vector_store %arg14[%swap3A_527, %swap3A_528], %swap3A_531 {strides = array<i32>} : memref<128x64xf32, #tpu.memory_space<vmem>>, vector<1x16xf32>,
        %mul3A_532 = arith.constant 4 : i32
        %mul3A_533 = arith.muli %scan3A_257, %mul3A_532 : i32
        %add3A_534 = arith.constant 3 : i32
        %add3A_535 = arith.addi %mul3A_533, %add3A_534 : i32
        %get3A_536 = arith.index_cast %add3A_535 : i32 to index
        %get3A_537 = arith.constant 0 : index
        %get3A_538 = tpu.vector_load %arg10[%get3A_536, %get3A_537] {strides = array<i32>} : memref<128x64xf32, #tpu.memory_space<vmem>>, vector<1x16xf32>,
        %get3A_539 = vector.shape_cast %get3A_538 : vector<1x16xf32> to vector<16xf32>
        %get3A_540 = arith.index_cast %add3A_535 : i32 to index
        %get3A_541 = arith.constant 0 : index
        %get3A_542 = tpu.vector_load %arg12[%get3A_540, %get3A_541] {strides = array<i32>} : memref<128x64xf32, #tpu.memory_space<vmem>>, vector<1x16xf32>,
        %get3A_543 = vector.shape_cast %get3A_542 : vector<1x16xf32> to vector<16xf32>
        %add3A_544 = arith.addf %get3A_539, %get3A_543 : vector<16xf32>
        %get3A_545 = arith.index_cast %add3A_535 : i32 to index
        %get3A_546 = arith.constant 0 : index
        %get3A_547 = tpu.vector_load %arg14[%get3A_545, %get3A_546] {strides = array<i32>} : memref<128x64xf32, #tpu.memory_space<vmem>>, vector<1x16xf32>,
        %get3A_548 = vector.shape_cast %get3A_547 : vector<1x16xf32> to vector<16xf32>
        %add3A_549 = arith.addf %add3A_544, %get3A_548 : vector<16xf32>
        %max3A_550 = arith.constant 0.000000e+00 : f32
        %max3A_551 = vector.broadcast %max3A_550 : f32 to vector<16xf32>
        %max3A_552 = arith.maximumf %add3A_549, %max3A_551 : vector<16xf32>
        %swap3A_553 = arith.index_cast %add3A_535 : i32 to index
        %swap3A_554 = arith.constant 0 : index
        %swap3A_555 = tpu.vector_load %arg14[%swap3A_553, %swap3A_554] {strides = array<i32>} : memref<128x64xf32, #tpu.memory_space<vmem>>, vector<1x16xf32>,
        %swap3A_556 = vector.shape_cast %swap3A_555 : vector<1x16xf32> to vector<16xf32>
        %swap3A_557 = vector.shape_cast %max3A_552 : vector<16xf32> to vector<1x16xf32>
        tpu.vector_store %arg14[%swap3A_553, %swap3A_554], %swap3A_557 {strides = array<i32>} : memref<128x64xf32, #tpu.memory_space<vmem>>, vector<1x16xf32>,
        %get3A_558 = arith.index_cast %add3A_535 : i32 to index
        %get3A_559 = arith.constant 16 : index
        %get3A_560 = tpu.vector_load %arg10[%get3A_558, %get3A_559] {strides = array<i32>} : memref<128x64xf32, #tpu.memory_space<vmem>>, vector<1x16xf32>,
        %get3A_561 = vector.shape_cast %get3A_560 : vector<1x16xf32> to vector<16xf32>
        %get3A_562 = arith.index_cast %add3A_535 : i32 to index
        %get3A_563 = arith.constant 16 : index
        %get3A_564 = tpu.vector_load %arg12[%get3A_562, %get3A_563] {strides = array<i32>} : memref<128x64xf32, #tpu.memory_space<vmem>>, vector<1x16xf32>,
        %get3A_565 = vector.shape_cast %get3A_564 : vector<1x16xf32> to vector<16xf32>
        %add3A_566 = arith.addf %get3A_561, %get3A_565 : vector<16xf32>
        %get3A_567 = arith.index_cast %add3A_535 : i32 to index
        %get3A_568 = arith.constant 16 : index
        %get3A_569 = tpu.vector_load %arg14[%get3A_567, %get3A_568] {strides = array<i32>} : memref<128x64xf32, #tpu.memory_space<vmem>>, vector<1x16xf32>,
        %get3A_570 = vector.shape_cast %get3A_569 : vector<1x16xf32> to vector<16xf32>
        %add3A_571 = arith.addf %add3A_566, %get3A_570 : vector<16xf32>
        %max3A_572 = arith.constant 0.000000e+00 : f32
        %max3A_573 = vector.broadcast %max3A_572 : f32 to vector<16xf32>
        %max3A_574 = arith.maximumf %add3A_571, %max3A_573 : vector<16xf32>
        %swap3A_575 = arith.index_cast %add3A_535 : i32 to index
        %swap3A_576 = arith.constant 16 : index
        %swap3A_577 = tpu.vector_load %arg14[%swap3A_575, %swap3A_576] {strides = array<i32>} : memref<128x64xf32, #tpu.memory_space<vmem>>, vector<1x16xf32>,
        %swap3A_578 = vector.shape_cast %swap3A_577 : vector<1x16xf32> to vector<16xf32>
        %swap3A_579 = vector.shape_cast %max3A_574 : vector<16xf32> to vector<1x16xf32>
        tpu.vector_store %arg14[%swap3A_575, %swap3A_576], %swap3A_579 {strides = array<i32>} : memref<128x64xf32, #tpu.memory_space<vmem>>, vector<1x16xf32>,
        %get3A_580 = arith.index_cast %add3A_535 : i32 to index
        %get3A_581 = arith.constant 32 : index
        %get3A_582 = tpu.vector_load %arg10[%get3A_580, %get3A_581] {strides = array<i32>} : memref<128x64xf32, #tpu.memory_space<vmem>>, vector<1x16xf32>,
        %get3A_583 = vector.shape_cast %get3A_582 : vector<1x16xf32> to vector<16xf32>
        %get3A_584 = arith.index_cast %add3A_535 : i32 to index
        %get3A_585 = arith.constant 32 : index
        %get3A_586 = tpu.vector_load %arg12[%get3A_584, %get3A_585] {strides = array<i32>} : memref<128x64xf32, #tpu.memory_space<vmem>>, vector<1x16xf32>,
        %get3A_587 = vector.shape_cast %get3A_586 : vector<1x16xf32> to vector<16xf32>
        %add3A_588 = arith.addf %get3A_583, %get3A_587 : vector<16xf32>
        %get3A_589 = arith.index_cast %add3A_535 : i32 to index
        %get3A_590 = arith.constant 32 : index
        %get3A_591 = tpu.vector_load %arg14[%get3A_589, %get3A_590] {strides = array<i32>} : memref<128x64xf32, #tpu.memory_space<vmem>>, vector<1x16xf32>,
        %get3A_592 = vector.shape_cast %get3A_591 : vector<1x16xf32> to vector<16xf32>
        %add3A_593 = arith.addf %add3A_588, %get3A_592 : vector<16xf32>
        %max3A_594 = arith.constant 0.000000e+00 : f32
        %max3A_595 = vector.broadcast %max3A_594 : f32 to vector<16xf32>
        %max3A_596 = arith.maximumf %add3A_593, %max3A_595 : vector<16xf32>
        %swap3A_597 = arith.index_cast %add3A_535 : i32 to index
        %swap3A_598 = arith.constant 32 : index
        %swap3A_599 = tpu.vector_load %arg14[%swap3A_597, %swap3A_598] {strides = array<i32>} : memref<128x64xf32, #tpu.memory_space<vmem>>, vector<1x16xf32>,
        %swap3A_600 = vector.shape_cast %swap3A_599 : vector<1x16xf32> to vector<16xf32>
        %swap3A_601 = vector.shape_cast %max3A_596 : vector<16xf32> to vector<1x16xf32>
        tpu.vector_store %arg14[%swap3A_597, %swap3A_598], %swap3A_601 {strides = array<i32>} : memref<128x64xf32, #tpu.memory_space<vmem>>, vector<1x16xf32>,
        %get3A_602 = arith.index_cast %add3A_535 : i32 to index
        %get3A_603 = arith.constant 48 : index
        %get3A_604 = tpu.vector_load %arg10[%get3A_602, %get3A_603] {strides = array<i32>} : memref<128x64xf32, #tpu.memory_space<vmem>>, vector<1x16xf32>,
        %get3A_605 = vector.shape_cast %get3A_604 : vector<1x16xf32> to vector<16xf32>
        %get3A_606 = arith.index_cast %add3A_535 : i32 to index
        %get3A_607 = arith.constant 48 : index
        %get3A_608 = tpu.vector_load %arg12[%get3A_606, %get3A_607] {strides = array<i32>} : memref<128x64xf32, #tpu.memory_space<vmem>>, vector<1x16xf32>,
        %get3A_609 = vector.shape_cast %get3A_608 : vector<1x16xf32> to vector<16xf32>
        %add3A_610 = arith.addf %get3A_605, %get3A_609 : vector<16xf32>
        %get3A_611 = arith.index_cast %add3A_535 : i32 to index
        %get3A_612 = arith.constant 48 : index
        %get3A_613 = tpu.vector_load %arg14[%get3A_611, %get3A_612] {strides = array<i32>} : memref<128x64xf32, #tpu.memory_space<vmem>>, vector<1x16xf32>,
        %get3A_614 = vector.shape_cast %get3A_613 : vector<1x16xf32> to vector<16xf32>
        %add3A_615 = arith.addf %add3A_610, %get3A_614 : vector<16xf32>
        %max3A_616 = arith.constant 0.000000e+00 : f32
        %max3A_617 = vector.broadcast %max3A_616 : f32 to vector<16xf32>
        %max3A_618 = arith.maximumf %add3A_615, %max3A_617 : vector<16xf32>
        %swap3A_619 = arith.index_cast %add3A_535 : i32 to index
        %swap3A_620 = arith.constant 48 : index
        %swap3A_621 = tpu.vector_load %arg14[%swap3A_619, %swap3A_620] {strides = array<i32>} : memref<128x64xf32, #tpu.memory_space<vmem>>, vector<1x16xf32>,
        %swap3A_622 = vector.shape_cast %swap3A_621 : vector<1x16xf32> to vector<16xf32>
        %swap3A_623 = vector.shape_cast %max3A_618 : vector<16xf32> to vector<1x16xf32>
        tpu.vector_store %arg14[%swap3A_619, %swap3A_620], %swap3A_623 {strides = array<i32>} : memref<128x64xf32, #tpu.memory_space<vmem>>, vector<1x16xf32>,
        %scan3A_624 = arith.constant 0 : i32
        scf.yield %scan3A_624 : i32
      }
      %scan3A_177 = arith.constant 32 : i32
      %dma_start3A_178 = arith.constant 0 : i32
      %dma_start3A_179 = tpu.memref_slice %arg9[%mul3A_116, %dma_start3A_178] : memref<79x128xi32, #tpu.memory_space<vmem>> -> memref<1x128xi32, #tpu.memory_space<vmem>>
      %dma_start3A_180 = tpu.memref_squeeze %dma_start3A_179 : memref<1x128xi32, #tpu.memory_space<vmem>> -> memref<128xi32, #tpu.memory_space<vmem>>
      %dma_start3A_181 = arith.constant 0 : i32
      %dma_start3A_182 = arith.constant 0 : i32
      %dma_start3A_183 = tpu.memref_slice %arg16[%dma_start3A_181, %dma_start3A_182] : memref<10240x64xf32, #tpu.memory_space<vmem_shared>> -> memref<10240x64xf32, #tpu.memory_space<vmem_shared>>
      tpu.enqueue_indirect_dma source(%arg14 : memref<128x64xf32, #tpu.memory_space<vmem>>) target(%dma_start3A_183 : memref<10240x64xf32, #tpu.memory_space<vmem_shared>>) offsets(%dma_start3A_180 : memref<128xi32, #tpu.memory_space<vmem>>) semaphore(%arg19 : memref<!tpu.dma_semaphore, #tpu.memory_space<semaphore_mem>>) {add = true}
      %add3A_184 = arith.constant 2 : i32
      %add3A_185 = arith.addi %mul3A_116, %add3A_184 : i32
      %ge3A_186 = arith.constant 2 : i32
      %ge3A_187 = arith.cmpi sge, %add3A_185, %ge3A_186 : i32
      %convert_element_type3A_188 = arith.extui %ge3A_187 : i1 to i32
      %cond3A_189 = arith.constant 0 : i32
      %cond3A_190 = arith.cmpi ne, %convert_element_type3A_188, %cond3A_189 : i32
      scf.if %cond3A_190 {
        %dma_wait3A_257 = arith.constant 0 : i32
        %dma_wait3A_258 = arith.constant 0 : i32
        %dma_wait3A_259 = tpu.memref_slice %arg2[%dma_wait3A_257, %dma_wait3A_258] : memref<10240x64xf32, #tpu.memory_space<hbm>> -> memref<128x64xf32, #tpu.memory_space<hbm>>
        %dma_wait3A_260 = arith.constant 0 : i32
        %dma_wait3A_261 = arith.constant 0 : i32
        %dma_wait3A_262 = tpu.memref_slice %arg2[%dma_wait3A_260, %dma_wait3A_261] : memref<10240x64xf32, #tpu.memory_space<hbm>> -> memref<128x64xf32, #tpu.memory_space<hbm>>
        tpu.wait_dma2 semaphore(%arg19 : memref<!tpu.dma_semaphore, #tpu.memory_space<semaphore_mem>>) src(%dma_wait3A_262 : memref<128x64xf32, #tpu.memory_space<hbm>>) dst(%arg14 : memref<128x64xf32, #tpu.memory_space<vmem>>)
      } else {
      }
      %mul3A_191 = arith.constant 32 : i32
      %mul3A_192 = arith.muli %add3A_185, %mul3A_191 : i32
      %add3A_193 = arith.addi %mul3A_192, %add3A : i32
      %mul3A_194 = arith.constant 128 : i32
      %mul3A_195 = arith.muli %add3A_193, %mul3A_194 : i32
      %shift_right_logical3A_196 = arith.constant 12 : i32
      %shift_right_logical3A_197 = arith.shrui %mul3A_195, %shift_right_logical3A_196 : i32
      %mul3A_198 = arith.constant 2048 : i32
      %mul3A_199 = arith.muli %shift_right_logical3A_197, %mul3A_198 : i32
      %and3A_200 = arith.constant 2047 : i32
      %and3A_201 = arith.andi %mul3A_195, %and3A_200 : i32
      %add3A_202 = arith.addi %mul3A_199, %and3A_201 : i32
      %shift_right_logical3A_203 = arith.constant 11 : i32
      %shift_right_logical3A_204 = arith.shrui %mul3A_195, %shift_right_logical3A_203 : i32
      %and3A_205 = arith.constant 1 : i32
      %and3A_206 = arith.andi %shift_right_logical3A_204, %and3A_205 : i32
      %mul3A_207 = arith.constant 64 : i32
      %mul3A_208 = arith.muli %and3A_206, %mul3A_207 : i32
      %dma_start3A_209 = arith.constant 0 : i32
      %dma_start3A_210 = tpu.memref_slice %arg8[%add3A_185, %dma_start3A_209] : memref<79x128xi32, #tpu.memory_space<vmem>> -> memref<1x128xi32, #tpu.memory_space<vmem>>
      %dma_start3A_211 = tpu.memref_squeeze %dma_start3A_210 : memref<1x128xi32, #tpu.memory_space<vmem>> -> memref<128xi32, #tpu.memory_space<vmem>>
      %dma_start3A_212 = arith.constant 0 : i32
      %dma_start3A_213 = arith.constant 0 : i32
      %dma_start3A_214 = tpu.memref_slice %arg2[%dma_start3A_212, %dma_start3A_213] : memref<10240x64xf32, #tpu.memory_space<hbm>> -> memref<10240x64xf32, #tpu.memory_space<hbm>>
      tpu.enqueue_indirect_dma source(%dma_start3A_214 : memref<10240x64xf32, #tpu.memory_space<hbm>>) target(%arg10 : memref<128x64xf32, #tpu.memory_space<vmem>>) offsets(%dma_start3A_211 : memref<128xi32, #tpu.memory_space<vmem>>) semaphore(%arg17 : memref<!tpu.dma_semaphore, #tpu.memory_space<semaphore_mem>>)
      %dma_start3A_215 = arith.constant 0 : i32
      %dma_start3A_216 = tpu.memref_slice %arg9[%add3A_185, %dma_start3A_215] : memref<79x128xi32, #tpu.memory_space<vmem>> -> memref<1x128xi32, #tpu.memory_space<vmem>>
      %dma_start3A_217 = tpu.memref_squeeze %dma_start3A_216 : memref<1x128xi32, #tpu.memory_space<vmem>> -> memref<128xi32, #tpu.memory_space<vmem>>
      %dma_start3A_218 = arith.constant 0 : i32
      %dma_start3A_219 = arith.constant 0 : i32
      %dma_start3A_220 = tpu.memref_slice %arg3[%dma_start3A_218, %dma_start3A_219] : memref<10240x64xf32, #tpu.memory_space<hbm>> -> memref<10240x64xf32, #tpu.memory_space<hbm>>
      tpu.enqueue_indirect_dma source(%dma_start3A_220 : memref<10240x64xf32, #tpu.memory_space<hbm>>) target(%arg12 : memref<128x64xf32, #tpu.memory_space<vmem>>) offsets(%dma_start3A_217 : memref<128xi32, #tpu.memory_space<vmem>>) semaphore(%arg17 : memref<!tpu.dma_semaphore, #tpu.memory_space<semaphore_mem>>)
      %dma_start3A_221 = tpu.memref_slice %arg4[%add3A_202, %mul3A_208] : memref<161792x128xf32, #tpu.memory_space<hbm>> -> memref<128x64xf32, #tpu.memory_space<hbm>>
      %dma_start3A_222 = tpu.memref_slice %arg4[%add3A_202, %mul3A_208] : memref<161792x128xf32, #tpu.memory_space<hbm>> -> memref<128x64xf32, #tpu.memory_space<hbm>>
      tpu.enqueue_dma source(%dma_start3A_222 : memref<128x64xf32, #tpu.memory_space<hbm>>) target(%arg14 : memref<128x64xf32, #tpu.memory_space<vmem>>) target_semaphore(%arg17 : memref<!tpu.dma_semaphore, #tpu.memory_space<semaphore_mem>>)
      %add3A_223 = arith.constant 1 : i32
      %add3A_224 = arith.addi %mul3A_116, %add3A_223 : i32
      %dma_wait3A_225 = arith.constant 0 : i32
      %dma_wait3A_226 = arith.constant 0 : i32
      %dma_wait3A_227 = tpu.memref_slice %arg2[%dma_wait3A_225, %dma_wait3A_226] : memref<10240x64xf32, #tpu.memory_space<hbm>> -> memref<128x64xf32, #tpu.memory_space<hbm>>
      %dma_wait3A_228 = arith.constant 0 : i32
      %dma_wait3A_229 = arith.constant 0 : i32
      %dma_wait3A_230 = tpu.memref_slice %arg2[%dma_wait3A_228, %dma_wait3A_229] : memref<10240x64xf32, #tpu.memory_space<hbm>> -> memref<128x64xf32, #tpu.memory_space<hbm>>
      tpu.wait_dma2 semaphore(%arg18 : memref<!tpu.dma_semaphore, #tpu.memory_space<semaphore_mem>>) src(%dma_wait3A_230 : memref<128x64xf32, #tpu.memory_space<hbm>>) dst(%arg11 : memref<128x64xf32, #tpu.memory_space<vmem>>)
      %dma_wait3A_231 = arith.constant 0 : i32
      %dma_wait3A_232 = arith.constant 0 : i32
      %dma_wait3A_233 = tpu.memref_slice %arg2[%dma_wait3A_231, %dma_wait3A_232] : memref<10240x64xf32, #tpu.memory_space<hbm>> -> memref<128x64xf32, #tpu.memory_space<hbm>>
      %dma_wait3A_234 = arith.constant 0 : i32
      %dma_wait3A_235 = arith.constant 0 : i32
      %dma_wait3A_236 = tpu.memref_slice %arg2[%dma_wait3A_234, %dma_wait3A_235] : memref<10240x64xf32, #tpu.memory_space<hbm>> -> memref<128x64xf32, #tpu.memory_space<hbm>>
      tpu.wait_dma2 semaphore(%arg18 : memref<!tpu.dma_semaphore, #tpu.memory_space<semaphore_mem>>) src(%dma_wait3A_236 : memref<128x64xf32, #tpu.memory_space<hbm>>) dst(%arg13 : memref<128x64xf32, #tpu.memory_space<vmem>>)
      %dma_wait3A_237 = arith.constant 0 : i32
      %dma_wait3A_238 = arith.constant 0 : i32
      %dma_wait3A_239 = tpu.memref_slice %arg2[%dma_wait3A_237, %dma_wait3A_238] : memref<10240x64xf32, #tpu.memory_space<hbm>> -> memref<128x64xf32, #tpu.memory_space<hbm>>
      %dma_wait3A_240 = arith.constant 0 : i32
      %dma_wait3A_241 = arith.constant 0 : i32
      %dma_wait3A_242 = tpu.memref_slice %arg2[%dma_wait3A_240, %dma_wait3A_241] : memref<10240x64xf32, #tpu.memory_space<hbm>> -> memref<128x64xf32, #tpu.memory_space<hbm>>
      tpu.wait_dma2 semaphore(%arg18 : memref<!tpu.dma_semaphore, #tpu.memory_space<semaphore_mem>>) src(%dma_wait3A_242 : memref<128x64xf32, #tpu.memory_space<hbm>>) dst(%arg15 : memref<128x64xf32, #tpu.memory_space<vmem>>)
      %scan3A_243 = arith.constant 0 : i32
      %scan3A_244 = arith.constant 0 : i32
      %scan3A_245 = arith.constant 32 : i32
      %scan3A_246 = arith.addi %scan3A_244, %scan3A_245 : i32
      %scan3A_247 = arith.constant 1 : i32
      %scan3A_248 = scf.for %scan3A_257 = %scan3A_244 to %scan3A_246 step %scan3A_247 iter_args(%scan3A_258 = %scan3A_243) -> (i32)  : i32 {
        %mul3A_259 = arith.constant 4 : i32
        %mul3A_260 = arith.muli %scan3A_257, %mul3A_259 : i32
        %add3A_261 = arith.constant 0 : i32
        %add3A_262 = arith.addi %mul3A_260, %add3A_261 : i32
        %get3A = arith.index_cast %add3A_262 : i32 to index
        %get3A_263 = arith.constant 0 : index
        %get3A_264 = tpu.vector_load %arg11[%get3A, %get3A_263] {strides = array<i32>} : memref<128x64xf32, #tpu.memory_space<vmem>>, vector<1x16xf32>,
        %get3A_265 = vector.shape_cast %get3A_264 : vector<1x16xf32> to vector<16xf32>
        %get3A_266 = arith.index_cast %add3A_262 : i32 to index
        %get3A_267 = arith.constant 0 : index
        %get3A_268 = tpu.vector_load %arg13[%get3A_266, %get3A_267] {strides = array<i32>} : memref<128x64xf32, #tpu.memory_space<vmem>>, vector<1x16xf32>,
        %get3A_269 = vector.shape_cast %get3A_268 : vector<1x16xf32> to vector<16xf32>
        %add3A_270 = arith.addf %get3A_265, %get3A_269 : vector<16xf32>
        %get3A_271 = arith.index_cast %add3A_262 : i32 to index
        %get3A_272 = arith.constant 0 : index
        %get3A_273 = tpu.vector_load %arg15[%get3A_271, %get3A_272] {strides = array<i32>} : memref<128x64xf32, #tpu.memory_space<vmem>>, vector<1x16xf32>,
        %get3A_274 = vector.shape_cast %get3A_273 : vector<1x16xf32> to vector<16xf32>
        %add3A_275 = arith.addf %add3A_270, %get3A_274 : vector<16xf32>
        %max3A = arith.constant 0.000000e+00 : f32
        %max3A_276 = vector.broadcast %max3A : f32 to vector<16xf32>
        %max3A_277 = arith.maximumf %add3A_275, %max3A_276 : vector<16xf32>
        %swap3A = arith.index_cast %add3A_262 : i32 to index
        %swap3A_278 = arith.constant 0 : index
        %swap3A_279 = tpu.vector_load %arg15[%swap3A, %swap3A_278] {strides = array<i32>} : memref<128x64xf32, #tpu.memory_space<vmem>>, vector<1x16xf32>,
        %swap3A_280 = vector.shape_cast %swap3A_279 : vector<1x16xf32> to vector<16xf32>
        %swap3A_281 = vector.shape_cast %max3A_277 : vector<16xf32> to vector<1x16xf32>
        tpu.vector_store %arg15[%swap3A, %swap3A_278], %swap3A_281 {strides = array<i32>} : memref<128x64xf32, #tpu.memory_space<vmem>>, vector<1x16xf32>,
        %get3A_282 = arith.index_cast %add3A_262 : i32 to index
        %get3A_283 = arith.constant 16 : index
        %get3A_284 = tpu.vector_load %arg11[%get3A_282, %get3A_283] {strides = array<i32>} : memref<128x64xf32, #tpu.memory_space<vmem>>, vector<1x16xf32>,
        %get3A_285 = vector.shape_cast %get3A_284 : vector<1x16xf32> to vector<16xf32>
        %get3A_286 = arith.index_cast %add3A_262 : i32 to index
        %get3A_287 = arith.constant 16 : index
        %get3A_288 = tpu.vector_load %arg13[%get3A_286, %get3A_287] {strides = array<i32>} : memref<128x64xf32, #tpu.memory_space<vmem>>, vector<1x16xf32>,
        %get3A_289 = vector.shape_cast %get3A_288 : vector<1x16xf32> to vector<16xf32>
        %add3A_290 = arith.addf %get3A_285, %get3A_289 : vector<16xf32>
        %get3A_291 = arith.index_cast %add3A_262 : i32 to index
        %get3A_292 = arith.constant 16 : index
        %get3A_293 = tpu.vector_load %arg15[%get3A_291, %get3A_292] {strides = array<i32>} : memref<128x64xf32, #tpu.memory_space<vmem>>, vector<1x16xf32>,
        %get3A_294 = vector.shape_cast %get3A_293 : vector<1x16xf32> to vector<16xf32>
        %add3A_295 = arith.addf %add3A_290, %get3A_294 : vector<16xf32>
        %max3A_296 = arith.constant 0.000000e+00 : f32
        %max3A_297 = vector.broadcast %max3A_296 : f32 to vector<16xf32>
        %max3A_298 = arith.maximumf %add3A_295, %max3A_297 : vector<16xf32>
        %swap3A_299 = arith.index_cast %add3A_262 : i32 to index
        %swap3A_300 = arith.constant 16 : index
        %swap3A_301 = tpu.vector_load %arg15[%swap3A_299, %swap3A_300] {strides = array<i32>} : memref<128x64xf32, #tpu.memory_space<vmem>>, vector<1x16xf32>,
        %swap3A_302 = vector.shape_cast %swap3A_301 : vector<1x16xf32> to vector<16xf32>
        %swap3A_303 = vector.shape_cast %max3A_298 : vector<16xf32> to vector<1x16xf32>
        tpu.vector_store %arg15[%swap3A_299, %swap3A_300], %swap3A_303 {strides = array<i32>} : memref<128x64xf32, #tpu.memory_space<vmem>>, vector<1x16xf32>,
        %get3A_304 = arith.index_cast %add3A_262 : i32 to index
        %get3A_305 = arith.constant 32 : index
        %get3A_306 = tpu.vector_load %arg11[%get3A_304, %get3A_305] {strides = array<i32>} : memref<128x64xf32, #tpu.memory_space<vmem>>, vector<1x16xf32>,
        %get3A_307 = vector.shape_cast %get3A_306 : vector<1x16xf32> to vector<16xf32>
        %get3A_308 = arith.index_cast %add3A_262 : i32 to index
        %get3A_309 = arith.constant 32 : index
        %get3A_310 = tpu.vector_load %arg13[%get3A_308, %get3A_309] {strides = array<i32>} : memref<128x64xf32, #tpu.memory_space<vmem>>, vector<1x16xf32>,
        %get3A_311 = vector.shape_cast %get3A_310 : vector<1x16xf32> to vector<16xf32>
        %add3A_312 = arith.addf %get3A_307, %get3A_311 : vector<16xf32>
        %get3A_313 = arith.index_cast %add3A_262 : i32 to index
        %get3A_314 = arith.constant 32 : index
        %get3A_315 = tpu.vector_load %arg15[%get3A_313, %get3A_314] {strides = array<i32>} : memref<128x64xf32, #tpu.memory_space<vmem>>, vector<1x16xf32>,
        %get3A_316 = vector.shape_cast %get3A_315 : vector<1x16xf32> to vector<16xf32>
        %add3A_317 = arith.addf %add3A_312, %get3A_316 : vector<16xf32>
        %max3A_318 = arith.constant 0.000000e+00 : f32
        %max3A_319 = vector.broadcast %max3A_318 : f32 to vector<16xf32>
        %max3A_320 = arith.maximumf %add3A_317, %max3A_319 : vector<16xf32>
        %swap3A_321 = arith.index_cast %add3A_262 : i32 to index
        %swap3A_322 = arith.constant 32 : index
        %swap3A_323 = tpu.vector_load %arg15[%swap3A_321, %swap3A_322] {strides = array<i32>} : memref<128x64xf32, #tpu.memory_space<vmem>>, vector<1x16xf32>,
        %swap3A_324 = vector.shape_cast %swap3A_323 : vector<1x16xf32> to vector<16xf32>
        %swap3A_325 = vector.shape_cast %max3A_320 : vector<16xf32> to vector<1x16xf32>
        tpu.vector_store %arg15[%swap3A_321, %swap3A_322], %swap3A_325 {strides = array<i32>} : memref<128x64xf32, #tpu.memory_space<vmem>>, vector<1x16xf32>,
        %get3A_326 = arith.index_cast %add3A_262 : i32 to index
        %get3A_327 = arith.constant 48 : index
        %get3A_328 = tpu.vector_load %arg11[%get3A_326, %get3A_327] {strides = array<i32>} : memref<128x64xf32, #tpu.memory_space<vmem>>, vector<1x16xf32>,
        %get3A_329 = vector.shape_cast %get3A_328 : vector<1x16xf32> to vector<16xf32>
        %get3A_330 = arith.index_cast %add3A_262 : i32 to index
        %get3A_331 = arith.constant 48 : index
        %get3A_332 = tpu.vector_load %arg13[%get3A_330, %get3A_331] {strides = array<i32>} : memref<128x64xf32, #tpu.memory_space<vmem>>, vector<1x16xf32>,
        %get3A_333 = vector.shape_cast %get3A_332 : vector<1x16xf32> to vector<16xf32>
        %add3A_334 = arith.addf %get3A_329, %get3A_333 : vector<16xf32>
        %get3A_335 = arith.index_cast %add3A_262 : i32 to index
        %get3A_336 = arith.constant 48 : index
        %get3A_337 = tpu.vector_load %arg15[%get3A_335, %get3A_336] {strides = array<i32>} : memref<128x64xf32, #tpu.memory_space<vmem>>, vector<1x16xf32>,
        %get3A_338 = vector.shape_cast %get3A_337 : vector<1x16xf32> to vector<16xf32>
        %add3A_339 = arith.addf %add3A_334, %get3A_338 : vector<16xf32>
        %max3A_340 = arith.constant 0.000000e+00 : f32
        %max3A_341 = vector.broadcast %max3A_340 : f32 to vector<16xf32>
        %max3A_342 = arith.maximumf %add3A_339, %max3A_341 : vector<16xf32>
        %swap3A_343 = arith.index_cast %add3A_262 : i32 to index
        %swap3A_344 = arith.constant 48 : index
        %swap3A_345 = tpu.vector_load %arg15[%swap3A_343, %swap3A_344] {strides = array<i32>} : memref<128x64xf32, #tpu.memory_space<vmem>>, vector<1x16xf32>,
        %swap3A_346 = vector.shape_cast %swap3A_345 : vector<1x16xf32> to vector<16xf32>
        %swap3A_347 = vector.shape_cast %max3A_342 : vector<16xf32> to vector<1x16xf32>
        tpu.vector_store %arg15[%swap3A_343, %swap3A_344], %swap3A_347 {strides = array<i32>} : memref<128x64xf32, #tpu.memory_space<vmem>>, vector<1x16xf32>,
        %mul3A_348 = arith.constant 4 : i32
        %mul3A_349 = arith.muli %scan3A_257, %mul3A_348 : i32
        %add3A_350 = arith.constant 1 : i32
        %add3A_351 = arith.addi %mul3A_349, %add3A_350 : i32
        %get3A_352 = arith.index_cast %add3A_351 : i32 to index
        %get3A_353 = arith.constant 0 : index
        %get3A_354 = tpu.vector_load %arg11[%get3A_352, %get3A_353] {strides = array<i32>} : memref<128x64xf32, #tpu.memory_space<vmem>>, vector<1x16xf32>,
        %get3A_355 = vector.shape_cast %get3A_354 : vector<1x16xf32> to vector<16xf32>
        %get3A_356 = arith.index_cast %add3A_351 : i32 to index
        %get3A_357 = arith.constant 0 : index
        %get3A_358 = tpu.vector_load %arg13[%get3A_356, %get3A_357] {strides = array<i32>} : memref<128x64xf32, #tpu.memory_space<vmem>>, vector<1x16xf32>,
        %get3A_359 = vector.shape_cast %get3A_358 : vector<1x16xf32> to vector<16xf32>
        %add3A_360 = arith.addf %get3A_355, %get3A_359 : vector<16xf32>
        %get3A_361 = arith.index_cast %add3A_351 : i32 to index
        %get3A_362 = arith.constant 0 : index
        %get3A_363 = tpu.vector_load %arg15[%get3A_361, %get3A_362] {strides = array<i32>} : memref<128x64xf32, #tpu.memory_space<vmem>>, vector<1x16xf32>,
        %get3A_364 = vector.shape_cast %get3A_363 : vector<1x16xf32> to vector<16xf32>
        %add3A_365 = arith.addf %add3A_360, %get3A_364 : vector<16xf32>
        %max3A_366 = arith.constant 0.000000e+00 : f32
        %max3A_367 = vector.broadcast %max3A_366 : f32 to vector<16xf32>
        %max3A_368 = arith.maximumf %add3A_365, %max3A_367 : vector<16xf32>
        %swap3A_369 = arith.index_cast %add3A_351 : i32 to index
        %swap3A_370 = arith.constant 0 : index
        %swap3A_371 = tpu.vector_load %arg15[%swap3A_369, %swap3A_370] {strides = array<i32>} : memref<128x64xf32, #tpu.memory_space<vmem>>, vector<1x16xf32>,
        %swap3A_372 = vector.shape_cast %swap3A_371 : vector<1x16xf32> to vector<16xf32>
        %swap3A_373 = vector.shape_cast %max3A_368 : vector<16xf32> to vector<1x16xf32>
        tpu.vector_store %arg15[%swap3A_369, %swap3A_370], %swap3A_373 {strides = array<i32>} : memref<128x64xf32, #tpu.memory_space<vmem>>, vector<1x16xf32>,
        %get3A_374 = arith.index_cast %add3A_351 : i32 to index
        %get3A_375 = arith.constant 16 : index
        %get3A_376 = tpu.vector_load %arg11[%get3A_374, %get3A_375] {strides = array<i32>} : memref<128x64xf32, #tpu.memory_space<vmem>>, vector<1x16xf32>,
        %get3A_377 = vector.shape_cast %get3A_376 : vector<1x16xf32> to vector<16xf32>
        %get3A_378 = arith.index_cast %add3A_351 : i32 to index
        %get3A_379 = arith.constant 16 : index
        %get3A_380 = tpu.vector_load %arg13[%get3A_378, %get3A_379] {strides = array<i32>} : memref<128x64xf32, #tpu.memory_space<vmem>>, vector<1x16xf32>,
        %get3A_381 = vector.shape_cast %get3A_380 : vector<1x16xf32> to vector<16xf32>
        %add3A_382 = arith.addf %get3A_377, %get3A_381 : vector<16xf32>
        %get3A_383 = arith.index_cast %add3A_351 : i32 to index
        %get3A_384 = arith.constant 16 : index
        %get3A_385 = tpu.vector_load %arg15[%get3A_383, %get3A_384] {strides = array<i32>} : memref<128x64xf32, #tpu.memory_space<vmem>>, vector<1x16xf32>,
        %get3A_386 = vector.shape_cast %get3A_385 : vector<1x16xf32> to vector<16xf32>
        %add3A_387 = arith.addf %add3A_382, %get3A_386 : vector<16xf32>
        %max3A_388 = arith.constant 0.000000e+00 : f32
        %max3A_389 = vector.broadcast %max3A_388 : f32 to vector<16xf32>
        %max3A_390 = arith.maximumf %add3A_387, %max3A_389 : vector<16xf32>
        %swap3A_391 = arith.index_cast %add3A_351 : i32 to index
        %swap3A_392 = arith.constant 16 : index
        %swap3A_393 = tpu.vector_load %arg15[%swap3A_391, %swap3A_392] {strides = array<i32>} : memref<128x64xf32, #tpu.memory_space<vmem>>, vector<1x16xf32>,
        %swap3A_394 = vector.shape_cast %swap3A_393 : vector<1x16xf32> to vector<16xf32>
        %swap3A_395 = vector.shape_cast %max3A_390 : vector<16xf32> to vector<1x16xf32>
        tpu.vector_store %arg15[%swap3A_391, %swap3A_392], %swap3A_395 {strides = array<i32>} : memref<128x64xf32, #tpu.memory_space<vmem>>, vector<1x16xf32>,
        %get3A_396 = arith.index_cast %add3A_351 : i32 to index
        %get3A_397 = arith.constant 32 : index
        %get3A_398 = tpu.vector_load %arg11[%get3A_396, %get3A_397] {strides = array<i32>} : memref<128x64xf32, #tpu.memory_space<vmem>>, vector<1x16xf32>,
        %get3A_399 = vector.shape_cast %get3A_398 : vector<1x16xf32> to vector<16xf32>
        %get3A_400 = arith.index_cast %add3A_351 : i32 to index
        %get3A_401 = arith.constant 32 : index
        %get3A_402 = tpu.vector_load %arg13[%get3A_400, %get3A_401] {strides = array<i32>} : memref<128x64xf32, #tpu.memory_space<vmem>>, vector<1x16xf32>,
        %get3A_403 = vector.shape_cast %get3A_402 : vector<1x16xf32> to vector<16xf32>
        %add3A_404 = arith.addf %get3A_399, %get3A_403 : vector<16xf32>
        %get3A_405 = arith.index_cast %add3A_351 : i32 to index
        %get3A_406 = arith.constant 32 : index
        %get3A_407 = tpu.vector_load %arg15[%get3A_405, %get3A_406] {strides = array<i32>} : memref<128x64xf32, #tpu.memory_space<vmem>>, vector<1x16xf32>,
        %get3A_408 = vector.shape_cast %get3A_407 : vector<1x16xf32> to vector<16xf32>
        %add3A_409 = arith.addf %add3A_404, %get3A_408 : vector<16xf32>
        %max3A_410 = arith.constant 0.000000e+00 : f32
        %max3A_411 = vector.broadcast %max3A_410 : f32 to vector<16xf32>
        %max3A_412 = arith.maximumf %add3A_409, %max3A_411 : vector<16xf32>
        %swap3A_413 = arith.index_cast %add3A_351 : i32 to index
        %swap3A_414 = arith.constant 32 : index
        %swap3A_415 = tpu.vector_load %arg15[%swap3A_413, %swap3A_414] {strides = array<i32>} : memref<128x64xf32, #tpu.memory_space<vmem>>, vector<1x16xf32>,
        %swap3A_416 = vector.shape_cast %swap3A_415 : vector<1x16xf32> to vector<16xf32>
        %swap3A_417 = vector.shape_cast %max3A_412 : vector<16xf32> to vector<1x16xf32>
        tpu.vector_store %arg15[%swap3A_413, %swap3A_414], %swap3A_417 {strides = array<i32>} : memref<128x64xf32, #tpu.memory_space<vmem>>, vector<1x16xf32>,
        %get3A_418 = arith.index_cast %add3A_351 : i32 to index
        %get3A_419 = arith.constant 48 : index
        %get3A_420 = tpu.vector_load %arg11[%get3A_418, %get3A_419] {strides = array<i32>} : memref<128x64xf32, #tpu.memory_space<vmem>>, vector<1x16xf32>,
        %get3A_421 = vector.shape_cast %get3A_420 : vector<1x16xf32> to vector<16xf32>
        %get3A_422 = arith.index_cast %add3A_351 : i32 to index
        %get3A_423 = arith.constant 48 : index
        %get3A_424 = tpu.vector_load %arg13[%get3A_422, %get3A_423] {strides = array<i32>} : memref<128x64xf32, #tpu.memory_space<vmem>>, vector<1x16xf32>,
        %get3A_425 = vector.shape_cast %get3A_424 : vector<1x16xf32> to vector<16xf32>
        %add3A_426 = arith.addf %get3A_421, %get3A_425 : vector<16xf32>
        %get3A_427 = arith.index_cast %add3A_351 : i32 to index
        %get3A_428 = arith.constant 48 : index
        %get3A_429 = tpu.vector_load %arg15[%get3A_427, %get3A_428] {strides = array<i32>} : memref<128x64xf32, #tpu.memory_space<vmem>>, vector<1x16xf32>,
        %get3A_430 = vector.shape_cast %get3A_429 : vector<1x16xf32> to vector<16xf32>
        %add3A_431 = arith.addf %add3A_426, %get3A_430 : vector<16xf32>
        %max3A_432 = arith.constant 0.000000e+00 : f32
        %max3A_433 = vector.broadcast %max3A_432 : f32 to vector<16xf32>
        %max3A_434 = arith.maximumf %add3A_431, %max3A_433 : vector<16xf32>
        %swap3A_435 = arith.index_cast %add3A_351 : i32 to index
        %swap3A_436 = arith.constant 48 : index
        %swap3A_437 = tpu.vector_load %arg15[%swap3A_435, %swap3A_436] {strides = array<i32>} : memref<128x64xf32, #tpu.memory_space<vmem>>, vector<1x16xf32>,
        %swap3A_438 = vector.shape_cast %swap3A_437 : vector<1x16xf32> to vector<16xf32>
        %swap3A_439 = vector.shape_cast %max3A_434 : vector<16xf32> to vector<1x16xf32>
        tpu.vector_store %arg15[%swap3A_435, %swap3A_436], %swap3A_439 {strides = array<i32>} : memref<128x64xf32, #tpu.memory_space<vmem>>, vector<1x16xf32>,
        %mul3A_440 = arith.constant 4 : i32
        %mul3A_441 = arith.muli %scan3A_257, %mul3A_440 : i32
        %add3A_442 = arith.constant 2 : i32
        %add3A_443 = arith.addi %mul3A_441, %add3A_442 : i32
        %get3A_444 = arith.index_cast %add3A_443 : i32 to index
        %get3A_445 = arith.constant 0 : index
        %get3A_446 = tpu.vector_load %arg11[%get3A_444, %get3A_445] {strides = array<i32>} : memref<128x64xf32, #tpu.memory_space<vmem>>, vector<1x16xf32>,
        %get3A_447 = vector.shape_cast %get3A_446 : vector<1x16xf32> to vector<16xf32>
        %get3A_448 = arith.index_cast %add3A_443 : i32 to index
        %get3A_449 = arith.constant 0 : index
        %get3A_450 = tpu.vector_load %arg13[%get3A_448, %get3A_449] {strides = array<i32>} : memref<128x64xf32, #tpu.memory_space<vmem>>, vector<1x16xf32>,
        %get3A_451 = vector.shape_cast %get3A_450 : vector<1x16xf32> to vector<16xf32>
        %add3A_452 = arith.addf %get3A_447, %get3A_451 : vector<16xf32>
        %get3A_453 = arith.index_cast %add3A_443 : i32 to index
        %get3A_454 = arith.constant 0 : index
        %get3A_455 = tpu.vector_load %arg15[%get3A_453, %get3A_454] {strides = array<i32>} : memref<128x64xf32, #tpu.memory_space<vmem>>, vector<1x16xf32>,
        %get3A_456 = vector.shape_cast %get3A_455 : vector<1x16xf32> to vector<16xf32>
        %add3A_457 = arith.addf %add3A_452, %get3A_456 : vector<16xf32>
        %max3A_458 = arith.constant 0.000000e+00 : f32
        %max3A_459 = vector.broadcast %max3A_458 : f32 to vector<16xf32>
        %max3A_460 = arith.maximumf %add3A_457, %max3A_459 : vector<16xf32>
        %swap3A_461 = arith.index_cast %add3A_443 : i32 to index
        %swap3A_462 = arith.constant 0 : index
        %swap3A_463 = tpu.vector_load %arg15[%swap3A_461, %swap3A_462] {strides = array<i32>} : memref<128x64xf32, #tpu.memory_space<vmem>>, vector<1x16xf32>,
        %swap3A_464 = vector.shape_cast %swap3A_463 : vector<1x16xf32> to vector<16xf32>
        %swap3A_465 = vector.shape_cast %max3A_460 : vector<16xf32> to vector<1x16xf32>
        tpu.vector_store %arg15[%swap3A_461, %swap3A_462], %swap3A_465 {strides = array<i32>} : memref<128x64xf32, #tpu.memory_space<vmem>>, vector<1x16xf32>,
        %get3A_466 = arith.index_cast %add3A_443 : i32 to index
        %get3A_467 = arith.constant 16 : index
        %get3A_468 = tpu.vector_load %arg11[%get3A_466, %get3A_467] {strides = array<i32>} : memref<128x64xf32, #tpu.memory_space<vmem>>, vector<1x16xf32>,
        %get3A_469 = vector.shape_cast %get3A_468 : vector<1x16xf32> to vector<16xf32>
        %get3A_470 = arith.index_cast %add3A_443 : i32 to index
        %get3A_471 = arith.constant 16 : index
        %get3A_472 = tpu.vector_load %arg13[%get3A_470, %get3A_471] {strides = array<i32>} : memref<128x64xf32, #tpu.memory_space<vmem>>, vector<1x16xf32>,
        %get3A_473 = vector.shape_cast %get3A_472 : vector<1x16xf32> to vector<16xf32>
        %add3A_474 = arith.addf %get3A_469, %get3A_473 : vector<16xf32>
        %get3A_475 = arith.index_cast %add3A_443 : i32 to index
        %get3A_476 = arith.constant 16 : index
        %get3A_477 = tpu.vector_load %arg15[%get3A_475, %get3A_476] {strides = array<i32>} : memref<128x64xf32, #tpu.memory_space<vmem>>, vector<1x16xf32>,
        %get3A_478 = vector.shape_cast %get3A_477 : vector<1x16xf32> to vector<16xf32>
        %add3A_479 = arith.addf %add3A_474, %get3A_478 : vector<16xf32>
        %max3A_480 = arith.constant 0.000000e+00 : f32
        %max3A_481 = vector.broadcast %max3A_480 : f32 to vector<16xf32>
        %max3A_482 = arith.maximumf %add3A_479, %max3A_481 : vector<16xf32>
        %swap3A_483 = arith.index_cast %add3A_443 : i32 to index
        %swap3A_484 = arith.constant 16 : index
        %swap3A_485 = tpu.vector_load %arg15[%swap3A_483, %swap3A_484] {strides = array<i32>} : memref<128x64xf32, #tpu.memory_space<vmem>>, vector<1x16xf32>,
        %swap3A_486 = vector.shape_cast %swap3A_485 : vector<1x16xf32> to vector<16xf32>
        %swap3A_487 = vector.shape_cast %max3A_482 : vector<16xf32> to vector<1x16xf32>
        tpu.vector_store %arg15[%swap3A_483, %swap3A_484], %swap3A_487 {strides = array<i32>} : memref<128x64xf32, #tpu.memory_space<vmem>>, vector<1x16xf32>,
        %get3A_488 = arith.index_cast %add3A_443 : i32 to index
        %get3A_489 = arith.constant 32 : index
        %get3A_490 = tpu.vector_load %arg11[%get3A_488, %get3A_489] {strides = array<i32>} : memref<128x64xf32, #tpu.memory_space<vmem>>, vector<1x16xf32>,
        %get3A_491 = vector.shape_cast %get3A_490 : vector<1x16xf32> to vector<16xf32>
        %get3A_492 = arith.index_cast %add3A_443 : i32 to index
        %get3A_493 = arith.constant 32 : index
        %get3A_494 = tpu.vector_load %arg13[%get3A_492, %get3A_493] {strides = array<i32>} : memref<128x64xf32, #tpu.memory_space<vmem>>, vector<1x16xf32>,
        %get3A_495 = vector.shape_cast %get3A_494 : vector<1x16xf32> to vector<16xf32>
        %add3A_496 = arith.addf %get3A_491, %get3A_495 : vector<16xf32>
        %get3A_497 = arith.index_cast %add3A_443 : i32 to index
        %get3A_498 = arith.constant 32 : index
        %get3A_499 = tpu.vector_load %arg15[%get3A_497, %get3A_498] {strides = array<i32>} : memref<128x64xf32, #tpu.memory_space<vmem>>, vector<1x16xf32>,
        %get3A_500 = vector.shape_cast %get3A_499 : vector<1x16xf32> to vector<16xf32>
        %add3A_501 = arith.addf %add3A_496, %get3A_500 : vector<16xf32>
        %max3A_502 = arith.constant 0.000000e+00 : f32
        %max3A_503 = vector.broadcast %max3A_502 : f32 to vector<16xf32>
        %max3A_504 = arith.maximumf %add3A_501, %max3A_503 : vector<16xf32>
        %swap3A_505 = arith.index_cast %add3A_443 : i32 to index
        %swap3A_506 = arith.constant 32 : index
        %swap3A_507 = tpu.vector_load %arg15[%swap3A_505, %swap3A_506] {strides = array<i32>} : memref<128x64xf32, #tpu.memory_space<vmem>>, vector<1x16xf32>,
        %swap3A_508 = vector.shape_cast %swap3A_507 : vector<1x16xf32> to vector<16xf32>
        %swap3A_509 = vector.shape_cast %max3A_504 : vector<16xf32> to vector<1x16xf32>
        tpu.vector_store %arg15[%swap3A_505, %swap3A_506], %swap3A_509 {strides = array<i32>} : memref<128x64xf32, #tpu.memory_space<vmem>>, vector<1x16xf32>,
        %get3A_510 = arith.index_cast %add3A_443 : i32 to index
        %get3A_511 = arith.constant 48 : index
        %get3A_512 = tpu.vector_load %arg11[%get3A_510, %get3A_511] {strides = array<i32>} : memref<128x64xf32, #tpu.memory_space<vmem>>, vector<1x16xf32>,
        %get3A_513 = vector.shape_cast %get3A_512 : vector<1x16xf32> to vector<16xf32>
        %get3A_514 = arith.index_cast %add3A_443 : i32 to index
        %get3A_515 = arith.constant 48 : index
        %get3A_516 = tpu.vector_load %arg13[%get3A_514, %get3A_515] {strides = array<i32>} : memref<128x64xf32, #tpu.memory_space<vmem>>, vector<1x16xf32>,
        %get3A_517 = vector.shape_cast %get3A_516 : vector<1x16xf32> to vector<16xf32>
        %add3A_518 = arith.addf %get3A_513, %get3A_517 : vector<16xf32>
        %get3A_519 = arith.index_cast %add3A_443 : i32 to index
        %get3A_520 = arith.constant 48 : index
        %get3A_521 = tpu.vector_load %arg15[%get3A_519, %get3A_520] {strides = array<i32>} : memref<128x64xf32, #tpu.memory_space<vmem>>, vector<1x16xf32>,
        %get3A_522 = vector.shape_cast %get3A_521 : vector<1x16xf32> to vector<16xf32>
        %add3A_523 = arith.addf %add3A_518, %get3A_522 : vector<16xf32>
        %max3A_524 = arith.constant 0.000000e+00 : f32
        %max3A_525 = vector.broadcast %max3A_524 : f32 to vector<16xf32>
        %max3A_526 = arith.maximumf %add3A_523, %max3A_525 : vector<16xf32>
        %swap3A_527 = arith.index_cast %add3A_443 : i32 to index
        %swap3A_528 = arith.constant 48 : index
        %swap3A_529 = tpu.vector_load %arg15[%swap3A_527, %swap3A_528] {strides = array<i32>} : memref<128x64xf32, #tpu.memory_space<vmem>>, vector<1x16xf32>,
        %swap3A_530 = vector.shape_cast %swap3A_529 : vector<1x16xf32> to vector<16xf32>
        %swap3A_531 = vector.shape_cast %max3A_526 : vector<16xf32> to vector<1x16xf32>
        tpu.vector_store %arg15[%swap3A_527, %swap3A_528], %swap3A_531 {strides = array<i32>} : memref<128x64xf32, #tpu.memory_space<vmem>>, vector<1x16xf32>,
        %mul3A_532 = arith.constant 4 : i32
        %mul3A_533 = arith.muli %scan3A_257, %mul3A_532 : i32
        %add3A_534 = arith.constant 3 : i32
        %add3A_535 = arith.addi %mul3A_533, %add3A_534 : i32
        %get3A_536 = arith.index_cast %add3A_535 : i32 to index
        %get3A_537 = arith.constant 0 : index
        %get3A_538 = tpu.vector_load %arg11[%get3A_536, %get3A_537] {strides = array<i32>} : memref<128x64xf32, #tpu.memory_space<vmem>>, vector<1x16xf32>,
        %get3A_539 = vector.shape_cast %get3A_538 : vector<1x16xf32> to vector<16xf32>
        %get3A_540 = arith.index_cast %add3A_535 : i32 to index
        %get3A_541 = arith.constant 0 : index
        %get3A_542 = tpu.vector_load %arg13[%get3A_540, %get3A_541] {strides = array<i32>} : memref<128x64xf32, #tpu.memory_space<vmem>>, vector<1x16xf32>,
        %get3A_543 = vector.shape_cast %get3A_542 : vector<1x16xf32> to vector<16xf32>
        %add3A_544 = arith.addf %get3A_539, %get3A_543 : vector<16xf32>
        %get3A_545 = arith.index_cast %add3A_535 : i32 to index
        %get3A_546 = arith.constant 0 : index
        %get3A_547 = tpu.vector_load %arg15[%get3A_545, %get3A_546] {strides = array<i32>} : memref<128x64xf32, #tpu.memory_space<vmem>>, vector<1x16xf32>,
        %get3A_548 = vector.shape_cast %get3A_547 : vector<1x16xf32> to vector<16xf32>
        %add3A_549 = arith.addf %add3A_544, %get3A_548 : vector<16xf32>
        %max3A_550 = arith.constant 0.000000e+00 : f32
        %max3A_551 = vector.broadcast %max3A_550 : f32 to vector<16xf32>
        %max3A_552 = arith.maximumf %add3A_549, %max3A_551 : vector<16xf32>
        %swap3A_553 = arith.index_cast %add3A_535 : i32 to index
        %swap3A_554 = arith.constant 0 : index
        %swap3A_555 = tpu.vector_load %arg15[%swap3A_553, %swap3A_554] {strides = array<i32>} : memref<128x64xf32, #tpu.memory_space<vmem>>, vector<1x16xf32>,
        %swap3A_556 = vector.shape_cast %swap3A_555 : vector<1x16xf32> to vector<16xf32>
        %swap3A_557 = vector.shape_cast %max3A_552 : vector<16xf32> to vector<1x16xf32>
        tpu.vector_store %arg15[%swap3A_553, %swap3A_554], %swap3A_557 {strides = array<i32>} : memref<128x64xf32, #tpu.memory_space<vmem>>, vector<1x16xf32>,
        %get3A_558 = arith.index_cast %add3A_535 : i32 to index
        %get3A_559 = arith.constant 16 : index
        %get3A_560 = tpu.vector_load %arg11[%get3A_558, %get3A_559] {strides = array<i32>} : memref<128x64xf32, #tpu.memory_space<vmem>>, vector<1x16xf32>,
        %get3A_561 = vector.shape_cast %get3A_560 : vector<1x16xf32> to vector<16xf32>
        %get3A_562 = arith.index_cast %add3A_535 : i32 to index
        %get3A_563 = arith.constant 16 : index
        %get3A_564 = tpu.vector_load %arg13[%get3A_562, %get3A_563] {strides = array<i32>} : memref<128x64xf32, #tpu.memory_space<vmem>>, vector<1x16xf32>,
        %get3A_565 = vector.shape_cast %get3A_564 : vector<1x16xf32> to vector<16xf32>
        %add3A_566 = arith.addf %get3A_561, %get3A_565 : vector<16xf32>
        %get3A_567 = arith.index_cast %add3A_535 : i32 to index
        %get3A_568 = arith.constant 16 : index
        %get3A_569 = tpu.vector_load %arg15[%get3A_567, %get3A_568] {strides = array<i32>} : memref<128x64xf32, #tpu.memory_space<vmem>>, vector<1x16xf32>,
        %get3A_570 = vector.shape_cast %get3A_569 : vector<1x16xf32> to vector<16xf32>
        %add3A_571 = arith.addf %add3A_566, %get3A_570 : vector<16xf32>
        %max3A_572 = arith.constant 0.000000e+00 : f32
        %max3A_573 = vector.broadcast %max3A_572 : f32 to vector<16xf32>
        %max3A_574 = arith.maximumf %add3A_571, %max3A_573 : vector<16xf32>
        %swap3A_575 = arith.index_cast %add3A_535 : i32 to index
        %swap3A_576 = arith.constant 16 : index
        %swap3A_577 = tpu.vector_load %arg15[%swap3A_575, %swap3A_576] {strides = array<i32>} : memref<128x64xf32, #tpu.memory_space<vmem>>, vector<1x16xf32>,
        %swap3A_578 = vector.shape_cast %swap3A_577 : vector<1x16xf32> to vector<16xf32>
        %swap3A_579 = vector.shape_cast %max3A_574 : vector<16xf32> to vector<1x16xf32>
        tpu.vector_store %arg15[%swap3A_575, %swap3A_576], %swap3A_579 {strides = array<i32>} : memref<128x64xf32, #tpu.memory_space<vmem>>, vector<1x16xf32>,
        %get3A_580 = arith.index_cast %add3A_535 : i32 to index
        %get3A_581 = arith.constant 32 : index
        %get3A_582 = tpu.vector_load %arg11[%get3A_580, %get3A_581] {strides = array<i32>} : memref<128x64xf32, #tpu.memory_space<vmem>>, vector<1x16xf32>,
        %get3A_583 = vector.shape_cast %get3A_582 : vector<1x16xf32> to vector<16xf32>
        %get3A_584 = arith.index_cast %add3A_535 : i32 to index
        %get3A_585 = arith.constant 32 : index
        %get3A_586 = tpu.vector_load %arg13[%get3A_584, %get3A_585] {strides = array<i32>} : memref<128x64xf32, #tpu.memory_space<vmem>>, vector<1x16xf32>,
        %get3A_587 = vector.shape_cast %get3A_586 : vector<1x16xf32> to vector<16xf32>
        %add3A_588 = arith.addf %get3A_583, %get3A_587 : vector<16xf32>
        %get3A_589 = arith.index_cast %add3A_535 : i32 to index
        %get3A_590 = arith.constant 32 : index
        %get3A_591 = tpu.vector_load %arg15[%get3A_589, %get3A_590] {strides = array<i32>} : memref<128x64xf32, #tpu.memory_space<vmem>>, vector<1x16xf32>,
        %get3A_592 = vector.shape_cast %get3A_591 : vector<1x16xf32> to vector<16xf32>
        %add3A_593 = arith.addf %add3A_588, %get3A_592 : vector<16xf32>
        %max3A_594 = arith.constant 0.000000e+00 : f32
        %max3A_595 = vector.broadcast %max3A_594 : f32 to vector<16xf32>
        %max3A_596 = arith.maximumf %add3A_593, %max3A_595 : vector<16xf32>
        %swap3A_597 = arith.index_cast %add3A_535 : i32 to index
        %swap3A_598 = arith.constant 32 : index
        %swap3A_599 = tpu.vector_load %arg15[%swap3A_597, %swap3A_598] {strides = array<i32>} : memref<128x64xf32, #tpu.memory_space<vmem>>, vector<1x16xf32>,
        %swap3A_600 = vector.shape_cast %swap3A_599 : vector<1x16xf32> to vector<16xf32>
        %swap3A_601 = vector.shape_cast %max3A_596 : vector<16xf32> to vector<1x16xf32>
        tpu.vector_store %arg15[%swap3A_597, %swap3A_598], %swap3A_601 {strides = array<i32>} : memref<128x64xf32, #tpu.memory_space<vmem>>, vector<1x16xf32>,
        %get3A_602 = arith.index_cast %add3A_535 : i32 to index
        %get3A_603 = arith.constant 48 : index
        %get3A_604 = tpu.vector_load %arg11[%get3A_602, %get3A_603] {strides = array<i32>} : memref<128x64xf32, #tpu.memory_space<vmem>>, vector<1x16xf32>,
        %get3A_605 = vector.shape_cast %get3A_604 : vector<1x16xf32> to vector<16xf32>
        %get3A_606 = arith.index_cast %add3A_535 : i32 to index
        %get3A_607 = arith.constant 48 : index
        %get3A_608 = tpu.vector_load %arg13[%get3A_606, %get3A_607] {strides = array<i32>} : memref<128x64xf32, #tpu.memory_space<vmem>>, vector<1x16xf32>,
        %get3A_609 = vector.shape_cast %get3A_608 : vector<1x16xf32> to vector<16xf32>
        %add3A_610 = arith.addf %get3A_605, %get3A_609 : vector<16xf32>
        %get3A_611 = arith.index_cast %add3A_535 : i32 to index
        %get3A_612 = arith.constant 48 : index
        %get3A_613 = tpu.vector_load %arg15[%get3A_611, %get3A_612] {strides = array<i32>} : memref<128x64xf32, #tpu.memory_space<vmem>>, vector<1x16xf32>,
        %get3A_614 = vector.shape_cast %get3A_613 : vector<1x16xf32> to vector<16xf32>
        %add3A_615 = arith.addf %add3A_610, %get3A_614 : vector<16xf32>
        %max3A_616 = arith.constant 0.000000e+00 : f32
        %max3A_617 = vector.broadcast %max3A_616 : f32 to vector<16xf32>
        %max3A_618 = arith.maximumf %add3A_615, %max3A_617 : vector<16xf32>
        %swap3A_619 = arith.index_cast %add3A_535 : i32 to index
        %swap3A_620 = arith.constant 48 : index
        %swap3A_621 = tpu.vector_load %arg15[%swap3A_619, %swap3A_620] {strides = array<i32>} : memref<128x64xf32, #tpu.memory_space<vmem>>, vector<1x16xf32>,
        %swap3A_622 = vector.shape_cast %swap3A_621 : vector<1x16xf32> to vector<16xf32>
        %swap3A_623 = vector.shape_cast %max3A_618 : vector<16xf32> to vector<1x16xf32>
        tpu.vector_store %arg15[%swap3A_619, %swap3A_620], %swap3A_623 {strides = array<i32>} : memref<128x64xf32, #tpu.memory_space<vmem>>, vector<1x16xf32>,
        %scan3A_624 = arith.constant 0 : i32
        scf.yield %scan3A_624 : i32
      }
      %scan3A_249 = arith.constant 32 : i32
      %dma_start3A_250 = arith.constant 0 : i32
      %dma_start3A_251 = tpu.memref_slice %arg9[%add3A_224, %dma_start3A_250] : memref<79x128xi32, #tpu.memory_space<vmem>> -> memref<1x128xi32, #tpu.memory_space<vmem>>
      %dma_start3A_252 = tpu.memref_squeeze %dma_start3A_251 : memref<1x128xi32, #tpu.memory_space<vmem>> -> memref<128xi32, #tpu.memory_space<vmem>>
      %dma_start3A_253 = arith.constant 0 : i32
      %dma_start3A_254 = arith.constant 0 : i32
      %dma_start3A_255 = tpu.memref_slice %arg16[%dma_start3A_253, %dma_start3A_254] : memref<10240x64xf32, #tpu.memory_space<vmem_shared>> -> memref<10240x64xf32, #tpu.memory_space<vmem_shared>>
      tpu.enqueue_indirect_dma source(%arg15 : memref<128x64xf32, #tpu.memory_space<vmem>>) target(%dma_start3A_255 : memref<10240x64xf32, #tpu.memory_space<vmem_shared>>) offsets(%dma_start3A_252 : memref<128xi32, #tpu.memory_space<vmem>>) semaphore(%arg20 : memref<!tpu.dma_semaphore, #tpu.memory_space<semaphore_mem>>) {add = true}
      %scan3A_256 = arith.constant 0 : i32
      scf.yield %scan3A_256 : i32
    }
    %scan3A_64 = arith.constant 39 : i32
    %dma_wait3A = arith.constant 0 : i32
    %dma_wait3A_65 = arith.constant 0 : i32
    %dma_wait3A_66 = tpu.memref_slice %arg2[%dma_wait3A, %dma_wait3A_65] : memref<10240x64xf32, #tpu.memory_space<hbm>> -> memref<128x64xf32, #tpu.memory_space<hbm>>
    %dma_wait3A_67 = arith.constant 0 : i32
    %dma_wait3A_68 = arith.constant 0 : i32
    %dma_wait3A_69 = tpu.memref_slice %arg2[%dma_wait3A_67, %dma_wait3A_68] : memref<10240x64xf32, #tpu.memory_space<hbm>> -> memref<128x64xf32, #tpu.memory_space<hbm>>
    tpu.wait_dma2 semaphore(%arg17 : memref<!tpu.dma_semaphore, #tpu.memory_space<semaphore_mem>>) src(%dma_wait3A_69 : memref<128x64xf32, #tpu.memory_space<hbm>>) dst(%arg10 : memref<128x64xf32, #tpu.memory_space<vmem>>)
    %dma_wait3A_70 = arith.constant 0 : i32
    %dma_wait3A_71 = arith.constant 0 : i32
    %dma_wait3A_72 = tpu.memref_slice %arg2[%dma_wait3A_70, %dma_wait3A_71] : memref<10240x64xf32, #tpu.memory_space<hbm>> -> memref<128x64xf32, #tpu.memory_space<hbm>>
    %dma_wait3A_73 = arith.constant 0 : i32
    %dma_wait3A_74 = arith.constant 0 : i32
    %dma_wait3A_75 = tpu.memref_slice %arg2[%dma_wait3A_73, %dma_wait3A_74] : memref<10240x64xf32, #tpu.memory_space<hbm>> -> memref<128x64xf32, #tpu.memory_space<hbm>>
    tpu.wait_dma2 semaphore(%arg17 : memref<!tpu.dma_semaphore, #tpu.memory_space<semaphore_mem>>) src(%dma_wait3A_75 : memref<128x64xf32, #tpu.memory_space<hbm>>) dst(%arg12 : memref<128x64xf32, #tpu.memory_space<vmem>>)
    %dma_wait3A_76 = arith.constant 0 : i32
    %dma_wait3A_77 = arith.constant 0 : i32
    %dma_wait3A_78 = tpu.memref_slice %arg2[%dma_wait3A_76, %dma_wait3A_77] : memref<10240x64xf32, #tpu.memory_space<hbm>> -> memref<128x64xf32, #tpu.memory_space<hbm>>
    %dma_wait3A_79 = arith.constant 0 : i32
    %dma_wait3A_80 = arith.constant 0 : i32
    %dma_wait3A_81 = tpu.memref_slice %arg2[%dma_wait3A_79, %dma_wait3A_80] : memref<10240x64xf32, #tpu.memory_space<hbm>> -> memref<128x64xf32, #tpu.memory_space<hbm>>
    tpu.wait_dma2 semaphore(%arg17 : memref<!tpu.dma_semaphore, #tpu.memory_space<semaphore_mem>>) src(%dma_wait3A_81 : memref<128x64xf32, #tpu.memory_space<hbm>>) dst(%arg14 : memref<128x64xf32, #tpu.memory_space<vmem>>)
    %scan3A_82 = arith.constant 0 : i32
    %scan3A_83 = arith.constant 0 : i32
    %scan3A_84 = arith.constant 32 : i32
    %scan3A_85 = arith.addi %scan3A_83, %scan3A_84 : i32
    %scan3A_86 = arith.constant 1 : i32
    %scan3A_87 = scf.for %scan3A_113 = %scan3A_83 to %scan3A_85 step %scan3A_86 iter_args(%scan3A_114 = %scan3A_82) -> (i32)  : i32 {
      %mul3A_115 = arith.constant 4 : i32
      %mul3A_116 = arith.muli %scan3A_113, %mul3A_115 : i32
      %add3A_117 = arith.constant 0 : i32
      %add3A_118 = arith.addi %mul3A_116, %add3A_117 : i32
      %get3A = arith.index_cast %add3A_118 : i32 to index
      %get3A_119 = arith.constant 0 : index
      %get3A_120 = tpu.vector_load %arg10[%get3A, %get3A_119] {strides = array<i32>} : memref<128x64xf32, #tpu.memory_space<vmem>>, vector<1x16xf32>,
      %get3A_121 = vector.shape_cast %get3A_120 : vector<1x16xf32> to vector<16xf32>
      %get3A_122 = arith.index_cast %add3A_118 : i32 to index
      %get3A_123 = arith.constant 0 : index
      %get3A_124 = tpu.vector_load %arg12[%get3A_122, %get3A_123] {strides = array<i32>} : memref<128x64xf32, #tpu.memory_space<vmem>>, vector<1x16xf32>,
      %get3A_125 = vector.shape_cast %get3A_124 : vector<1x16xf32> to vector<16xf32>
      %add3A_126 = arith.addf %get3A_121, %get3A_125 : vector<16xf32>
      %get3A_127 = arith.index_cast %add3A_118 : i32 to index
      %get3A_128 = arith.constant 0 : index
      %get3A_129 = tpu.vector_load %arg14[%get3A_127, %get3A_128] {strides = array<i32>} : memref<128x64xf32, #tpu.memory_space<vmem>>, vector<1x16xf32>,
      %get3A_130 = vector.shape_cast %get3A_129 : vector<1x16xf32> to vector<16xf32>
      %add3A_131 = arith.addf %add3A_126, %get3A_130 : vector<16xf32>
      %max3A = arith.constant 0.000000e+00 : f32
      %max3A_132 = vector.broadcast %max3A : f32 to vector<16xf32>
      %max3A_133 = arith.maximumf %add3A_131, %max3A_132 : vector<16xf32>
      %swap3A = arith.index_cast %add3A_118 : i32 to index
      %swap3A_134 = arith.constant 0 : index
      %swap3A_135 = tpu.vector_load %arg14[%swap3A, %swap3A_134] {strides = array<i32>} : memref<128x64xf32, #tpu.memory_space<vmem>>, vector<1x16xf32>,
      %swap3A_136 = vector.shape_cast %swap3A_135 : vector<1x16xf32> to vector<16xf32>
      %swap3A_137 = vector.shape_cast %max3A_133 : vector<16xf32> to vector<1x16xf32>
      tpu.vector_store %arg14[%swap3A, %swap3A_134], %swap3A_137 {strides = array<i32>} : memref<128x64xf32, #tpu.memory_space<vmem>>, vector<1x16xf32>,
      %get3A_138 = arith.index_cast %add3A_118 : i32 to index
      %get3A_139 = arith.constant 16 : index
      %get3A_140 = tpu.vector_load %arg10[%get3A_138, %get3A_139] {strides = array<i32>} : memref<128x64xf32, #tpu.memory_space<vmem>>, vector<1x16xf32>,
      %get3A_141 = vector.shape_cast %get3A_140 : vector<1x16xf32> to vector<16xf32>
      %get3A_142 = arith.index_cast %add3A_118 : i32 to index
      %get3A_143 = arith.constant 16 : index
      %get3A_144 = tpu.vector_load %arg12[%get3A_142, %get3A_143] {strides = array<i32>} : memref<128x64xf32, #tpu.memory_space<vmem>>, vector<1x16xf32>,
      %get3A_145 = vector.shape_cast %get3A_144 : vector<1x16xf32> to vector<16xf32>
      %add3A_146 = arith.addf %get3A_141, %get3A_145 : vector<16xf32>
      %get3A_147 = arith.index_cast %add3A_118 : i32 to index
      %get3A_148 = arith.constant 16 : index
      %get3A_149 = tpu.vector_load %arg14[%get3A_147, %get3A_148] {strides = array<i32>} : memref<128x64xf32, #tpu.memory_space<vmem>>, vector<1x16xf32>,
      %get3A_150 = vector.shape_cast %get3A_149 : vector<1x16xf32> to vector<16xf32>
      %add3A_151 = arith.addf %add3A_146, %get3A_150 : vector<16xf32>
      %max3A_152 = arith.constant 0.000000e+00 : f32
      %max3A_153 = vector.broadcast %max3A_152 : f32 to vector<16xf32>
      %max3A_154 = arith.maximumf %add3A_151, %max3A_153 : vector<16xf32>
      %swap3A_155 = arith.index_cast %add3A_118 : i32 to index
      %swap3A_156 = arith.constant 16 : index
      %swap3A_157 = tpu.vector_load %arg14[%swap3A_155, %swap3A_156] {strides = array<i32>} : memref<128x64xf32, #tpu.memory_space<vmem>>, vector<1x16xf32>,
      %swap3A_158 = vector.shape_cast %swap3A_157 : vector<1x16xf32> to vector<16xf32>
      %swap3A_159 = vector.shape_cast %max3A_154 : vector<16xf32> to vector<1x16xf32>
      tpu.vector_store %arg14[%swap3A_155, %swap3A_156], %swap3A_159 {strides = array<i32>} : memref<128x64xf32, #tpu.memory_space<vmem>>, vector<1x16xf32>,
      %get3A_160 = arith.index_cast %add3A_118 : i32 to index
      %get3A_161 = arith.constant 32 : index
      %get3A_162 = tpu.vector_load %arg10[%get3A_160, %get3A_161] {strides = array<i32>} : memref<128x64xf32, #tpu.memory_space<vmem>>, vector<1x16xf32>,
      %get3A_163 = vector.shape_cast %get3A_162 : vector<1x16xf32> to vector<16xf32>
      %get3A_164 = arith.index_cast %add3A_118 : i32 to index
      %get3A_165 = arith.constant 32 : index
      %get3A_166 = tpu.vector_load %arg12[%get3A_164, %get3A_165] {strides = array<i32>} : memref<128x64xf32, #tpu.memory_space<vmem>>, vector<1x16xf32>,
      %get3A_167 = vector.shape_cast %get3A_166 : vector<1x16xf32> to vector<16xf32>
      %add3A_168 = arith.addf %get3A_163, %get3A_167 : vector<16xf32>
      %get3A_169 = arith.index_cast %add3A_118 : i32 to index
      %get3A_170 = arith.constant 32 : index
      %get3A_171 = tpu.vector_load %arg14[%get3A_169, %get3A_170] {strides = array<i32>} : memref<128x64xf32, #tpu.memory_space<vmem>>, vector<1x16xf32>,
      %get3A_172 = vector.shape_cast %get3A_171 : vector<1x16xf32> to vector<16xf32>
      %add3A_173 = arith.addf %add3A_168, %get3A_172 : vector<16xf32>
      %max3A_174 = arith.constant 0.000000e+00 : f32
      %max3A_175 = vector.broadcast %max3A_174 : f32 to vector<16xf32>
      %max3A_176 = arith.maximumf %add3A_173, %max3A_175 : vector<16xf32>
      %swap3A_177 = arith.index_cast %add3A_118 : i32 to index
      %swap3A_178 = arith.constant 32 : index
      %swap3A_179 = tpu.vector_load %arg14[%swap3A_177, %swap3A_178] {strides = array<i32>} : memref<128x64xf32, #tpu.memory_space<vmem>>, vector<1x16xf32>,
      %swap3A_180 = vector.shape_cast %swap3A_179 : vector<1x16xf32> to vector<16xf32>
      %swap3A_181 = vector.shape_cast %max3A_176 : vector<16xf32> to vector<1x16xf32>
      tpu.vector_store %arg14[%swap3A_177, %swap3A_178], %swap3A_181 {strides = array<i32>} : memref<128x64xf32, #tpu.memory_space<vmem>>, vector<1x16xf32>,
      %get3A_182 = arith.index_cast %add3A_118 : i32 to index
      %get3A_183 = arith.constant 48 : index
      %get3A_184 = tpu.vector_load %arg10[%get3A_182, %get3A_183] {strides = array<i32>} : memref<128x64xf32, #tpu.memory_space<vmem>>, vector<1x16xf32>,
      %get3A_185 = vector.shape_cast %get3A_184 : vector<1x16xf32> to vector<16xf32>
      %get3A_186 = arith.index_cast %add3A_118 : i32 to index
      %get3A_187 = arith.constant 48 : index
      %get3A_188 = tpu.vector_load %arg12[%get3A_186, %get3A_187] {strides = array<i32>} : memref<128x64xf32, #tpu.memory_space<vmem>>, vector<1x16xf32>,
      %get3A_189 = vector.shape_cast %get3A_188 : vector<1x16xf32> to vector<16xf32>
      %add3A_190 = arith.addf %get3A_185, %get3A_189 : vector<16xf32>
      %get3A_191 = arith.index_cast %add3A_118 : i32 to index
      %get3A_192 = arith.constant 48 : index
      %get3A_193 = tpu.vector_load %arg14[%get3A_191, %get3A_192] {strides = array<i32>} : memref<128x64xf32, #tpu.memory_space<vmem>>, vector<1x16xf32>,
      %get3A_194 = vector.shape_cast %get3A_193 : vector<1x16xf32> to vector<16xf32>
      %add3A_195 = arith.addf %add3A_190, %get3A_194 : vector<16xf32>
      %max3A_196 = arith.constant 0.000000e+00 : f32
      %max3A_197 = vector.broadcast %max3A_196 : f32 to vector<16xf32>
      %max3A_198 = arith.maximumf %add3A_195, %max3A_197 : vector<16xf32>
      %swap3A_199 = arith.index_cast %add3A_118 : i32 to index
      %swap3A_200 = arith.constant 48 : index
      %swap3A_201 = tpu.vector_load %arg14[%swap3A_199, %swap3A_200] {strides = array<i32>} : memref<128x64xf32, #tpu.memory_space<vmem>>, vector<1x16xf32>,
      %swap3A_202 = vector.shape_cast %swap3A_201 : vector<1x16xf32> to vector<16xf32>
      %swap3A_203 = vector.shape_cast %max3A_198 : vector<16xf32> to vector<1x16xf32>
      tpu.vector_store %arg14[%swap3A_199, %swap3A_200], %swap3A_203 {strides = array<i32>} : memref<128x64xf32, #tpu.memory_space<vmem>>, vector<1x16xf32>,
      %mul3A_204 = arith.constant 4 : i32
      %mul3A_205 = arith.muli %scan3A_113, %mul3A_204 : i32
      %add3A_206 = arith.constant 1 : i32
      %add3A_207 = arith.addi %mul3A_205, %add3A_206 : i32
      %get3A_208 = arith.index_cast %add3A_207 : i32 to index
      %get3A_209 = arith.constant 0 : index
      %get3A_210 = tpu.vector_load %arg10[%get3A_208, %get3A_209] {strides = array<i32>} : memref<128x64xf32, #tpu.memory_space<vmem>>, vector<1x16xf32>,
      %get3A_211 = vector.shape_cast %get3A_210 : vector<1x16xf32> to vector<16xf32>
      %get3A_212 = arith.index_cast %add3A_207 : i32 to index
      %get3A_213 = arith.constant 0 : index
      %get3A_214 = tpu.vector_load %arg12[%get3A_212, %get3A_213] {strides = array<i32>} : memref<128x64xf32, #tpu.memory_space<vmem>>, vector<1x16xf32>,
      %get3A_215 = vector.shape_cast %get3A_214 : vector<1x16xf32> to vector<16xf32>
      %add3A_216 = arith.addf %get3A_211, %get3A_215 : vector<16xf32>
      %get3A_217 = arith.index_cast %add3A_207 : i32 to index
      %get3A_218 = arith.constant 0 : index
      %get3A_219 = tpu.vector_load %arg14[%get3A_217, %get3A_218] {strides = array<i32>} : memref<128x64xf32, #tpu.memory_space<vmem>>, vector<1x16xf32>,
      %get3A_220 = vector.shape_cast %get3A_219 : vector<1x16xf32> to vector<16xf32>
      %add3A_221 = arith.addf %add3A_216, %get3A_220 : vector<16xf32>
      %max3A_222 = arith.constant 0.000000e+00 : f32
      %max3A_223 = vector.broadcast %max3A_222 : f32 to vector<16xf32>
      %max3A_224 = arith.maximumf %add3A_221, %max3A_223 : vector<16xf32>
      %swap3A_225 = arith.index_cast %add3A_207 : i32 to index
      %swap3A_226 = arith.constant 0 : index
      %swap3A_227 = tpu.vector_load %arg14[%swap3A_225, %swap3A_226] {strides = array<i32>} : memref<128x64xf32, #tpu.memory_space<vmem>>, vector<1x16xf32>,
      %swap3A_228 = vector.shape_cast %swap3A_227 : vector<1x16xf32> to vector<16xf32>
      %swap3A_229 = vector.shape_cast %max3A_224 : vector<16xf32> to vector<1x16xf32>
      tpu.vector_store %arg14[%swap3A_225, %swap3A_226], %swap3A_229 {strides = array<i32>} : memref<128x64xf32, #tpu.memory_space<vmem>>, vector<1x16xf32>,
      %get3A_230 = arith.index_cast %add3A_207 : i32 to index
      %get3A_231 = arith.constant 16 : index
      %get3A_232 = tpu.vector_load %arg10[%get3A_230, %get3A_231] {strides = array<i32>} : memref<128x64xf32, #tpu.memory_space<vmem>>, vector<1x16xf32>,
      %get3A_233 = vector.shape_cast %get3A_232 : vector<1x16xf32> to vector<16xf32>
      %get3A_234 = arith.index_cast %add3A_207 : i32 to index
      %get3A_235 = arith.constant 16 : index
      %get3A_236 = tpu.vector_load %arg12[%get3A_234, %get3A_235] {strides = array<i32>} : memref<128x64xf32, #tpu.memory_space<vmem>>, vector<1x16xf32>,
      %get3A_237 = vector.shape_cast %get3A_236 : vector<1x16xf32> to vector<16xf32>
      %add3A_238 = arith.addf %get3A_233, %get3A_237 : vector<16xf32>
      %get3A_239 = arith.index_cast %add3A_207 : i32 to index
      %get3A_240 = arith.constant 16 : index
      %get3A_241 = tpu.vector_load %arg14[%get3A_239, %get3A_240] {strides = array<i32>} : memref<128x64xf32, #tpu.memory_space<vmem>>, vector<1x16xf32>,
      %get3A_242 = vector.shape_cast %get3A_241 : vector<1x16xf32> to vector<16xf32>
      %add3A_243 = arith.addf %add3A_238, %get3A_242 : vector<16xf32>
      %max3A_244 = arith.constant 0.000000e+00 : f32
      %max3A_245 = vector.broadcast %max3A_244 : f32 to vector<16xf32>
      %max3A_246 = arith.maximumf %add3A_243, %max3A_245 : vector<16xf32>
      %swap3A_247 = arith.index_cast %add3A_207 : i32 to index
      %swap3A_248 = arith.constant 16 : index
      %swap3A_249 = tpu.vector_load %arg14[%swap3A_247, %swap3A_248] {strides = array<i32>} : memref<128x64xf32, #tpu.memory_space<vmem>>, vector<1x16xf32>,
      %swap3A_250 = vector.shape_cast %swap3A_249 : vector<1x16xf32> to vector<16xf32>
      %swap3A_251 = vector.shape_cast %max3A_246 : vector<16xf32> to vector<1x16xf32>
      tpu.vector_store %arg14[%swap3A_247, %swap3A_248], %swap3A_251 {strides = array<i32>} : memref<128x64xf32, #tpu.memory_space<vmem>>, vector<1x16xf32>,
      %get3A_252 = arith.index_cast %add3A_207 : i32 to index
      %get3A_253 = arith.constant 32 : index
      %get3A_254 = tpu.vector_load %arg10[%get3A_252, %get3A_253] {strides = array<i32>} : memref<128x64xf32, #tpu.memory_space<vmem>>, vector<1x16xf32>,
      %get3A_255 = vector.shape_cast %get3A_254 : vector<1x16xf32> to vector<16xf32>
      %get3A_256 = arith.index_cast %add3A_207 : i32 to index
      %get3A_257 = arith.constant 32 : index
      %get3A_258 = tpu.vector_load %arg12[%get3A_256, %get3A_257] {strides = array<i32>} : memref<128x64xf32, #tpu.memory_space<vmem>>, vector<1x16xf32>,
      %get3A_259 = vector.shape_cast %get3A_258 : vector<1x16xf32> to vector<16xf32>
      %add3A_260 = arith.addf %get3A_255, %get3A_259 : vector<16xf32>
      %get3A_261 = arith.index_cast %add3A_207 : i32 to index
      %get3A_262 = arith.constant 32 : index
      %get3A_263 = tpu.vector_load %arg14[%get3A_261, %get3A_262] {strides = array<i32>} : memref<128x64xf32, #tpu.memory_space<vmem>>, vector<1x16xf32>,
      %get3A_264 = vector.shape_cast %get3A_263 : vector<1x16xf32> to vector<16xf32>
      %add3A_265 = arith.addf %add3A_260, %get3A_264 : vector<16xf32>
      %max3A_266 = arith.constant 0.000000e+00 : f32
      %max3A_267 = vector.broadcast %max3A_266 : f32 to vector<16xf32>
      %max3A_268 = arith.maximumf %add3A_265, %max3A_267 : vector<16xf32>
      %swap3A_269 = arith.index_cast %add3A_207 : i32 to index
      %swap3A_270 = arith.constant 32 : index
      %swap3A_271 = tpu.vector_load %arg14[%swap3A_269, %swap3A_270] {strides = array<i32>} : memref<128x64xf32, #tpu.memory_space<vmem>>, vector<1x16xf32>,
      %swap3A_272 = vector.shape_cast %swap3A_271 : vector<1x16xf32> to vector<16xf32>
      %swap3A_273 = vector.shape_cast %max3A_268 : vector<16xf32> to vector<1x16xf32>
      tpu.vector_store %arg14[%swap3A_269, %swap3A_270], %swap3A_273 {strides = array<i32>} : memref<128x64xf32, #tpu.memory_space<vmem>>, vector<1x16xf32>,
      %get3A_274 = arith.index_cast %add3A_207 : i32 to index
      %get3A_275 = arith.constant 48 : index
      %get3A_276 = tpu.vector_load %arg10[%get3A_274, %get3A_275] {strides = array<i32>} : memref<128x64xf32, #tpu.memory_space<vmem>>, vector<1x16xf32>,
      %get3A_277 = vector.shape_cast %get3A_276 : vector<1x16xf32> to vector<16xf32>
      %get3A_278 = arith.index_cast %add3A_207 : i32 to index
      %get3A_279 = arith.constant 48 : index
      %get3A_280 = tpu.vector_load %arg12[%get3A_278, %get3A_279] {strides = array<i32>} : memref<128x64xf32, #tpu.memory_space<vmem>>, vector<1x16xf32>,
      %get3A_281 = vector.shape_cast %get3A_280 : vector<1x16xf32> to vector<16xf32>
      %add3A_282 = arith.addf %get3A_277, %get3A_281 : vector<16xf32>
      %get3A_283 = arith.index_cast %add3A_207 : i32 to index
      %get3A_284 = arith.constant 48 : index
      %get3A_285 = tpu.vector_load %arg14[%get3A_283, %get3A_284] {strides = array<i32>} : memref<128x64xf32, #tpu.memory_space<vmem>>, vector<1x16xf32>,
      %get3A_286 = vector.shape_cast %get3A_285 : vector<1x16xf32> to vector<16xf32>
      %add3A_287 = arith.addf %add3A_282, %get3A_286 : vector<16xf32>
      %max3A_288 = arith.constant 0.000000e+00 : f32
      %max3A_289 = vector.broadcast %max3A_288 : f32 to vector<16xf32>
      %max3A_290 = arith.maximumf %add3A_287, %max3A_289 : vector<16xf32>
      %swap3A_291 = arith.index_cast %add3A_207 : i32 to index
      %swap3A_292 = arith.constant 48 : index
      %swap3A_293 = tpu.vector_load %arg14[%swap3A_291, %swap3A_292] {strides = array<i32>} : memref<128x64xf32, #tpu.memory_space<vmem>>, vector<1x16xf32>,
      %swap3A_294 = vector.shape_cast %swap3A_293 : vector<1x16xf32> to vector<16xf32>
      %swap3A_295 = vector.shape_cast %max3A_290 : vector<16xf32> to vector<1x16xf32>
      tpu.vector_store %arg14[%swap3A_291, %swap3A_292], %swap3A_295 {strides = array<i32>} : memref<128x64xf32, #tpu.memory_space<vmem>>, vector<1x16xf32>,
      %mul3A_296 = arith.constant 4 : i32
      %mul3A_297 = arith.muli %scan3A_113, %mul3A_296 : i32
      %add3A_298 = arith.constant 2 : i32
      %add3A_299 = arith.addi %mul3A_297, %add3A_298 : i32
      %get3A_300 = arith.index_cast %add3A_299 : i32 to index
      %get3A_301 = arith.constant 0 : index
      %get3A_302 = tpu.vector_load %arg10[%get3A_300, %get3A_301] {strides = array<i32>} : memref<128x64xf32, #tpu.memory_space<vmem>>, vector<1x16xf32>,
      %get3A_303 = vector.shape_cast %get3A_302 : vector<1x16xf32> to vector<16xf32>
      %get3A_304 = arith.index_cast %add3A_299 : i32 to index
      %get3A_305 = arith.constant 0 : index
      %get3A_306 = tpu.vector_load %arg12[%get3A_304, %get3A_305] {strides = array<i32>} : memref<128x64xf32, #tpu.memory_space<vmem>>, vector<1x16xf32>,
      %get3A_307 = vector.shape_cast %get3A_306 : vector<1x16xf32> to vector<16xf32>
      %add3A_308 = arith.addf %get3A_303, %get3A_307 : vector<16xf32>
      %get3A_309 = arith.index_cast %add3A_299 : i32 to index
      %get3A_310 = arith.constant 0 : index
      %get3A_311 = tpu.vector_load %arg14[%get3A_309, %get3A_310] {strides = array<i32>} : memref<128x64xf32, #tpu.memory_space<vmem>>, vector<1x16xf32>,
      %get3A_312 = vector.shape_cast %get3A_311 : vector<1x16xf32> to vector<16xf32>
      %add3A_313 = arith.addf %add3A_308, %get3A_312 : vector<16xf32>
      %max3A_314 = arith.constant 0.000000e+00 : f32
      %max3A_315 = vector.broadcast %max3A_314 : f32 to vector<16xf32>
      %max3A_316 = arith.maximumf %add3A_313, %max3A_315 : vector<16xf32>
      %swap3A_317 = arith.index_cast %add3A_299 : i32 to index
      %swap3A_318 = arith.constant 0 : index
      %swap3A_319 = tpu.vector_load %arg14[%swap3A_317, %swap3A_318] {strides = array<i32>} : memref<128x64xf32, #tpu.memory_space<vmem>>, vector<1x16xf32>,
      %swap3A_320 = vector.shape_cast %swap3A_319 : vector<1x16xf32> to vector<16xf32>
      %swap3A_321 = vector.shape_cast %max3A_316 : vector<16xf32> to vector<1x16xf32>
      tpu.vector_store %arg14[%swap3A_317, %swap3A_318], %swap3A_321 {strides = array<i32>} : memref<128x64xf32, #tpu.memory_space<vmem>>, vector<1x16xf32>,
      %get3A_322 = arith.index_cast %add3A_299 : i32 to index
      %get3A_323 = arith.constant 16 : index
      %get3A_324 = tpu.vector_load %arg10[%get3A_322, %get3A_323] {strides = array<i32>} : memref<128x64xf32, #tpu.memory_space<vmem>>, vector<1x16xf32>,
      %get3A_325 = vector.shape_cast %get3A_324 : vector<1x16xf32> to vector<16xf32>
      %get3A_326 = arith.index_cast %add3A_299 : i32 to index
      %get3A_327 = arith.constant 16 : index
      %get3A_328 = tpu.vector_load %arg12[%get3A_326, %get3A_327] {strides = array<i32>} : memref<128x64xf32, #tpu.memory_space<vmem>>, vector<1x16xf32>,
      %get3A_329 = vector.shape_cast %get3A_328 : vector<1x16xf32> to vector<16xf32>
      %add3A_330 = arith.addf %get3A_325, %get3A_329 : vector<16xf32>
      %get3A_331 = arith.index_cast %add3A_299 : i32 to index
      %get3A_332 = arith.constant 16 : index
      %get3A_333 = tpu.vector_load %arg14[%get3A_331, %get3A_332] {strides = array<i32>} : memref<128x64xf32, #tpu.memory_space<vmem>>, vector<1x16xf32>,
      %get3A_334 = vector.shape_cast %get3A_333 : vector<1x16xf32> to vector<16xf32>
      %add3A_335 = arith.addf %add3A_330, %get3A_334 : vector<16xf32>
      %max3A_336 = arith.constant 0.000000e+00 : f32
      %max3A_337 = vector.broadcast %max3A_336 : f32 to vector<16xf32>
      %max3A_338 = arith.maximumf %add3A_335, %max3A_337 : vector<16xf32>
      %swap3A_339 = arith.index_cast %add3A_299 : i32 to index
      %swap3A_340 = arith.constant 16 : index
      %swap3A_341 = tpu.vector_load %arg14[%swap3A_339, %swap3A_340] {strides = array<i32>} : memref<128x64xf32, #tpu.memory_space<vmem>>, vector<1x16xf32>,
      %swap3A_342 = vector.shape_cast %swap3A_341 : vector<1x16xf32> to vector<16xf32>
      %swap3A_343 = vector.shape_cast %max3A_338 : vector<16xf32> to vector<1x16xf32>
      tpu.vector_store %arg14[%swap3A_339, %swap3A_340], %swap3A_343 {strides = array<i32>} : memref<128x64xf32, #tpu.memory_space<vmem>>, vector<1x16xf32>,
      %get3A_344 = arith.index_cast %add3A_299 : i32 to index
      %get3A_345 = arith.constant 32 : index
      %get3A_346 = tpu.vector_load %arg10[%get3A_344, %get3A_345] {strides = array<i32>} : memref<128x64xf32, #tpu.memory_space<vmem>>, vector<1x16xf32>,
      %get3A_347 = vector.shape_cast %get3A_346 : vector<1x16xf32> to vector<16xf32>
      %get3A_348 = arith.index_cast %add3A_299 : i32 to index
      %get3A_349 = arith.constant 32 : index
      %get3A_350 = tpu.vector_load %arg12[%get3A_348, %get3A_349] {strides = array<i32>} : memref<128x64xf32, #tpu.memory_space<vmem>>, vector<1x16xf32>,
      %get3A_351 = vector.shape_cast %get3A_350 : vector<1x16xf32> to vector<16xf32>
      %add3A_352 = arith.addf %get3A_347, %get3A_351 : vector<16xf32>
      %get3A_353 = arith.index_cast %add3A_299 : i32 to index
      %get3A_354 = arith.constant 32 : index
      %get3A_355 = tpu.vector_load %arg14[%get3A_353, %get3A_354] {strides = array<i32>} : memref<128x64xf32, #tpu.memory_space<vmem>>, vector<1x16xf32>,
      %get3A_356 = vector.shape_cast %get3A_355 : vector<1x16xf32> to vector<16xf32>
      %add3A_357 = arith.addf %add3A_352, %get3A_356 : vector<16xf32>
      %max3A_358 = arith.constant 0.000000e+00 : f32
      %max3A_359 = vector.broadcast %max3A_358 : f32 to vector<16xf32>
      %max3A_360 = arith.maximumf %add3A_357, %max3A_359 : vector<16xf32>
      %swap3A_361 = arith.index_cast %add3A_299 : i32 to index
      %swap3A_362 = arith.constant 32 : index
      %swap3A_363 = tpu.vector_load %arg14[%swap3A_361, %swap3A_362] {strides = array<i32>} : memref<128x64xf32, #tpu.memory_space<vmem>>, vector<1x16xf32>,
      %swap3A_364 = vector.shape_cast %swap3A_363 : vector<1x16xf32> to vector<16xf32>
      %swap3A_365 = vector.shape_cast %max3A_360 : vector<16xf32> to vector<1x16xf32>
      tpu.vector_store %arg14[%swap3A_361, %swap3A_362], %swap3A_365 {strides = array<i32>} : memref<128x64xf32, #tpu.memory_space<vmem>>, vector<1x16xf32>,
      %get3A_366 = arith.index_cast %add3A_299 : i32 to index
      %get3A_367 = arith.constant 48 : index
      %get3A_368 = tpu.vector_load %arg10[%get3A_366, %get3A_367] {strides = array<i32>} : memref<128x64xf32, #tpu.memory_space<vmem>>, vector<1x16xf32>,
      %get3A_369 = vector.shape_cast %get3A_368 : vector<1x16xf32> to vector<16xf32>
      %get3A_370 = arith.index_cast %add3A_299 : i32 to index
      %get3A_371 = arith.constant 48 : index
      %get3A_372 = tpu.vector_load %arg12[%get3A_370, %get3A_371] {strides = array<i32>} : memref<128x64xf32, #tpu.memory_space<vmem>>, vector<1x16xf32>,
      %get3A_373 = vector.shape_cast %get3A_372 : vector<1x16xf32> to vector<16xf32>
      %add3A_374 = arith.addf %get3A_369, %get3A_373 : vector<16xf32>
      %get3A_375 = arith.index_cast %add3A_299 : i32 to index
      %get3A_376 = arith.constant 48 : index
      %get3A_377 = tpu.vector_load %arg14[%get3A_375, %get3A_376] {strides = array<i32>} : memref<128x64xf32, #tpu.memory_space<vmem>>, vector<1x16xf32>,
      %get3A_378 = vector.shape_cast %get3A_377 : vector<1x16xf32> to vector<16xf32>
      %add3A_379 = arith.addf %add3A_374, %get3A_378 : vector<16xf32>
      %max3A_380 = arith.constant 0.000000e+00 : f32
      %max3A_381 = vector.broadcast %max3A_380 : f32 to vector<16xf32>
      %max3A_382 = arith.maximumf %add3A_379, %max3A_381 : vector<16xf32>
      %swap3A_383 = arith.index_cast %add3A_299 : i32 to index
      %swap3A_384 = arith.constant 48 : index
      %swap3A_385 = tpu.vector_load %arg14[%swap3A_383, %swap3A_384] {strides = array<i32>} : memref<128x64xf32, #tpu.memory_space<vmem>>, vector<1x16xf32>,
      %swap3A_386 = vector.shape_cast %swap3A_385 : vector<1x16xf32> to vector<16xf32>
      %swap3A_387 = vector.shape_cast %max3A_382 : vector<16xf32> to vector<1x16xf32>
      tpu.vector_store %arg14[%swap3A_383, %swap3A_384], %swap3A_387 {strides = array<i32>} : memref<128x64xf32, #tpu.memory_space<vmem>>, vector<1x16xf32>,
      %mul3A_388 = arith.constant 4 : i32
      %mul3A_389 = arith.muli %scan3A_113, %mul3A_388 : i32
      %add3A_390 = arith.constant 3 : i32
      %add3A_391 = arith.addi %mul3A_389, %add3A_390 : i32
      %get3A_392 = arith.index_cast %add3A_391 : i32 to index
      %get3A_393 = arith.constant 0 : index
      %get3A_394 = tpu.vector_load %arg10[%get3A_392, %get3A_393] {strides = array<i32>} : memref<128x64xf32, #tpu.memory_space<vmem>>, vector<1x16xf32>,
      %get3A_395 = vector.shape_cast %get3A_394 : vector<1x16xf32> to vector<16xf32>
      %get3A_396 = arith.index_cast %add3A_391 : i32 to index
      %get3A_397 = arith.constant 0 : index
      %get3A_398 = tpu.vector_load %arg12[%get3A_396, %get3A_397] {strides = array<i32>} : memref<128x64xf32, #tpu.memory_space<vmem>>, vector<1x16xf32>,
      %get3A_399 = vector.shape_cast %get3A_398 : vector<1x16xf32> to vector<16xf32>
      %add3A_400 = arith.addf %get3A_395, %get3A_399 : vector<16xf32>
      %get3A_401 = arith.index_cast %add3A_391 : i32 to index
      %get3A_402 = arith.constant 0 : index
      %get3A_403 = tpu.vector_load %arg14[%get3A_401, %get3A_402] {strides = array<i32>} : memref<128x64xf32, #tpu.memory_space<vmem>>, vector<1x16xf32>,
      %get3A_404 = vector.shape_cast %get3A_403 : vector<1x16xf32> to vector<16xf32>
      %add3A_405 = arith.addf %add3A_400, %get3A_404 : vector<16xf32>
      %max3A_406 = arith.constant 0.000000e+00 : f32
      %max3A_407 = vector.broadcast %max3A_406 : f32 to vector<16xf32>
      %max3A_408 = arith.maximumf %add3A_405, %max3A_407 : vector<16xf32>
      %swap3A_409 = arith.index_cast %add3A_391 : i32 to index
      %swap3A_410 = arith.constant 0 : index
      %swap3A_411 = tpu.vector_load %arg14[%swap3A_409, %swap3A_410] {strides = array<i32>} : memref<128x64xf32, #tpu.memory_space<vmem>>, vector<1x16xf32>,
      %swap3A_412 = vector.shape_cast %swap3A_411 : vector<1x16xf32> to vector<16xf32>
      %swap3A_413 = vector.shape_cast %max3A_408 : vector<16xf32> to vector<1x16xf32>
      tpu.vector_store %arg14[%swap3A_409, %swap3A_410], %swap3A_413 {strides = array<i32>} : memref<128x64xf32, #tpu.memory_space<vmem>>, vector<1x16xf32>,
      %get3A_414 = arith.index_cast %add3A_391 : i32 to index
      %get3A_415 = arith.constant 16 : index
      %get3A_416 = tpu.vector_load %arg10[%get3A_414, %get3A_415] {strides = array<i32>} : memref<128x64xf32, #tpu.memory_space<vmem>>, vector<1x16xf32>,
      %get3A_417 = vector.shape_cast %get3A_416 : vector<1x16xf32> to vector<16xf32>
      %get3A_418 = arith.index_cast %add3A_391 : i32 to index
      %get3A_419 = arith.constant 16 : index
      %get3A_420 = tpu.vector_load %arg12[%get3A_418, %get3A_419] {strides = array<i32>} : memref<128x64xf32, #tpu.memory_space<vmem>>, vector<1x16xf32>,
      %get3A_421 = vector.shape_cast %get3A_420 : vector<1x16xf32> to vector<16xf32>
      %add3A_422 = arith.addf %get3A_417, %get3A_421 : vector<16xf32>
      %get3A_423 = arith.index_cast %add3A_391 : i32 to index
      %get3A_424 = arith.constant 16 : index
      %get3A_425 = tpu.vector_load %arg14[%get3A_423, %get3A_424] {strides = array<i32>} : memref<128x64xf32, #tpu.memory_space<vmem>>, vector<1x16xf32>,
      %get3A_426 = vector.shape_cast %get3A_425 : vector<1x16xf32> to vector<16xf32>
      %add3A_427 = arith.addf %add3A_422, %get3A_426 : vector<16xf32>
      %max3A_428 = arith.constant 0.000000e+00 : f32
      %max3A_429 = vector.broadcast %max3A_428 : f32 to vector<16xf32>
      %max3A_430 = arith.maximumf %add3A_427, %max3A_429 : vector<16xf32>
      %swap3A_431 = arith.index_cast %add3A_391 : i32 to index
      %swap3A_432 = arith.constant 16 : index
      %swap3A_433 = tpu.vector_load %arg14[%swap3A_431, %swap3A_432] {strides = array<i32>} : memref<128x64xf32, #tpu.memory_space<vmem>>, vector<1x16xf32>,
      %swap3A_434 = vector.shape_cast %swap3A_433 : vector<1x16xf32> to vector<16xf32>
      %swap3A_435 = vector.shape_cast %max3A_430 : vector<16xf32> to vector<1x16xf32>
      tpu.vector_store %arg14[%swap3A_431, %swap3A_432], %swap3A_435 {strides = array<i32>} : memref<128x64xf32, #tpu.memory_space<vmem>>, vector<1x16xf32>,
      %get3A_436 = arith.index_cast %add3A_391 : i32 to index
      %get3A_437 = arith.constant 32 : index
      %get3A_438 = tpu.vector_load %arg10[%get3A_436, %get3A_437] {strides = array<i32>} : memref<128x64xf32, #tpu.memory_space<vmem>>, vector<1x16xf32>,
      %get3A_439 = vector.shape_cast %get3A_438 : vector<1x16xf32> to vector<16xf32>
      %get3A_440 = arith.index_cast %add3A_391 : i32 to index
      %get3A_441 = arith.constant 32 : index
      %get3A_442 = tpu.vector_load %arg12[%get3A_440, %get3A_441] {strides = array<i32>} : memref<128x64xf32, #tpu.memory_space<vmem>>, vector<1x16xf32>,
      %get3A_443 = vector.shape_cast %get3A_442 : vector<1x16xf32> to vector<16xf32>
      %add3A_444 = arith.addf %get3A_439, %get3A_443 : vector<16xf32>
      %get3A_445 = arith.index_cast %add3A_391 : i32 to index
      %get3A_446 = arith.constant 32 : index
      %get3A_447 = tpu.vector_load %arg14[%get3A_445, %get3A_446] {strides = array<i32>} : memref<128x64xf32, #tpu.memory_space<vmem>>, vector<1x16xf32>,
      %get3A_448 = vector.shape_cast %get3A_447 : vector<1x16xf32> to vector<16xf32>
      %add3A_449 = arith.addf %add3A_444, %get3A_448 : vector<16xf32>
      %max3A_450 = arith.constant 0.000000e+00 : f32
      %max3A_451 = vector.broadcast %max3A_450 : f32 to vector<16xf32>
      %max3A_452 = arith.maximumf %add3A_449, %max3A_451 : vector<16xf32>
      %swap3A_453 = arith.index_cast %add3A_391 : i32 to index
      %swap3A_454 = arith.constant 32 : index
      %swap3A_455 = tpu.vector_load %arg14[%swap3A_453, %swap3A_454] {strides = array<i32>} : memref<128x64xf32, #tpu.memory_space<vmem>>, vector<1x16xf32>,
      %swap3A_456 = vector.shape_cast %swap3A_455 : vector<1x16xf32> to vector<16xf32>
      %swap3A_457 = vector.shape_cast %max3A_452 : vector<16xf32> to vector<1x16xf32>
      tpu.vector_store %arg14[%swap3A_453, %swap3A_454], %swap3A_457 {strides = array<i32>} : memref<128x64xf32, #tpu.memory_space<vmem>>, vector<1x16xf32>,
      %get3A_458 = arith.index_cast %add3A_391 : i32 to index
      %get3A_459 = arith.constant 48 : index
      %get3A_460 = tpu.vector_load %arg10[%get3A_458, %get3A_459] {strides = array<i32>} : memref<128x64xf32, #tpu.memory_space<vmem>>, vector<1x16xf32>,
      %get3A_461 = vector.shape_cast %get3A_460 : vector<1x16xf32> to vector<16xf32>
      %get3A_462 = arith.index_cast %add3A_391 : i32 to index
      %get3A_463 = arith.constant 48 : index
      %get3A_464 = tpu.vector_load %arg12[%get3A_462, %get3A_463] {strides = array<i32>} : memref<128x64xf32, #tpu.memory_space<vmem>>, vector<1x16xf32>,
      %get3A_465 = vector.shape_cast %get3A_464 : vector<1x16xf32> to vector<16xf32>
      %add3A_466 = arith.addf %get3A_461, %get3A_465 : vector<16xf32>
      %get3A_467 = arith.index_cast %add3A_391 : i32 to index
      %get3A_468 = arith.constant 48 : index
      %get3A_469 = tpu.vector_load %arg14[%get3A_467, %get3A_468] {strides = array<i32>} : memref<128x64xf32, #tpu.memory_space<vmem>>, vector<1x16xf32>,
      %get3A_470 = vector.shape_cast %get3A_469 : vector<1x16xf32> to vector<16xf32>
      %add3A_471 = arith.addf %add3A_466, %get3A_470 : vector<16xf32>
      %max3A_472 = arith.constant 0.000000e+00 : f32
      %max3A_473 = vector.broadcast %max3A_472 : f32 to vector<16xf32>
      %max3A_474 = arith.maximumf %add3A_471, %max3A_473 : vector<16xf32>
      %swap3A_475 = arith.index_cast %add3A_391 : i32 to index
      %swap3A_476 = arith.constant 48 : index
      %swap3A_477 = tpu.vector_load %arg14[%swap3A_475, %swap3A_476] {strides = array<i32>} : memref<128x64xf32, #tpu.memory_space<vmem>>, vector<1x16xf32>,
      %swap3A_478 = vector.shape_cast %swap3A_477 : vector<1x16xf32> to vector<16xf32>
      %swap3A_479 = vector.shape_cast %max3A_474 : vector<16xf32> to vector<1x16xf32>
      tpu.vector_store %arg14[%swap3A_475, %swap3A_476], %swap3A_479 {strides = array<i32>} : memref<128x64xf32, #tpu.memory_space<vmem>>, vector<1x16xf32>,
      %scan3A_480 = arith.constant 0 : i32
      scf.yield %scan3A_480 : i32
    }
    %scan3A_88 = arith.constant 32 : i32
    %dma_start3A_89 = arith.constant 78 : i32
    %dma_start3A_90 = arith.constant 0 : i32
    %dma_start3A_91 = tpu.memref_slice %arg9[%dma_start3A_89, %dma_start3A_90] : memref<79x128xi32, #tpu.memory_space<vmem>> -> memref<1x128xi32, #tpu.memory_space<vmem>>
    %dma_start3A_92 = tpu.memref_squeeze %dma_start3A_91 : memref<1x128xi32, #tpu.memory_space<vmem>> -> memref<128xi32, #tpu.memory_space<vmem>>
    %dma_start3A_93 = arith.constant 0 : i32
    %dma_start3A_94 = arith.constant 0 : i32
    %dma_start3A_95 = tpu.memref_slice %arg16[%dma_start3A_93, %dma_start3A_94] : memref<10240x64xf32, #tpu.memory_space<vmem_shared>> -> memref<10240x64xf32, #tpu.memory_space<vmem_shared>>
    tpu.enqueue_indirect_dma source(%arg14 : memref<128x64xf32, #tpu.memory_space<vmem>>) target(%dma_start3A_95 : memref<10240x64xf32, #tpu.memory_space<vmem_shared>>) offsets(%dma_start3A_92 : memref<128xi32, #tpu.memory_space<vmem>>) semaphore(%arg19 : memref<!tpu.dma_semaphore, #tpu.memory_space<semaphore_mem>>) {add = true}
    %dma_wait3A_96 = arith.constant 0 : i32
    %dma_wait3A_97 = arith.constant 0 : i32
    %dma_wait3A_98 = tpu.memref_slice %arg2[%dma_wait3A_96, %dma_wait3A_97] : memref<10240x64xf32, #tpu.memory_space<hbm>> -> memref<128x64xf32, #tpu.memory_space<hbm>>
    %dma_wait3A_99 = arith.constant 0 : i32
    %dma_wait3A_100 = arith.constant 0 : i32
    %dma_wait3A_101 = tpu.memref_slice %arg2[%dma_wait3A_99, %dma_wait3A_100] : memref<10240x64xf32, #tpu.memory_space<hbm>> -> memref<128x64xf32, #tpu.memory_space<hbm>>
    tpu.wait_dma2 semaphore(%arg19 : memref<!tpu.dma_semaphore, #tpu.memory_space<semaphore_mem>>) src(%dma_wait3A_101 : memref<128x64xf32, #tpu.memory_space<hbm>>) dst(%arg14 : memref<128x64xf32, #tpu.memory_space<vmem>>)
    %dma_wait3A_102 = arith.constant 0 : i32
    %dma_wait3A_103 = arith.constant 0 : i32
    %dma_wait3A_104 = tpu.memref_slice %arg2[%dma_wait3A_102, %dma_wait3A_103] : memref<10240x64xf32, #tpu.memory_space<hbm>> -> memref<128x64xf32, #tpu.memory_space<hbm>>
    %dma_wait3A_105 = arith.constant 0 : i32
    %dma_wait3A_106 = arith.constant 0 : i32
    %dma_wait3A_107 = tpu.memref_slice %arg2[%dma_wait3A_105, %dma_wait3A_106] : memref<10240x64xf32, #tpu.memory_space<hbm>> -> memref<128x64xf32, #tpu.memory_space<hbm>>
    tpu.wait_dma2 semaphore(%arg20 : memref<!tpu.dma_semaphore, #tpu.memory_space<semaphore_mem>>) src(%dma_wait3A_107 : memref<128x64xf32, #tpu.memory_space<hbm>>) dst(%arg15 : memref<128x64xf32, #tpu.memory_space<vmem>>)
    %barrier3A_108 = arith.constant 0 : index
    tpu.barrier barrier_id(%barrier3A_108)
    %mul3A_109 = arith.constant 640 : i32
    %mul3A_110 = arith.muli %arg1, %mul3A_109 : i32
    %mul3A_111 = arith.constant 640 : i32
    %mul3A_112 = arith.muli %arg1, %mul3A_111 : i32
    "tpu.region"() ({
      %run_scoped3A = tpu.sem_alloc : memref<!tpu.dma_semaphore, #tpu.memory_space<semaphore_mem>>
      %dma_start3A_113 = arith.constant 0 : i32
      %dma_start3A_114 = tpu.memref_slice %arg7[%arg0, %mul3A_112, %dma_start3A_113] : memref<2x10240x64xf32, #tpu.memory_space<hbm>> -> memref<1x640x64xf32, #tpu.memory_space<hbm>>
      %dma_start3A_115 = tpu.memref_squeeze %dma_start3A_114 : memref<1x640x64xf32, #tpu.memory_space<hbm>> -> memref<640x64xf32, #tpu.memory_space<hbm>>
      %dma_start3A_116 = arith.constant 0 : i32
      %dma_start3A_117 = tpu.memref_slice %arg16[%mul3A_110, %dma_start3A_116] : memref<10240x64xf32, #tpu.memory_space<vmem_shared>> -> memref<640x64xf32, #tpu.memory_space<vmem_shared>>
      tpu.enqueue_dma source(%dma_start3A_117 : memref<640x64xf32, #tpu.memory_space<vmem_shared>>) target(%dma_start3A_115 : memref<640x64xf32, #tpu.memory_space<hbm>>) target_semaphore(%run_scoped3A : memref<!tpu.dma_semaphore, #tpu.memory_space<semaphore_mem>>)
      %dma_wait3A_118 = arith.constant 0 : i32
      %dma_wait3A_119 = tpu.memref_slice %arg7[%arg0, %mul3A_112, %dma_wait3A_118] : memref<2x10240x64xf32, #tpu.memory_space<hbm>> -> memref<1x640x64xf32, #tpu.memory_space<hbm>>
      %dma_wait3A_120 = tpu.memref_squeeze %dma_wait3A_119 : memref<1x640x64xf32, #tpu.memory_space<hbm>> -> memref<640x64xf32, #tpu.memory_space<hbm>>
      %dma_wait3A_121 = arith.constant 0 : i32
      %dma_wait3A_122 = tpu.memref_slice %arg16[%mul3A_110, %dma_wait3A_121] : memref<10240x64xf32, #tpu.memory_space<vmem_shared>> -> memref<640x64xf32, #tpu.memory_space<vmem_shared>>
      tpu.wait_dma2 semaphore(%run_scoped3A : memref<!tpu.dma_semaphore, #tpu.memory_space<semaphore_mem>>) src(%dma_wait3A_122 : memref<640x64xf32, #tpu.memory_space<vmem_shared>>) dst(%dma_wait3A_120 : memref<640x64xf32, #tpu.memory_space<hbm>>)
      tpu.yield
    }) : () -> ()
    return
  }
}

module attributes {stable_mosaic.version = 14 : i64} {
  func.func @_node_proj_body(%arg0: memref<10240x128xf32, #tpu.memory_space<vmem>>, %arg1: memref<128x64xf32, #tpu.memory_space<vmem>>, %arg2: memref<128x64xf32, #tpu.memory_space<vmem>>, %arg3: memref<10240x64xf32, #tpu.memory_space<vmem>>, %arg4: memref<10240x64xf32, #tpu.memory_space<vmem>>) attributes {dimension_semantics = [], scalar_prefetch = 0 : i64, scratch_operands = 0 : i64, tpu.core_type = #tpu.core_type<tc>} {
    %get3A = arith.constant 0 : index
    %get3A_0 = arith.constant 0 : index
    %get3A_1 = vector.load %arg0[%get3A, %get3A_0] : memref<10240x128xf32, #tpu.memory_space<vmem>>, vector<10240x128xf32>
    %get3A_2 = arith.constant 0 : index
    %get3A_3 = arith.constant 0 : index
    %get3A_4 = vector.load %arg1[%get3A_2, %get3A_3] : memref<128x64xf32, #tpu.memory_space<vmem>>, vector<128x64xf32>
    %dot_general3A = arith.constant dense<0.000000e+00> : vector<10240x64xf32>
    %dot_general3A_5 = tpu.matmul %get3A_1, %get3A_4, %dot_general3A {dimension_numbers = #tpu.dot_dimension_numbers<[1], [0], [0], [1], [0, 0, 1, 1], [], []>, transpose_lhs_hint = false} : vector<10240x128xf32>, vector<128x64xf32>, vector<10240x64xf32> -> vector<10240x64xf32>
    %swap3A = arith.constant 0 : index
    %swap3A_6 = arith.constant 0 : index
    %swap3A_7 = vector.load %arg3[%swap3A, %swap3A_6] : memref<10240x64xf32, #tpu.memory_space<vmem>>, vector<10240x64xf32>
    tpu.vector_store %arg3[%swap3A, %swap3A_6], %dot_general3A_5 {strides = array<i32>} : memref<10240x64xf32, #tpu.memory_space<vmem>>, vector<10240x64xf32>,
    %get3A_8 = arith.constant 0 : index
    %get3A_9 = arith.constant 0 : index
    %get3A_10 = vector.load %arg2[%get3A_8, %get3A_9] : memref<128x64xf32, #tpu.memory_space<vmem>>, vector<128x64xf32>
    %dot_general3A_11 = arith.constant dense<0.000000e+00> : vector<10240x64xf32>
    %dot_general3A_12 = tpu.matmul %get3A_1, %get3A_10, %dot_general3A_11 {dimension_numbers = #tpu.dot_dimension_numbers<[1], [0], [0], [1], [0, 0, 1, 1], [], []>, transpose_lhs_hint = false} : vector<10240x128xf32>, vector<128x64xf32>, vector<10240x64xf32> -> vector<10240x64xf32>
    %swap3A_13 = arith.constant 0 : index
    %swap3A_14 = arith.constant 0 : index
    %swap3A_15 = vector.load %arg4[%swap3A_13, %swap3A_14] : memref<10240x64xf32, #tpu.memory_space<vmem>>, vector<10240x64xf32>
    tpu.vector_store %arg4[%swap3A_13, %swap3A_14], %dot_general3A_12 {strides = array<i32>} : memref<10240x64xf32, #tpu.memory_space<vmem>>, vector<10240x64xf32>,
    return
  }
}

module attributes {stable_mosaic.version = 14 : i64} {
  func.func @_edge_proj_body(%arg0: i32, %arg1: memref<4096x16xf32, #tpu.memory_space<vmem>>, %arg2: memref<16x64xf32, #tpu.memory_space<vmem>>, %arg3: memref<1x64xf32, #tpu.memory_space<vmem>>, %arg4: memref<2048x128xf32, #tpu.memory_space<vmem>>) attributes {dimension_semantics = [#tpu.dimension_semantics<arbitrary>], iteration_bounds = array<i64: 79>, scalar_prefetch = 0 : i64, scratch_operands = 0 : i64, tpu.core_type = #tpu.core_type<tc>, window_params = [{transform_indices = @transform_0, window_bounds = array<i64: 4096, 16>}, {pipeline_mode = #tpu.pipeline_mode<synchronous>, transform_indices = @transform_1, window_bounds = array<i64: 16, 64>}, {pipeline_mode = #tpu.pipeline_mode<synchronous>, transform_indices = @transform_2, window_bounds = array<i64: 1, 64>}, {transform_indices = @transform_3, window_bounds = array<i64: 2048, 128>}]} {
    %get3A = arith.constant 0 : index
    %get3A_0 = arith.constant 0 : index
    %get3A_1 = vector.load %arg1[%get3A, %get3A_0] : memref<4096x16xf32, #tpu.memory_space<vmem>>, vector<4096x16xf32>
    %get3A_2 = arith.constant 0 : index
    %get3A_3 = arith.constant 0 : index
    %get3A_4 = vector.load %arg2[%get3A_2, %get3A_3] : memref<16x64xf32, #tpu.memory_space<vmem>>, vector<16x64xf32>
    %get3A_5 = arith.constant 0 : index
    %get3A_6 = arith.constant 0 : index
    %get3A_7 = vector.load %arg3[%get3A_5, %get3A_6] : memref<1x64xf32, #tpu.memory_space<vmem>>, vector<1x64xf32>
    %slice3A = vector.extract_strided_slice %get3A_1 {offsets = [0, 0], sizes = [2048, 16], strides = [1, 1]} : vector<4096x16xf32> to vector<2048x16xf32>
    %dot_general3A = arith.constant dense<0.000000e+00> : vector<2048x64xf32>
    %dot_general3A_8 = tpu.matmul %slice3A, %get3A_4, %dot_general3A {dimension_numbers = #tpu.dot_dimension_numbers<[1], [0], [0], [1], [0, 0, 1, 1], [], []>, transpose_lhs_hint = false} : vector<2048x16xf32>, vector<16x64xf32>, vector<2048x64xf32> -> vector<2048x64xf32>
    %add3A = vector.broadcast %get3A_7 : vector<1x64xf32> to vector<2048x64xf32>
    %add3A_9 = arith.addf %dot_general3A_8, %add3A : vector<2048x64xf32>
    %slice3A_10 = vector.extract_strided_slice %get3A_1 {offsets = [2048, 0], sizes = [2048, 16], strides = [1, 1]} : vector<4096x16xf32> to vector<2048x16xf32>
    %dot_general3A_11 = arith.constant dense<0.000000e+00> : vector<2048x64xf32>
    %dot_general3A_12 = tpu.matmul %slice3A_10, %get3A_4, %dot_general3A_11 {dimension_numbers = #tpu.dot_dimension_numbers<[1], [0], [0], [1], [0, 0, 1, 1], [], []>, transpose_lhs_hint = false} : vector<2048x16xf32>, vector<16x64xf32>, vector<2048x64xf32> -> vector<2048x64xf32>
    %add3A_13 = vector.broadcast %get3A_7 : vector<1x64xf32> to vector<2048x64xf32>
    %add3A_14 = arith.addf %dot_general3A_12, %add3A_13 : vector<2048x64xf32>
    %concatenate3A = tpu.concatenate %add3A_9, %add3A_14 in 1 : vector<2048x64xf32>, vector<2048x64xf32> -> vector<2048x128xf32>
    %swap3A = arith.constant 0 : index
    %swap3A_15 = arith.constant 0 : index
    %swap3A_16 = vector.load %arg4[%swap3A, %swap3A_15] : memref<2048x128xf32, #tpu.memory_space<vmem>>, vector<2048x128xf32>
    tpu.vector_store %arg4[%swap3A, %swap3A_15], %concatenate3A {strides = array<i32>} : memref<2048x128xf32, #tpu.memory_space<vmem>>, vector<2048x128xf32>,
    return
  }
  func.func @transform_0(%arg0: i32) -> (i32, i32) {
    %c0_i32 = arith.constant 0 : i32
    %c0_i32_0 = arith.constant 0 : i32
    return %arg0, %c0_i32 : i32, i32
  }
  func.func @transform_1(%arg0: i32) -> (i32, i32) {
    %c0_i32 = arith.constant 0 : i32
    %c0_i32_0 = arith.constant 0 : i32
    %c0_i32_1 = arith.constant 0 : i32
    return %c0_i32, %c0_i32_0 : i32, i32
  }
  func.func @transform_2(%arg0: i32) -> (i32, i32) {
    %c0_i32 = arith.constant 0 : i32
    %c0_i32_0 = arith.constant 0 : i32
    %c0_i32_1 = arith.constant 0 : i32
    return %c0_i32, %c0_i32_0 : i32, i32
  }
  func.func @transform_3(%arg0: i32) -> (i32, i32) {
    %c0_i32 = arith.constant 0 : i32
    %c0_i32_0 = arith.constant 0 : i32
    return %arg0, %c0_i32 : i32, i32
  }
}

module attributes {stable_mosaic.version = 14 : i64} {
  func.func @_update_body(%arg0: memref<2x10240x64xf32, #tpu.memory_space<vmem>>, %arg1: memref<10000x128xf32, #tpu.memory_space<vmem>>, %arg2: memref<64x128xf32, #tpu.memory_space<vmem>>, %arg3: memref<128x128xf32, #tpu.memory_space<vmem>>, %arg4: memref<1x128xf32, #tpu.memory_space<vmem>>, %arg5: memref<10000x128xf32, #tpu.memory_space<vmem>>) attributes {dimension_semantics = [], scalar_prefetch = 0 : i64, scratch_operands = 0 : i64, tpu.core_type = #tpu.core_type<tc>} {
    %get3A = arith.constant 0 : index
    %get3A_0 = arith.constant 0 : index
    %get3A_1 = arith.constant 0 : index
    %get3A_2 = vector.load %arg0[%get3A, %get3A_0, %get3A_1] : memref<2x10240x64xf32, #tpu.memory_space<vmem>>, vector<1x10000x64xf32>
    %get3A_3 = vector.shape_cast %get3A_2 : vector<1x10000x64xf32> to vector<10000x64xf32>
    %get3A_4 = arith.constant 1 : index
    %get3A_5 = arith.constant 0 : index
    %get3A_6 = arith.constant 0 : index
    %get3A_7 = vector.load %arg0[%get3A_4, %get3A_5, %get3A_6] : memref<2x10240x64xf32, #tpu.memory_space<vmem>>, vector<1x10000x64xf32>
    %get3A_8 = vector.shape_cast %get3A_7 : vector<1x10000x64xf32> to vector<10000x64xf32>
    %add3A = arith.addf %get3A_3, %get3A_8 : vector<10000x64xf32>
    %get3A_9 = arith.constant 0 : index
    %get3A_10 = arith.constant 0 : index
    %get3A_11 = vector.load %arg2[%get3A_9, %get3A_10] : memref<64x128xf32, #tpu.memory_space<vmem>>, vector<64x128xf32>
    %dot_general3A = arith.constant dense<0.000000e+00> : vector<10000x128xf32>
    %dot_general3A_12 = tpu.matmul %add3A, %get3A_11, %dot_general3A {dimension_numbers = #tpu.dot_dimension_numbers<[1], [0], [0], [1], [0, 0, 1, 1], [], []>, transpose_lhs_hint = false} : vector<10000x64xf32>, vector<64x128xf32>, vector<10000x128xf32> -> vector<10000x128xf32>
    %get3A_13 = arith.constant 0 : index
    %get3A_14 = arith.constant 0 : index
    %get3A_15 = vector.load %arg1[%get3A_13, %get3A_14] : memref<10000x128xf32, #tpu.memory_space<vmem>>, vector<10000x128xf32>
    %get3A_16 = arith.constant 0 : index
    %get3A_17 = arith.constant 0 : index
    %get3A_18 = vector.load %arg3[%get3A_16, %get3A_17] : memref<128x128xf32, #tpu.memory_space<vmem>>, vector<128x128xf32>
    %dot_general3A_19 = arith.constant dense<0.000000e+00> : vector<10000x128xf32>
    %dot_general3A_20 = tpu.matmul %get3A_15, %get3A_18, %dot_general3A_19 {dimension_numbers = #tpu.dot_dimension_numbers<[1], [0], [0], [1], [0, 0, 1, 1], [], []>, transpose_lhs_hint = false} : vector<10000x128xf32>, vector<128x128xf32>, vector<10000x128xf32> -> vector<10000x128xf32>
    %add3A_21 = arith.addf %dot_general3A_12, %dot_general3A_20 : vector<10000x128xf32>
    %get3A_22 = arith.constant 0 : index
    %get3A_23 = arith.constant 0 : index
    %get3A_24 = vector.load %arg4[%get3A_22, %get3A_23] : memref<1x128xf32, #tpu.memory_space<vmem>>, vector<1x128xf32>
    %add3A_25 = vector.broadcast %get3A_24 : vector<1x128xf32> to vector<10000x128xf32>
    %add3A_26 = arith.addf %add3A_21, %add3A_25 : vector<10000x128xf32>
    %max3A = arith.constant 0.000000e+00 : f32
    %max3A_27 = vector.broadcast %max3A : f32 to vector<10000x128xf32>
    %max3A_28 = arith.maximumf %add3A_26, %max3A_27 : vector<10000x128xf32>
    %swap3A = arith.constant 0 : index
    %swap3A_29 = arith.constant 0 : index
    %swap3A_30 = vector.load %arg5[%swap3A, %swap3A_29] : memref<10000x128xf32, #tpu.memory_space<vmem>>, vector<10000x128xf32>
    tpu.vector_store %arg5[%swap3A, %swap3A_29], %max3A_28 {strides = array<i32>} : memref<10000x128xf32, #tpu.memory_space<vmem>>, vector<10000x128xf32>,
    return
  }
}

module attributes {stable_mosaic.version = 14 : i64} {
  func.func @_update_body(%arg0: memref<2x10240x64xf32, #tpu.memory_space<vmem>>, %arg1: memref<10000x128xf32, #tpu.memory_space<vmem>>, %arg2: memref<64x128xf32, #tpu.memory_space<vmem>>, %arg3: memref<128x128xf32, #tpu.memory_space<vmem>>, %arg4: memref<1x128xf32, #tpu.memory_space<vmem>>, %arg5: memref<10000x128xf32, #tpu.memory_space<vmem>>) attributes {dimension_semantics = [], scalar_prefetch = 0 : i64, scratch_operands = 0 : i64, tpu.core_type = #tpu.core_type<tc>} {
    %get3A = arith.constant 0 : index
    %get3A_0 = arith.constant 0 : index
    %get3A_1 = arith.constant 0 : index
    %get3A_2 = vector.load %arg0[%get3A, %get3A_0, %get3A_1] : memref<2x10240x64xf32, #tpu.memory_space<vmem>>, vector<1x10000x64xf32>
    %get3A_3 = vector.shape_cast %get3A_2 : vector<1x10000x64xf32> to vector<10000x64xf32>
    %get3A_4 = arith.constant 1 : index
    %get3A_5 = arith.constant 0 : index
    %get3A_6 = arith.constant 0 : index
    %get3A_7 = vector.load %arg0[%get3A_4, %get3A_5, %get3A_6] : memref<2x10240x64xf32, #tpu.memory_space<vmem>>, vector<1x10000x64xf32>
    %get3A_8 = vector.shape_cast %get3A_7 : vector<1x10000x64xf32> to vector<10000x64xf32>
    %add3A = arith.addf %get3A_3, %get3A_8 : vector<10000x64xf32>
    %get3A_9 = arith.constant 0 : index
    %get3A_10 = arith.constant 0 : index
    %get3A_11 = vector.load %arg2[%get3A_9, %get3A_10] : memref<64x128xf32, #tpu.memory_space<vmem>>, vector<64x128xf32>
    %dot_general3A = arith.constant dense<0.000000e+00> : vector<10000x128xf32>
    %dot_general3A_12 = tpu.matmul %add3A, %get3A_11, %dot_general3A {dimension_numbers = #tpu.dot_dimension_numbers<[1], [0], [0], [1], [0, 0, 1, 1], [], []>, transpose_lhs_hint = false} : vector<10000x64xf32>, vector<64x128xf32>, vector<10000x128xf32> -> vector<10000x128xf32>
    %get3A_13 = arith.constant 0 : index
    %get3A_14 = arith.constant 0 : index
    %get3A_15 = vector.load %arg1[%get3A_13, %get3A_14] : memref<10000x128xf32, #tpu.memory_space<vmem>>, vector<10000x128xf32>
    %get3A_16 = arith.constant 0 : index
    %get3A_17 = arith.constant 0 : index
    %get3A_18 = vector.load %arg3[%get3A_16, %get3A_17] : memref<128x128xf32, #tpu.memory_space<vmem>>, vector<128x128xf32>
    %dot_general3A_19 = arith.constant dense<0.000000e+00> : vector<10000x128xf32>
    %dot_general3A_20 = tpu.matmul %get3A_15, %get3A_18, %dot_general3A_19 {dimension_numbers = #tpu.dot_dimension_numbers<[1], [0], [0], [1], [0, 0, 1, 1], [], []>, transpose_lhs_hint = false} : vector<10000x128xf32>, vector<128x128xf32>, vector<10000x128xf32> -> vector<10000x128xf32>
    %add3A_21 = arith.addf %dot_general3A_12, %dot_general3A_20 : vector<10000x128xf32>
    %get3A_22 = arith.constant 0 : index
    %get3A_23 = arith.constant 0 : index
    %get3A_24 = vector.load %arg4[%get3A_22, %get3A_23] : memref<1x128xf32, #tpu.memory_space<vmem>>, vector<1x128xf32>
    %add3A_25 = vector.broadcast %get3A_24 : vector<1x128xf32> to vector<10000x128xf32>
    %add3A_26 = arith.addf %add3A_21, %add3A_25 : vector<10000x128xf32>
    %max3A = arith.constant 0.000000e+00 : f32
    %max3A_27 = vector.broadcast %max3A : f32 to vector<10000x128xf32>
    %max3A_28 = arith.maximumf %add3A_26, %max3A_27 : vector<10000x128xf32>
    %swap3A = arith.constant 0 : index
    %swap3A_29 = arith.constant 0 : index
    %swap3A_30 = vector.load %arg5[%swap3A, %swap3A_29] : memref<10000x128xf32, #tpu.memory_space<vmem>>, vector<10000x128xf32>
    tpu.vector_store %arg5[%swap3A, %swap3A_29], %max3A_28 {strides = array<i32>} : memref<10000x128xf32, #tpu.memory_space<vmem>>, vector<10000x128xf32>,
    return
  }
}

</mosaic_0001>

<sc_bundles>
// kernel: kernel.10.cloned.1.call-start
scs
__scs_entry_jumppad:
0x0: {  	(pc) =	sbr.rel $0x88, $3  }
0x1: {  	(tag) =	ssettag $0x0;
	lr =	simm.s32 $0x1  }
0x2: {  	[smem:$0x3F96] =	sst lr;
	_ =	strace $0xD0000000  }
0x3: {  	_ = 	snop  }
0x4: {  	_ = 	snop  }
0x5: {  	_ = 	snop  }
0x6: {  	_ = 	snop  }
0x7: {  	_ = 	snop  }
__scs_overlays_trampoline_lowered:
0x8: {  	[smem:$0x3FA5] =	sst s0  }
0x9: {  	[smem:$0x3FA6] =	sst s1  }
0xa: {  	[smem:$0x3FA7] =	sst s2  }
0xb: {  	[smem:$0x3FA8] =	sst s3  }
0xc: {  	[smem:$0x3FA9] =	sst s4  }
0xd: {  	[smem:$0x3FAA] =	sst s5  }
0xe: {  	[smem:$0x3FAB] =	sst s6  }
0xf: {  	[smem:$0x3FAC] =	sst s7  }
0x10: {  	[smem:$0x3FAD] =	sst s8  }
0x11: {  	[smem:$0x3FAE] =	sst s9;
	s0 =	simm.s32 @!p0 $0x0  }
0x12: {  	s1 =	sld [smem:$0x3F94];
	s0 =	simm.s32 @p0 $0x1  }
0x13: {  	[smem:$0x3FAF] =	sst s0;
	s0 =	simm.s32 @!p1 $0x0  }
0x14: {  	s2 =	sld [smem:$0x3F93];
	s0 =	simm.s32 @p1 $0x1  }
0x15: {  	[smem:$0x3FB0] =	sst s0;
	s0 =	simm.s32 @!p2 $0x0  }
0x16: {  	s3 =	sld [smem:$0x3FDB];
	s0 =	simm.s32 @p2 $0x1  }
0x17: {  	s4 =	simm.s32 $0x1BF5;
	[smem:$0x3FB2] =	sst s0  }
0x18: {  	s0 =	sld [smem:$0x3F95];
	_ =	swait.ge [sflag:s4], $0x0  }
0x19: {  	s7 =	sld [smem:$0x3F96]  }
0x1a: {  	s8 =	sadd.s32 $0xFFFFE003, lr  }
0x1b: {  	s9 =	sadd.s32 $0xFFFFFEF7, lr;
	s5 =	simm.s32 $0xFFFFFFFF;
	p2 =	slt.u32 s8, $0xFFFFF086  }
0x1c: {  	p1 =	slt.u32 s9, $0xF7A;
	s5 =	simm.s32 @!p2 $0x0  }
0x1d: {  	s5 =	simm.s32 @p1 $0x1;
	p0 =	seq.s32 s7, s2  }
0x1e: {  	s7 =	smul.u32 @!p0 $0xF7A, s2;
	p2 =	seq.s32 @!p0 s5, $0x0  }
0x1f: {  	s9 =	smul.u32 $0xF7A, s1;
	s8 =	simm.s32 @!p0 $0x1BF5;
	p2 =	por !p2, p0  }
0x20: {  	[sflag:s8] =	ssyncset.s32 @!p0 $0xFFFFF086;
	s6 =	sadd.s32 @!p0 s3, s7;
	s7 =	simm.s32 @!p0 $0x108  }
0x21: {  	s3 =	sadd.s32 s3, s9;
	s6 =	sadd.s32 @!p0 $0x88, s6;
	s7 =	simm.s32 @p2 $0x1082  }
0x22: {  	[simem:s7], [sflag:s8] =	dma.local @!p0 [hbm:s6], $0xF7A  }
0x23: {  	s9 =	sor.u32 $0xD0000000, s2;
	s6 =	simm.s32 $0x108;
	_ =	swait.ge @!p0 [sflag:s8], $0x0  }
0x24: {  	s3 =	sadd.s32 $0x88, s3;
	s6 =	simm.s32 @!p1 $0x1082;
	[sflag:s4] =	ssyncset.s32 $0xFFFFF086  }
0x25: {  	[simem:s6], [sflag:s4] =	dma.local [hbm:s3], $0xF7A  }
0x26: {  	[smem:$0x3F96] =	sst s1;
	(tag) =	ssettag s2;
	_ =	strace s9  }
0x27: {  	s1 =	sld [smem:$0x3FA6]  }
0x28: {  	s2 =	sld [smem:$0x3FA7]  }
0x29: {  	s4 =	sld [smem:$0x3FA9]  }
0x2a: {  	p0 =	seq.s32 s5, $0x0;
	s5 =	sld [smem:$0x3FAA]  }
0x2b: {  	s6 =	sld [smem:$0x3FAB]  }
0x2c: {  	s7 =	sld [smem:$0x3FAC]  }
0x2d: {  	s3 =	simm.s32 $0x108;
	s8 =	sld [smem:$0x3FAD]  }
0x2e: {  	s3 =	simm.s32 @!p0 $0x1082;
	s9 =	sld [smem:$0x3FAE]  }
0x2f: {  	lr =	sadd.s32 s0, s3;
	s0 =	sld [smem:$0x3FA5]  }
0x30: {  	s3 =	sld [smem:$0x3FA8]  }
0x31: {  	[smem:$0x3FB1] =	sst s10  }
0x32: {  	s10 =	sld [smem:$0x3FAF];
	_ =	sdelay $0x3  }
0x33: {  	p0 =	seq.s32 s10, $0x1;
	s10 =	sld [smem:$0x3FB1];
	_ =	sdelay $0x3  }
0x34: {  	[smem:$0x3FB1] =	sst s10  }
0x35: {  	s10 =	sld [smem:$0x3FB0];
	_ =	sdelay $0x3  }
0x36: {  	p1 =	seq.s32 s10, $0x1;
	s10 =	sld [smem:$0x3FB1];
	_ =	sdelay $0x3  }
0x37: {  	[smem:$0x3FB1] =	sst s10  }
0x38: {  	s10 =	sld [smem:$0x3FB2]  }
0x39: {  	_ = 	snop;
	(pc) =	sbr.ind lr, $3  }
0x3a: {  	_ = 	snop  }
0x3b: {  	_ = 	snop  }
0x3c: {  	p2 =	seq.s32 s10, $0x1;
	s10 =	sld [smem:$0x3FB1]  }
0x3d: {  	_ =	shalt  }
0x3e: {  	_ =	shalt  }
0x3f: {  	_ =	shalt  }
0x40: {  	_ =	shalt  }
0x41: {  	_ =	shalt  }
0x42: {  	_ =	shalt  }
0x43: {  	_ =	shalt  }
0x44: {  	_ =	shalt  }
0x45: {  	_ =	shalt  }
0x46: {  	_ =	shalt  }
0x47: {  	_ =	shalt  }
0x48: {  	_ =	shalt  }
0x49: {  	_ =	shalt  }
0x4a: {  	_ =	shalt  }
0x4b: {  	_ =	shalt  }
0x4c: {  	_ =	shalt  }
0x4d: {  	_ =	shalt  }
0x4e: {  	_ =	shalt  }
0x4f: {  	_ =	shalt  }
0x50: {  	_ =	shalt  }
0x51: {  	_ =	shalt  }
0x52: {  	_ =	shalt  }
0x53: {  	_ =	shalt  }
0x54: {  	_ =	shalt  }
0x55: {  	_ =	shalt  }
0x56: {  	_ =	shalt  }
0x57: {  	_ =	shalt  }
0x58: {  	_ =	shalt  }
0x59: {  	_ =	shalt  }
0x5a: {  	_ =	shalt  }
0x5b: {  	_ =	shalt  }
0x5c: {  	_ =	shalt  }
0x5d: {  	_ =	shalt  }
0x5e: {  	_ =	shalt  }
0x5f: {  	_ =	shalt  }
0x60: {  	_ =	shalt  }
0x61: {  	_ =	shalt  }
0x62: {  	_ =	shalt  }
0x63: {  	_ =	shalt  }
0x64: {  	_ =	shalt  }
0x65: {  	_ =	shalt  }
0x66: {  	_ =	shalt  }
0x67: {  	_ =	shalt  }
0x68: {  	_ =	shalt  }
0x69: {  	_ =	shalt  }
0x6a: {  	_ =	shalt  }
0x6b: {  	_ =	shalt  }
0x6c: {  	_ =	shalt  }
0x6d: {  	_ =	shalt  }
0x6e: {  	_ =	shalt  }
0x6f: {  	_ =	shalt  }
0x70: {  	_ =	shalt  }
0x71: {  	_ =	shalt  }
0x72: {  	_ =	shalt  }
0x73: {  	_ =	shalt  }
0x74: {  	_ =	shalt  }
0x75: {  	_ =	shalt  }
0x76: {  	_ =	shalt  }
0x77: {  	_ =	shalt  }
0x78: {  	_ =	shalt  }
0x79: {  	_ =	shalt  }
0x7a: {  	_ =	shalt  }
0x7b: {  	_ =	shalt  }
0x7c: {  	_ =	shalt  }
0x7d: {  	_ =	shalt  }
0x7e: {  	_ =	shalt  }
0x7f: {  	_ =	shalt  }
0x80: {  	_ =	shalt  }
0x81: {  	_ =	shalt  }
0x82: {  	_ =	shalt  }
0x83: {  	_ =	shalt  }
0x84: {  	_ =	shalt  }
0x85: {  	_ =	shalt  }
0x86: {  	_ =	shalt  }
0x87: {  	_ =	shalt  }
.Lfunc_end0:
.L_simem_size_0:
called_computation_lowered:
.L_overlay_start_0:
0x88: {  	s2 =	sld [smem:$0x3FD9]  }
0x89: {  	s3 =	sld [smem:$0x3FFE];
	_ =	sdelay $0x1  }
0x8a: {  	s1 =	srdreg.scid  }
0x8b: {  	s0 =	sand.u32 $0x1, s1  }
0x8c: {  	s17 =	sshll.u32 s0, $0xA;
	s2 =	sadd.s32 s3, s2  }
0x8d: {  	s2 =	sadd.s32 s2, s17  }
0x8e: {  	[smem:$0x3FBD] =	sst s2  }
0x8f: {  	_ = 	snop  }
0x90: {  	s2 =	sld [smem:$0x3FD0];
	(tm) =	ssettm $0x1  }
0x91: {  	s18 =	sld [smem:$0x3FFB];
	_ =	sdelay $0x3  }
0x92: {  	_ =	strace s18  }
0x93: {  	s3 =	sld [smem:$0x3FFC];
	_ =	sdelay $0x3  }
0x94: {  	_ =	strace s3  }
0x95: {  	s3 =	sld [smem:$0x3FFD];
	_ =	sdelay $0x3  }
0x96: {  	_ =	strace s3  }
0x97: {  	_ =	strace $0x8FFFFFFF  }
0x98: {  	s19 =	sld [smem:$0x3FDB];
	_ =	sdelay $0x1  }
0x99: {  	s4 =	simm.s32 $_scs_section_size  }
0x9a: {  	s5 =	simm.s32 $_size__tile_overlayer_lowered;
	s6 =	simm.s32 $_tile_overlayer_lowered  }
0x9b: {  	s22 =	simm.s32 $0x1BFF;
	s21 =	sshll.u32 s6, $0x1;
	s3 =	sadd.s32 s4, s19  }
0x9c: {  	s7 =	simm.s32 $0x0;
	s20 =	sshll.u32 s5, $0x1;
	s5 =	sadd.s32 s21, s3  }
0x9d: {  	[timem:s7], [sflag:s22] =	dma.local [hbm:s5], s20  }
0x9e: {  	_ =	swait.ge [sflag:s22], s20  }
0x9f: {  	s4 =	ssub.s32 $0x0, s20;
	[sflag:s22] =	ssyncset.done $0x0  }
0xa0: {  	[sflag:s22] =	ssyncadd.s32 s4;
	_ =	sdelay $0x1  }
0xa1: {  	s23 =	simm.s32 $0x1B8B  }
0xa2: {  	_ =	swait.ge [sflag:s23], $0x1  }
0xa3: {  	[sflag:s23] =	ssyncset.done $0x0  }
0xa4: {  	s25 =	simm.s32 $0x1B8E;
	s24 =	sld [smem:$0x3FFE];
	[sflag:s23] =	ssyncadd.s32 $0xFFFFFFFF  }
0xa5: {  	s26 =	simm.s32 $execute0_lowered;
	[smem:$0x3FD2] =	sst s25  }
0xa6: {  	s5 =	sshll.u32 s26, $0x1;
	_ =	strace $0x80000046;
	[dreg:$0x1] =	wrdreg $0xFFFFFFFF  }
0xa7: {  	s28 =	simm.s32 $_size_execute0_lowered;
	s3 =	sadd.s32 s3, s5;
	[dreg:$0x0] =	wrdreg $0x0  }
0xa8: {  	s5 =	sshll.u32 s28, $0x1;
	[dreg:$0x2] =	wrdreg s3  }
0xa9: {  	[dreg:$0x3] =	wrdreg s5  }
0xaa: {  	[dreg:$0x4] =	wrdreg $0xC0  }
0xab: {  	_ =	task [dreg:s7], $0x5FFFF  }
0xac: {  	[dreg:$0x1] =	wrdreg $0xFFFFFFFF  }
0xad: {  	[dreg:$0x0] =	wrdreg $0x60  }
0xae: {  	[dreg:$0x2] =	wrdreg s2  }
0xaf: {  	[dreg:$0x3] =	wrdreg s24  }
0xb0: {  	[dreg:$0x4] =	wrdreg $0x10F000  }
0xb1: {  	[dreg:$0x5] =	wrdreg $0x9  }
0xb2: {  	_ =	task.clear_ibuf [dreg:s7], $0x6FFFF;
	_ =	strace $0x90000046  }
0xb3: {  	s29 =	simm.s32 $0x9;
	_ =	strace $0x80000048  }
0xb4: {  	_ =	swait.ge [sflag:s29], $0x1  }
0xb5: {  	[sflag:s29] =	ssyncadd.s32 $0xFFFFFFFF  }
0xb6: {  	_ =	strace $0x90000048  }
0xb7: {  	_ =	sfence  }
0xb8: {  	s30 =	sld [smem:$0x0];
	_ =	sdelay $0x2  }
0xb9: {  	s31 =	sshll.u32 s1, $0xD;
	s1 =	sshrl.u32 s1, $0x2  }
0xba: {  	s3 =	sand.u32 $0x4000, s31;
	s1 =	sadd.s32 s1, s30  }
0xbb: {  	s0 =	sor.u32 s3, s0;
	s1 =	sshll.u32 s1, $0x11  }
0xbc: {  	s0 =	sor.u32 s1, s0  }
0xbd: {  	s0 =	sadd.s32 $0x8F2B, s0  }
0xbe: {  	[sflag:s0] =	ssyncadd.remote.s32 $0x1  }
0xbf: {  	_ =	sfence.sel $0xFFFF  }
0xc0: {  	[dreg:$0x0] =	wrdreg $0xFFFFFFFF;
	(pc) =	sbr.abs _section_cstart, $3  }
0xc1: {  	[dreg:$0x1] =	wrdreg $0xFFFFFFFF  }
0xc2: {  	_ =	task.clear_ibuf [dreg:s7], $0x2FFFF;
	_ =	strace $0x9FFFFFFF  }
0xc3: {  	(tm) =	ssettm $0x7FFFFFFF  }
tec
execute0_lowered:
.L_overlay_start_1:
0x0: {  	(tag) =	ssettag $0x1  }
0x1: {  	s1 =	rddreg [dreg:$0x0]  }
0x2: {  	s0 =	srdreg.scid;
	s2 =	rddreg [dreg:$0x1]  }
0x3: {  	s13 =	stileid.u32;
	s3 =	rddreg [dreg:$0x2];
	s28 =	simm.s32 $0x6F00  }
0x4: {  	s29 =	simm.s32 $0xAF00;
	s30 =	simm.s32 $0xEF00;
	s31 =	simm.s32 $0x1  }
0x5: {  	s0 =	sand.u32 $0x1, s0;
	s4 =	sshll.u32 s13, $0x1;
	s9 =	smul.u32 $0xA000, s13  }
0x6: {  	s5 =	sadd.s32 $0x3600, s2;
	s6 =	sadd.s32 $0x50D200, s2;
	s11 =	smul.u32 $0x28000, s13  }
0x7: {  	s25 =	sand.u32 $0x8, s13;
	s26 =	sshll.u32 s13, $0x3;
	s8 =	sor.u32 s0, s4  }
0x8: {  	s4 =	simm.s32 $0x0;
	s10 =	smul.u32 $0xA0000, s0;
	s0 =	ssub.s32 $0x2, s0  }
0x9: {  	s7 =	smul.u32 $0x4F0, s8;
	[smem:$0x7FF] =	sst s4;
	s16 =	sshrl.u32 s0, $0x1  }
0xa: {  	s11 =	sshrl.u32 s11, $0x2;
	s24 =	sshll.u32 s8, $0xB;
	s14 =	sshll.u32 s8, $0x7  }
0xb: {  	s8 =	simm.s32 $0x4;
	_ =	strace $0x80000047;
	s15 =	sadd.s32 s9, s10  }
0xc: {  	s0 =	ssub.s32 s0, s16;
	s17 =	sadd.s32 s11, s3;
	s10 =	sadd.s32 s6, s25  }
0xd: {  	s16 =	sand.u32 $0x780, s14;
	s25 =	simm.s32 $0x8F00;
	s12 =	sadd.s32 s7, s2  }
0xe: {  	s7 =	sshrl.u32 s15, $0x3;
	s18 =	sadd.s32 $0x2000, s17;
	s19 =	sadd.s32 $0x4000, s17  }
0xf: {  	s20 =	sadd.s32 $0x6000, s17;
	s21 =	sadd.s32 $0x8000, s17;
	[dreg:$0x4] =	wrdreg s18  }
0x10: {  	s17 =	sand.u32 $0x40, s26;
	s26 =	simm.s32 $0x40;
	[dreg:$0x5] =	wrdreg s19  }
0x11: {  	s2 =	sadd.s32 s7, s2;
	s7 =	sadd.s32 s9, s3;
	[dreg:$0x6] =	wrdreg s20  }
0x12: {  	[dreg:$0x7] =	wrdreg s21;
	s22 =	sadd.s32 $0x21400, s12;
	s23 =	sadd.s32 $0x17600, s12  }
0x13: {  	s9 =	sand.u32 $0x7800, s24;
	s19 =	smax.u32 s0, $0x1;
	s20 =	simm.s32 $0xCF00  }
0x14: {  	s21 =	simm.s32 $0x5;
	s24 =	simm.s32 $0x4F00;
	[dreg:$0x8] =	wrdreg s22  }
0x15: {  	s0 =	simm.s32 $0x2;
	[dreg:$0x9] =	wrdreg s23;
	s15 =	sadd.s32 s9, s10  }
0x16: {  	v0 =	vimm.f32 $0.0e+00;
	s18 =	sadd.s32 $0x785200, s2;
	s23 =	simm.s32 $0x80;
	s2 =	simm.s32 $0x3  }
.LBB2_1:
0x17: {  	s10 =	simm.s32 $0x100;
	s9 =	simm.s32 $0x0  }
.LBB2_2:
0x18: {  	p0 =	sne.s32 s10, $0x7F00;
	[tilespmem:s9+$0xCF30] =	vst v0;
	s11 =	smov.u32 s10;
	s10 =	sadd.s32 $0x100, s10  }
.Ltmp0:
0x19: {  	[tilespmem:s9+$0xCF20] =	vst v0;
	(pc) =	sbr.rel @p0 .LBB2_2-.Ltmp0, $3  }
0x1a: {  	[tilespmem:s9+$0xCF00] =	vst v0  }
0x1b: {  	[tilespmem:s9+$0xCF10] =	vst v0;
	_ =	sdelay $0x1  }
0x1c: {  	s9 =	sshra.s32 s11, $0x2  }
0x1d: {  	[tilespmem:s9+$0xCF30] =	vst v0  }
0x1e: {  	[tilespmem:s9+$0xCF20] =	vst v0  }
0x1f: {  	[tilespmem:s9+$0xCF00] =	vst v0  }
0x20: {  	[tilespmem:s9+$0xCF10] =	vst v0  }
0x21: {  	[spmem:s7] =	stream.linear.scatter [tilespmem:s20], [sflag:$0x5], $0x2000, $0x38;
	[tilespmem:$0x1AF00] =	vst v63  }
0x22: {  	_ =	swait.ge [sflag:s21], $0x2000  }
0x23: {  	[sflag:s21] =	ssyncset.done $0x0  }
0x24: {  	s10 =	rddreg [dreg:$0x4];
	[sflag:s21] =	ssyncadd.s32 $0xFFFFE000  }
0x25: {  	[spmem:s10] =	stream.linear.scatter [tilespmem:s20], [sflag:$0x5], $0x2000, $0x38;
	[tilespmem:$0x1AF00] =	vst v63  }
0x26: {  	_ =	swait.ge [sflag:s21], $0x2000  }
0x27: {  	[sflag:s21] =	ssyncset.done $0x0  }
0x28: {  	s11 =	rddreg [dreg:$0x5];
	[sflag:s21] =	ssyncadd.s32 $0xFFFFE000  }
0x29: {  	[spmem:s11] =	stream.linear.scatter [tilespmem:s20], [sflag:$0x5], $0x2000, $0x38;
	[tilespmem:$0x1AF00] =	vst v63  }
0x2a: {  	_ =	swait.ge [sflag:s21], $0x2000  }
0x2b: {  	[sflag:s21] =	ssyncset.done $0x0  }
0x2c: {  	s12 =	rddreg [dreg:$0x6];
	[sflag:s21] =	ssyncadd.s32 $0xFFFFE000  }
0x2d: {  	[spmem:s12] =	stream.linear.scatter [tilespmem:s20], [sflag:$0x5], $0x2000, $0x38;
	[tilespmem:$0x1AF00] =	vst v63  }
0x2e: {  	_ =	swait.ge [sflag:s21], $0x2000  }
0x2f: {  	[sflag:s21] =	ssyncset.done $0x0  }
0x30: {  	s13 =	rddreg [dreg:$0x7];
	[sflag:s21] =	ssyncadd.s32 $0xFFFFE000  }
0x31: {  	[spmem:s13] =	stream.linear.scatter [tilespmem:s20], [sflag:$0x5], $0x2000, $0x38;
	[tilespmem:$0x1AF00] =	vst v63  }
0x32: {  	_ =	swait.ge [sflag:s21], $0x2000  }
0x33: {  	[sflag:s21] =	ssyncset.done $0x0  }
0x34: {  	[sflag:s21] =	ssyncadd.s32 $0xFFFFE000  }
0x35: {  	[bflag:$0x0] =	sbarrier.arrive $0xFFFF  }
0x36: {  	s9 =	simm.s32 $0x0;
	s10 =	rddreg [dreg:$0x8]  }
0x37: {  	[tilespmem:s9], [sflag:$0x5] =	stream.linear.gather [hbm4b:s10+s9], $0x2780, $0x38;
	[tilespmem:$0x1AF00] =	vst v63  }
0x38: {  	_ =	swait.ge [sflag:s21], $0x2780  }
0x39: {  	[sflag:s21] =	ssyncset.done $0x0  }
0x3a: {  	s11 =	simm.s32 $0x2780;
	s22 =	rddreg [dreg:$0x9];
	[sflag:s21] =	ssyncadd.s32 $0xFFFFD880  }
0x3b: {  	[tilespmem:s11], [sflag:$0x5] =	stream.linear.gather [hbm4b:s22+s9], $0x2780, $0x38;
	[tilespmem:$0x1AF00] =	vst v63  }
0x3c: {  	_ =	swait.ge [sflag:s21], $0x2780  }
0x3d: {  	[sflag:s21] =	ssyncset.done $0x0  }
0x3e: {  	[sflag:s21] =	ssyncadd.s32 $0xFFFFD880  }
0x3f: {  	[tilespmem:s24], [sflag:$0x1] =	stream.indirect.gather [hbm4b:s1+s23], $0x40, s9, s23, $0xb8;
	[tilespmem:$0x1AF00] =	vst v63  }
0x40: {  	_ = 	snop  }
0x41: {  	[tilespmem:s25], [sflag:$0x1] =	stream.indirect.gather [hbm4b:s5+s23], $0x40, s11, s23, $0xb8;
	[tilespmem:$0x1AF00] =	vst v63  }
0x42: {  	_ = 	snop  }
0x43: {  	[tilespmem:s20], [sflag:$0x1] =	stream.strided.gather [hbm4b:s15+s26], $0x2000, s23, s26, $0x38;
	[tilespmem:$0x1AF00] =	vst v63  }
.LBB2_4:
0x44: {  	p0 =	seq.s32 s9, $0x0;
	s11 =	sshllo.u32 s9, $0x1  }
0x45: {  	s10 =	simm.s32 @!p0 $0x4;
	s22 =	sshll.u32 s11, $0x7;
	s11 =	sshll.u32 s11, $0xC  }
0x46: {  	_ =	swait.ge @!p0 [sflag:s10], $0x2000;
	s11 =	sor.u32 s14, s11  }
0x47: {  	[sflag:s10] =	ssyncset.done @!p0 $0x0;
	s11 =	sshrl.u32 s11, $0x1  }
0x48: {  	[sflag:s10] =	ssyncadd.s32 @!p0 $0xFFFFE000;
	s11 =	sand.u32 $0x1FFF800, s11  }
0x49: {  	[tilespmem:s28], [sflag:$0x2] =	stream.indirect.gather [hbm4b:s1+s23], $0x40, s22, s23, $0xb8;
	[tilespmem:$0x1AF00] =	vst v63  }
0x4a: {  	s11 =	sor.u32 s16, s11  }
0x4b: {  	s10 =	sadd.s32 $0x2780, s22;
	s11 =	sshll.u32 s11, $0x7  }
0x4c: {  	[tilespmem:s29], [sflag:$0x2] =	stream.indirect.gather [hbm4b:s5+s23], $0x40, s10, s23, $0xb8;
	[tilespmem:$0x1AF00] =	vst v63  }
0x4d: {  	s11 =	sor.u32 s17, s11  }
0x4e: {  	s11 =	sshrl.u32 s11, $0x3  }
0x4f: {  	s11 =	sadd.s32 s6, s11  }
0x50: {  	[tilespmem:s30], [sflag:$0x2] =	stream.strided.gather [hbm4b:s11+s26], $0x2000, s23, s26, $0x38;
	[tilespmem:$0x1AF00] =	vst v63  }
0x51: {  	_ =	swait.ge [sflag:s31], $0x2000  }
0x52: {  	[sflag:s31] =	ssyncset.done $0x0  }
0x53: {  	[sflag:s31] =	ssyncadd.s32 $0xFFFFE000  }
0x54: {  	_ =	swait.ge [sflag:s31], $0x2000  }
0x55: {  	[sflag:s31] =	ssyncset.done $0x0  }
0x56: {  	[sflag:s31] =	ssyncadd.s32 $0xFFFFE000  }
0x57: {  	_ =	swait.ge [sflag:s31], $0x2000  }
0x58: {  	[sflag:s31] =	ssyncset.done $0x0  }
0x59: {  	s11 =	simm.s32 $0x0;
	[sflag:s31] =	ssyncadd.s32 $0xFFFFE000  }
0x5a: {  	v13 =	vld [tilespmem:s11+$0x4F00]  }
0x5b: {  	v14 =	vld [tilespmem:s11+$0x8F00]  }
0x5c: {  	v15 =	vld [tilespmem:s11+$0x4F10]  }
0x5d: {  	v16 =	vld [tilespmem:s11+$0x8F10]  }
0x5e: {  	v17 =	vld [tilespmem:s11+$0x4F20]  }
0x5f: {  	v18 =	vld [tilespmem:s11+$0x8F20]  }
0x60: {  	v19 =	vld [tilespmem:s11+$0x4F30]  }
0x61: {  	v20 =	vld [tilespmem:s11+$0x8F30]  }
0x62: {  	v21 =	vld [tilespmem:s11+$0x4F40]  }
0x63: {  	v22 =	vld [tilespmem:s11+$0x8F40]  }
0x64: {  	v23 =	vld [tilespmem:s11+$0x4F50]  }
0x65: {  	v24 =	vld [tilespmem:s11+$0x8F50]  }
0x66: {  	v25 =	vld [tilespmem:s11+$0x4F60]  }
0x67: {  	v26 =	vld [tilespmem:s11+$0x8F60]  }
0x68: {  	v27 =	vld [tilespmem:s11+$0x4F70]  }
0x69: {  	v28 =	vld [tilespmem:s11+$0x8F70]  }
0x6a: {  	v29 =	vld [tilespmem:s11+$0x4F80]  }
0x6b: {  	v30 =	vld [tilespmem:s11+$0x8F80]  }
0x6c: {  	v31 =	vld [tilespmem:s11+$0x4F90]  }
0x6d: {  	v32 =	vld [tilespmem:s11+$0x8F90]  }
0x6e: {  	v11 =	vld [tilespmem:s11+$0x4FA0]  }
0x6f: {  	v12 =	vld [tilespmem:s11+$0x8FA0]  }
0x70: {  	v9 =	vld [tilespmem:s11+$0x4FB0]  }
0x71: {  	v10 =	vld [tilespmem:s11+$0x8FB0]  }
0x72: {  	v7 =	vld [tilespmem:s11+$0x4FC0]  }
0x73: {  	v8 =	vld [tilespmem:s11+$0x8FC0]  }
0x74: {  	v5 =	vld [tilespmem:s11+$0x4FD0]  }
0x75: {  	v6 =	vld [tilespmem:s11+$0x8FD0]  }
0x76: {  	v3 =	vld [tilespmem:s11+$0x4FE0]  }
0x77: {  	v4 =	vld [tilespmem:s11+$0x8FE0]  }
0x78: {  	v33 =	vld [tilespmem:s11+$0xCF00]  }
0x79: {  	v34 =	vld [tilespmem:s11+$0xCF10]  }
0x7a: {  	v35 =	vld [tilespmem:s11+$0xCF20]  }
0x7b: {  	v1 =	vld [tilespmem:s11+$0x4FF0];
	v13 =	vadd.f32 v14, v13  }
0x7c: {  	v2 =	vld [tilespmem:s11+$0x8FF0];
	v15 =	vadd.f32 v16, v15  }
0x7d: {  	v14 =	vld [tilespmem:s11+$0xCF30];
	v17 =	vadd.f32 v18, v17;
	v13 =	vadd.f32 v33, v13  }
0x7e: {  	v36 =	vld [tilespmem:s11+$0xCF40];
	v15 =	vadd.f32 v34, v15  }
0x7f: {  	v16 =	vld [tilespmem:s11+$0xCF50];
	v17 =	vadd.f32 v35, v17;
	v13 =	vmax.f32 v13, $0.0e+00  }
0x80: {  	v62 =	vld [tilespmem:s11+$0xCF60];
	v18 =	vadd.f32 v20, v19;
	v15 =	vmax.f32 v15, $0.0e+00;
	[tilespmem:s11+$0xCF00] =	vst v13  }
0x81: {  	v63 =	vld [tilespmem:s11+$0xCF70];
	v17 =	vmax.f32 v17, $0.0e+00;
	[tilespmem:s11+$0xCF10] =	vst v15;
	v15 =	vadd.f32 v22, v21  }
0x82: {  	v13 =	vld [tilespmem:s11+$0xCF80];
	v18 =	vadd.f32 v14, v18;
	[tilespmem:s11+$0xCF20] =	vst v17;
	v17 =	vadd.f32 v24, v23  }
0x83: {  	v20 =	vadd.f32 v26, v25;
	v14 =	vld [tilespmem:s11+$0xCF90];
	v19 =	vadd.f32 v36, v15  }
0x84: {  	v21 =	vadd.f32 v28, v27;
	v18 =	vmax.f32 v18, $0.0e+00;
	v15 =	vld [tilespmem:s11+$0xCFA0];
	v17 =	vadd.f32 v16, v17  }
0x85: {  	v20 =	vadd.f32 v62, v20;
	v16 =	vld [tilespmem:s11+$0xCFB0];
	[tilespmem:s11+$0xCF30] =	vst v18;
	v18 =	vadd.f32 v30, v29;
	v19 =	vmax.f32 v19, $0.0e+00  }
0x86: {  	s12 =	simm.s32 $0x400;
	s22 =	sshll.u32 s9, $0x1;
	v21 =	vadd.f32 v63, v21;
	v22 =	vmax.f32 v17, $0.0e+00;
	v17 =	vld [tilespmem:s11+$0xCFC0];
	[tilespmem:s11+$0xCF40] =	vst v19;
	v19 =	vadd.f32 v32, v31  }
.LBB2_5:
0x87: {  	p0 =	sne.s32 s12, $0x7C00;
	[tilespmem:s11+$0xCF50] =	vst v22;
	v20 =	vmax.f32 v20, $0.0e+00;
	v13 =	vadd.f32 v13, v18;
	v11 =	vadd.f32 v12, v11;
	v12 =	vld [tilespmem:s11+$0xCFD0]  }
0x88: {  	v9 =	vadd.f32 v10, v9;
	[tilespmem:s11+$0xCF60] =	vst v20;
	v18 =	vmax.f32 v21, $0.0e+00;
	v14 =	vadd.f32 v14, v19;
	v10 =	vld [tilespmem:s11+$0xCFE0]  }
0x89: {  	s13 =	sshra.s32 s12, $0x2;
	v7 =	vadd.f32 v8, v7;
	[tilespmem:s11+$0xCF70] =	vst v18;
	v13 =	vmax.f32 v13, $0.0e+00;
	v11 =	vadd.f32 v15, v11;
	v8 =	vld [tilespmem:s11+$0xCFF0]  }
0x8a: {  	v5 =	vadd.f32 v6, v5;
	v15 =	vld [tilespmem:s13+$0x4F00];
	[tilespmem:s11+$0xCF80] =	vst v13;
	v13 =	vmax.f32 v14, $0.0e+00;
	v9 =	vadd.f32 v16, v9  }
0x8b: {  	v3 =	vadd.f32 v4, v3;
	v14 =	vld [tilespmem:s13+$0x8F00];
	[tilespmem:s11+$0xCF90] =	vst v13;
	v6 =	vmax.f32 v11, $0.0e+00;
	v7 =	vadd.f32 v17, v7  }
0x8c: {  	v1 =	vadd.f32 v2, v1;
	v13 =	vld [tilespmem:s13+$0x4F10];
	[tilespmem:s11+$0xCFA0] =	vst v6;
	v4 =	vmax.f32 v9, $0.0e+00;
	v5 =	vadd.f32 v12, v5  }
0x8d: {  	v16 =	vld [tilespmem:s13+$0x8F10];
	[tilespmem:s11+$0xCFB0] =	vst v4;
	v2 =	vmax.f32 v7, $0.0e+00;
	v3 =	vadd.f32 v10, v3  }
0x8e: {  	v17 =	vld [tilespmem:s13+$0x4F20];
	[tilespmem:s11+$0xCFC0] =	vst v2;
	v2 =	vmax.f32 v5, $0.0e+00;
	v1 =	vadd.f32 v8, v1  }
0x8f: {  	v18 =	vld [tilespmem:s13+$0x8F20];
	[tilespmem:s11+$0xCFD0] =	vst v2;
	v2 =	vmax.f32 v3, $0.0e+00  }
0x90: {  	v19 =	vld [tilespmem:s13+$0x4F30];
	[tilespmem:s11+$0xCFE0] =	vst v2;
	v1 =	vmax.f32 v1, $0.0e+00  }
0x91: {  	v20 =	vld [tilespmem:s13+$0x8F30];
	[tilespmem:s11+$0xCFF0] =	vst v1;
	s11 =	smov.u32 s13  }
0x92: {  	v21 =	vld [tilespmem:s11+$0x4F40]  }
0x93: {  	v22 =	vld [tilespmem:s11+$0x8F40]  }
0x94: {  	v23 =	vld [tilespmem:s11+$0x4F50]  }
0x95: {  	v24 =	vld [tilespmem:s11+$0x8F50]  }
0x96: {  	v25 =	vld [tilespmem:s11+$0x4F60]  }
0x97: {  	v26 =	vld [tilespmem:s11+$0x8F60]  }
0x98: {  	v27 =	vld [tilespmem:s11+$0x4F70]  }
0x99: {  	v28 =	vld [tilespmem:s11+$0x8F70]  }
0x9a: {  	v29 =	vld [tilespmem:s11+$0x4F80]  }
0x9b: {  	v30 =	vld [tilespmem:s11+$0x8F80]  }
0x9c: {  	v31 =	vld [tilespmem:s11+$0x4F90]  }
0x9d: {  	v32 =	vld [tilespmem:s11+$0x8F90]  }
0x9e: {  	v11 =	vld [tilespmem:s11+$0x4FA0]  }
0x9f: {  	v12 =	vld [tilespmem:s11+$0x8FA0]  }
0xa0: {  	v9 =	vld [tilespmem:s11+$0x4FB0]  }
0xa1: {  	v10 =	vld [tilespmem:s11+$0x8FB0]  }
0xa2: {  	v7 =	vld [tilespmem:s11+$0x4FC0]  }
0xa3: {  	v8 =	vld [tilespmem:s11+$0x8FC0]  }
0xa4: {  	v5 =	vld [tilespmem:s11+$0x4FD0]  }
0xa5: {  	v6 =	vld [tilespmem:s11+$0x8FD0]  }
0xa6: {  	v3 =	vld [tilespmem:s11+$0x4FE0]  }
0xa7: {  	v4 =	vld [tilespmem:s11+$0x8FE0]  }
0xa8: {  	v1 =	vld [tilespmem:s11+$0x4FF0]  }
0xa9: {  	v2 =	vld [tilespmem:s11+$0x8FF0]  }
0xaa: {  	v33 =	vld [tilespmem:s11+$0xCF00]  }
0xab: {  	v34 =	vld [tilespmem:s11+$0xCF10]  }
0xac: {  	v35 =	vld [tilespmem:s11+$0xCF20]  }
0xad: {  	v14 =	vadd.f32 v14, v15;
	v15 =	vld [tilespmem:s11+$0xCF30]  }
0xae: {  	v13 =	vadd.f32 v16, v13;
	v16 =	vld [tilespmem:s11+$0xCF40]  }
0xaf: {  	v17 =	vadd.f32 v18, v17;
	v14 =	vadd.f32 v33, v14;
	v18 =	vld [tilespmem:s11+$0xCF50]  }
0xb0: {  	v19 =	vadd.f32 v20, v19;
	v13 =	vadd.f32 v34, v13;
	v20 =	vld [tilespmem:s11+$0xCF60]  }
0xb1: {  	v21 =	vadd.f32 v22, v21;
	v14 =	vmax.f32 v14, $0.0e+00;
	v17 =	vadd.f32 v35, v17;
	v33 =	vld [tilespmem:s11+$0xCF70]  }
.Ltmp1:
0xb2: {  	[tilespmem:s11+$0xCF00] =	vst v14;
	v14 =	vmax.f32 v13, $0.0e+00;
	v15 =	vadd.f32 v15, v19;
	v19 =	vadd.f32 v24, v23;
	v13 =	vld [tilespmem:s11+$0xCF80];
	(pc) =	sbr.rel @p0 .LBB2_5-.Ltmp1, $4  }
0xb3: {  	[tilespmem:s11+$0xCF10] =	vst v14;
	v17 =	vmax.f32 v17, $0.0e+00;
	v16 =	vadd.f32 v16, v21;
	v21 =	vadd.f32 v26, v25;
	v14 =	vld [tilespmem:s11+$0xCF90]  }
0xb4: {  	v23 =	vadd.f32 v28, v27;
	[tilespmem:s11+$0xCF20] =	vst v17;
	v17 =	vmax.f32 v15, $0.0e+00;
	v19 =	vadd.f32 v18, v19;
	v15 =	vld [tilespmem:s11+$0xCFA0]  }
0xb5: {  	v18 =	vadd.f32 v30, v29;
	[tilespmem:s11+$0xCF30] =	vst v17;
	v17 =	vmax.f32 v16, $0.0e+00;
	v20 =	vadd.f32 v20, v21;
	v16 =	vld [tilespmem:s11+$0xCFB0]  }
0xb6: {  	s12 =	sadd.s32 $0x400, s12;
	[tilespmem:s11+$0xCF40] =	vst v17;
	v22 =	vmax.f32 v19, $0.0e+00;
	v21 =	vadd.f32 v33, v23;
	v19 =	vadd.f32 v32, v31;
	v17 =	vld [tilespmem:s11+$0xCFC0]  }
0xb7: {  	v13 =	vadd.f32 v13, v18  }
0xb8: {  	[tilespmem:s11+$0xCF50] =	vst v22;
	v20 =	vmax.f32 v20, $0.0e+00;
	v22 =	vld [tilespmem:s11+$0xCFD0];
	v11 =	vadd.f32 v12, v11;
	v9 =	vadd.f32 v10, v9  }
0xb9: {  	v7 =	vadd.f32 v8, v7;
	v8 =	vld [tilespmem:s11+$0xCFF0];
	[tilespmem:s11+$0xCF60] =	vst v20;
	v12 =	vmax.f32 v21, $0.0e+00;
	v14 =	vadd.f32 v14, v19  }
0xba: {  	v18 =	vld [tilespmem:s11+$0xCFE0];
	[tilespmem:s11+$0xCF70] =	vst v12;
	v10 =	vmax.f32 v13, $0.0e+00;
	v11 =	vadd.f32 v15, v11  }
0xbb: {  	v5 =	vadd.f32 v6, v5;
	[tilespmem:s11+$0xCF80] =	vst v10;
	v10 =	vmax.f32 v14, $0.0e+00;
	v9 =	vadd.f32 v16, v9  }
0xbc: {  	v1 =	vadd.f32 v2, v1;
	[tilespmem:s11+$0xCF90] =	vst v10;
	v6 =	vmax.f32 v11, $0.0e+00;
	v7 =	vadd.f32 v17, v7  }
0xbd: {  	v3 =	vadd.f32 v4, v3;
	[tilespmem:s11+$0xCFA0] =	vst v6;
	v4 =	vmax.f32 v9, $0.0e+00;
	v5 =	vadd.f32 v22, v5  }
0xbe: {  	v1 =	vadd.f32 v8, v1;
	[tilespmem:s11+$0xCFB0] =	vst v4;
	v2 =	vmax.f32 v7, $0.0e+00  }
0xbf: {  	v3 =	vadd.f32 v18, v3;
	[tilespmem:s11+$0xCFC0] =	vst v2;
	v2 =	vmax.f32 v5, $0.0e+00  }
0xc0: {  	s12 =	sshll.u32 s9, $0x8;
	v1 =	vmax.f32 v1, $0.0e+00;
	[tilespmem:s11+$0xCFD0] =	vst v2  }
0xc1: {  	s13 =	sadd.s32 $0x2, s22;
	s12 =	sand.u32 $0x3FFFFF00, s12;
	v2 =	vmax.f32 v3, $0.0e+00;
	[tilespmem:s11+$0xCFF0] =	vst v1  }
0xc2: {  	s12 =	sadd.s32 $0x2780, s12;
	[tilespmem:s11+$0xCFE0] =	vst v2;
	s11 =	sshll.u32 s13, $0xC  }
0xc3: {  	[spmem:s3] =	stream.indirect.scatter.add.f32 [tilespmem:s20], [sflag:$0x3], $0x40, s12, s23, $0xb8;
	[tilespmem:$0x1AF00] =	vst v63  }
0xc4: {  	s11 =	sor.u32 s14, s11  }
0xc5: {  	_ =	swait.ge [sflag:s2], $0x2000;
	s11 =	sshrl.u32 s11, $0x1  }
0xc6: {  	[sflag:s2] =	ssyncset.done $0x0;
	s11 =	sand.u32 $0x1FFF800, s11  }
0xc7: {  	s22 =	sshll.u32 s13, $0x7;
	[sflag:s2] =	ssyncadd.s32 $0xFFFFE000;
	s11 =	sor.u32 s16, s11  }
0xc8: {  	[tilespmem:s24], [sflag:$0x1] =	stream.indirect.gather [hbm4b:s1+s23], $0x40, s22, s23, $0xb8;
	[tilespmem:$0x1AF00] =	vst v63  }
0xc9: {  	s11 =	sshll.u32 s11, $0x7  }
0xca: {  	s12 =	sadd.s32 $0x2780, s22;
	s11 =	sor.u32 s17, s11  }
0xcb: {  	[tilespmem:s25], [sflag:$0x1] =	stream.indirect.gather [hbm4b:s5+s23], $0x40, s12, s23, $0xb8;
	[tilespmem:$0x1AF00] =	vst v63  }
0xcc: {  	s11 =	sshrl.u32 s11, $0x3  }
0xcd: {  	s11 =	sadd.s32 s6, s11  }
0xce: {  	[tilespmem:s20], [sflag:$0x1] =	stream.strided.gather [hbm4b:s11+s26], $0x2000, s23, s26, $0x38;
	[tilespmem:$0x1AF00] =	vst v63  }
0xcf: {  	_ =	swait.ge [sflag:s0], $0x2000  }
0xd0: {  	[sflag:s0] =	ssyncset.done $0x0  }
0xd1: {  	[sflag:s0] =	ssyncadd.s32 $0xFFFFE000  }
0xd2: {  	_ =	swait.ge [sflag:s0], $0x2000  }
0xd3: {  	[sflag:s0] =	ssyncset.done $0x0  }
0xd4: {  	[sflag:s0] =	ssyncadd.s32 $0xFFFFE000  }
0xd5: {  	_ =	swait.ge [sflag:s0], $0x2000  }
0xd6: {  	[sflag:s0] =	ssyncset.done $0x0  }
0xd7: {  	s11 =	simm.s32 $0x0;
	[sflag:s0] =	ssyncadd.s32 $0xFFFFE000  }
0xd8: {  	v13 =	vld [tilespmem:s11+$0x6F00]  }
0xd9: {  	v14 =	vld [tilespmem:s11+$0xAF00]  }
0xda: {  	v15 =	vld [tilespmem:s11+$0x6F10]  }
0xdb: {  	v16 =	vld [tilespmem:s11+$0xAF10]  }
0xdc: {  	v17 =	vld [tilespmem:s11+$0x6F20]  }
0xdd: {  	v18 =	vld [tilespmem:s11+$0xAF20]  }
0xde: {  	v19 =	vld [tilespmem:s11+$0x6F30]  }
0xdf: {  	v20 =	vld [tilespmem:s11+$0xAF30]  }
0xe0: {  	v21 =	vld [tilespmem:s11+$0x6F40]  }
0xe1: {  	v22 =	vld [tilespmem:s11+$0xAF40]  }
0xe2: {  	v23 =	vld [tilespmem:s11+$0x6F50]  }
0xe3: {  	v24 =	vld [tilespmem:s11+$0xAF50]  }
0xe4: {  	v25 =	vld [tilespmem:s11+$0x6F60]  }
0xe5: {  	v26 =	vld [tilespmem:s11+$0xAF60]  }
0xe6: {  	v27 =	vld [tilespmem:s11+$0x6F70]  }
0xe7: {  	v28 =	vld [tilespmem:s11+$0xAF70]  }
0xe8: {  	v29 =	vld [tilespmem:s11+$0x6F80]  }
0xe9: {  	v30 =	vld [tilespmem:s11+$0xAF80]  }
0xea: {  	v31 =	vld [tilespmem:s11+$0x6F90]  }
0xeb: {  	v32 =	vld [tilespmem:s11+$0xAF90]  }
0xec: {  	v11 =	vld [tilespmem:s11+$0x6FA0]  }
0xed: {  	v12 =	vld [tilespmem:s11+$0xAFA0]  }
0xee: {  	v9 =	vld [tilespmem:s11+$0x6FB0]  }
0xef: {  	v10 =	vld [tilespmem:s11+$0xAFB0]  }
0xf0: {  	v7 =	vld [tilespmem:s11+$0x6FC0]  }
0xf1: {  	v8 =	vld [tilespmem:s11+$0xAFC0]  }
0xf2: {  	v5 =	vld [tilespmem:s11+$0x6FD0]  }
0xf3: {  	v6 =	vld [tilespmem:s11+$0xAFD0]  }
0xf4: {  	v3 =	vld [tilespmem:s11+$0x6FE0]  }
0xf5: {  	v4 =	vld [tilespmem:s11+$0xAFE0]  }
0xf6: {  	v33 =	vld [tilespmem:s11+$0xEF00]  }
0xf7: {  	v34 =	vld [tilespmem:s11+$0xEF10]  }
0xf8: {  	v35 =	vld [tilespmem:s11+$0xEF20]  }
0xf9: {  	v1 =	vld [tilespmem:s11+$0x6FF0];
	v13 =	vadd.f32 v14, v13  }
0xfa: {  	v2 =	vld [tilespmem:s11+$0xAFF0];
	v15 =	vadd.f32 v16, v15  }
0xfb: {  	v14 =	vld [tilespmem:s11+$0xEF30];
	v17 =	vadd.f32 v18, v17;
	v13 =	vadd.f32 v33, v13  }
0xfc: {  	v36 =	vld [tilespmem:s11+$0xEF40];
	v15 =	vadd.f32 v34, v15  }
0xfd: {  	v16 =	vld [tilespmem:s11+$0xEF50];
	v17 =	vadd.f32 v35, v17;
	v13 =	vmax.f32 v13, $0.0e+00  }
0xfe: {  	v62 =	vld [tilespmem:s11+$0xEF60];
	v18 =	vadd.f32 v20, v19;
	v15 =	vmax.f32 v15, $0.0e+00;
	[tilespmem:s11+$0xEF00] =	vst v13  }
0xff: {  	v63 =	vld [tilespmem:s11+$0xEF70];
	v17 =	vmax.f32 v17, $0.0e+00;
	[tilespmem:s11+$0xEF10] =	vst v15;
	v15 =	vadd.f32 v22, v21  }
0x100: {  	v13 =	vld [tilespmem:s11+$0xEF80];
	v18 =	vadd.f32 v14, v18;
	[tilespmem:s11+$0xEF20] =	vst v17;
	v17 =	vadd.f32 v24, v23  }
0x101: {  	v20 =	vadd.f32 v26, v25;
	v14 =	vld [tilespmem:s11+$0xEF90];
	v19 =	vadd.f32 v36, v15  }
0x102: {  	v23 =	vadd.f32 v28, v27;
	v18 =	vmax.f32 v18, $0.0e+00;
	v15 =	vld [tilespmem:s11+$0xEFA0];
	v17 =	vadd.f32 v16, v17  }
0x103: {  	v21 =	vadd.f32 v62, v20;
	v16 =	vld [tilespmem:s11+$0xEFB0];
	[tilespmem:s11+$0xEF30] =	vst v18;
	v18 =	vadd.f32 v30, v29;
	v19 =	vmax.f32 v19, $0.0e+00  }
0x104: {  	s12 =	simm.s32 $0x400;
	v20 =	vadd.f32 v63, v23;
	v22 =	vmax.f32 v17, $0.0e+00;
	v17 =	vld [tilespmem:s11+$0xEFC0];
	[tilespmem:s11+$0xEF40] =	vst v19;
	v19 =	vadd.f32 v32, v31  }
.LBB2_7:
0x105: {  	p0 =	sne.s32 s12, $0x7C00;
	[tilespmem:s11+$0xEF50] =	vst v22;
	v21 =	vmax.f32 v21, $0.0e+00;
	v13 =	vadd.f32 v13, v18;
	v11 =	vadd.f32 v12, v11;
	v12 =	vld [tilespmem:s11+$0xEFD0]  }
0x106: {  	v9 =	vadd.f32 v10, v9;
	[tilespmem:s11+$0xEF60] =	vst v21;
	v18 =	vmax.f32 v20, $0.0e+00;
	v14 =	vadd.f32 v14, v19;
	v10 =	vld [tilespmem:s11+$0xEFE0]  }
0x107: {  	s13 =	sshra.s32 s12, $0x2;
	v7 =	vadd.f32 v8, v7;
	[tilespmem:s11+$0xEF70] =	vst v18;
	v13 =	vmax.f32 v13, $0.0e+00;
	v11 =	vadd.f32 v15, v11;
	v8 =	vld [tilespmem:s11+$0xEFF0]  }
0x108: {  	v5 =	vadd.f32 v6, v5;
	v15 =	vld [tilespmem:s13+$0x6F00];
	[tilespmem:s11+$0xEF80] =	vst v13;
	v13 =	vmax.f32 v14, $0.0e+00;
	v9 =	vadd.f32 v16, v9  }
0x109: {  	v3 =	vadd.f32 v4, v3;
	v14 =	vld [tilespmem:s13+$0xAF00];
	[tilespmem:s11+$0xEF90] =	vst v13;
	v6 =	vmax.f32 v11, $0.0e+00;
	v7 =	vadd.f32 v17, v7  }
0x10a: {  	v1 =	vadd.f32 v2, v1;
	v13 =	vld [tilespmem:s13+$0x6F10];
	[tilespmem:s11+$0xEFA0] =	vst v6;
	v4 =	vmax.f32 v9, $0.0e+00;
	v5 =	vadd.f32 v12, v5  }
0x10b: {  	v16 =	vld [tilespmem:s13+$0xAF10];
	[tilespmem:s11+$0xEFB0] =	vst v4;
	v2 =	vmax.f32 v7, $0.0e+00;
	v3 =	vadd.f32 v10, v3  }
0x10c: {  	v17 =	vld [tilespmem:s13+$0x6F20];
	[tilespmem:s11+$0xEFC0] =	vst v2;
	v2 =	vmax.f32 v5, $0.0e+00;
	v1 =	vadd.f32 v8, v1  }
0x10d: {  	v18 =	vld [tilespmem:s13+$0xAF20];
	[tilespmem:s11+$0xEFD0] =	vst v2;
	v2 =	vmax.f32 v3, $0.0e+00  }
0x10e: {  	v19 =	vld [tilespmem:s13+$0x6F30];
	[tilespmem:s11+$0xEFE0] =	vst v2;
	v1 =	vmax.f32 v1, $0.0e+00  }
0x10f: {  	v20 =	vld [tilespmem:s13+$0xAF30];
	[tilespmem:s11+$0xEFF0] =	vst v1;
	s11 =	smov.u32 s13  }
0x110: {  	v21 =	vld [tilespmem:s11+$0x6F40]  }
0x111: {  	v22 =	vld [tilespmem:s11+$0xAF40]  }
0x112: {  	v23 =	vld [tilespmem:s11+$0x6F50]  }
0x113: {  	v24 =	vld [tilespmem:s11+$0xAF50]  }
0x114: {  	v25 =	vld [tilespmem:s11+$0x6F60]  }
0x115: {  	v26 =	vld [tilespmem:s11+$0xAF60]  }
0x116: {  	v27 =	vld [tilespmem:s11+$0x6F70]  }
0x117: {  	v28 =	vld [tilespmem:s11+$0xAF70]  }
0x118: {  	v29 =	vld [tilespmem:s11+$0x6F80]  }
0x119: {  	v30 =	vld [tilespmem:s11+$0xAF80]  }
0x11a: {  	v31 =	vld [tilespmem:s11+$0x6F90]  }
0x11b: {  	v32 =	vld [tilespmem:s11+$0xAF90]  }
0x11c: {  	v11 =	vld [tilespmem:s11+$0x6FA0]  }
0x11d: {  	v12 =	vld [tilespmem:s11+$0xAFA0]  }
0x11e: {  	v9 =	vld [tilespmem:s11+$0x6FB0]  }
0x11f: {  	v10 =	vld [tilespmem:s11+$0xAFB0]  }
0x120: {  	v7 =	vld [tilespmem:s11+$0x6FC0]  }
0x121: {  	v8 =	vld [tilespmem:s11+$0xAFC0]  }
0x122: {  	v5 =	vld [tilespmem:s11+$0x6FD0]  }
0x123: {  	v6 =	vld [tilespmem:s11+$0xAFD0]  }
0x124: {  	v3 =	vld [tilespmem:s11+$0x6FE0]  }
0x125: {  	v4 =	vld [tilespmem:s11+$0xAFE0]  }
0x126: {  	v1 =	vld [tilespmem:s11+$0x6FF0]  }
0x127: {  	v2 =	vld [tilespmem:s11+$0xAFF0]  }
0x128: {  	v33 =	vld [tilespmem:s11+$0xEF00]  }
0x129: {  	v34 =	vld [tilespmem:s11+$0xEF10]  }
0x12a: {  	v35 =	vld [tilespmem:s11+$0xEF20]  }
0x12b: {  	v14 =	vadd.f32 v14, v15;
	v15 =	vld [tilespmem:s11+$0xEF30]  }
0x12c: {  	v13 =	vadd.f32 v16, v13;
	v16 =	vld [tilespmem:s11+$0xEF40]  }
0x12d: {  	v17 =	vadd.f32 v18, v17;
	v14 =	vadd.f32 v33, v14;
	v18 =	vld [tilespmem:s11+$0xEF50]  }
0x12e: {  	v19 =	vadd.f32 v20, v19;
	v13 =	vadd.f32 v34, v13;
	v20 =	vld [tilespmem:s11+$0xEF60]  }
0x12f: {  	v21 =	vadd.f32 v22, v21;
	v14 =	vmax.f32 v14, $0.0e+00;
	v17 =	vadd.f32 v35, v17;
	v33 =	vld [tilespmem:s11+$0xEF70]  }
.Ltmp2:
0x130: {  	[tilespmem:s11+$0xEF00] =	vst v14;
	v14 =	vmax.f32 v13, $0.0e+00;
	v15 =	vadd.f32 v15, v19;
	v19 =	vadd.f32 v24, v23;
	v13 =	vld [tilespmem:s11+$0xEF80];
	(pc) =	sbr.rel @p0 .LBB2_7-.Ltmp2, $4  }
0x131: {  	[tilespmem:s11+$0xEF10] =	vst v14;
	v17 =	vmax.f32 v17, $0.0e+00;
	v16 =	vadd.f32 v16, v21;
	v21 =	vadd.f32 v26, v25;
	v14 =	vld [tilespmem:s11+$0xEF90]  }
0x132: {  	v23 =	vadd.f32 v28, v27;
	[tilespmem:s11+$0xEF20] =	vst v17;
	v17 =	vmax.f32 v15, $0.0e+00;
	v19 =	vadd.f32 v18, v19;
	v15 =	vld [tilespmem:s11+$0xEFA0]  }
0x133: {  	v18 =	vadd.f32 v30, v29;
	[tilespmem:s11+$0xEF30] =	vst v17;
	v17 =	vmax.f32 v16, $0.0e+00;
	v21 =	vadd.f32 v20, v21;
	v16 =	vld [tilespmem:s11+$0xEFB0]  }
0x134: {  	s12 =	sadd.s32 $0x400, s12;
	[tilespmem:s11+$0xEF40] =	vst v17;
	v22 =	vmax.f32 v19, $0.0e+00;
	v20 =	vadd.f32 v33, v23;
	v19 =	vadd.f32 v32, v31;
	v17 =	vld [tilespmem:s11+$0xEFC0]  }
0x135: {  	[tilespmem:s11+$0xEF50] =	vst v22;
	v21 =	vmax.f32 v21, $0.0e+00;
	v56 =	vld [tilespmem:s11+$0xEFD0];
	v13 =	vadd.f32 v13, v18;
	v11 =	vadd.f32 v12, v11  }
0x136: {  	v9 =	vadd.f32 v10, v9;
	v60 =	vld [tilespmem:s11+$0xEFF0];
	[tilespmem:s11+$0xEF60] =	vst v21;
	v57 =	vmax.f32 v20, $0.0e+00;
	v14 =	vadd.f32 v14, v19  }
0x137: {  	v58 =	vld [tilespmem:s11+$0xEFE0];
	v7 =	vadd.f32 v8, v7;
	[tilespmem:s11+$0xEF70] =	vst v57;
	v59 =	vmax.f32 v13, $0.0e+00;
	v11 =	vadd.f32 v15, v11  }
0x138: {  	v5 =	vadd.f32 v6, v5;
	[tilespmem:s11+$0xEF80] =	vst v59;
	v61 =	vmax.f32 v14, $0.0e+00;
	v9 =	vadd.f32 v16, v9  }
0x139: {  	v1 =	vadd.f32 v2, v1;
	[tilespmem:s11+$0xEF90] =	vst v61;
	v62 =	vmax.f32 v11, $0.0e+00;
	v7 =	vadd.f32 v17, v7  }
0x13a: {  	v3 =	vadd.f32 v4, v3;
	s9 =	sadd.s32 $0x1, s9;
	[tilespmem:s11+$0xEFA0] =	vst v62;
	v63 =	vmax.f32 v9, $0.0e+00;
	v5 =	vadd.f32 v56, v5  }
0x13b: {  	p0 =	sne.s32 s9, $0x27;
	v1 =	vadd.f32 v60, v1;
	[tilespmem:s11+$0xEFB0] =	vst v63;
	v2 =	vmax.f32 v7, $0.0e+00  }
.Ltmp3:
0x13c: {  	v3 =	vadd.f32 v58, v3;
	[tilespmem:s11+$0xEFC0] =	vst v2;
	v2 =	vmax.f32 v5, $0.0e+00;
	(pc) =	sbr.rel @p0 .LBB2_4-.Ltmp3, $4  }
0x13d: {  	v1 =	vmax.f32 v1, $0.0e+00;
	[tilespmem:s11+$0xEFD0] =	vst v2  }
0x13e: {  	v2 =	vmax.f32 v3, $0.0e+00;
	[tilespmem:s11+$0xEFF0] =	vst v1  }
0x13f: {  	[tilespmem:s11+$0xEFE0] =	vst v2  }
0x140: {  	[spmem:s3] =	stream.indirect.scatter.add.f32 [tilespmem:s30], [sflag:$0x4], $0x40, s10, s23, $0xb8;
	[tilespmem:$0x1AF00] =	vst v63  }
0x141: {  	_ =	swait.ge [sflag:s31], $0x2000  }
0x142: {  	[sflag:s31] =	ssyncset.done $0x0  }
0x143: {  	[sflag:s31] =	ssyncadd.s32 $0xFFFFE000  }
0x144: {  	_ =	swait.ge [sflag:s31], $0x2000  }
0x145: {  	[sflag:s31] =	ssyncset.done $0x0  }
0x146: {  	[sflag:s31] =	ssyncadd.s32 $0xFFFFE000  }
0x147: {  	_ =	swait.ge [sflag:s31], $0x2000  }
0x148: {  	[sflag:s31] =	ssyncset.done $0x0  }
0x149: {  	s9 =	simm.s32 $0x0;
	[sflag:s31] =	ssyncadd.s32 $0xFFFFE000  }
0x14a: {  	v13 =	vld [tilespmem:s9+$0x4F00]  }
0x14b: {  	v14 =	vld [tilespmem:s9+$0x8F00]  }
0x14c: {  	v15 =	vld [tilespmem:s9+$0x4F10]  }
0x14d: {  	v16 =	vld [tilespmem:s9+$0x8F10]  }
0x14e: {  	v17 =	vld [tilespmem:s9+$0x4F20]  }
0x14f: {  	v18 =	vld [tilespmem:s9+$0x8F20]  }
0x150: {  	v19 =	vld [tilespmem:s9+$0x4F30]  }
0x151: {  	v20 =	vld [tilespmem:s9+$0x8F30]  }
0x152: {  	v21 =	vld [tilespmem:s9+$0x4F40]  }
0x153: {  	v22 =	vld [tilespmem:s9+$0x8F40]  }
0x154: {  	v23 =	vld [tilespmem:s9+$0x4F50]  }
0x155: {  	v24 =	vld [tilespmem:s9+$0x8F50]  }
0x156: {  	v25 =	vld [tilespmem:s9+$0x4F60]  }
0x157: {  	v26 =	vld [tilespmem:s9+$0x8F60]  }
0x158: {  	v27 =	vld [tilespmem:s9+$0x4F70]  }
0x159: {  	v28 =	vld [tilespmem:s9+$0x8F70]  }
0x15a: {  	v29 =	vld [tilespmem:s9+$0x4F80]  }
0x15b: {  	v30 =	vld [tilespmem:s9+$0x8F80]  }
0x15c: {  	v31 =	vld [tilespmem:s9+$0x4F90]  }
0x15d: {  	v32 =	vld [tilespmem:s9+$0x8F90]  }
0x15e: {  	v11 =	vld [tilespmem:s9+$0x4FA0]  }
0x15f: {  	v12 =	vld [tilespmem:s9+$0x8FA0]  }
0x160: {  	v9 =	vld [tilespmem:s9+$0x4FB0]  }
0x161: {  	v10 =	vld [tilespmem:s9+$0x8FB0]  }
0x162: {  	v7 =	vld [tilespmem:s9+$0x4FC0]  }
0x163: {  	v8 =	vld [tilespmem:s9+$0x8FC0]  }
0x164: {  	v5 =	vld [tilespmem:s9+$0x4FD0]  }
0x165: {  	v6 =	vld [tilespmem:s9+$0x8FD0]  }
0x166: {  	v3 =	vld [tilespmem:s9+$0x4FE0]  }
0x167: {  	v4 =	vld [tilespmem:s9+$0x8FE0]  }
0x168: {  	v33 =	vld [tilespmem:s9+$0xCF00]  }
0x169: {  	v34 =	vld [tilespmem:s9+$0xCF10]  }
0x16a: {  	v35 =	vld [tilespmem:s9+$0xCF20]  }
0x16b: {  	v1 =	vld [tilespmem:s9+$0x4FF0];
	v13 =	vadd.f32 v14, v13  }
0x16c: {  	v2 =	vld [tilespmem:s9+$0x8FF0];
	v15 =	vadd.f32 v16, v15  }
0x16d: {  	v14 =	vld [tilespmem:s9+$0xCF30];
	v17 =	vadd.f32 v18, v17;
	v13 =	vadd.f32 v33, v13  }
0x16e: {  	v36 =	vld [tilespmem:s9+$0xCF40];
	v15 =	vadd.f32 v34, v15  }
0x16f: {  	v16 =	vld [tilespmem:s9+$0xCF50];
	v17 =	vadd.f32 v35, v17;
	v13 =	vmax.f32 v13, $0.0e+00  }
0x170: {  	v62 =	vld [tilespmem:s9+$0xCF60];
	v18 =	vadd.f32 v20, v19;
	v15 =	vmax.f32 v15, $0.0e+00;
	[tilespmem:s9+$0xCF00] =	vst v13  }
0x171: {  	v63 =	vld [tilespmem:s9+$0xCF70];
	v17 =	vmax.f32 v17, $0.0e+00;
	[tilespmem:s9+$0xCF10] =	vst v15;
	v15 =	vadd.f32 v22, v21  }
0x172: {  	v13 =	vld [tilespmem:s9+$0xCF80];
	v18 =	vadd.f32 v14, v18;
	[tilespmem:s9+$0xCF20] =	vst v17;
	v17 =	vadd.f32 v24, v23  }
0x173: {  	v20 =	vadd.f32 v26, v25;
	v14 =	vld [tilespmem:s9+$0xCF90];
	v19 =	vadd.f32 v36, v15  }
0x174: {  	v23 =	vadd.f32 v28, v27;
	v18 =	vmax.f32 v18, $0.0e+00;
	v15 =	vld [tilespmem:s9+$0xCFA0];
	v17 =	vadd.f32 v16, v17  }
0x175: {  	v21 =	vadd.f32 v62, v20;
	v16 =	vld [tilespmem:s9+$0xCFB0];
	[tilespmem:s9+$0xCF30] =	vst v18;
	v18 =	vadd.f32 v30, v29;
	v19 =	vmax.f32 v19, $0.0e+00  }
0x176: {  	s10 =	simm.s32 $0x400;
	v20 =	vadd.f32 v63, v23;
	v22 =	vmax.f32 v17, $0.0e+00;
	v17 =	vld [tilespmem:s9+$0xCFC0];
	[tilespmem:s9+$0xCF40] =	vst v19;
	v19 =	vadd.f32 v32, v31  }
.LBB2_10:
0x177: {  	p0 =	sne.s32 s10, $0x7C00;
	[tilespmem:s9+$0xCF50] =	vst v22;
	v21 =	vmax.f32 v21, $0.0e+00;
	v13 =	vadd.f32 v13, v18;
	v11 =	vadd.f32 v12, v11;
	v12 =	vld [tilespmem:s9+$0xCFD0]  }
0x178: {  	v9 =	vadd.f32 v10, v9;
	[tilespmem:s9+$0xCF60] =	vst v21;
	v18 =	vmax.f32 v20, $0.0e+00;
	v14 =	vadd.f32 v14, v19;
	v10 =	vld [tilespmem:s9+$0xCFE0]  }
0x179: {  	s11 =	sshra.s32 s10, $0x2;
	v7 =	vadd.f32 v8, v7;
	[tilespmem:s9+$0xCF70] =	vst v18;
	v13 =	vmax.f32 v13, $0.0e+00;
	v11 =	vadd.f32 v15, v11;
	v8 =	vld [tilespmem:s9+$0xCFF0]  }
0x17a: {  	v5 =	vadd.f32 v6, v5;
	v15 =	vld [tilespmem:s11+$0x4F00];
	[tilespmem:s9+$0xCF80] =	vst v13;
	v13 =	vmax.f32 v14, $0.0e+00;
	v9 =	vadd.f32 v16, v9  }
0x17b: {  	v3 =	vadd.f32 v4, v3;
	v14 =	vld [tilespmem:s11+$0x8F00];
	[tilespmem:s9+$0xCF90] =	vst v13;
	v6 =	vmax.f32 v11, $0.0e+00;
	v7 =	vadd.f32 v17, v7  }
0x17c: {  	v1 =	vadd.f32 v2, v1;
	v13 =	vld [tilespmem:s11+$0x4F10];
	[tilespmem:s9+$0xCFA0] =	vst v6;
	v4 =	vmax.f32 v9, $0.0e+00;
	v5 =	vadd.f32 v12, v5  }
0x17d: {  	v16 =	vld [tilespmem:s11+$0x8F10];
	[tilespmem:s9+$0xCFB0] =	vst v4;
	v2 =	vmax.f32 v7, $0.0e+00;
	v3 =	vadd.f32 v10, v3  }
0x17e: {  	v17 =	vld [tilespmem:s11+$0x4F20];
	[tilespmem:s9+$0xCFC0] =	vst v2;
	v2 =	vmax.f32 v5, $0.0e+00;
	v1 =	vadd.f32 v8, v1  }
0x17f: {  	v18 =	vld [tilespmem:s11+$0x8F20];
	[tilespmem:s9+$0xCFD0] =	vst v2;
	v2 =	vmax.f32 v3, $0.0e+00  }
0x180: {  	v19 =	vld [tilespmem:s11+$0x4F30];
	[tilespmem:s9+$0xCFE0] =	vst v2;
	v1 =	vmax.f32 v1, $0.0e+00  }
0x181: {  	v20 =	vld [tilespmem:s11+$0x8F30];
	[tilespmem:s9+$0xCFF0] =	vst v1;
	s9 =	smov.u32 s11  }
0x182: {  	v21 =	vld [tilespmem:s9+$0x4F40]  }
0x183: {  	v22 =	vld [tilespmem:s9+$0x8F40]  }
0x184: {  	v23 =	vld [tilespmem:s9+$0x4F50]  }
0x185: {  	v24 =	vld [tilespmem:s9+$0x8F50]  }
0x186: {  	v25 =	vld [tilespmem:s9+$0x4F60]  }
0x187: {  	v26 =	vld [tilespmem:s9+$0x8F60]  }
0x188: {  	v27 =	vld [tilespmem:s9+$0x4F70]  }
0x189: {  	v28 =	vld [tilespmem:s9+$0x8F70]  }
0x18a: {  	v29 =	vld [tilespmem:s9+$0x4F80]  }
0x18b: {  	v30 =	vld [tilespmem:s9+$0x8F80]  }
0x18c: {  	v31 =	vld [tilespmem:s9+$0x4F90]  }
0x18d: {  	v32 =	vld [tilespmem:s9+$0x8F90]  }
0x18e: {  	v11 =	vld [tilespmem:s9+$0x4FA0]  }
0x18f: {  	v12 =	vld [tilespmem:s9+$0x8FA0]  }
0x190: {  	v9 =	vld [tilespmem:s9+$0x4FB0]  }
0x191: {  	v10 =	vld [tilespmem:s9+$0x8FB0]  }
0x192: {  	v7 =	vld [tilespmem:s9+$0x4FC0]  }
0x193: {  	v8 =	vld [tilespmem:s9+$0x8FC0]  }
0x194: {  	v5 =	vld [tilespmem:s9+$0x4FD0]  }
0x195: {  	v6 =	vld [tilespmem:s9+$0x8FD0]  }
0x196: {  	v3 =	vld [tilespmem:s9+$0x4FE0]  }
0x197: {  	v4 =	vld [tilespmem:s9+$0x8FE0]  }
0x198: {  	v1 =	vld [tilespmem:s9+$0x4FF0]  }
0x199: {  	v2 =	vld [tilespmem:s9+$0x8FF0]  }
0x19a: {  	v33 =	vld [tilespmem:s9+$0xCF00]  }
0x19b: {  	v34 =	vld [tilespmem:s9+$0xCF10]  }
0x19c: {  	v35 =	vld [tilespmem:s9+$0xCF20]  }
0x19d: {  	v14 =	vadd.f32 v14, v15;
	v15 =	vld [tilespmem:s9+$0xCF30]  }
0x19e: {  	v13 =	vadd.f32 v16, v13;
	v16 =	vld [tilespmem:s9+$0xCF40]  }
0x19f: {  	v17 =	vadd.f32 v18, v17;
	v14 =	vadd.f32 v33, v14;
	v18 =	vld [tilespmem:s9+$0xCF50]  }
0x1a0: {  	v19 =	vadd.f32 v20, v19;
	v13 =	vadd.f32 v34, v13;
	v20 =	vld [tilespmem:s9+$0xCF60]  }
0x1a1: {  	v21 =	vadd.f32 v22, v21;
	v14 =	vmax.f32 v14, $0.0e+00;
	v17 =	vadd.f32 v35, v17;
	v33 =	vld [tilespmem:s9+$0xCF70]  }
.Ltmp4:
0x1a2: {  	[tilespmem:s9+$0xCF00] =	vst v14;
	v14 =	vmax.f32 v13, $0.0e+00;
	v15 =	vadd.f32 v15, v19;
	v19 =	vadd.f32 v24, v23;
	v13 =	vld [tilespmem:s9+$0xCF80];
	(pc) =	sbr.rel @p0 .LBB2_10-.Ltmp4, $4  }
0x1a3: {  	[tilespmem:s9+$0xCF10] =	vst v14;
	v17 =	vmax.f32 v17, $0.0e+00;
	v16 =	vadd.f32 v16, v21;
	v21 =	vadd.f32 v26, v25;
	v14 =	vld [tilespmem:s9+$0xCF90]  }
0x1a4: {  	v23 =	vadd.f32 v28, v27;
	[tilespmem:s9+$0xCF20] =	vst v17;
	v17 =	vmax.f32 v15, $0.0e+00;
	v19 =	vadd.f32 v18, v19;
	v15 =	vld [tilespmem:s9+$0xCFA0]  }
0x1a5: {  	v18 =	vadd.f32 v30, v29;
	[tilespmem:s9+$0xCF30] =	vst v17;
	v17 =	vmax.f32 v16, $0.0e+00;
	v21 =	vadd.f32 v20, v21;
	v16 =	vld [tilespmem:s9+$0xCFB0]  }
0x1a6: {  	s10 =	sadd.s32 $0x400, s10;
	[tilespmem:s9+$0xCF40] =	vst v17;
	v22 =	vmax.f32 v19, $0.0e+00;
	v20 =	vadd.f32 v33, v23;
	v19 =	vadd.f32 v32, v31;
	v17 =	vld [tilespmem:s9+$0xCFC0]  }
0x1a7: {  	[tilespmem:s9+$0xCF50] =	vst v22;
	v21 =	vmax.f32 v21, $0.0e+00;
	v56 =	vld [tilespmem:s9+$0xCFD0];
	v13 =	vadd.f32 v13, v18;
	v11 =	vadd.f32 v12, v11  }
0x1a8: {  	v9 =	vadd.f32 v10, v9;
	v60 =	vld [tilespmem:s9+$0xCFF0];
	[tilespmem:s9+$0xCF60] =	vst v21;
	v57 =	vmax.f32 v20, $0.0e+00;
	v14 =	vadd.f32 v14, v19  }
0x1a9: {  	v58 =	vld [tilespmem:s9+$0xCFE0];
	v7 =	vadd.f32 v8, v7;
	[tilespmem:s9+$0xCF70] =	vst v57;
	v59 =	vmax.f32 v13, $0.0e+00;
	v11 =	vadd.f32 v15, v11  }
0x1aa: {  	v5 =	vadd.f32 v6, v5;
	[tilespmem:s9+$0xCF80] =	vst v59;
	v61 =	vmax.f32 v14, $0.0e+00;
	v9 =	vadd.f32 v16, v9  }
0x1ab: {  	v1 =	vadd.f32 v2, v1;
	[tilespmem:s9+$0xCF90] =	vst v61;
	v62 =	vmax.f32 v11, $0.0e+00;
	v7 =	vadd.f32 v17, v7  }
0x1ac: {  	v3 =	vadd.f32 v4, v3;
	[tilespmem:s9+$0xCFA0] =	vst v62;
	v63 =	vmax.f32 v9, $0.0e+00;
	v5 =	vadd.f32 v56, v5  }
0x1ad: {  	v1 =	vadd.f32 v60, v1;
	[tilespmem:s9+$0xCFB0] =	vst v63;
	v2 =	vmax.f32 v7, $0.0e+00  }
0x1ae: {  	v3 =	vadd.f32 v58, v3;
	[tilespmem:s9+$0xCFC0] =	vst v2;
	v2 =	vmax.f32 v5, $0.0e+00  }
0x1af: {  	v1 =	vmax.f32 v1, $0.0e+00;
	[tilespmem:s9+$0xCFD0] =	vst v2  }
0x1b0: {  	v2 =	vmax.f32 v3, $0.0e+00;
	[tilespmem:s9+$0xCFF0] =	vst v1  }
0x1b1: {  	s13 =	simm.s32 $0x4E80;
	[tilespmem:s9+$0xCFE0] =	vst v2  }
0x1b2: {  	[spmem:s3] =	stream.indirect.scatter.add.f32 [tilespmem:s20], [sflag:$0x3], $0x40, s13, s23, $0xb8;
	[tilespmem:$0x1AF00] =	vst v63  }
0x1b3: {  	_ =	swait.ge [sflag:s2], $0x2000  }
0x1b4: {  	[sflag:s2] =	ssyncset.done $0x0  }
0x1b5: {  	[sflag:s2] =	ssyncadd.s32 $0xFFFFE000  }
0x1b6: {  	s22 =	stileid.u32;
	_ =	swait.ge [sflag:s8], $0x2000  }
0x1b7: {  	s10 =	sshrl.u32 s7, $0x3;
	s4 =	sadd.s32 $0x1, s4;
	[sflag:s8] =	ssyncset.done $0x0  }
0x1b8: {  	p0 =	sne.s32 s4, s19;
	s9 =	sshll.u32 s22, $0x6;
	[sflag:s8] =	ssyncadd.s32 $0xFFFFE000  }
.Ltmp5:
0x1b9: {  	s9 =	sor.u32 $0x1C05, s9;
	[bflag:$0x0] =	sbarrier.arrive $0xFFFF;
	(pc) =	sbr.rel @p0 .LBB2_1-.Ltmp5, $4  }
0x1ba: {  	[hbm:s18], [sflag:s9] =	dma.local [spmem:s10], $0x1400  }
0x1bb: {  	_ =	swait.ge [sflag:s21], $0x1400  }
0x1bc: {  	[sflag:s21] =	ssyncset.done $0x0  }
0x1bd: {  	[sflag:s21] =	ssyncadd.s32 $0xFFFFEC00  }
0x1be: {  	_ =	sfence.sel $0x180000  }
0x1bf: {  	[bflag:$0x0] =	sbarrier.arrive $0xFFFF  }
0x1c0: {  	_ =	strace $0x90000047  }
0x1c1: {  	s0 =	stileid.u32;
	[bflag:$0x2] =	sbarrier.arrive $0xFFFF  }
0x1c2: {  	p0 =	sne.s32 s0, $0x0;
	s0 =	rddreg [dreg:$0x3]  }
0x1c3: {  	s0 =	sadd.s32 @!p0 $0x100000, s0  }
0x1c4: {  	[sflag:s0] =	ssyncadd.tile.s32 @!p0 $0x1;
	_ =	shalt  }
.Lfunc_end2:
_tile_overlayer_lowered:
.L_overlay_start_2:
0x1c5: {  	(tag) =	ssettag $0x2  }
0x1c6: {  	s0 =	rddreg [dreg:$0x0];
	s2 =	stileid.u32  }
0x1c7: {  	s1 =	rddreg [dreg:$0x1];
	p0 =	sne.s32 s2, $0x0  }
0x1c8: {  	s3 =	rddreg [dreg:$0x2];
	[bflag:$0x3] =	sbarrier.arrive $0xFFFF;
	s2 =	simm.s32 @!p0 $0x1C05  }
0x1c9: {  	[timem:s3], [sflag:s2] =	dma.local @!p0 [hbm:s0], s1  }
0x1ca: {  	s0 =	simm.s32 @!p0 $0x5  }
0x1cb: {  	_ =	swait.ge @!p0 [sflag:s0], s1  }
0x1cc: {  	s1 =	ssub.s32 @!p0 $0x0, s1;
	[sflag:s0] =	ssyncset.done @!p0 $0x0  }
0x1cd: {  	[sflag:s0] =	ssyncadd.s32 @!p0 s1  }
0x1ce: {  	[bflag:$0x3] =	sbarrier.arrive $0xFFFF  }
0x1cf: {  	_ =	shalt  }

// kernel: kernel.13.cloned.1.call-start
scs
__scs_entry_jumppad:
0x0: {  	(pc) =	sbr.rel $0x88, $3  }
0x1: {  	(tag) =	ssettag $0x0;
	lr =	simm.s32 $0x1  }
0x2: {  	[smem:$0x3F96] =	sst lr;
	_ =	strace $0xD0000000  }
0x3: {  	_ = 	snop  }
0x4: {  	_ = 	snop  }
0x5: {  	_ = 	snop  }
0x6: {  	_ = 	snop  }
0x7: {  	_ = 	snop  }
__scs_overlays_trampoline_lowered:
0x8: {  	[smem:$0x3FA5] =	sst s0  }
0x9: {  	[smem:$0x3FA6] =	sst s1  }
0xa: {  	[smem:$0x3FA7] =	sst s2  }
0xb: {  	[smem:$0x3FA8] =	sst s3  }
0xc: {  	[smem:$0x3FA9] =	sst s4  }
0xd: {  	[smem:$0x3FAA] =	sst s5  }
0xe: {  	[smem:$0x3FAB] =	sst s6  }
0xf: {  	[smem:$0x3FAC] =	sst s7  }
0x10: {  	[smem:$0x3FAD] =	sst s8  }
0x11: {  	[smem:$0x3FAE] =	sst s9;
	s0 =	simm.s32 @!p0 $0x0  }
0x12: {  	s1 =	sld [smem:$0x3F94];
	s0 =	simm.s32 @p0 $0x1  }
0x13: {  	[smem:$0x3FAF] =	sst s0;
	s0 =	simm.s32 @!p1 $0x0  }
0x14: {  	s2 =	sld [smem:$0x3F93];
	s0 =	simm.s32 @p1 $0x1  }
0x15: {  	[smem:$0x3FB0] =	sst s0;
	s0 =	simm.s32 @!p2 $0x0  }
0x16: {  	s3 =	sld [smem:$0x3FDB];
	s0 =	simm.s32 @p2 $0x1  }
0x17: {  	s4 =	simm.s32 $0x1BF5;
	[smem:$0x3FB2] =	sst s0  }
0x18: {  	s0 =	sld [smem:$0x3F95];
	_ =	swait.ge [sflag:s4], $0x0  }
0x19: {  	s7 =	sld [smem:$0x3F96]  }
0x1a: {  	s8 =	sadd.s32 $0xFFFFE003, lr  }
0x1b: {  	s9 =	sadd.s32 $0xFFFFFEF7, lr;
	s5 =	simm.s32 $0xFFFFFFFF;
	p2 =	slt.u32 s8, $0xFFFFF086  }
0x1c: {  	p1 =	slt.u32 s9, $0xF7A;
	s5 =	simm.s32 @!p2 $0x0  }
0x1d: {  	s5 =	simm.s32 @p1 $0x1;
	p0 =	seq.s32 s7, s2  }
0x1e: {  	s7 =	smul.u32 @!p0 $0xF7A, s2;
	p2 =	seq.s32 @!p0 s5, $0x0  }
0x1f: {  	s9 =	smul.u32 $0xF7A, s1;
	s8 =	simm.s32 @!p0 $0x1BF5;
	p2 =	por !p2, p0  }
0x20: {  	[sflag:s8] =	ssyncset.s32 @!p0 $0xFFFFF086;
	s6 =	sadd.s32 @!p0 s3, s7;
	s7 =	simm.s32 @!p0 $0x108  }
0x21: {  	s3 =	sadd.s32 s3, s9;
	s6 =	sadd.s32 @!p0 $0x88, s6;
	s7 =	simm.s32 @p2 $0x1082  }
0x22: {  	[simem:s7], [sflag:s8] =	dma.local @!p0 [hbm:s6], $0xF7A  }
0x23: {  	s9 =	sor.u32 $0xD0000000, s2;
	s6 =	simm.s32 $0x108;
	_ =	swait.ge @!p0 [sflag:s8], $0x0  }
0x24: {  	s3 =	sadd.s32 $0x88, s3;
	s6 =	simm.s32 @!p1 $0x1082;
	[sflag:s4] =	ssyncset.s32 $0xFFFFF086  }
0x25: {  	[simem:s6], [sflag:s4] =	dma.local [hbm:s3], $0xF7A  }
0x26: {  	[smem:$0x3F96] =	sst s1;
	(tag) =	ssettag s2;
	_ =	strace s9  }
0x27: {  	s1 =	sld [smem:$0x3FA6]  }
0x28: {  	s2 =	sld [smem:$0x3FA7]  }
0x29: {  	s4 =	sld [smem:$0x3FA9]  }
0x2a: {  	p0 =	seq.s32 s5, $0x0;
	s5 =	sld [smem:$0x3FAA]  }
0x2b: {  	s6 =	sld [smem:$0x3FAB]  }
0x2c: {  	s7 =	sld [smem:$0x3FAC]  }
0x2d: {  	s3 =	simm.s32 $0x108;
	s8 =	sld [smem:$0x3FAD]  }
0x2e: {  	s3 =	simm.s32 @!p0 $0x1082;
	s9 =	sld [smem:$0x3FAE]  }
0x2f: {  	lr =	sadd.s32 s0, s3;
	s0 =	sld [smem:$0x3FA5]  }
0x30: {  	s3 =	sld [smem:$0x3FA8]  }
0x31: {  	[smem:$0x3FB1] =	sst s10  }
0x32: {  	s10 =	sld [smem:$0x3FAF];
	_ =	sdelay $0x3  }
0x33: {  	p0 =	seq.s32 s10, $0x1;
	s10 =	sld [smem:$0x3FB1];
	_ =	sdelay $0x3  }
0x34: {  	[smem:$0x3FB1] =	sst s10  }
0x35: {  	s10 =	sld [smem:$0x3FB0];
	_ =	sdelay $0x3  }
0x36: {  	p1 =	seq.s32 s10, $0x1;
	s10 =	sld [smem:$0x3FB1];
	_ =	sdelay $0x3  }
0x37: {  	[smem:$0x3FB1] =	sst s10  }
0x38: {  	s10 =	sld [smem:$0x3FB2]  }
0x39: {  	_ = 	snop;
	(pc) =	sbr.ind lr, $3  }
0x3a: {  	_ = 	snop  }
0x3b: {  	_ = 	snop  }
0x3c: {  	p2 =	seq.s32 s10, $0x1;
	s10 =	sld [smem:$0x3FB1]  }
0x3d: {  	_ =	shalt  }
0x3e: {  	_ =	shalt  }
0x3f: {  	_ =	shalt  }
0x40: {  	_ =	shalt  }
0x41: {  	_ =	shalt  }
0x42: {  	_ =	shalt  }
0x43: {  	_ =	shalt  }
0x44: {  	_ =	shalt  }
0x45: {  	_ =	shalt  }
0x46: {  	_ =	shalt  }
0x47: {  	_ =	shalt  }
0x48: {  	_ =	shalt  }
0x49: {  	_ =	shalt  }
0x4a: {  	_ =	shalt  }
0x4b: {  	_ =	shalt  }
0x4c: {  	_ =	shalt  }
0x4d: {  	_ =	shalt  }
0x4e: {  	_ =	shalt  }
0x4f: {  	_ =	shalt  }
0x50: {  	_ =	shalt  }
0x51: {  	_ =	shalt  }
0x52: {  	_ =	shalt  }
0x53: {  	_ =	shalt  }
0x54: {  	_ =	shalt  }
0x55: {  	_ =	shalt  }
0x56: {  	_ =	shalt  }
0x57: {  	_ =	shalt  }
0x58: {  	_ =	shalt  }
0x59: {  	_ =	shalt  }
0x5a: {  	_ =	shalt  }
0x5b: {  	_ =	shalt  }
0x5c: {  	_ =	shalt  }
0x5d: {  	_ =	shalt  }
0x5e: {  	_ =	shalt  }
0x5f: {  	_ =	shalt  }
0x60: {  	_ =	shalt  }
0x61: {  	_ =	shalt  }
0x62: {  	_ =	shalt  }
0x63: {  	_ =	shalt  }
0x64: {  	_ =	shalt  }
0x65: {  	_ =	shalt  }
0x66: {  	_ =	shalt  }
0x67: {  	_ =	shalt  }
0x68: {  	_ =	shalt  }
0x69: {  	_ =	shalt  }
0x6a: {  	_ =	shalt  }
0x6b: {  	_ =	shalt  }
0x6c: {  	_ =	shalt  }
0x6d: {  	_ =	shalt  }
0x6e: {  	_ =	shalt  }
0x6f: {  	_ =	shalt  }
0x70: {  	_ =	shalt  }
0x71: {  	_ =	shalt  }
0x72: {  	_ =	shalt  }
0x73: {  	_ =	shalt  }
0x74: {  	_ =	shalt  }
0x75: {  	_ =	shalt  }
0x76: {  	_ =	shalt  }
0x77: {  	_ =	shalt  }
0x78: {  	_ =	shalt  }
0x79: {  	_ =	shalt  }
0x7a: {  	_ =	shalt  }
0x7b: {  	_ =	shalt  }
0x7c: {  	_ =	shalt  }
0x7d: {  	_ =	shalt  }
0x7e: {  	_ =	shalt  }
0x7f: {  	_ =	shalt  }
0x80: {  	_ =	shalt  }
0x81: {  	_ =	shalt  }
0x82: {  	_ =	shalt  }
0x83: {  	_ =	shalt  }
0x84: {  	_ =	shalt  }
0x85: {  	_ =	shalt  }
0x86: {  	_ =	shalt  }
0x87: {  	_ =	shalt  }
.Lfunc_end0:
.L_simem_size_0:
called_computation.1_lowered:
.L_overlay_start_0:
0x88: {  	s2 =	sld [smem:$0x3FD9]  }
0x89: {  	s3 =	sld [smem:$0x3FFE];
	_ =	sdelay $0x1  }
0x8a: {  	s1 =	srdreg.scid  }
0x8b: {  	s0 =	sand.u32 $0x1, s1  }
0x8c: {  	s17 =	sshll.u32 s0, $0xA;
	s2 =	sadd.s32 s3, s2  }
0x8d: {  	s2 =	sadd.s32 s2, s17  }
0x8e: {  	[smem:$0x3FBD] =	sst s2  }
0x8f: {  	_ = 	snop  }
0x90: {  	s2 =	sld [smem:$0x3FD0];
	(tm) =	ssettm $0x1  }
0x91: {  	s18 =	sld [smem:$0x3FFB];
	_ =	sdelay $0x3  }
0x92: {  	_ =	strace s18  }
0x93: {  	s3 =	sld [smem:$0x3FFC];
	_ =	sdelay $0x3  }
0x94: {  	_ =	strace s3  }
0x95: {  	s3 =	sld [smem:$0x3FFD];
	_ =	sdelay $0x3  }
0x96: {  	_ =	strace s3  }
0x97: {  	_ =	strace $0x8FFFFFFF  }
0x98: {  	s19 =	sld [smem:$0x3FDB];
	_ =	sdelay $0x1  }
0x99: {  	s4 =	simm.s32 $_scs_section_size  }
0x9a: {  	s5 =	simm.s32 $_size__tile_overlayer_lowered;
	s6 =	simm.s32 $_tile_overlayer_lowered  }
0x9b: {  	s22 =	simm.s32 $0x1BFF;
	s21 =	sshll.u32 s6, $0x1;
	s3 =	sadd.s32 s4, s19  }
0x9c: {  	s7 =	simm.s32 $0x0;
	s20 =	sshll.u32 s5, $0x1;
	s5 =	sadd.s32 s21, s3  }
0x9d: {  	[timem:s7], [sflag:s22] =	dma.local [hbm:s5], s20  }
0x9e: {  	_ =	swait.ge [sflag:s22], s20  }
0x9f: {  	s4 =	ssub.s32 $0x0, s20;
	[sflag:s22] =	ssyncset.done $0x0  }
0xa0: {  	[sflag:s22] =	ssyncadd.s32 s4;
	_ =	sdelay $0x1  }
0xa1: {  	s23 =	simm.s32 $0x1B8B  }
0xa2: {  	_ =	swait.ge [sflag:s23], $0x1  }
0xa3: {  	[sflag:s23] =	ssyncset.done $0x0  }
0xa4: {  	s25 =	simm.s32 $0x1B8E;
	s24 =	sld [smem:$0x3FFE];
	[sflag:s23] =	ssyncadd.s32 $0xFFFFFFFF  }
0xa5: {  	s26 =	simm.s32 $execute0_lowered;
	[smem:$0x3FD2] =	sst s25  }
0xa6: {  	s5 =	sshll.u32 s26, $0x1;
	_ =	strace $0x80000049;
	[dreg:$0x1] =	wrdreg $0xFFFFFFFF  }
0xa7: {  	s28 =	simm.s32 $_size_execute0_lowered;
	s3 =	sadd.s32 s3, s5;
	[dreg:$0x0] =	wrdreg $0x0  }
0xa8: {  	s5 =	sshll.u32 s28, $0x1;
	[dreg:$0x2] =	wrdreg s3  }
0xa9: {  	[dreg:$0x3] =	wrdreg s5  }
0xaa: {  	[dreg:$0x4] =	wrdreg $0xC0  }
0xab: {  	_ =	task [dreg:s7], $0x5FFFF  }
0xac: {  	[dreg:$0x1] =	wrdreg $0xFFFFFFFF  }
0xad: {  	[dreg:$0x0] =	wrdreg $0x60  }
0xae: {  	[dreg:$0x2] =	wrdreg s2  }
0xaf: {  	[dreg:$0x3] =	wrdreg s24  }
0xb0: {  	[dreg:$0x4] =	wrdreg $0x10F000  }
0xb1: {  	[dreg:$0x5] =	wrdreg $0x9  }
0xb2: {  	_ =	task.clear_ibuf [dreg:s7], $0x6FFFF;
	_ =	strace $0x90000049  }
0xb3: {  	s29 =	simm.s32 $0x9;
	_ =	strace $0x8000004B  }
0xb4: {  	_ =	swait.ge [sflag:s29], $0x1  }
0xb5: {  	[sflag:s29] =	ssyncadd.s32 $0xFFFFFFFF  }
0xb6: {  	_ =	strace $0x9000004B  }
0xb7: {  	_ =	sfence  }
0xb8: {  	s30 =	sld [smem:$0x0];
	_ =	sdelay $0x2  }
0xb9: {  	s31 =	sshll.u32 s1, $0xD;
	s1 =	sshrl.u32 s1, $0x2  }
0xba: {  	s3 =	sand.u32 $0x4000, s31;
	s1 =	sadd.s32 s1, s30  }
0xbb: {  	s0 =	sor.u32 s3, s0;
	s1 =	sshll.u32 s1, $0x11  }
0xbc: {  	s0 =	sor.u32 s1, s0  }
0xbd: {  	s0 =	sadd.s32 $0x8F2B, s0  }
0xbe: {  	[sflag:s0] =	ssyncadd.remote.s32 $0x1  }
0xbf: {  	_ =	sfence.sel $0xFFFF  }
0xc0: {  	[dreg:$0x0] =	wrdreg $0xFFFFFFFF;
	(pc) =	sbr.abs _section_cstart, $3  }
0xc1: {  	[dreg:$0x1] =	wrdreg $0xFFFFFFFF  }
0xc2: {  	_ =	task.clear_ibuf [dreg:s7], $0x2FFFF;
	_ =	strace $0x9FFFFFFF  }
0xc3: {  	(tm) =	ssettm $0x7FFFFFFF  }
tec
execute0_lowered:
.L_overlay_start_1:
0x0: {  	(tag) =	ssettag $0x1  }
0x1: {  	s1 =	rddreg [dreg:$0x0]  }
0x2: {  	s0 =	srdreg.scid;
	s2 =	rddreg [dreg:$0x1]  }
0x3: {  	s13 =	stileid.u32;
	s3 =	rddreg [dreg:$0x2];
	s28 =	simm.s32 $0x6F00  }
0x4: {  	s29 =	simm.s32 $0xAF00;
	s30 =	simm.s32 $0xEF00;
	s31 =	simm.s32 $0x1  }
0x5: {  	s0 =	sand.u32 $0x1, s0;
	s4 =	sshll.u32 s13, $0x1;
	s9 =	smul.u32 $0xA000, s13  }
0x6: {  	s5 =	sadd.s32 $0x3600, s2;
	s6 =	sadd.s32 $0x7AD200, s2;
	s11 =	smul.u32 $0x28000, s13  }
0x7: {  	s25 =	sand.u32 $0x8, s13;
	s26 =	sshll.u32 s13, $0x3;
	s8 =	sor.u32 s0, s4  }
0x8: {  	s4 =	simm.s32 $0x0;
	s10 =	smul.u32 $0xA0000, s0;
	s0 =	ssub.s32 $0x2, s0  }
0x9: {  	s7 =	smul.u32 $0x4F0, s8;
	[smem:$0x7FF] =	sst s4;
	s16 =	sshrl.u32 s0, $0x1  }
0xa: {  	s11 =	sshrl.u32 s11, $0x2;
	s24 =	sshll.u32 s8, $0xB;
	s14 =	sshll.u32 s8, $0x7  }
0xb: {  	s8 =	simm.s32 $0x4;
	_ =	strace $0x8000004A;
	s15 =	sadd.s32 s9, s10  }
0xc: {  	s0 =	ssub.s32 s0, s16;
	s17 =	sadd.s32 s11, s3;
	s10 =	sadd.s32 s6, s25  }
0xd: {  	s16 =	sand.u32 $0x780, s14;
	s25 =	simm.s32 $0x8F00;
	s12 =	sadd.s32 s7, s2  }
0xe: {  	s7 =	sshrl.u32 s15, $0x3;
	s18 =	sadd.s32 $0x2000, s17;
	s19 =	sadd.s32 $0x4000, s17  }
0xf: {  	s20 =	sadd.s32 $0x6000, s17;
	s21 =	sadd.s32 $0x8000, s17;
	[dreg:$0x4] =	wrdreg s18  }
0x10: {  	s17 =	sand.u32 $0x40, s26;
	s26 =	simm.s32 $0x40;
	[dreg:$0x5] =	wrdreg s19  }
0x11: {  	s2 =	sadd.s32 s7, s2;
	s7 =	sadd.s32 s9, s3;
	[dreg:$0x6] =	wrdreg s20  }
0x12: {  	[dreg:$0x7] =	wrdreg s21;
	s22 =	sadd.s32 $0x21400, s12;
	s23 =	sadd.s32 $0x17600, s12  }
0x13: {  	s9 =	sand.u32 $0x7800, s24;
	s19 =	smax.u32 s0, $0x1;
	s20 =	simm.s32 $0xCF00  }
0x14: {  	s21 =	simm.s32 $0x5;
	s24 =	simm.s32 $0x4F00;
	[dreg:$0x8] =	wrdreg s22  }
0x15: {  	s0 =	simm.s32 $0x2;
	[dreg:$0x9] =	wrdreg s23;
	s15 =	sadd.s32 s9, s10  }
0x16: {  	v0 =	vimm.f32 $0.0e+00;
	s18 =	sadd.s32 $0x2B200, s2;
	s23 =	simm.s32 $0x80;
	s2 =	simm.s32 $0x3  }
.LBB2_1:
0x17: {  	s10 =	simm.s32 $0x100;
	s9 =	simm.s32 $0x0  }
.LBB2_2:
0x18: {  	p0 =	sne.s32 s10, $0x7F00;
	[tilespmem:s9+$0xCF30] =	vst v0;
	s11 =	smov.u32 s10;
	s10 =	sadd.s32 $0x100, s10  }
.Ltmp0:
0x19: {  	[tilespmem:s9+$0xCF20] =	vst v0;
	(pc) =	sbr.rel @p0 .LBB2_2-.Ltmp0, $3  }
0x1a: {  	[tilespmem:s9+$0xCF00] =	vst v0  }
0x1b: {  	[tilespmem:s9+$0xCF10] =	vst v0;
	_ =	sdelay $0x1  }
0x1c: {  	s9 =	sshra.s32 s11, $0x2  }
0x1d: {  	[tilespmem:s9+$0xCF30] =	vst v0  }
0x1e: {  	[tilespmem:s9+$0xCF20] =	vst v0  }
0x1f: {  	[tilespmem:s9+$0xCF00] =	vst v0  }
0x20: {  	[tilespmem:s9+$0xCF10] =	vst v0  }
0x21: {  	[spmem:s7] =	stream.linear.scatter [tilespmem:s20], [sflag:$0x5], $0x2000, $0x38;
	[tilespmem:$0x1AF00] =	vst v63  }
0x22: {  	_ =	swait.ge [sflag:s21], $0x2000  }
0x23: {  	[sflag:s21] =	ssyncset.done $0x0  }
0x24: {  	s10 =	rddreg [dreg:$0x4];
	[sflag:s21] =	ssyncadd.s32 $0xFFFFE000  }
0x25: {  	[spmem:s10] =	stream.linear.scatter [tilespmem:s20], [sflag:$0x5], $0x2000, $0x38;
	[tilespmem:$0x1AF00] =	vst v63  }
0x26: {  	_ =	swait.ge [sflag:s21], $0x2000  }
0x27: {  	[sflag:s21] =	ssyncset.done $0x0  }
0x28: {  	s11 =	rddreg [dreg:$0x5];
	[sflag:s21] =	ssyncadd.s32 $0xFFFFE000  }
0x29: {  	[spmem:s11] =	stream.linear.scatter [tilespmem:s20], [sflag:$0x5], $0x2000, $0x38;
	[tilespmem:$0x1AF00] =	vst v63  }
0x2a: {  	_ =	swait.ge [sflag:s21], $0x2000  }
0x2b: {  	[sflag:s21] =	ssyncset.done $0x0  }
0x2c: {  	s12 =	rddreg [dreg:$0x6];
	[sflag:s21] =	ssyncadd.s32 $0xFFFFE000  }
0x2d: {  	[spmem:s12] =	stream.linear.scatter [tilespmem:s20], [sflag:$0x5], $0x2000, $0x38;
	[tilespmem:$0x1AF00] =	vst v63  }
0x2e: {  	_ =	swait.ge [sflag:s21], $0x2000  }
0x2f: {  	[sflag:s21] =	ssyncset.done $0x0  }
0x30: {  	s13 =	rddreg [dreg:$0x7];
	[sflag:s21] =	ssyncadd.s32 $0xFFFFE000  }
0x31: {  	[spmem:s13] =	stream.linear.scatter [tilespmem:s20], [sflag:$0x5], $0x2000, $0x38;
	[tilespmem:$0x1AF00] =	vst v63  }
0x32: {  	_ =	swait.ge [sflag:s21], $0x2000  }
0x33: {  	[sflag:s21] =	ssyncset.done $0x0  }
0x34: {  	[sflag:s21] =	ssyncadd.s32 $0xFFFFE000  }
0x35: {  	[bflag:$0x0] =	sbarrier.arrive $0xFFFF  }
0x36: {  	s9 =	simm.s32 $0x0;
	s10 =	rddreg [dreg:$0x8]  }
0x37: {  	[tilespmem:s9], [sflag:$0x5] =	stream.linear.gather [hbm4b:s10+s9], $0x2780, $0x38;
	[tilespmem:$0x1AF00] =	vst v63  }
0x38: {  	_ =	swait.ge [sflag:s21], $0x2780  }
0x39: {  	[sflag:s21] =	ssyncset.done $0x0  }
0x3a: {  	s11 =	simm.s32 $0x2780;
	s22 =	rddreg [dreg:$0x9];
	[sflag:s21] =	ssyncadd.s32 $0xFFFFD880  }
0x3b: {  	[tilespmem:s11], [sflag:$0x5] =	stream.linear.gather [hbm4b:s22+s9], $0x2780, $0x38;
	[tilespmem:$0x1AF00] =	vst v63  }
0x3c: {  	_ =	swait.ge [sflag:s21], $0x2780  }
0x3d: {  	[sflag:s21] =	ssyncset.done $0x0  }
0x3e: {  	[sflag:s21] =	ssyncadd.s32 $0xFFFFD880  }
0x3f: {  	[tilespmem:s24], [sflag:$0x1] =	stream.indirect.gather [hbm4b:s1+s23], $0x40, s9, s23, $0xb8;
	[tilespmem:$0x1AF00] =	vst v63  }
0x40: {  	_ = 	snop  }
0x41: {  	[tilespmem:s25], [sflag:$0x1] =	stream.indirect.gather [hbm4b:s5+s23], $0x40, s11, s23, $0xb8;
	[tilespmem:$0x1AF00] =	vst v63  }
0x42: {  	_ = 	snop  }
0x43: {  	[tilespmem:s20], [sflag:$0x1] =	stream.strided.gather [hbm4b:s15+s26], $0x2000, s23, s26, $0x38;
	[tilespmem:$0x1AF00] =	vst v63  }
.LBB2_4:
0x44: {  	p0 =	seq.s32 s9, $0x0;
	s11 =	sshllo.u32 s9, $0x1  }
0x45: {  	s10 =	simm.s32 @!p0 $0x4;
	s22 =	sshll.u32 s11, $0x7;
	s11 =	sshll.u32 s11, $0xC  }
0x46: {  	_ =	swait.ge @!p0 [sflag:s10], $0x2000;
	s11 =	sor.u32 s14, s11  }
0x47: {  	[sflag:s10] =	ssyncset.done @!p0 $0x0;
	s11 =	sshrl.u32 s11, $0x1  }
0x48: {  	[sflag:s10] =	ssyncadd.s32 @!p0 $0xFFFFE000;
	s11 =	sand.u32 $0x1FFF800, s11  }
0x49: {  	[tilespmem:s28], [sflag:$0x2] =	stream.indirect.gather [hbm4b:s1+s23], $0x40, s22, s23, $0xb8;
	[tilespmem:$0x1AF00] =	vst v63  }
0x4a: {  	s11 =	sor.u32 s16, s11  }
0x4b: {  	s10 =	sadd.s32 $0x2780, s22;
	s11 =	sshll.u32 s11, $0x7  }
0x4c: {  	[tilespmem:s29], [sflag:$0x2] =	stream.indirect.gather [hbm4b:s5+s23], $0x40, s10, s23, $0xb8;
	[tilespmem:$0x1AF00] =	vst v63  }
0x4d: {  	s11 =	sor.u32 s17, s11  }
0x4e: {  	s11 =	sshrl.u32 s11, $0x3  }
0x4f: {  	s11 =	sadd.s32 s6, s11  }
0x50: {  	[tilespmem:s30], [sflag:$0x2] =	stream.strided.gather [hbm4b:s11+s26], $0x2000, s23, s26, $0x38;
	[tilespmem:$0x1AF00] =	vst v63  }
0x51: {  	_ =	swait.ge [sflag:s31], $0x2000  }
0x52: {  	[sflag:s31] =	ssyncset.done $0x0  }
0x53: {  	[sflag:s31] =	ssyncadd.s32 $0xFFFFE000  }
0x54: {  	_ =	swait.ge [sflag:s31], $0x2000  }
0x55: {  	[sflag:s31] =	ssyncset.done $0x0  }
0x56: {  	[sflag:s31] =	ssyncadd.s32 $0xFFFFE000  }
0x57: {  	_ =	swait.ge [sflag:s31], $0x2000  }
0x58: {  	[sflag:s31] =	ssyncset.done $0x0  }
0x59: {  	s11 =	simm.s32 $0x0;
	[sflag:s31] =	ssyncadd.s32 $0xFFFFE000  }
0x5a: {  	v13 =	vld [tilespmem:s11+$0x4F00]  }
0x5b: {  	v14 =	vld [tilespmem:s11+$0x8F00]  }
0x5c: {  	v15 =	vld [tilespmem:s11+$0x4F10]  }
0x5d: {  	v16 =	vld [tilespmem:s11+$0x8F10]  }
0x5e: {  	v17 =	vld [tilespmem:s11+$0x4F20]  }
0x5f: {  	v18 =	vld [tilespmem:s11+$0x8F20]  }
0x60: {  	v19 =	vld [tilespmem:s11+$0x4F30]  }
0x61: {  	v20 =	vld [tilespmem:s11+$0x8F30]  }
0x62: {  	v21 =	vld [tilespmem:s11+$0x4F40]  }
0x63: {  	v22 =	vld [tilespmem:s11+$0x8F40]  }
0x64: {  	v23 =	vld [tilespmem:s11+$0x4F50]  }
0x65: {  	v24 =	vld [tilespmem:s11+$0x8F50]  }
0x66: {  	v25 =	vld [tilespmem:s11+$0x4F60]  }
0x67: {  	v26 =	vld [tilespmem:s11+$0x8F60]  }
0x68: {  	v27 =	vld [tilespmem:s11+$0x4F70]  }
0x69: {  	v28 =	vld [tilespmem:s11+$0x8F70]  }
0x6a: {  	v29 =	vld [tilespmem:s11+$0x4F80]  }
0x6b: {  	v30 =	vld [tilespmem:s11+$0x8F80]  }
0x6c: {  	v31 =	vld [tilespmem:s11+$0x4F90]  }
0x6d: {  	v32 =	vld [tilespmem:s11+$0x8F90]  }
0x6e: {  	v11 =	vld [tilespmem:s11+$0x4FA0]  }
0x6f: {  	v12 =	vld [tilespmem:s11+$0x8FA0]  }
0x70: {  	v9 =	vld [tilespmem:s11+$0x4FB0]  }
0x71: {  	v10 =	vld [tilespmem:s11+$0x8FB0]  }
0x72: {  	v7 =	vld [tilespmem:s11+$0x4FC0]  }
0x73: {  	v8 =	vld [tilespmem:s11+$0x8FC0]  }
0x74: {  	v5 =	vld [tilespmem:s11+$0x4FD0]  }
0x75: {  	v6 =	vld [tilespmem:s11+$0x8FD0]  }
0x76: {  	v3 =	vld [tilespmem:s11+$0x4FE0]  }
0x77: {  	v4 =	vld [tilespmem:s11+$0x8FE0]  }
0x78: {  	v33 =	vld [tilespmem:s11+$0xCF00]  }
0x79: {  	v34 =	vld [tilespmem:s11+$0xCF10]  }
0x7a: {  	v35 =	vld [tilespmem:s11+$0xCF20]  }
0x7b: {  	v1 =	vld [tilespmem:s11+$0x4FF0];
	v13 =	vadd.f32 v14, v13  }
0x7c: {  	v2 =	vld [tilespmem:s11+$0x8FF0];
	v15 =	vadd.f32 v16, v15  }
0x7d: {  	v14 =	vld [tilespmem:s11+$0xCF30];
	v17 =	vadd.f32 v18, v17;
	v13 =	vadd.f32 v33, v13  }
0x7e: {  	v36 =	vld [tilespmem:s11+$0xCF40];
	v15 =	vadd.f32 v34, v15  }
0x7f: {  	v16 =	vld [tilespmem:s11+$0xCF50];
	v17 =	vadd.f32 v35, v17;
	v13 =	vmax.f32 v13, $0.0e+00  }
0x80: {  	v62 =	vld [tilespmem:s11+$0xCF60];
	v18 =	vadd.f32 v20, v19;
	v15 =	vmax.f32 v15, $0.0e+00;
	[tilespmem:s11+$0xCF00] =	vst v13  }
0x81: {  	v63 =	vld [tilespmem:s11+$0xCF70];
	v17 =	vmax.f32 v17, $0.0e+00;
	[tilespmem:s11+$0xCF10] =	vst v15;
	v15 =	vadd.f32 v22, v21  }
0x82: {  	v13 =	vld [tilespmem:s11+$0xCF80];
	v18 =	vadd.f32 v14, v18;
	[tilespmem:s11+$0xCF20] =	vst v17;
	v17 =	vadd.f32 v24, v23  }
0x83: {  	v20 =	vadd.f32 v26, v25;
	v14 =	vld [tilespmem:s11+$0xCF90];
	v19 =	vadd.f32 v36, v15  }
0x84: {  	v21 =	vadd.f32 v28, v27;
	v18 =	vmax.f32 v18, $0.0e+00;
	v15 =	vld [tilespmem:s11+$0xCFA0];
	v17 =	vadd.f32 v16, v17  }
0x85: {  	v20 =	vadd.f32 v62, v20;
	v16 =	vld [tilespmem:s11+$0xCFB0];
	[tilespmem:s11+$0xCF30] =	vst v18;
	v18 =	vadd.f32 v30, v29;
	v19 =	vmax.f32 v19, $0.0e+00  }
0x86: {  	s12 =	simm.s32 $0x400;
	s22 =	sshll.u32 s9, $0x1;
	v21 =	vadd.f32 v63, v21;
	v22 =	vmax.f32 v17, $0.0e+00;
	v17 =	vld [tilespmem:s11+$0xCFC0];
	[tilespmem:s11+$0xCF40] =	vst v19;
	v19 =	vadd.f32 v32, v31  }
.LBB2_5:
0x87: {  	p0 =	sne.s32 s12, $0x7C00;
	[tilespmem:s11+$0xCF50] =	vst v22;
	v20 =	vmax.f32 v20, $0.0e+00;
	v13 =	vadd.f32 v13, v18;
	v11 =	vadd.f32 v12, v11;
	v12 =	vld [tilespmem:s11+$0xCFD0]  }
0x88: {  	v9 =	vadd.f32 v10, v9;
	[tilespmem:s11+$0xCF60] =	vst v20;
	v18 =	vmax.f32 v21, $0.0e+00;
	v14 =	vadd.f32 v14, v19;
	v10 =	vld [tilespmem:s11+$0xCFE0]  }
0x89: {  	s13 =	sshra.s32 s12, $0x2;
	v7 =	vadd.f32 v8, v7;
	[tilespmem:s11+$0xCF70] =	vst v18;
	v13 =	vmax.f32 v13, $0.0e+00;
	v11 =	vadd.f32 v15, v11;
	v8 =	vld [tilespmem:s11+$0xCFF0]  }
0x8a: {  	v5 =	vadd.f32 v6, v5;
	v15 =	vld [tilespmem:s13+$0x4F00];
	[tilespmem:s11+$0xCF80] =	vst v13;
	v13 =	vmax.f32 v14, $0.0e+00;
	v9 =	vadd.f32 v16, v9  }
0x8b: {  	v3 =	vadd.f32 v4, v3;
	v14 =	vld [tilespmem:s13+$0x8F00];
	[tilespmem:s11+$0xCF90] =	vst v13;
	v6 =	vmax.f32 v11, $0.0e+00;
	v7 =	vadd.f32 v17, v7  }
0x8c: {  	v1 =	vadd.f32 v2, v1;
	v13 =	vld [tilespmem:s13+$0x4F10];
	[tilespmem:s11+$0xCFA0] =	vst v6;
	v4 =	vmax.f32 v9, $0.0e+00;
	v5 =	vadd.f32 v12, v5  }
0x8d: {  	v16 =	vld [tilespmem:s13+$0x8F10];
	[tilespmem:s11+$0xCFB0] =	vst v4;
	v2 =	vmax.f32 v7, $0.0e+00;
	v3 =	vadd.f32 v10, v3  }
0x8e: {  	v17 =	vld [tilespmem:s13+$0x4F20];
	[tilespmem:s11+$0xCFC0] =	vst v2;
	v2 =	vmax.f32 v5, $0.0e+00;
	v1 =	vadd.f32 v8, v1  }
0x8f: {  	v18 =	vld [tilespmem:s13+$0x8F20];
	[tilespmem:s11+$0xCFD0] =	vst v2;
	v2 =	vmax.f32 v3, $0.0e+00  }
0x90: {  	v19 =	vld [tilespmem:s13+$0x4F30];
	[tilespmem:s11+$0xCFE0] =	vst v2;
	v1 =	vmax.f32 v1, $0.0e+00  }
0x91: {  	v20 =	vld [tilespmem:s13+$0x8F30];
	[tilespmem:s11+$0xCFF0] =	vst v1;
	s11 =	smov.u32 s13  }
0x92: {  	v21 =	vld [tilespmem:s11+$0x4F40]  }
0x93: {  	v22 =	vld [tilespmem:s11+$0x8F40]  }
0x94: {  	v23 =	vld [tilespmem:s11+$0x4F50]  }
0x95: {  	v24 =	vld [tilespmem:s11+$0x8F50]  }
0x96: {  	v25 =	vld [tilespmem:s11+$0x4F60]  }
0x97: {  	v26 =	vld [tilespmem:s11+$0x8F60]  }
0x98: {  	v27 =	vld [tilespmem:s11+$0x4F70]  }
0x99: {  	v28 =	vld [tilespmem:s11+$0x8F70]  }
0x9a: {  	v29 =	vld [tilespmem:s11+$0x4F80]  }
0x9b: {  	v30 =	vld [tilespmem:s11+$0x8F80]  }
0x9c: {  	v31 =	vld [tilespmem:s11+$0x4F90]  }
0x9d: {  	v32 =	vld [tilespmem:s11+$0x8F90]  }
0x9e: {  	v11 =	vld [tilespmem:s11+$0x4FA0]  }
0x9f: {  	v12 =	vld [tilespmem:s11+$0x8FA0]  }
0xa0: {  	v9 =	vld [tilespmem:s11+$0x4FB0]  }
0xa1: {  	v10 =	vld [tilespmem:s11+$0x8FB0]  }
0xa2: {  	v7 =	vld [tilespmem:s11+$0x4FC0]  }
0xa3: {  	v8 =	vld [tilespmem:s11+$0x8FC0]  }
0xa4: {  	v5 =	vld [tilespmem:s11+$0x4FD0]  }
0xa5: {  	v6 =	vld [tilespmem:s11+$0x8FD0]  }
0xa6: {  	v3 =	vld [tilespmem:s11+$0x4FE0]  }
0xa7: {  	v4 =	vld [tilespmem:s11+$0x8FE0]  }
0xa8: {  	v1 =	vld [tilespmem:s11+$0x4FF0]  }
0xa9: {  	v2 =	vld [tilespmem:s11+$0x8FF0]  }
0xaa: {  	v33 =	vld [tilespmem:s11+$0xCF00]  }
0xab: {  	v34 =	vld [tilespmem:s11+$0xCF10]  }
0xac: {  	v35 =	vld [tilespmem:s11+$0xCF20]  }
0xad: {  	v14 =	vadd.f32 v14, v15;
	v15 =	vld [tilespmem:s11+$0xCF30]  }
0xae: {  	v13 =	vadd.f32 v16, v13;
	v16 =	vld [tilespmem:s11+$0xCF40]  }
0xaf: {  	v17 =	vadd.f32 v18, v17;
	v14 =	vadd.f32 v33, v14;
	v18 =	vld [tilespmem:s11+$0xCF50]  }
0xb0: {  	v19 =	vadd.f32 v20, v19;
	v13 =	vadd.f32 v34, v13;
	v20 =	vld [tilespmem:s11+$0xCF60]  }
0xb1: {  	v21 =	vadd.f32 v22, v21;
	v14 =	vmax.f32 v14, $0.0e+00;
	v17 =	vadd.f32 v35, v17;
	v33 =	vld [tilespmem:s11+$0xCF70]  }
.Ltmp1:
0xb2: {  	[tilespmem:s11+$0xCF00] =	vst v14;
	v14 =	vmax.f32 v13, $0.0e+00;
	v15 =	vadd.f32 v15, v19;
	v19 =	vadd.f32 v24, v23;
	v13 =	vld [tilespmem:s11+$0xCF80];
	(pc) =	sbr.rel @p0 .LBB2_5-.Ltmp1, $4  }
0xb3: {  	[tilespmem:s11+$0xCF10] =	vst v14;
	v17 =	vmax.f32 v17, $0.0e+00;
	v16 =	vadd.f32 v16, v21;
	v21 =	vadd.f32 v26, v25;
	v14 =	vld [tilespmem:s11+$0xCF90]  }
0xb4: {  	v23 =	vadd.f32 v28, v27;
	[tilespmem:s11+$0xCF20] =	vst v17;
	v17 =	vmax.f32 v15, $0.0e+00;
	v19 =	vadd.f32 v18, v19;
	v15 =	vld [tilespmem:s11+$0xCFA0]  }
0xb5: {  	v18 =	vadd.f32 v30, v29;
	[tilespmem:s11+$0xCF30] =	vst v17;
	v17 =	vmax.f32 v16, $0.0e+00;
	v20 =	vadd.f32 v20, v21;
	v16 =	vld [tilespmem:s11+$0xCFB0]  }
0xb6: {  	s12 =	sadd.s32 $0x400, s12;
	[tilespmem:s11+$0xCF40] =	vst v17;
	v22 =	vmax.f32 v19, $0.0e+00;
	v21 =	vadd.f32 v33, v23;
	v19 =	vadd.f32 v32, v31;
	v17 =	vld [tilespmem:s11+$0xCFC0]  }
0xb7: {  	v13 =	vadd.f32 v13, v18  }
0xb8: {  	[tilespmem:s11+$0xCF50] =	vst v22;
	v20 =	vmax.f32 v20, $0.0e+00;
	v22 =	vld [tilespmem:s11+$0xCFD0];
	v11 =	vadd.f32 v12, v11;
	v9 =	vadd.f32 v10, v9  }
0xb9: {  	v7 =	vadd.f32 v8, v7;
	v8 =	vld [tilespmem:s11+$0xCFF0];
	[tilespmem:s11+$0xCF60] =	vst v20;
	v12 =	vmax.f32 v21, $0.0e+00;
	v14 =	vadd.f32 v14, v19  }
0xba: {  	v18 =	vld [tilespmem:s11+$0xCFE0];
	[tilespmem:s11+$0xCF70] =	vst v12;
	v10 =	vmax.f32 v13, $0.0e+00;
	v11 =	vadd.f32 v15, v11  }
0xbb: {  	v5 =	vadd.f32 v6, v5;
	[tilespmem:s11+$0xCF80] =	vst v10;
	v10 =	vmax.f32 v14, $0.0e+00;
	v9 =	vadd.f32 v16, v9  }
0xbc: {  	v1 =	vadd.f32 v2, v1;
	[tilespmem:s11+$0xCF90] =	vst v10;
	v6 =	vmax.f32 v11, $0.0e+00;
	v7 =	vadd.f32 v17, v7  }
0xbd: {  	v3 =	vadd.f32 v4, v3;
	[tilespmem:s11+$0xCFA0] =	vst v6;
	v4 =	vmax.f32 v9, $0.0e+00;
	v5 =	vadd.f32 v22, v5  }
0xbe: {  	v1 =	vadd.f32 v8, v1;
	[tilespmem:s11+$0xCFB0] =	vst v4;
	v2 =	vmax.f32 v7, $0.0e+00  }
0xbf: {  	v3 =	vadd.f32 v18, v3;
	[tilespmem:s11+$0xCFC0] =	vst v2;
	v2 =	vmax.f32 v5, $0.0e+00  }
0xc0: {  	s12 =	sshll.u32 s9, $0x8;
	v1 =	vmax.f32 v1, $0.0e+00;
	[tilespmem:s11+$0xCFD0] =	vst v2  }
0xc1: {  	s13 =	sadd.s32 $0x2, s22;
	s12 =	sand.u32 $0x3FFFFF00, s12;
	v2 =	vmax.f32 v3, $0.0e+00;
	[tilespmem:s11+$0xCFF0] =	vst v1  }
0xc2: {  	s12 =	sadd.s32 $0x2780, s12;
	[tilespmem:s11+$0xCFE0] =	vst v2;
	s11 =	sshll.u32 s13, $0xC  }
0xc3: {  	[spmem:s3] =	stream.indirect.scatter.add.f32 [tilespmem:s20], [sflag:$0x3], $0x40, s12, s23, $0xb8;
	[tilespmem:$0x1AF00] =	vst v63  }
0xc4: {  	s11 =	sor.u32 s14, s11  }
0xc5: {  	_ =	swait.ge [sflag:s2], $0x2000;
	s11 =	sshrl.u32 s11, $0x1  }
0xc6: {  	[sflag:s2] =	ssyncset.done $0x0;
	s11 =	sand.u32 $0x1FFF800, s11  }
0xc7: {  	s22 =	sshll.u32 s13, $0x7;
	[sflag:s2] =	ssyncadd.s32 $0xFFFFE000;
	s11 =	sor.u32 s16, s11  }
0xc8: {  	[tilespmem:s24], [sflag:$0x1] =	stream.indirect.gather [hbm4b:s1+s23], $0x40, s22, s23, $0xb8;
	[tilespmem:$0x1AF00] =	vst v63  }
0xc9: {  	s11 =	sshll.u32 s11, $0x7  }
0xca: {  	s12 =	sadd.s32 $0x2780, s22;
	s11 =	sor.u32 s17, s11  }
0xcb: {  	[tilespmem:s25], [sflag:$0x1] =	stream.indirect.gather [hbm4b:s5+s23], $0x40, s12, s23, $0xb8;
	[tilespmem:$0x1AF00] =	vst v63  }
0xcc: {  	s11 =	sshrl.u32 s11, $0x3  }
0xcd: {  	s11 =	sadd.s32 s6, s11  }
0xce: {  	[tilespmem:s20], [sflag:$0x1] =	stream.strided.gather [hbm4b:s11+s26], $0x2000, s23, s26, $0x38;
	[tilespmem:$0x1AF00] =	vst v63  }
0xcf: {  	_ =	swait.ge [sflag:s0], $0x2000  }
0xd0: {  	[sflag:s0] =	ssyncset.done $0x0  }
0xd1: {  	[sflag:s0] =	ssyncadd.s32 $0xFFFFE000  }
0xd2: {  	_ =	swait.ge [sflag:s0], $0x2000  }
0xd3: {  	[sflag:s0] =	ssyncset.done $0x0  }
0xd4: {  	[sflag:s0] =	ssyncadd.s32 $0xFFFFE000  }
0xd5: {  	_ =	swait.ge [sflag:s0], $0x2000  }
0xd6: {  	[sflag:s0] =	ssyncset.done $0x0  }
0xd7: {  	s11 =	simm.s32 $0x0;
	[sflag:s0] =	ssyncadd.s32 $0xFFFFE000  }
0xd8: {  	v13 =	vld [tilespmem:s11+$0x6F00]  }
0xd9: {  	v14 =	vld [tilespmem:s11+$0xAF00]  }
0xda: {  	v15 =	vld [tilespmem:s11+$0x6F10]  }
0xdb: {  	v16 =	vld [tilespmem:s11+$0xAF10]  }
0xdc: {  	v17 =	vld [tilespmem:s11+$0x6F20]  }
0xdd: {  	v18 =	vld [tilespmem:s11+$0xAF20]  }
0xde: {  	v19 =	vld [tilespmem:s11+$0x6F30]  }
0xdf: {  	v20 =	vld [tilespmem:s11+$0xAF30]  }
0xe0: {  	v21 =	vld [tilespmem:s11+$0x6F40]  }
0xe1: {  	v22 =	vld [tilespmem:s11+$0xAF40]  }
0xe2: {  	v23 =	vld [tilespmem:s11+$0x6F50]  }
0xe3: {  	v24 =	vld [tilespmem:s11+$0xAF50]  }
0xe4: {  	v25 =	vld [tilespmem:s11+$0x6F60]  }
0xe5: {  	v26 =	vld [tilespmem:s11+$0xAF60]  }
0xe6: {  	v27 =	vld [tilespmem:s11+$0x6F70]  }
0xe7: {  	v28 =	vld [tilespmem:s11+$0xAF70]  }
0xe8: {  	v29 =	vld [tilespmem:s11+$0x6F80]  }
0xe9: {  	v30 =	vld [tilespmem:s11+$0xAF80]  }
0xea: {  	v31 =	vld [tilespmem:s11+$0x6F90]  }
0xeb: {  	v32 =	vld [tilespmem:s11+$0xAF90]  }
0xec: {  	v11 =	vld [tilespmem:s11+$0x6FA0]  }
0xed: {  	v12 =	vld [tilespmem:s11+$0xAFA0]  }
0xee: {  	v9 =	vld [tilespmem:s11+$0x6FB0]  }
0xef: {  	v10 =	vld [tilespmem:s11+$0xAFB0]  }
0xf0: {  	v7 =	vld [tilespmem:s11+$0x6FC0]  }
0xf1: {  	v8 =	vld [tilespmem:s11+$0xAFC0]  }
0xf2: {  	v5 =	vld [tilespmem:s11+$0x6FD0]  }
0xf3: {  	v6 =	vld [tilespmem:s11+$0xAFD0]  }
0xf4: {  	v3 =	vld [tilespmem:s11+$0x6FE0]  }
0xf5: {  	v4 =	vld [tilespmem:s11+$0xAFE0]  }
0xf6: {  	v33 =	vld [tilespmem:s11+$0xEF00]  }
0xf7: {  	v34 =	vld [tilespmem:s11+$0xEF10]  }
0xf8: {  	v35 =	vld [tilespmem:s11+$0xEF20]  }
0xf9: {  	v1 =	vld [tilespmem:s11+$0x6FF0];
	v13 =	vadd.f32 v14, v13  }
0xfa: {  	v2 =	vld [tilespmem:s11+$0xAFF0];
	v15 =	vadd.f32 v16, v15  }
0xfb: {  	v14 =	vld [tilespmem:s11+$0xEF30];
	v17 =	vadd.f32 v18, v17;
	v13 =	vadd.f32 v33, v13  }
0xfc: {  	v36 =	vld [tilespmem:s11+$0xEF40];
	v15 =	vadd.f32 v34, v15  }
0xfd: {  	v16 =	vld [tilespmem:s11+$0xEF50];
	v17 =	vadd.f32 v35, v17;
	v13 =	vmax.f32 v13, $0.0e+00  }
0xfe: {  	v62 =	vld [tilespmem:s11+$0xEF60];
	v18 =	vadd.f32 v20, v19;
	v15 =	vmax.f32 v15, $0.0e+00;
	[tilespmem:s11+$0xEF00] =	vst v13  }
0xff: {  	v63 =	vld [tilespmem:s11+$0xEF70];
	v17 =	vmax.f32 v17, $0.0e+00;
	[tilespmem:s11+$0xEF10] =	vst v15;
	v15 =	vadd.f32 v22, v21  }
0x100: {  	v13 =	vld [tilespmem:s11+$0xEF80];
	v18 =	vadd.f32 v14, v18;
	[tilespmem:s11+$0xEF20] =	vst v17;
	v17 =	vadd.f32 v24, v23  }
0x101: {  	v20 =	vadd.f32 v26, v25;
	v14 =	vld [tilespmem:s11+$0xEF90];
	v19 =	vadd.f32 v36, v15  }
0x102: {  	v23 =	vadd.f32 v28, v27;
	v18 =	vmax.f32 v18, $0.0e+00;
	v15 =	vld [tilespmem:s11+$0xEFA0];
	v17 =	vadd.f32 v16, v17  }
0x103: {  	v21 =	vadd.f32 v62, v20;
	v16 =	vld [tilespmem:s11+$0xEFB0];
	[tilespmem:s11+$0xEF30] =	vst v18;
	v18 =	vadd.f32 v30, v29;
	v19 =	vmax.f32 v19, $0.0e+00  }
0x104: {  	s12 =	simm.s32 $0x400;
	v20 =	vadd.f32 v63, v23;
	v22 =	vmax.f32 v17, $0.0e+00;
	v17 =	vld [tilespmem:s11+$0xEFC0];
	[tilespmem:s11+$0xEF40] =	vst v19;
	v19 =	vadd.f32 v32, v31  }
.LBB2_7:
0x105: {  	p0 =	sne.s32 s12, $0x7C00;
	[tilespmem:s11+$0xEF50] =	vst v22;
	v21 =	vmax.f32 v21, $0.0e+00;
	v13 =	vadd.f32 v13, v18;
	v11 =	vadd.f32 v12, v11;
	v12 =	vld [tilespmem:s11+$0xEFD0]  }
0x106: {  	v9 =	vadd.f32 v10, v9;
	[tilespmem:s11+$0xEF60] =	vst v21;
	v18 =	vmax.f32 v20, $0.0e+00;
	v14 =	vadd.f32 v14, v19;
	v10 =	vld [tilespmem:s11+$0xEFE0]  }
0x107: {  	s13 =	sshra.s32 s12, $0x2;
	v7 =	vadd.f32 v8, v7;
	[tilespmem:s11+$0xEF70] =	vst v18;
	v13 =	vmax.f32 v13, $0.0e+00;
	v11 =	vadd.f32 v15, v11;
	v8 =	vld [tilespmem:s11+$0xEFF0]  }
0x108: {  	v5 =	vadd.f32 v6, v5;
	v15 =	vld [tilespmem:s13+$0x6F00];
	[tilespmem:s11+$0xEF80] =	vst v13;
	v13 =	vmax.f32 v14, $0.0e+00;
	v9 =	vadd.f32 v16, v9  }
0x109: {  	v3 =	vadd.f32 v4, v3;
	v14 =	vld [tilespmem:s13+$0xAF00];
	[tilespmem:s11+$0xEF90] =	vst v13;
	v6 =	vmax.f32 v11, $0.0e+00;
	v7 =	vadd.f32 v17, v7  }
0x10a: {  	v1 =	vadd.f32 v2, v1;
	v13 =	vld [tilespmem:s13+$0x6F10];
	[tilespmem:s11+$0xEFA0] =	vst v6;
	v4 =	vmax.f32 v9, $0.0e+00;
	v5 =	vadd.f32 v12, v5  }
0x10b: {  	v16 =	vld [tilespmem:s13+$0xAF10];
	[tilespmem:s11+$0xEFB0] =	vst v4;
	v2 =	vmax.f32 v7, $0.0e+00;
	v3 =	vadd.f32 v10, v3  }
0x10c: {  	v17 =	vld [tilespmem:s13+$0x6F20];
	[tilespmem:s11+$0xEFC0] =	vst v2;
	v2 =	vmax.f32 v5, $0.0e+00;
	v1 =	vadd.f32 v8, v1  }
0x10d: {  	v18 =	vld [tilespmem:s13+$0xAF20];
	[tilespmem:s11+$0xEFD0] =	vst v2;
	v2 =	vmax.f32 v3, $0.0e+00  }
0x10e: {  	v19 =	vld [tilespmem:s13+$0x6F30];
	[tilespmem:s11+$0xEFE0] =	vst v2;
	v1 =	vmax.f32 v1, $0.0e+00  }
0x10f: {  	v20 =	vld [tilespmem:s13+$0xAF30];
	[tilespmem:s11+$0xEFF0] =	vst v1;
	s11 =	smov.u32 s13  }
0x110: {  	v21 =	vld [tilespmem:s11+$0x6F40]  }
0x111: {  	v22 =	vld [tilespmem:s11+$0xAF40]  }
0x112: {  	v23 =	vld [tilespmem:s11+$0x6F50]  }
0x113: {  	v24 =	vld [tilespmem:s11+$0xAF50]  }
0x114: {  	v25 =	vld [tilespmem:s11+$0x6F60]  }
0x115: {  	v26 =	vld [tilespmem:s11+$0xAF60]  }
0x116: {  	v27 =	vld [tilespmem:s11+$0x6F70]  }
0x117: {  	v28 =	vld [tilespmem:s11+$0xAF70]  }
0x118: {  	v29 =	vld [tilespmem:s11+$0x6F80]  }
0x119: {  	v30 =	vld [tilespmem:s11+$0xAF80]  }
0x11a: {  	v31 =	vld [tilespmem:s11+$0x6F90]  }
0x11b: {  	v32 =	vld [tilespmem:s11+$0xAF90]  }
0x11c: {  	v11 =	vld [tilespmem:s11+$0x6FA0]  }
0x11d: {  	v12 =	vld [tilespmem:s11+$0xAFA0]  }
0x11e: {  	v9 =	vld [tilespmem:s11+$0x6FB0]  }
0x11f: {  	v10 =	vld [tilespmem:s11+$0xAFB0]  }
0x120: {  	v7 =	vld [tilespmem:s11+$0x6FC0]  }
0x121: {  	v8 =	vld [tilespmem:s11+$0xAFC0]  }
0x122: {  	v5 =	vld [tilespmem:s11+$0x6FD0]  }
0x123: {  	v6 =	vld [tilespmem:s11+$0xAFD0]  }
0x124: {  	v3 =	vld [tilespmem:s11+$0x6FE0]  }
0x125: {  	v4 =	vld [tilespmem:s11+$0xAFE0]  }
0x126: {  	v1 =	vld [tilespmem:s11+$0x6FF0]  }
0x127: {  	v2 =	vld [tilespmem:s11+$0xAFF0]  }
0x128: {  	v33 =	vld [tilespmem:s11+$0xEF00]  }
0x129: {  	v34 =	vld [tilespmem:s11+$0xEF10]  }
0x12a: {  	v35 =	vld [tilespmem:s11+$0xEF20]  }
0x12b: {  	v14 =	vadd.f32 v14, v15;
	v15 =	vld [tilespmem:s11+$0xEF30]  }
0x12c: {  	v13 =	vadd.f32 v16, v13;
	v16 =	vld [tilespmem:s11+$0xEF40]  }
0x12d: {  	v17 =	vadd.f32 v18, v17;
	v14 =	vadd.f32 v33, v14;
	v18 =	vld [tilespmem:s11+$0xEF50]  }
0x12e: {  	v19 =	vadd.f32 v20, v19;
	v13 =	vadd.f32 v34, v13;
	v20 =	vld [tilespmem:s11+$0xEF60]  }
0x12f: {  	v21 =	vadd.f32 v22, v21;
	v14 =	vmax.f32 v14, $0.0e+00;
	v17 =	vadd.f32 v35, v17;
	v33 =	vld [tilespmem:s11+$0xEF70]  }
.Ltmp2:
0x130: {  	[tilespmem:s11+$0xEF00] =	vst v14;
	v14 =	vmax.f32 v13, $0.0e+00;
	v15 =	vadd.f32 v15, v19;
	v19 =	vadd.f32 v24, v23;
	v13 =	vld [tilespmem:s11+$0xEF80];
	(pc) =	sbr.rel @p0 .LBB2_7-.Ltmp2, $4  }
0x131: {  	[tilespmem:s11+$0xEF10] =	vst v14;
	v17 =	vmax.f32 v17, $0.0e+00;
	v16 =	vadd.f32 v16, v21;
	v21 =	vadd.f32 v26, v25;
	v14 =	vld [tilespmem:s11+$0xEF90]  }
0x132: {  	v23 =	vadd.f32 v28, v27;
	[tilespmem:s11+$0xEF20] =	vst v17;
	v17 =	vmax.f32 v15, $0.0e+00;
	v19 =	vadd.f32 v18, v19;
	v15 =	vld [tilespmem:s11+$0xEFA0]  }
0x133: {  	v18 =	vadd.f32 v30, v29;
	[tilespmem:s11+$0xEF30] =	vst v17;
	v17 =	vmax.f32 v16, $0.0e+00;
	v21 =	vadd.f32 v20, v21;
	v16 =	vld [tilespmem:s11+$0xEFB0]  }
0x134: {  	s12 =	sadd.s32 $0x400, s12;
	[tilespmem:s11+$0xEF40] =	vst v17;
	v22 =	vmax.f32 v19, $0.0e+00;
	v20 =	vadd.f32 v33, v23;
	v19 =	vadd.f32 v32, v31;
	v17 =	vld [tilespmem:s11+$0xEFC0]  }
0x135: {  	[tilespmem:s11+$0xEF50] =	vst v22;
	v21 =	vmax.f32 v21, $0.0e+00;
	v56 =	vld [tilespmem:s11+$0xEFD0];
	v13 =	vadd.f32 v13, v18;
	v11 =	vadd.f32 v12, v11  }
0x136: {  	v9 =	vadd.f32 v10, v9;
	v60 =	vld [tilespmem:s11+$0xEFF0];
	[tilespmem:s11+$0xEF60] =	vst v21;
	v57 =	vmax.f32 v20, $0.0e+00;
	v14 =	vadd.f32 v14, v19  }
0x137: {  	v58 =	vld [tilespmem:s11+$0xEFE0];
	v7 =	vadd.f32 v8, v7;
	[tilespmem:s11+$0xEF70] =	vst v57;
	v59 =	vmax.f32 v13, $0.0e+00;
	v11 =	vadd.f32 v15, v11  }
0x138: {  	v5 =	vadd.f32 v6, v5;
	[tilespmem:s11+$0xEF80] =	vst v59;
	v61 =	vmax.f32 v14, $0.0e+00;
	v9 =	vadd.f32 v16, v9  }
0x139: {  	v1 =	vadd.f32 v2, v1;
	[tilespmem:s11+$0xEF90] =	vst v61;
	v62 =	vmax.f32 v11, $0.0e+00;
	v7 =	vadd.f32 v17, v7  }
0x13a: {  	v3 =	vadd.f32 v4, v3;
	s9 =	sadd.s32 $0x1, s9;
	[tilespmem:s11+$0xEFA0] =	vst v62;
	v63 =	vmax.f32 v9, $0.0e+00;
	v5 =	vadd.f32 v56, v5  }
0x13b: {  	p0 =	sne.s32 s9, $0x27;
	v1 =	vadd.f32 v60, v1;
	[tilespmem:s11+$0xEFB0] =	vst v63;
	v2 =	vmax.f32 v7, $0.0e+00  }
.Ltmp3:
0x13c: {  	v3 =	vadd.f32 v58, v3;
	[tilespmem:s11+$0xEFC0] =	vst v2;
	v2 =	vmax.f32 v5, $0.0e+00;
	(pc) =	sbr.rel @p0 .LBB2_4-.Ltmp3, $4  }
0x13d: {  	v1 =	vmax.f32 v1, $0.0e+00;
	[tilespmem:s11+$0xEFD0] =	vst v2  }
0x13e: {  	v2 =	vmax.f32 v3, $0.0e+00;
	[tilespmem:s11+$0xEFF0] =	vst v1  }
0x13f: {  	[tilespmem:s11+$0xEFE0] =	vst v2  }
0x140: {  	[spmem:s3] =	stream.indirect.scatter.add.f32 [tilespmem:s30], [sflag:$0x4], $0x40, s10, s23, $0xb8;
	[tilespmem:$0x1AF00] =	vst v63  }
0x141: {  	_ =	swait.ge [sflag:s31], $0x2000  }
0x142: {  	[sflag:s31] =	ssyncset.done $0x0  }
0x143: {  	[sflag:s31] =	ssyncadd.s32 $0xFFFFE000  }
0x144: {  	_ =	swait.ge [sflag:s31], $0x2000  }
0x145: {  	[sflag:s31] =	ssyncset.done $0x0  }
0x146: {  	[sflag:s31] =	ssyncadd.s32 $0xFFFFE000  }
0x147: {  	_ =	swait.ge [sflag:s31], $0x2000  }
0x148: {  	[sflag:s31] =	ssyncset.done $0x0  }
0x149: {  	s9 =	simm.s32 $0x0;
	[sflag:s31] =	ssyncadd.s32 $0xFFFFE000  }
0x14a: {  	v13 =	vld [tilespmem:s9+$0x4F00]  }
0x14b: {  	v14 =	vld [tilespmem:s9+$0x8F00]  }
0x14c: {  	v15 =	vld [tilespmem:s9+$0x4F10]  }
0x14d: {  	v16 =	vld [tilespmem:s9+$0x8F10]  }
0x14e: {  	v17 =	vld [tilespmem:s9+$0x4F20]  }
0x14f: {  	v18 =	vld [tilespmem:s9+$0x8F20]  }
0x150: {  	v19 =	vld [tilespmem:s9+$0x4F30]  }
0x151: {  	v20 =	vld [tilespmem:s9+$0x8F30]  }
0x152: {  	v21 =	vld [tilespmem:s9+$0x4F40]  }
0x153: {  	v22 =	vld [tilespmem:s9+$0x8F40]  }
0x154: {  	v23 =	vld [tilespmem:s9+$0x4F50]  }
0x155: {  	v24 =	vld [tilespmem:s9+$0x8F50]  }
0x156: {  	v25 =	vld [tilespmem:s9+$0x4F60]  }
0x157: {  	v26 =	vld [tilespmem:s9+$0x8F60]  }
0x158: {  	v27 =	vld [tilespmem:s9+$0x4F70]  }
0x159: {  	v28 =	vld [tilespmem:s9+$0x8F70]  }
0x15a: {  	v29 =	vld [tilespmem:s9+$0x4F80]  }
0x15b: {  	v30 =	vld [tilespmem:s9+$0x8F80]  }
0x15c: {  	v31 =	vld [tilespmem:s9+$0x4F90]  }
0x15d: {  	v32 =	vld [tilespmem:s9+$0x8F90]  }
0x15e: {  	v11 =	vld [tilespmem:s9+$0x4FA0]  }
0x15f: {  	v12 =	vld [tilespmem:s9+$0x8FA0]  }
0x160: {  	v9 =	vld [tilespmem:s9+$0x4FB0]  }
0x161: {  	v10 =	vld [tilespmem:s9+$0x8FB0]  }
0x162: {  	v7 =	vld [tilespmem:s9+$0x4FC0]  }
0x163: {  	v8 =	vld [tilespmem:s9+$0x8FC0]  }
0x164: {  	v5 =	vld [tilespmem:s9+$0x4FD0]  }
0x165: {  	v6 =	vld [tilespmem:s9+$0x8FD0]  }
0x166: {  	v3 =	vld [tilespmem:s9+$0x4FE0]  }
0x167: {  	v4 =	vld [tilespmem:s9+$0x8FE0]  }
0x168: {  	v33 =	vld [tilespmem:s9+$0xCF00]  }
0x169: {  	v34 =	vld [tilespmem:s9+$0xCF10]  }
0x16a: {  	v35 =	vld [tilespmem:s9+$0xCF20]  }
0x16b: {  	v1 =	vld [tilespmem:s9+$0x4FF0];
	v13 =	vadd.f32 v14, v13  }
0x16c: {  	v2 =	vld [tilespmem:s9+$0x8FF0];
	v15 =	vadd.f32 v16, v15  }
0x16d: {  	v14 =	vld [tilespmem:s9+$0xCF30];
	v17 =	vadd.f32 v18, v17;
	v13 =	vadd.f32 v33, v13  }
0x16e: {  	v36 =	vld [tilespmem:s9+$0xCF40];
	v15 =	vadd.f32 v34, v15  }
0x16f: {  	v16 =	vld [tilespmem:s9+$0xCF50];
	v17 =	vadd.f32 v35, v17;
	v13 =	vmax.f32 v13, $0.0e+00  }
0x170: {  	v62 =	vld [tilespmem:s9+$0xCF60];
	v18 =	vadd.f32 v20, v19;
	v15 =	vmax.f32 v15, $0.0e+00;
	[tilespmem:s9+$0xCF00] =	vst v13  }
0x171: {  	v63 =	vld [tilespmem:s9+$0xCF70];
	v17 =	vmax.f32 v17, $0.0e+00;
	[tilespmem:s9+$0xCF10] =	vst v15;
	v15 =	vadd.f32 v22, v21  }
0x172: {  	v13 =	vld [tilespmem:s9+$0xCF80];
	v18 =	vadd.f32 v14, v18;
	[tilespmem:s9+$0xCF20] =	vst v17;
	v17 =	vadd.f32 v24, v23  }
0x173: {  	v20 =	vadd.f32 v26, v25;
	v14 =	vld [tilespmem:s9+$0xCF90];
	v19 =	vadd.f32 v36, v15  }
0x174: {  	v23 =	vadd.f32 v28, v27;
	v18 =	vmax.f32 v18, $0.0e+00;
	v15 =	vld [tilespmem:s9+$0xCFA0];
	v17 =	vadd.f32 v16, v17  }
0x175: {  	v21 =	vadd.f32 v62, v20;
	v16 =	vld [tilespmem:s9+$0xCFB0];
	[tilespmem:s9+$0xCF30] =	vst v18;
	v18 =	vadd.f32 v30, v29;
	v19 =	vmax.f32 v19, $0.0e+00  }
0x176: {  	s10 =	simm.s32 $0x400;
	v20 =	vadd.f32 v63, v23;
	v22 =	vmax.f32 v17, $0.0e+00;
	v17 =	vld [tilespmem:s9+$0xCFC0];
	[tilespmem:s9+$0xCF40] =	vst v19;
	v19 =	vadd.f32 v32, v31  }
.LBB2_10:
0x177: {  	p0 =	sne.s32 s10, $0x7C00;
	[tilespmem:s9+$0xCF50] =	vst v22;
	v21 =	vmax.f32 v21, $0.0e+00;
	v13 =	vadd.f32 v13, v18;
	v11 =	vadd.f32 v12, v11;
	v12 =	vld [tilespmem:s9+$0xCFD0]  }
0x178: {  	v9 =	vadd.f32 v10, v9;
	[tilespmem:s9+$0xCF60] =	vst v21;
	v18 =	vmax.f32 v20, $0.0e+00;
	v14 =	vadd.f32 v14, v19;
	v10 =	vld [tilespmem:s9+$0xCFE0]  }
0x179: {  	s11 =	sshra.s32 s10, $0x2;
	v7 =	vadd.f32 v8, v7;
	[tilespmem:s9+$0xCF70] =	vst v18;
	v13 =	vmax.f32 v13, $0.0e+00;
	v11 =	vadd.f32 v15, v11;
	v8 =	vld [tilespmem:s9+$0xCFF0]  }
0x17a: {  	v5 =	vadd.f32 v6, v5;
	v15 =	vld [tilespmem:s11+$0x4F00];
	[tilespmem:s9+$0xCF80] =	vst v13;
	v13 =	vmax.f32 v14, $0.0e+00;
	v9 =	vadd.f32 v16, v9  }
0x17b: {  	v3 =	vadd.f32 v4, v3;
	v14 =	vld [tilespmem:s11+$0x8F00];
	[tilespmem:s9+$0xCF90] =	vst v13;
	v6 =	vmax.f32 v11, $0.0e+00;
	v7 =	vadd.f32 v17, v7  }
0x17c: {  	v1 =	vadd.f32 v2, v1;
	v13 =	vld [tilespmem:s11+$0x4F10];
	[tilespmem:s9+$0xCFA0] =	vst v6;
	v4 =	vmax.f32 v9, $0.0e+00;
	v5 =	vadd.f32 v12, v5  }
0x17d: {  	v16 =	vld [tilespmem:s11+$0x8F10];
	[tilespmem:s9+$0xCFB0] =	vst v4;
	v2 =	vmax.f32 v7, $0.0e+00;
	v3 =	vadd.f32 v10, v3  }
0x17e: {  	v17 =	vld [tilespmem:s11+$0x4F20];
	[tilespmem:s9+$0xCFC0] =	vst v2;
	v2 =	vmax.f32 v5, $0.0e+00;
	v1 =	vadd.f32 v8, v1  }
0x17f: {  	v18 =	vld [tilespmem:s11+$0x8F20];
	[tilespmem:s9+$0xCFD0] =	vst v2;
	v2 =	vmax.f32 v3, $0.0e+00  }
0x180: {  	v19 =	vld [tilespmem:s11+$0x4F30];
	[tilespmem:s9+$0xCFE0] =	vst v2;
	v1 =	vmax.f32 v1, $0.0e+00  }
0x181: {  	v20 =	vld [tilespmem:s11+$0x8F30];
	[tilespmem:s9+$0xCFF0] =	vst v1;
	s9 =	smov.u32 s11  }
0x182: {  	v21 =	vld [tilespmem:s9+$0x4F40]  }
0x183: {  	v22 =	vld [tilespmem:s9+$0x8F40]  }
0x184: {  	v23 =	vld [tilespmem:s9+$0x4F50]  }
0x185: {  	v24 =	vld [tilespmem:s9+$0x8F50]  }
0x186: {  	v25 =	vld [tilespmem:s9+$0x4F60]  }
0x187: {  	v26 =	vld [tilespmem:s9+$0x8F60]  }
0x188: {  	v27 =	vld [tilespmem:s9+$0x4F70]  }
0x189: {  	v28 =	vld [tilespmem:s9+$0x8F70]  }
0x18a: {  	v29 =	vld [tilespmem:s9+$0x4F80]  }
0x18b: {  	v30 =	vld [tilespmem:s9+$0x8F80]  }
0x18c: {  	v31 =	vld [tilespmem:s9+$0x4F90]  }
0x18d: {  	v32 =	vld [tilespmem:s9+$0x8F90]  }
0x18e: {  	v11 =	vld [tilespmem:s9+$0x4FA0]  }
0x18f: {  	v12 =	vld [tilespmem:s9+$0x8FA0]  }
0x190: {  	v9 =	vld [tilespmem:s9+$0x4FB0]  }
0x191: {  	v10 =	vld [tilespmem:s9+$0x8FB0]  }
0x192: {  	v7 =	vld [tilespmem:s9+$0x4FC0]  }
0x193: {  	v8 =	vld [tilespmem:s9+$0x8FC0]  }
0x194: {  	v5 =	vld [tilespmem:s9+$0x4FD0]  }
0x195: {  	v6 =	vld [tilespmem:s9+$0x8FD0]  }
0x196: {  	v3 =	vld [tilespmem:s9+$0x4FE0]  }
0x197: {  	v4 =	vld [tilespmem:s9+$0x8FE0]  }
0x198: {  	v1 =	vld [tilespmem:s9+$0x4FF0]  }
0x199: {  	v2 =	vld [tilespmem:s9+$0x8FF0]  }
0x19a: {  	v33 =	vld [tilespmem:s9+$0xCF00]  }
0x19b: {  	v34 =	vld [tilespmem:s9+$0xCF10]  }
0x19c: {  	v35 =	vld [tilespmem:s9+$0xCF20]  }
0x19d: {  	v14 =	vadd.f32 v14, v15;
	v15 =	vld [tilespmem:s9+$0xCF30]  }
0x19e: {  	v13 =	vadd.f32 v16, v13;
	v16 =	vld [tilespmem:s9+$0xCF40]  }
0x19f: {  	v17 =	vadd.f32 v18, v17;
	v14 =	vadd.f32 v33, v14;
	v18 =	vld [tilespmem:s9+$0xCF50]  }
0x1a0: {  	v19 =	vadd.f32 v20, v19;
	v13 =	vadd.f32 v34, v13;
	v20 =	vld [tilespmem:s9+$0xCF60]  }
0x1a1: {  	v21 =	vadd.f32 v22, v21;
	v14 =	vmax.f32 v14, $0.0e+00;
	v17 =	vadd.f32 v35, v17;
	v33 =	vld [tilespmem:s9+$0xCF70]  }
.Ltmp4:
0x1a2: {  	[tilespmem:s9+$0xCF00] =	vst v14;
	v14 =	vmax.f32 v13, $0.0e+00;
	v15 =	vadd.f32 v15, v19;
	v19 =	vadd.f32 v24, v23;
	v13 =	vld [tilespmem:s9+$0xCF80];
	(pc) =	sbr.rel @p0 .LBB2_10-.Ltmp4, $4  }
0x1a3: {  	[tilespmem:s9+$0xCF10] =	vst v14;
	v17 =	vmax.f32 v17, $0.0e+00;
	v16 =	vadd.f32 v16, v21;
	v21 =	vadd.f32 v26, v25;
	v14 =	vld [tilespmem:s9+$0xCF90]  }
0x1a4: {  	v23 =	vadd.f32 v28, v27;
	[tilespmem:s9+$0xCF20] =	vst v17;
	v17 =	vmax.f32 v15, $0.0e+00;
	v19 =	vadd.f32 v18, v19;
	v15 =	vld [tilespmem:s9+$0xCFA0]  }
0x1a5: {  	v18 =	vadd.f32 v30, v29;
	[tilespmem:s9+$0xCF30] =	vst v17;
	v17 =	vmax.f32 v16, $0.0e+00;
	v21 =	vadd.f32 v20, v21;
	v16 =	vld [tilespmem:s9+$0xCFB0]  }
0x1a6: {  	s10 =	sadd.s32 $0x400, s10;
	[tilespmem:s9+$0xCF40] =	vst v17;
	v22 =	vmax.f32 v19, $0.0e+00;
	v20 =	vadd.f32 v33, v23;
	v19 =	vadd.f32 v32, v31;
	v17 =	vld [tilespmem:s9+$0xCFC0]  }
0x1a7: {  	[tilespmem:s9+$0xCF50] =	vst v22;
	v21 =	vmax.f32 v21, $0.0e+00;
	v56 =	vld [tilespmem:s9+$0xCFD0];
	v13 =	vadd.f32 v13, v18;
	v11 =	vadd.f32 v12, v11  }
0x1a8: {  	v9 =	vadd.f32 v10, v9;
	v60 =	vld [tilespmem:s9+$0xCFF0];
	[tilespmem:s9+$0xCF60] =	vst v21;
	v57 =	vmax.f32 v20, $0.0e+00;
	v14 =	vadd.f32 v14, v19  }
0x1a9: {  	v58 =	vld [tilespmem:s9+$0xCFE0];
	v7 =	vadd.f32 v8, v7;
	[tilespmem:s9+$0xCF70] =	vst v57;
	v59 =	vmax.f32 v13, $0.0e+00;
	v11 =	vadd.f32 v15, v11  }
0x1aa: {  	v5 =	vadd.f32 v6, v5;
	[tilespmem:s9+$0xCF80] =	vst v59;
	v61 =	vmax.f32 v14, $0.0e+00;
	v9 =	vadd.f32 v16, v9  }
0x1ab: {  	v1 =	vadd.f32 v2, v1;
	[tilespmem:s9+$0xCF90] =	vst v61;
	v62 =	vmax.f32 v11, $0.0e+00;
	v7 =	vadd.f32 v17, v7  }
0x1ac: {  	v3 =	vadd.f32 v4, v3;
	[tilespmem:s9+$0xCFA0] =	vst v62;
	v63 =	vmax.f32 v9, $0.0e+00;
	v5 =	vadd.f32 v56, v5  }
0x1ad: {  	v1 =	vadd.f32 v60, v1;
	[tilespmem:s9+$0xCFB0] =	vst v63;
	v2 =	vmax.f32 v7, $0.0e+00  }
0x1ae: {  	v3 =	vadd.f32 v58, v3;
	[tilespmem:s9+$0xCFC0] =	vst v2;
	v2 =	vmax.f32 v5, $0.0e+00  }
0x1af: {  	v1 =	vmax.f32 v1, $0.0e+00;
	[tilespmem:s9+$0xCFD0] =	vst v2  }
0x1b0: {  	v2 =	vmax.f32 v3, $0.0e+00;
	[tilespmem:s9+$0xCFF0] =	vst v1  }
0x1b1: {  	s13 =	simm.s32 $0x4E80;
	[tilespmem:s9+$0xCFE0] =	vst v2  }
0x1b2: {  	[spmem:s3] =	stream.indirect.scatter.add.f32 [tilespmem:s20], [sflag:$0x3], $0x40, s13, s23, $0xb8;
	[tilespmem:$0x1AF00] =	vst v63  }
0x1b3: {  	_ =	swait.ge [sflag:s2], $0x2000  }
0x1b4: {  	[sflag:s2] =	ssyncset.done $0x0  }
0x1b5: {  	[sflag:s2] =	ssyncadd.s32 $0xFFFFE000  }
0x1b6: {  	s22 =	stileid.u32;
	_ =	swait.ge [sflag:s8], $0x2000  }
0x1b7: {  	s10 =	sshrl.u32 s7, $0x3;
	s4 =	sadd.s32 $0x1, s4;
	[sflag:s8] =	ssyncset.done $0x0  }
0x1b8: {  	p0 =	sne.s32 s4, s19;
	s9 =	sshll.u32 s22, $0x6;
	[sflag:s8] =	ssyncadd.s32 $0xFFFFE000  }
.Ltmp5:
0x1b9: {  	s9 =	sor.u32 $0x1C05, s9;
	[bflag:$0x0] =	sbarrier.arrive $0xFFFF;
	(pc) =	sbr.rel @p0 .LBB2_1-.Ltmp5, $4  }
0x1ba: {  	[hbm:s18], [sflag:s9] =	dma.local [spmem:s10], $0x1400  }
0x1bb: {  	_ =	swait.ge [sflag:s21], $0x1400  }
0x1bc: {  	[sflag:s21] =	ssyncset.done $0x0  }
0x1bd: {  	[sflag:s21] =	ssyncadd.s32 $0xFFFFEC00  }
0x1be: {  	_ =	sfence.sel $0x180000  }
0x1bf: {  	[bflag:$0x0] =	sbarrier.arrive $0xFFFF  }
0x1c0: {  	_ =	strace $0x9000004A  }
0x1c1: {  	s0 =	stileid.u32;
	[bflag:$0x2] =	sbarrier.arrive $0xFFFF  }
0x1c2: {  	p0 =	sne.s32 s0, $0x0;
	s0 =	rddreg [dreg:$0x3]  }
0x1c3: {  	s0 =	sadd.s32 @!p0 $0x100000, s0  }
0x1c4: {  	[sflag:s0] =	ssyncadd.tile.s32 @!p0 $0x1;
	_ =	shalt  }
.Lfunc_end2:
_tile_overlayer_lowered:
.L_overlay_start_2:
0x1c5: {  	(tag) =	ssettag $0x2  }
0x1c6: {  	s0 =	rddreg [dreg:$0x0];
	s2 =	stileid.u32  }
0x1c7: {  	s1 =	rddreg [dreg:$0x1];
	p0 =	sne.s32 s2, $0x0  }
0x1c8: {  	s3 =	rddreg [dreg:$0x2];
	[bflag:$0x3] =	sbarrier.arrive $0xFFFF;
	s2 =	simm.s32 @!p0 $0x1C05  }
0x1c9: {  	[timem:s3], [sflag:s2] =	dma.local @!p0 [hbm:s0], s1  }
0x1ca: {  	s0 =	simm.s32 @!p0 $0x5  }
0x1cb: {  	_ =	swait.ge @!p0 [sflag:s0], s1  }
0x1cc: {  	s1 =	ssub.s32 @!p0 $0x0, s1;
	[sflag:s0] =	ssyncset.done @!p0 $0x0  }
0x1cd: {  	[sflag:s0] =	ssyncadd.s32 @!p0 s1  }
0x1ce: {  	[bflag:$0x3] =	sbarrier.arrive $0xFFFF  }
0x1cf: {  	_ =	shalt  }

</sc_bundles>
